<compile_context>
chip_gen: v7x
topology: tpu7x:2x2x1
jax: 0.10.2.dev20260603
libtpu: 0.0.44.dev20260713+nightly
codegen_flags: <defaults>
</compile_context>

<pallas_src>
import functools

import jax
import jax.numpy as jnp
import numpy as np
from jax import lax
from jax.experimental import pallas as pl
from jax.experimental.pallas import tpu as pltpu
from jax.experimental.pallas import tpu_sc as plsc

N = 10000
E = 160000
T = 3
R = 5
L = 2
DM = 128
H = 8
DH = 16

NROW = 10240
TRASH = NROW - 1
NW = 32
EPAD = 163840
EPT = EPAD // NW
C = 128
G = EPT // C
NB = 256
NBLK = NROW // NB
EB = 1024
EBLK = EPAD // EB

_mesh = plsc.VectorSubcoreMesh(core_axis_name="c", subcore_axis_name="s")

_repc = np.zeros((DM, DM), np.float32)
for _j in range(H):
    _repc[_j * DH:(_j + 1) * DH, _j] = 1.0
_REPC = _repc
_REPR = _repc[:, :16].T.copy()



def _dense1_body(h_ref, oh_ref, wq_ref, wkr_ref, wvr_ref, q_ref, kr_ref, vr_ref):
    x = h_ref[...]
    q = jnp.zeros((NB, DM), jnp.float32)
    kr = [jnp.zeros((NB, DM), jnp.float32) for _ in range(R)]
    vr = [jnp.zeros((NB, DM), jnp.float32) for _ in range(R)]
    for t in range(T):
        m = oh_ref[:, t:t + 1]
        q = q + m * jnp.dot(x, wq_ref[t], preferred_element_type=jnp.float32)
        for r in range(R):
            kr[r] = kr[r] + m * jnp.dot(x, wkr_ref[t, r], preferred_element_type=jnp.float32)
            vr[r] = vr[r] + m * jnp.dot(x, wvr_ref[t, r], preferred_element_type=jnp.float32)
    q_ref[...] = q
    kr_ref[...] = jnp.concatenate(kr, axis=1)
    vr_ref[...] = jnp.concatenate(vr, axis=1)


def _dense1(h, ohf, wq, wkr, wvr):
    return pl.pallas_call(
        _dense1_body,
        grid=(NBLK,),
        in_specs=[
            pl.BlockSpec((NB, DM), lambda i: (i, 0)),
            pl.BlockSpec((NB, 8), lambda i: (i, 0)),
            pl.BlockSpec((T, DM, DM), lambda i: (0, 0, 0)),
            pl.BlockSpec((T, R, DM, DM), lambda i: (0, 0, 0, 0)),
            pl.BlockSpec((T, R, DM, DM), lambda i: (0, 0, 0, 0)),
        ],
        out_specs=[
            pl.BlockSpec((NB, DM), lambda i: (i, 0)),
            pl.BlockSpec((NB, R * DM), lambda i: (i, 0)),
            pl.BlockSpec((NB, R * DM), lambda i: (i, 0)),
        ],
        out_shape=[
            jax.ShapeDtypeStruct((NROW, DM), jnp.float32),
            jax.ShapeDtypeStruct((NROW, R * DM), jnp.float32),
            jax.ShapeDtypeStruct((NROW, R * DM), jnp.float32),
        ],
    )(h, ohf, wq, wkr, wvr)


def _edgef_body(kre_ref, qe_ref, vre_ref, repc_ref, mask_ref, repr_ref,
                aexp_ref, msg_ref):
    prod = kre_ref[...] * qe_ref[...]
    s = jnp.dot(prod, repc_ref[...], preferred_element_type=jnp.float32)
    ae = jnp.exp(s) * mask_ref[...]
    aexp_ref[...] = ae
    sa128 = jnp.dot(ae[:, :16], repr_ref[...],
                    preferred_element_type=jnp.float32)
    msg_ref[...] = vre_ref[...] * sa128


def _edgef(kre, qe, vre, repc, mask8, repr_):
    return pl.pallas_call(
        _edgef_body,
        grid=(EBLK,),
        in_specs=[
            pl.BlockSpec((EB, DM), lambda i: (i, 0)),
            pl.BlockSpec((EB, DM), lambda i: (i, 0)),
            pl.BlockSpec((EB, DM), lambda i: (i, 0)),
            pl.BlockSpec((DM, DM), lambda i: (0, 0)),
            pl.BlockSpec((1, DM), lambda i: (0, 0)),
            pl.BlockSpec((16, DM), lambda i: (0, 0)),
        ],
        out_specs=[
            pl.BlockSpec((EB, DM), lambda i: (i, 0)),
            pl.BlockSpec((EB, DM), lambda i: (i, 0)),
        ],
        out_shape=[
            jax.ShapeDtypeStruct((EPAD, DM), jnp.float32),
            jax.ShapeDtypeStruct((EPAD, DM), jnp.float32),
        ],
    )(kre, qe, vre, repc, mask8, repr_)


def _dense2_body(hg0_ref, hg1_ref, dn0_ref, dn1_ref, repr_ref, h_ref, oh_ref,
                 al_ref, wa_ref, lng_ref, lnb_ref, out_ref):
    den = dn0_ref[:, :16] + dn1_ref[:, :16]
    recip = 1.0 / jnp.maximum(den, 1e-9)
    r128 = jnp.dot(recip, repr_ref[...], preferred_element_type=jnp.float32)
    hagg = (hg0_ref[...] + hg1_ref[...]) * r128
    x = h_ref[...]
    hc = jnp.zeros((NB, DM), jnp.float32)
    for t in range(T):
        m = oh_ref[:, t:t + 1]
        hc = hc + m * jnp.dot(hagg, wa_ref[t], preferred_element_type=jnp.float32)
    alpha = al_ref[:, 0:1]
    hc = hc * alpha + x * (1.0 - alpha)
    mu = jnp.mean(hc, axis=-1, keepdims=True)
    var = jnp.mean((hc - mu) ** 2, axis=-1, keepdims=True)
    hn = (hc - mu) * lax.rsqrt(var + 1e-5) * lng_ref[...] + lnb_ref[...]
    out_ref[...] = hn + x


def _dense2(hg0, hg1, dn0, dn1, repr_, h, ohf, alcol, wa, lng, lnb):
    return pl.pallas_call(
        _dense2_body,
        grid=(NBLK,),
        in_specs=[
            pl.BlockSpec((NB, DM), lambda i: (i, 0)),
            pl.BlockSpec((NB, DM), lambda i: (i, 0)),
            pl.BlockSpec((NB, DM), lambda i: (i, 0)),
            pl.BlockSpec((NB, DM), lambda i: (i, 0)),
            pl.BlockSpec((16, DM), lambda i: (0, 0)),
            pl.BlockSpec((NB, DM), lambda i: (i, 0)),
            pl.BlockSpec((NB, 8), lambda i: (i, 0)),
            pl.BlockSpec((NB, 8), lambda i: (i, 0)),
            pl.BlockSpec((T, DM, DM), lambda i: (0, 0, 0)),
            pl.BlockSpec((1, DM), lambda i: (0, 0)),
            pl.BlockSpec((1, DM), lambda i: (0, 0)),
        ],
        out_specs=pl.BlockSpec((NB, DM), lambda i: (i, 0)),
        out_shape=jax.ShapeDtypeStruct((NROW, DM), jnp.float32),
    )(hg0, hg1, dn0, dn1, repr_, h, ohf, alcol, wa, lng, lnb)



def _wid():
    return lax.axis_index("s") * 2 + lax.axis_index("c")


@functools.partial(
    pl.kernel, mesh=_mesh,
    out_type=jax.ShapeDtypeStruct((NROW, DM), jnp.float32),
    scratch_types=[
        pltpu.VMEM((80,), jnp.int32),
        pltpu.VMEM((80, DM), jnp.float32),
        pltpu.SemaphoreType.DMA,
    ],
)
def _sc_gather_rows(table_hbm, idx_hbm, out_hbm, idxv, rowsv, sem):
    w = _wid()

    def chunk(g, _):
        base = w * 320 + g * 80
        pltpu.sync_copy(idx_hbm.at[pl.ds(base, 80)], idxv)
        pltpu.async_copy(table_hbm.at[idxv], rowsv, sem).wait()
        pltpu.sync_copy(rowsv, out_hbm.at[pl.ds(base, 80)])
        return 0
    lax.fori_loop(0, 4, chunk, 0, unroll=False)


@functools.partial(
    pl.kernel, mesh=_mesh,
    out_type=[
        jax.ShapeDtypeStruct((EPAD, DM), jnp.float32),
        jax.ShapeDtypeStruct((EPAD, DM), jnp.float32),
        jax.ShapeDtypeStruct((EPAD, DM), jnp.float32),
    ],
    scratch_types=[
        pltpu.VMEM((2, C), jnp.int32),
        pltpu.VMEM((2, C), jnp.int32),
        pltpu.VMEM((2, C, DM), jnp.float32),
        pltpu.VMEM((2, C, DM), jnp.float32),
        pltpu.VMEM((2, C, DM), jnp.float32),
        pltpu.SemaphoreType.DMA,
        pltpu.SemaphoreType.DMA,
    ],
)
def _sc_gather3(srcet_hbm, dst_hbm, kr_hbm, q_hbm, vr_hbm,
                kre_out, qe_out, vre_out, idxa, idxd, krv, qv, vrv,
                semg, semw):
    w = _wid()

    def pair(g2, _):
        base0 = (w * G + 2 * g2) * C
        base1 = base0 + C
        pltpu.sync_copy(srcet_hbm.at[pl.ds(base0, C)], idxa.at[0])
        pltpu.sync_copy(dst_hbm.at[pl.ds(base0, C)], idxd.at[0])
        pltpu.sync_copy(srcet_hbm.at[pl.ds(base1, C)], idxa.at[1])
        pltpu.sync_copy(dst_hbm.at[pl.ds(base1, C)], idxd.at[1])
        cps = [
            pltpu.async_copy(kr_hbm.at[idxa.at[0]], krv.at[0], semg),
            pltpu.async_copy(q_hbm.at[idxd.at[0]], qv.at[0], semg),
            pltpu.async_copy(vr_hbm.at[idxa.at[0]], vrv.at[0], semg),
            pltpu.async_copy(kr_hbm.at[idxa.at[1]], krv.at[1], semg),
            pltpu.async_copy(q_hbm.at[idxd.at[1]], qv.at[1], semg),
            pltpu.async_copy(vr_hbm.at[idxa.at[1]], vrv.at[1], semg),
        ]
        for cp in cps:
            cp.wait()
        wps = [
            pltpu.async_copy(krv.at[0], kre_out.at[pl.ds(base0, C)], semw),
            pltpu.async_copy(qv.at[0], qe_out.at[pl.ds(base0, C)], semw),
            pltpu.async_copy(vrv.at[0], vre_out.at[pl.ds(base0, C)], semw),
            pltpu.async_copy(krv.at[1], kre_out.at[pl.ds(base1, C)], semw),
            pltpu.async_copy(qv.at[1], qe_out.at[pl.ds(base1, C)], semw),
            pltpu.async_copy(vrv.at[1], vre_out.at[pl.ds(base1, C)], semw),
        ]
        for wp in wps:
            wp.wait()
        return 0
    lax.fori_loop(0, G // 2, pair, 0, unroll=False)


@functools.partial(
    pl.kernel, mesh=_mesh,
    out_type=jax.ShapeDtypeStruct((2, NROW, DM), jnp.float32),
    scratch_types=[
        pltpu.VMEM((2, C), jnp.int32),
        pltpu.VMEM((2, C, DM), jnp.float32),
        pltpu.VMEM_SHARED((NROW, DM), jnp.float32),
        pltpu.SemaphoreType.DMA,
        pltpu.SemaphoreType.DMA,
    ],
)
def _sc_scatter128(dst_hbm, rows_hbm, zeros_hbm, out_hbm, idxd, rowv, accsh,
                   semr, sems):
    c = lax.axis_index("c")
    s = lax.axis_index("s")
    w = _wid()

    @pl.when(s == 0)
    def _init():
        pltpu.sync_copy(zeros_hbm, accsh)
    plsc.subcore_barrier()

    def pair(g2, _):
        base0 = (w * G + 2 * g2) * C
        base1 = base0 + C
        pltpu.sync_copy(dst_hbm.at[pl.ds(base0, C)], idxd.at[0])
        pltpu.sync_copy(dst_hbm.at[pl.ds(base1, C)], idxd.at[1])
        cp0 = pltpu.async_copy(rows_hbm.at[pl.ds(base0, C)], rowv.at[0], semr)
        cp1 = pltpu.async_copy(rows_hbm.at[pl.ds(base1, C)], rowv.at[1], semr)
        cp0.wait()
        sc0 = pltpu.async_copy(rowv.at[0], accsh.at[idxd.at[0]], sems,
                               add=True)
        cp1.wait()
        sc1 = pltpu.async_copy(rowv.at[1], accsh.at[idxd.at[1]], sems,
                               add=True)
        sc0.wait()
        sc1.wait()
        return 0
    lax.fori_loop(0, G // 2, pair, 0, unroll=False)

    plsc.subcore_barrier()

    @pl.when(s == 0)
    def _dump():
        pltpu.sync_copy(accsh, out_hbm.at[c])



def kernel(node_type, edge_index, edge_type, embed, Wk, Wq, Wv, Wa, Watt,
           Wmsg, pri, skip, ln_g, ln_b):
    node_type = node_type.astype(jnp.int32)
    edge_type = edge_type.astype(jnp.int32)
    src = edge_index[0].astype(jnp.int32)
    dst = edge_index[1].astype(jnp.int32)

    oh = jax.nn.one_hot(node_type, T, dtype=jnp.int32)
    local = jnp.cumsum(oh, axis=0)[jnp.arange(N), node_type] - 1
    flatidx = jnp.zeros((NROW,), jnp.int32).at[:N].set(node_type * N + local)
    ohf = jnp.zeros((NROW, 8), jnp.float32).at[:N, :T].set(
        oh.astype(jnp.float32))
    alpha = jax.nn.sigmoid(skip)
    alcol = jnp.zeros((L, NROW, 8), jnp.float32).at[:, :N, 0].set(
        alpha[:, node_type])
    srcet = jnp.full((EPAD,), TRASH * R, jnp.int32).at[:E].set(
        src * R + edge_type)
    dste = jnp.full((EPAD,), TRASH, jnp.int32).at[:E].set(dst)
    zeros128 = jnp.zeros((NROW, DM), jnp.float32)
    zeros16 = jnp.zeros((NROW, 16), jnp.float32)
    repc = jnp.asarray(_REPC)
    repr_ = jnp.asarray(_REPR)
    mask8 = jnp.zeros((1, DM), jnp.float32).at[0, :H].set(1.0)

    watt_s = Watt * (pri / jnp.sqrt(jnp.float32(DH)))[:, :, :, None, None]
    wk4 = Wk.reshape(L, T, DM, H, DH)
    wv4 = Wv.reshape(L, T, DM, H, DH)
    wkr = jnp.einsum('ltdhe,lhref->ltrdhf', wk4, watt_s).reshape(L, T, R, DM, DM)
    wvr = jnp.einsum('ltdhe,lhref->ltrdhf', wv4, Wmsg).reshape(L, T, R, DM, DM)

    h = _sc_gather_rows(embed.reshape(T * N, DM), flatidx)

    for l in range(L):
        q, krcat, vrcat = _dense1(h, ohf, Wq[l], wkr[l], wvr[l])
        kr = krcat.reshape(NROW * R, DM)
        vr = vrcat.reshape(NROW * R, DM)
        kre, qe, vre = _sc_gather3(srcet, dste, kr, q, vr)
        aexp, msg = _edgef(kre, qe, vre, repc, mask8, repr_)
        denp = _sc_scatter128(dste, aexp, zeros128)
        haggp = _sc_scatter128(dste, msg, zeros128)
        h = _dense2(haggp[0], haggp[1], denp[0], denp[1], repr_, h, ohf,
                    alcol[l], Wa[l],
                    ln_g[l].reshape(1, DM), ln_b[l].reshape(1, DM))
    return h[:N]

# --- scband reference (transcript-rebuilt; emitter-appended) ---
"""Pipeline reference for scband-hgt-9302899163697 (READ-ONLY COPY).

The authoritative reference and input builder live on the scoring server;
editing this copy changes nothing except your own understanding.
"""

import jax, jax.numpy as jnp
import numpy as np

N = 10000
E = 160000
T = 3
R = 5
L = 2
DM = 128
H = 8
DH = 16


def setup_inputs(seed: int = 0):
    key = jax.random.key(seed)
    ks = jax.random.split(key, 14)
    s = 0.05
    inp = {}
    inp["node_type"] = jax.random.randint(ks[0], (N,), 0, T)
    inp["edge_index"] = jax.random.randint(ks[1], (2, E), 0, N)
    inp["edge_type"] = jax.random.randint(ks[2], (E,), 0, R)
    inp["embed"] = jax.random.normal(ks[3], (T, N, DM), jnp.float32) * s
    inp["Wk"] = jax.random.normal(ks[4], (L, T, DM, DM), jnp.float32) * s
    inp["Wq"] = jax.random.normal(ks[5], (L, T, DM, DM), jnp.float32) * s
    inp["Wv"] = jax.random.normal(ks[6], (L, T, DM, DM), jnp.float32) * s
    inp["Wa"] = jax.random.normal(ks[7], (L, T, DM, DM), jnp.float32) * s
    inp["Watt"] = jax.random.normal(ks[8], (L, H, R, DH, DH), jnp.float32) * s
    inp["Wmsg"] = jax.random.normal(ks[9], (L, H, R, DH, DH), jnp.float32) * s
    inp["pri"] = jnp.ones((L, H, R), jnp.float32)
    inp["skip"] = jnp.ones((L, T), jnp.float32)
    inp["ln_g"] = jnp.ones((L, DM), jnp.float32)
    inp["ln_b"] = jnp.zeros((L, DM), jnp.float32)
    return inp


def _typed_linear(x, types, W):
    # W: [num_types, d_in, d_out]; per-row type-specific linear (DGL TypedLinear, no bias)
    return jnp.einsum('ni,nio->no', x, W[types])


def _hgt_forward(node_type, edge_index, edge_type, embed, Wk, Wq, Wv, Wa, Watt, Wmsg, pri, skip, ln_g, ln_b):
    src = edge_index[0]
    dst = edge_index[1]
    # initial node embedding: nodes of type t get rows arange(count_t) of table t
    h = jnp.zeros((N, DM), jnp.float32)
    for t in range(T):
        mask = node_type == t
        local = jnp.cumsum(mask.astype(jnp.int32)) - 1
        local = jnp.clip(local, 0, N - 1)
        h = jnp.where(mask[:, None], embed[t][local], h)
    sqrt_d = jnp.sqrt(jnp.asarray(DH, jnp.float32))
    for l in range(L):
        h_prev = h
        k = _typed_linear(h, node_type, Wk[l]).reshape(N, H, DH)
        q = _typed_linear(h, node_type, Wq[l]).reshape(N, H, DH)
        v = _typed_linear(h, node_type, Wv[l]).reshape(N, H, DH)
        k_e = k[src]
        q_e = q[dst]
        v_e = v[src]
        # relation-specific key/message transforms (per-head TypedLinear over etypes)
        kw = jnp.zeros_like(k_e)
        mv = jnp.zeros_like(v_e)
        for r in range(R):
            sel = (edge_type == r)[:, None, None]
            kw = jnp.where(sel, jnp.einsum('ehd,hdf->ehf', k_e, Watt[l, :, r]), kw)
            mv = jnp.where(sel, jnp.einsum('ehd,hdf->ehf', v_e, Wmsg[l, :, r]), mv)
        a = (kw * q_e).sum(-1) * pri[l][:, edge_type].T / sqrt_d  # (E, H)
        # edge softmax over incoming edges per dst node
        amax = jax.ops.segment_max(a, dst, num_segments=N)
        amax = jnp.where(jnp.isfinite(amax), amax, 0.0)
        aexp = jnp.exp(a - amax[dst])
        denom = jax.ops.segment_sum(aexp, dst, num_segments=N)
        sa = aexp / jnp.maximum(denom[dst], 1e-9)
        msg = mv * sa[..., None]
        hagg = jax.ops.segment_sum(msg, dst, num_segments=N).reshape(N, H * DH)
        hc = _typed_linear(hagg, node_type, Wa[l])
        alpha = jax.nn.sigmoid(skip[l][node_type])[:, None]
        hc = hc * alpha + h * (1.0 - alpha)
        # outer LayerNorm + residual: h = norm(conv(h)) + h_prev
        mu = hc.mean(-1, keepdims=True)
        var = ((hc - mu) ** 2).mean(-1, keepdims=True)
        hn = (hc - mu) / jnp.sqrt(var + 1e-5) * ln_g[l] + ln_b[l]
        h = hn + h_prev
    return h


def reference(node_type, edge_index, edge_type, embed, Wk, Wq, Wv, Wa, Watt, Wmsg, pri, skip, ln_g, ln_b):
    return _hgt_forward(node_type, edge_index, edge_type, embed, Wk, Wq, Wv, Wa, Watt, Wmsg, pri, skip, ln_g, ln_b)

if __name__ == "__main__":
    import jax
    _d = setup_inputs()
    print(jax.jit(kernel)(*tuple(_d.values())))

</pallas_src>

<mosaic_0001>
#map = affine_map<(d0, d1) -> (0)>
#map1 = affine_map<(d0, d1) -> (0, 0)>
module attributes {stable_mosaic.version = 14 : i64} {
  func.func @_sc_gather3(%arg0: i32, %arg1: i32, %arg2: memref<163840xi32, #tpu.memory_space<hbm>>, %arg3: memref<163840xi32, #tpu.memory_space<hbm>>, %arg4: memref<51200x128xf32, #tpu.memory_space<hbm>>, %arg5: memref<10240x128xf32, #tpu.memory_space<hbm>>, %arg6: memref<51200x128xf32, #tpu.memory_space<hbm>>, %arg7: memref<163840x128xf32, #tpu.memory_space<hbm>>, %arg8: memref<163840x128xf32, #tpu.memory_space<hbm>>, %arg9: memref<163840x128xf32, #tpu.memory_space<hbm>>, %arg10: memref<2x128xi32, #tpu.memory_space<vmem>>, %arg11: memref<2x128xi32, #tpu.memory_space<vmem>>, %arg12: memref<2x128x128xf32, #tpu.memory_space<vmem>>, %arg13: memref<2x128x128xf32, #tpu.memory_space<vmem>>, %arg14: memref<2x128x128xf32, #tpu.memory_space<vmem>>, %arg15: memref<!tpu.dma_semaphore, #tpu.memory_space<semaphore_mem>>, %arg16: memref<!tpu.dma_semaphore, #tpu.memory_space<semaphore_mem>>) attributes {dimension_semantics = [#tpu.dimension_semantics<core_parallel>, #tpu.dimension_semantics<subcore_parallel>], iteration_bounds = array<i64: 2, 16>, scalar_prefetch = 0 : i64, scratch_operands = 7 : i64, tpu.core_type = #tpu.core_type<sc_vector_subcore>, window_params = [{transform_indices = #map}, {transform_indices = #map}, {transform_indices = #map1}, {transform_indices = #map1}, {transform_indices = #map1}, {transform_indices = #map1}, {transform_indices = #map1}, {transform_indices = #map1}]} {
    %mul3A = arith.constant 2 : i32
    %mul3A_0 = arith.muli %arg1, %mul3A : i32
    %add3A = arith.addi %mul3A_0, %arg0 : i32
    %scan3A = arith.constant 0 : i32
    %scan3A_1 = arith.constant 0 : i32
    %scan3A_2 = arith.constant 20 : i32
    %scan3A_3 = arith.addi %scan3A_1, %scan3A_2 : i32
    %scan3A_4 = arith.constant 1 : i32
    %scan3A_5 = scf.for %scan3A_7 = %scan3A_1 to %scan3A_3 step %scan3A_4 iter_args(%scan3A_8 = %scan3A) -> (i32)  : i32 {
      %mul3A_9 = arith.constant 40 : i32
      %mul3A_10 = arith.muli %add3A, %mul3A_9 : i32
      %mul3A_11 = arith.constant 2 : i32
      %mul3A_12 = arith.muli %mul3A_11, %scan3A_7 : i32
      %add3A_13 = arith.addi %mul3A_10, %mul3A_12 : i32
      %mul3A_14 = arith.constant 128 : i32
      %mul3A_15 = arith.muli %add3A_13, %mul3A_14 : i32
      %add3A_16 = arith.constant 128 : i32
      %add3A_17 = arith.addi %mul3A_15, %add3A_16 : i32
      %run_scoped3A = arith.constant 0 : i32
      "tpu.region"() ({
        %run_scoped3A_320 = tpu.sem_alloc : memref<!tpu.dma_semaphore, #tpu.memory_space<semaphore_mem>>
        %dma_start3A_321 = arith.constant 0 : i32
        %dma_start3A_322 = tpu.memref_slice %arg10[%run_scoped3A, %dma_start3A_321] : memref<2x128xi32, #tpu.memory_space<vmem>> -> memref<1x128xi32, #tpu.memory_space<vmem>>
        %dma_start3A_323 = tpu.memref_squeeze %dma_start3A_322 : memref<1x128xi32, #tpu.memory_space<vmem>> -> memref<128xi32, #tpu.memory_space<vmem>>
        %dma_start3A_324 = tpu.memref_slice %arg2[%mul3A_15] : memref<163840xi32, #tpu.memory_space<hbm>> -> memref<128xi32, #tpu.memory_space<hbm>>
        %dma_start3A_325 = arith.constant 0 : i32
        %dma_start3A_326 = tpu.memref_slice %arg10[%run_scoped3A, %dma_start3A_325] : memref<2x128xi32, #tpu.memory_space<vmem>> -> memref<1x128xi32, #tpu.memory_space<vmem>>
        %dma_start3A_327 = tpu.memref_squeeze %dma_start3A_326 : memref<1x128xi32, #tpu.memory_space<vmem>> -> memref<128xi32, #tpu.memory_space<vmem>>
        %dma_start3A_328 = tpu.memref_slice %arg2[%mul3A_15] : memref<163840xi32, #tpu.memory_space<hbm>> -> memref<128xi32, #tpu.memory_space<hbm>>
        tpu.enqueue_dma source(%dma_start3A_328 : memref<128xi32, #tpu.memory_space<hbm>>) target(%dma_start3A_327 : memref<128xi32, #tpu.memory_space<vmem>>) target_semaphore(%run_scoped3A_320 : memref<!tpu.dma_semaphore, #tpu.memory_space<semaphore_mem>>)
        %dma_wait3A_329 = arith.constant 0 : i32
        %dma_wait3A_330 = tpu.memref_slice %arg10[%run_scoped3A, %dma_wait3A_329] : memref<2x128xi32, #tpu.memory_space<vmem>> -> memref<1x128xi32, #tpu.memory_space<vmem>>
        %dma_wait3A_331 = tpu.memref_squeeze %dma_wait3A_330 : memref<1x128xi32, #tpu.memory_space<vmem>> -> memref<128xi32, #tpu.memory_space<vmem>>
        %dma_wait3A_332 = tpu.memref_slice %arg2[%mul3A_15] : memref<163840xi32, #tpu.memory_space<hbm>> -> memref<128xi32, #tpu.memory_space<hbm>>
        %dma_wait3A_333 = arith.constant 0 : i32
        %dma_wait3A_334 = tpu.memref_slice %arg10[%run_scoped3A, %dma_wait3A_333] : memref<2x128xi32, #tpu.memory_space<vmem>> -> memref<1x128xi32, #tpu.memory_space<vmem>>
        %dma_wait3A_335 = tpu.memref_squeeze %dma_wait3A_334 : memref<1x128xi32, #tpu.memory_space<vmem>> -> memref<128xi32, #tpu.memory_space<vmem>>
        %dma_wait3A_336 = tpu.memref_slice %arg2[%mul3A_15] : memref<163840xi32, #tpu.memory_space<hbm>> -> memref<128xi32, #tpu.memory_space<hbm>>
        tpu.wait_dma2 semaphore(%run_scoped3A_320 : memref<!tpu.dma_semaphore, #tpu.memory_space<semaphore_mem>>) src(%dma_wait3A_336 : memref<128xi32, #tpu.memory_space<hbm>>) dst(%dma_wait3A_335 : memref<128xi32, #tpu.memory_space<vmem>>)
        tpu.yield
      }) : () -> ()
      %run_scoped3A_18 = arith.constant 0 : i32
      "tpu.region"() ({
        %run_scoped3A_320 = tpu.sem_alloc : memref<!tpu.dma_semaphore, #tpu.memory_space<semaphore_mem>>
        %dma_start3A_321 = arith.constant 0 : i32
        %dma_start3A_322 = tpu.memref_slice %arg11[%run_scoped3A_18, %dma_start3A_321] : memref<2x128xi32, #tpu.memory_space<vmem>> -> memref<1x128xi32, #tpu.memory_space<vmem>>
        %dma_start3A_323 = tpu.memref_squeeze %dma_start3A_322 : memref<1x128xi32, #tpu.memory_space<vmem>> -> memref<128xi32, #tpu.memory_space<vmem>>
        %dma_start3A_324 = tpu.memref_slice %arg3[%mul3A_15] : memref<163840xi32, #tpu.memory_space<hbm>> -> memref<128xi32, #tpu.memory_space<hbm>>
        %dma_start3A_325 = arith.constant 0 : i32
        %dma_start3A_326 = tpu.memref_slice %arg11[%run_scoped3A_18, %dma_start3A_325] : memref<2x128xi32, #tpu.memory_space<vmem>> -> memref<1x128xi32, #tpu.memory_space<vmem>>
        %dma_start3A_327 = tpu.memref_squeeze %dma_start3A_326 : memref<1x128xi32, #tpu.memory_space<vmem>> -> memref<128xi32, #tpu.memory_space<vmem>>
        %dma_start3A_328 = tpu.memref_slice %arg3[%mul3A_15] : memref<163840xi32, #tpu.memory_space<hbm>> -> memref<128xi32, #tpu.memory_space<hbm>>
        tpu.enqueue_dma source(%dma_start3A_328 : memref<128xi32, #tpu.memory_space<hbm>>) target(%dma_start3A_327 : memref<128xi32, #tpu.memory_space<vmem>>) target_semaphore(%run_scoped3A_320 : memref<!tpu.dma_semaphore, #tpu.memory_space<semaphore_mem>>)
        %dma_wait3A_329 = arith.constant 0 : i32
        %dma_wait3A_330 = tpu.memref_slice %arg11[%run_scoped3A_18, %dma_wait3A_329] : memref<2x128xi32, #tpu.memory_space<vmem>> -> memref<1x128xi32, #tpu.memory_space<vmem>>
        %dma_wait3A_331 = tpu.memref_squeeze %dma_wait3A_330 : memref<1x128xi32, #tpu.memory_space<vmem>> -> memref<128xi32, #tpu.memory_space<vmem>>
        %dma_wait3A_332 = tpu.memref_slice %arg3[%mul3A_15] : memref<163840xi32, #tpu.memory_space<hbm>> -> memref<128xi32, #tpu.memory_space<hbm>>
        %dma_wait3A_333 = arith.constant 0 : i32
        %dma_wait3A_334 = tpu.memref_slice %arg11[%run_scoped3A_18, %dma_wait3A_333] : memref<2x128xi32, #tpu.memory_space<vmem>> -> memref<1x128xi32, #tpu.memory_space<vmem>>
        %dma_wait3A_335 = tpu.memref_squeeze %dma_wait3A_334 : memref<1x128xi32, #tpu.memory_space<vmem>> -> memref<128xi32, #tpu.memory_space<vmem>>
        %dma_wait3A_336 = tpu.memref_slice %arg3[%mul3A_15] : memref<163840xi32, #tpu.memory_space<hbm>> -> memref<128xi32, #tpu.memory_space<hbm>>
        tpu.wait_dma2 semaphore(%run_scoped3A_320 : memref<!tpu.dma_semaphore, #tpu.memory_space<semaphore_mem>>) src(%dma_wait3A_336 : memref<128xi32, #tpu.memory_space<hbm>>) dst(%dma_wait3A_335 : memref<128xi32, #tpu.memory_space<vmem>>)
        tpu.yield
      }) : () -> ()
      %run_scoped3A_19 = arith.constant 1 : i32
      "tpu.region"() ({
        %run_scoped3A_320 = tpu.sem_alloc : memref<!tpu.dma_semaphore, #tpu.memory_space<semaphore_mem>>
        %dma_start3A_321 = arith.constant 0 : i32
        %dma_start3A_322 = tpu.memref_slice %arg10[%run_scoped3A_19, %dma_start3A_321] : memref<2x128xi32, #tpu.memory_space<vmem>> -> memref<1x128xi32, #tpu.memory_space<vmem>>
        %dma_start3A_323 = tpu.memref_squeeze %dma_start3A_322 : memref<1x128xi32, #tpu.memory_space<vmem>> -> memref<128xi32, #tpu.memory_space<vmem>>
        %dma_start3A_324 = tpu.memref_slice %arg2[%add3A_17] : memref<163840xi32, #tpu.memory_space<hbm>> -> memref<128xi32, #tpu.memory_space<hbm>>
        %dma_start3A_325 = arith.constant 0 : i32
        %dma_start3A_326 = tpu.memref_slice %arg10[%run_scoped3A_19, %dma_start3A_325] : memref<2x128xi32, #tpu.memory_space<vmem>> -> memref<1x128xi32, #tpu.memory_space<vmem>>
        %dma_start3A_327 = tpu.memref_squeeze %dma_start3A_326 : memref<1x128xi32, #tpu.memory_space<vmem>> -> memref<128xi32, #tpu.memory_space<vmem>>
        %dma_start3A_328 = tpu.memref_slice %arg2[%add3A_17] : memref<163840xi32, #tpu.memory_space<hbm>> -> memref<128xi32, #tpu.memory_space<hbm>>
        tpu.enqueue_dma source(%dma_start3A_328 : memref<128xi32, #tpu.memory_space<hbm>>) target(%dma_start3A_327 : memref<128xi32, #tpu.memory_space<vmem>>) target_semaphore(%run_scoped3A_320 : memref<!tpu.dma_semaphore, #tpu.memory_space<semaphore_mem>>)
        %dma_wait3A_329 = arith.constant 0 : i32
        %dma_wait3A_330 = tpu.memref_slice %arg10[%run_scoped3A_19, %dma_wait3A_329] : memref<2x128xi32, #tpu.memory_space<vmem>> -> memref<1x128xi32, #tpu.memory_space<vmem>>
        %dma_wait3A_331 = tpu.memref_squeeze %dma_wait3A_330 : memref<1x128xi32, #tpu.memory_space<vmem>> -> memref<128xi32, #tpu.memory_space<vmem>>
        %dma_wait3A_332 = tpu.memref_slice %arg2[%add3A_17] : memref<163840xi32, #tpu.memory_space<hbm>> -> memref<128xi32, #tpu.memory_space<hbm>>
        %dma_wait3A_333 = arith.constant 0 : i32
        %dma_wait3A_334 = tpu.memref_slice %arg10[%run_scoped3A_19, %dma_wait3A_333] : memref<2x128xi32, #tpu.memory_space<vmem>> -> memref<1x128xi32, #tpu.memory_space<vmem>>
        %dma_wait3A_335 = tpu.memref_squeeze %dma_wait3A_334 : memref<1x128xi32, #tpu.memory_space<vmem>> -> memref<128xi32, #tpu.memory_space<vmem>>
        %dma_wait3A_336 = tpu.memref_slice %arg2[%add3A_17] : memref<163840xi32, #tpu.memory_space<hbm>> -> memref<128xi32, #tpu.memory_space<hbm>>
        tpu.wait_dma2 semaphore(%run_scoped3A_320 : memref<!tpu.dma_semaphore, #tpu.memory_space<semaphore_mem>>) src(%dma_wait3A_336 : memref<128xi32, #tpu.memory_space<hbm>>) dst(%dma_wait3A_335 : memref<128xi32, #tpu.memory_space<vmem>>)
        tpu.yield
      }) : () -> ()
      %run_scoped3A_20 = arith.constant 1 : i32
      "tpu.region"() ({
        %run_scoped3A_320 = tpu.sem_alloc : memref<!tpu.dma_semaphore, #tpu.memory_space<semaphore_mem>>
        %dma_start3A_321 = arith.constant 0 : i32
        %dma_start3A_322 = tpu.memref_slice %arg11[%run_scoped3A_20, %dma_start3A_321] : memref<2x128xi32, #tpu.memory_space<vmem>> -> memref<1x128xi32, #tpu.memory_space<vmem>>
        %dma_start3A_323 = tpu.memref_squeeze %dma_start3A_322 : memref<1x128xi32, #tpu.memory_space<vmem>> -> memref<128xi32, #tpu.memory_space<vmem>>
        %dma_start3A_324 = tpu.memref_slice %arg3[%add3A_17] : memref<163840xi32, #tpu.memory_space<hbm>> -> memref<128xi32, #tpu.memory_space<hbm>>
        %dma_start3A_325 = arith.constant 0 : i32
        %dma_start3A_326 = tpu.memref_slice %arg11[%run_scoped3A_20, %dma_start3A_325] : memref<2x128xi32, #tpu.memory_space<vmem>> -> memref<1x128xi32, #tpu.memory_space<vmem>>
        %dma_start3A_327 = tpu.memref_squeeze %dma_start3A_326 : memref<1x128xi32, #tpu.memory_space<vmem>> -> memref<128xi32, #tpu.memory_space<vmem>>
        %dma_start3A_328 = tpu.memref_slice %arg3[%add3A_17] : memref<163840xi32, #tpu.memory_space<hbm>> -> memref<128xi32, #tpu.memory_space<hbm>>
        tpu.enqueue_dma source(%dma_start3A_328 : memref<128xi32, #tpu.memory_space<hbm>>) target(%dma_start3A_327 : memref<128xi32, #tpu.memory_space<vmem>>) target_semaphore(%run_scoped3A_320 : memref<!tpu.dma_semaphore, #tpu.memory_space<semaphore_mem>>)
        %dma_wait3A_329 = arith.constant 0 : i32
        %dma_wait3A_330 = tpu.memref_slice %arg11[%run_scoped3A_20, %dma_wait3A_329] : memref<2x128xi32, #tpu.memory_space<vmem>> -> memref<1x128xi32, #tpu.memory_space<vmem>>
        %dma_wait3A_331 = tpu.memref_squeeze %dma_wait3A_330 : memref<1x128xi32, #tpu.memory_space<vmem>> -> memref<128xi32, #tpu.memory_space<vmem>>
        %dma_wait3A_332 = tpu.memref_slice %arg3[%add3A_17] : memref<163840xi32, #tpu.memory_space<hbm>> -> memref<128xi32, #tpu.memory_space<hbm>>
        %dma_wait3A_333 = arith.constant 0 : i32
        %dma_wait3A_334 = tpu.memref_slice %arg11[%run_scoped3A_20, %dma_wait3A_333] : memref<2x128xi32, #tpu.memory_space<vmem>> -> memref<1x128xi32, #tpu.memory_space<vmem>>
        %dma_wait3A_335 = tpu.memref_squeeze %dma_wait3A_334 : memref<1x128xi32, #tpu.memory_space<vmem>> -> memref<128xi32, #tpu.memory_space<vmem>>
        %dma_wait3A_336 = tpu.memref_slice %arg3[%add3A_17] : memref<163840xi32, #tpu.memory_space<hbm>> -> memref<128xi32, #tpu.memory_space<hbm>>
        tpu.wait_dma2 semaphore(%run_scoped3A_320 : memref<!tpu.dma_semaphore, #tpu.memory_space<semaphore_mem>>) src(%dma_wait3A_336 : memref<128xi32, #tpu.memory_space<hbm>>) dst(%dma_wait3A_335 : memref<128xi32, #tpu.memory_space<vmem>>)
        tpu.yield
      }) : () -> ()
      %dma_start3A = arith.constant 0 : i32
      %dma_start3A_21 = arith.constant 0 : i32
      %dma_start3A_22 = arith.constant 0 : i32
      %dma_start3A_23 = arith.constant 0 : i32
      %dma_start3A_24 = tpu.memref_slice %arg12[%dma_start3A_21, %dma_start3A_22, %dma_start3A_23] : memref<2x128x128xf32, #tpu.memory_space<vmem>> -> memref<1x128x128xf32, #tpu.memory_space<vmem>>
      %dma_start3A_25 = tpu.memref_squeeze %dma_start3A_24 : memref<1x128x128xf32, #tpu.memory_space<vmem>> -> memref<128x128xf32, #tpu.memory_space<vmem>>
      %dma_start3A_26 = arith.constant 0 : i32
      %dma_start3A_27 = tpu.memref_slice %arg10[%dma_start3A, %dma_start3A_26] : memref<2x128xi32, #tpu.memory_space<vmem>> -> memref<1x128xi32, #tpu.memory_space<vmem>>
      %dma_start3A_28 = tpu.memref_squeeze %dma_start3A_27 : memref<1x128xi32, #tpu.memory_space<vmem>> -> memref<128xi32, #tpu.memory_space<vmem>>
      %dma_start3A_29 = arith.constant 0 : i32
      %dma_start3A_30 = arith.constant 0 : i32
      %dma_start3A_31 = tpu.memref_slice %arg4[%dma_start3A_29, %dma_start3A_30] : memref<51200x128xf32, #tpu.memory_space<hbm>> -> memref<51200x128xf32, #tpu.memory_space<hbm>>
      tpu.enqueue_indirect_dma source(%dma_start3A_31 : memref<51200x128xf32, #tpu.memory_space<hbm>>) target(%dma_start3A_25 : memref<128x128xf32, #tpu.memory_space<vmem>>) offsets(%dma_start3A_28 : memref<128xi32, #tpu.memory_space<vmem>>) semaphore(%arg15 : memref<!tpu.dma_semaphore, #tpu.memory_space<semaphore_mem>>)
      %dma_start3A_32 = arith.constant 0 : i32
      %dma_start3A_33 = arith.constant 0 : i32
      %dma_start3A_34 = arith.constant 0 : i32
      %dma_start3A_35 = arith.constant 0 : i32
      %dma_start3A_36 = tpu.memref_slice %arg13[%dma_start3A_33, %dma_start3A_34, %dma_start3A_35] : memref<2x128x128xf32, #tpu.memory_space<vmem>> -> memref<1x128x128xf32, #tpu.memory_space<vmem>>
      %dma_start3A_37 = tpu.memref_squeeze %dma_start3A_36 : memref<1x128x128xf32, #tpu.memory_space<vmem>> -> memref<128x128xf32, #tpu.memory_space<vmem>>
      %dma_start3A_38 = arith.constant 0 : i32
      %dma_start3A_39 = tpu.memref_slice %arg11[%dma_start3A_32, %dma_start3A_38] : memref<2x128xi32, #tpu.memory_space<vmem>> -> memref<1x128xi32, #tpu.memory_space<vmem>>
      %dma_start3A_40 = tpu.memref_squeeze %dma_start3A_39 : memref<1x128xi32, #tpu.memory_space<vmem>> -> memref<128xi32, #tpu.memory_space<vmem>>
      %dma_start3A_41 = arith.constant 0 : i32
      %dma_start3A_42 = arith.constant 0 : i32
      %dma_start3A_43 = tpu.memref_slice %arg5[%dma_start3A_41, %dma_start3A_42] : memref<10240x128xf32, #tpu.memory_space<hbm>> -> memref<10240x128xf32, #tpu.memory_space<hbm>>
      tpu.enqueue_indirect_dma source(%dma_start3A_43 : memref<10240x128xf32, #tpu.memory_space<hbm>>) target(%dma_start3A_37 : memref<128x128xf32, #tpu.memory_space<vmem>>) offsets(%dma_start3A_40 : memref<128xi32, #tpu.memory_space<vmem>>) semaphore(%arg15 : memref<!tpu.dma_semaphore, #tpu.memory_space<semaphore_mem>>)
      %dma_start3A_44 = arith.constant 0 : i32
      %dma_start3A_45 = arith.constant 0 : i32
      %dma_start3A_46 = arith.constant 0 : i32
      %dma_start3A_47 = arith.constant 0 : i32
      %dma_start3A_48 = tpu.memref_slice %arg14[%dma_start3A_45, %dma_start3A_46, %dma_start3A_47] : memref<2x128x128xf32, #tpu.memory_space<vmem>> -> memref<1x128x128xf32, #tpu.memory_space<vmem>>
      %dma_start3A_49 = tpu.memref_squeeze %dma_start3A_48 : memref<1x128x128xf32, #tpu.memory_space<vmem>> -> memref<128x128xf32, #tpu.memory_space<vmem>>
      %dma_start3A_50 = arith.constant 0 : i32
      %dma_start3A_51 = tpu.memref_slice %arg10[%dma_start3A_44, %dma_start3A_50] : memref<2x128xi32, #tpu.memory_space<vmem>> -> memref<1x128xi32, #tpu.memory_space<vmem>>
      %dma_start3A_52 = tpu.memref_squeeze %dma_start3A_51 : memref<1x128xi32, #tpu.memory_space<vmem>> -> memref<128xi32, #tpu.memory_space<vmem>>
      %dma_start3A_53 = arith.constant 0 : i32
      %dma_start3A_54 = arith.constant 0 : i32
      %dma_start3A_55 = tpu.memref_slice %arg6[%dma_start3A_53, %dma_start3A_54] : memref<51200x128xf32, #tpu.memory_space<hbm>> -> memref<51200x128xf32, #tpu.memory_space<hbm>>
      tpu.enqueue_indirect_dma source(%dma_start3A_55 : memref<51200x128xf32, #tpu.memory_space<hbm>>) target(%dma_start3A_49 : memref<128x128xf32, #tpu.memory_space<vmem>>) offsets(%dma_start3A_52 : memref<128xi32, #tpu.memory_space<vmem>>) semaphore(%arg15 : memref<!tpu.dma_semaphore, #tpu.memory_space<semaphore_mem>>)
      %dma_start3A_56 = arith.constant 1 : i32
      %dma_start3A_57 = arith.constant 1 : i32
      %dma_start3A_58 = arith.constant 0 : i32
      %dma_start3A_59 = arith.constant 0 : i32
      %dma_start3A_60 = tpu.memref_slice %arg12[%dma_start3A_57, %dma_start3A_58, %dma_start3A_59] : memref<2x128x128xf32, #tpu.memory_space<vmem>> -> memref<1x128x128xf32, #tpu.memory_space<vmem>>
      %dma_start3A_61 = tpu.memref_squeeze %dma_start3A_60 : memref<1x128x128xf32, #tpu.memory_space<vmem>> -> memref<128x128xf32, #tpu.memory_space<vmem>>
      %dma_start3A_62 = arith.constant 0 : i32
      %dma_start3A_63 = tpu.memref_slice %arg10[%dma_start3A_56, %dma_start3A_62] : memref<2x128xi32, #tpu.memory_space<vmem>> -> memref<1x128xi32, #tpu.memory_space<vmem>>
      %dma_start3A_64 = tpu.memref_squeeze %dma_start3A_63 : memref<1x128xi32, #tpu.memory_space<vmem>> -> memref<128xi32, #tpu.memory_space<vmem>>
      %dma_start3A_65 = arith.constant 0 : i32
      %dma_start3A_66 = arith.constant 0 : i32
      %dma_start3A_67 = tpu.memref_slice %arg4[%dma_start3A_65, %dma_start3A_66] : memref<51200x128xf32, #tpu.memory_space<hbm>> -> memref<51200x128xf32, #tpu.memory_space<hbm>>
      tpu.enqueue_indirect_dma source(%dma_start3A_67 : memref<51200x128xf32, #tpu.memory_space<hbm>>) target(%dma_start3A_61 : memref<128x128xf32, #tpu.memory_space<vmem>>) offsets(%dma_start3A_64 : memref<128xi32, #tpu.memory_space<vmem>>) semaphore(%arg15 : memref<!tpu.dma_semaphore, #tpu.memory_space<semaphore_mem>>)
      %dma_start3A_68 = arith.constant 1 : i32
      %dma_start3A_69 = arith.constant 1 : i32
      %dma_start3A_70 = arith.constant 0 : i32
      %dma_start3A_71 = arith.constant 0 : i32
      %dma_start3A_72 = tpu.memref_slice %arg13[%dma_start3A_69, %dma_start3A_70, %dma_start3A_71] : memref<2x128x128xf32, #tpu.memory_space<vmem>> -> memref<1x128x128xf32, #tpu.memory_space<vmem>>
      %dma_start3A_73 = tpu.memref_squeeze %dma_start3A_72 : memref<1x128x128xf32, #tpu.memory_space<vmem>> -> memref<128x128xf32, #tpu.memory_space<vmem>>
      %dma_start3A_74 = arith.constant 0 : i32
      %dma_start3A_75 = tpu.memref_slice %arg11[%dma_start3A_68, %dma_start3A_74] : memref<2x128xi32, #tpu.memory_space<vmem>> -> memref<1x128xi32, #tpu.memory_space<vmem>>
      %dma_start3A_76 = tpu.memref_squeeze %dma_start3A_75 : memref<1x128xi32, #tpu.memory_space<vmem>> -> memref<128xi32, #tpu.memory_space<vmem>>
      %dma_start3A_77 = arith.constant 0 : i32
      %dma_start3A_78 = arith.constant 0 : i32
      %dma_start3A_79 = tpu.memref_slice %arg5[%dma_start3A_77, %dma_start3A_78] : memref<10240x128xf32, #tpu.memory_space<hbm>> -> memref<10240x128xf32, #tpu.memory_space<hbm>>
      tpu.enqueue_indirect_dma source(%dma_start3A_79 : memref<10240x128xf32, #tpu.memory_space<hbm>>) target(%dma_start3A_73 : memref<128x128xf32, #tpu.memory_space<vmem>>) offsets(%dma_start3A_76 : memref<128xi32, #tpu.memory_space<vmem>>) semaphore(%arg15 : memref<!tpu.dma_semaphore, #tpu.memory_space<semaphore_mem>>)
      %dma_start3A_80 = arith.constant 1 : i32
      %dma_start3A_81 = arith.constant 1 : i32
      %dma_start3A_82 = arith.constant 0 : i32
      %dma_start3A_83 = arith.constant 0 : i32
      %dma_start3A_84 = tpu.memref_slice %arg14[%dma_start3A_81, %dma_start3A_82, %dma_start3A_83] : memref<2x128x128xf32, #tpu.memory_space<vmem>> -> memref<1x128x128xf32, #tpu.memory_space<vmem>>
      %dma_start3A_85 = tpu.memref_squeeze %dma_start3A_84 : memref<1x128x128xf32, #tpu.memory_space<vmem>> -> memref<128x128xf32, #tpu.memory_space<vmem>>
      %dma_start3A_86 = arith.constant 0 : i32
      %dma_start3A_87 = tpu.memref_slice %arg10[%dma_start3A_80, %dma_start3A_86] : memref<2x128xi32, #tpu.memory_space<vmem>> -> memref<1x128xi32, #tpu.memory_space<vmem>>
      %dma_start3A_88 = tpu.memref_squeeze %dma_start3A_87 : memref<1x128xi32, #tpu.memory_space<vmem>> -> memref<128xi32, #tpu.memory_space<vmem>>
      %dma_start3A_89 = arith.constant 0 : i32
      %dma_start3A_90 = arith.constant 0 : i32
      %dma_start3A_91 = tpu.memref_slice %arg6[%dma_start3A_89, %dma_start3A_90] : memref<51200x128xf32, #tpu.memory_space<hbm>> -> memref<51200x128xf32, #tpu.memory_space<hbm>>
      tpu.enqueue_indirect_dma source(%dma_start3A_91 : memref<51200x128xf32, #tpu.memory_space<hbm>>) target(%dma_start3A_85 : memref<128x128xf32, #tpu.memory_space<vmem>>) offsets(%dma_start3A_88 : memref<128xi32, #tpu.memory_space<vmem>>) semaphore(%arg15 : memref<!tpu.dma_semaphore, #tpu.memory_space<semaphore_mem>>)
      %dma_wait3A = arith.constant 0 : i32
      %dma_wait3A_92 = arith.constant 0 : i32
      %dma_wait3A_93 = arith.constant 0 : i32
      %dma_wait3A_94 = arith.constant 0 : i32
      %dma_wait3A_95 = tpu.memref_slice %arg12[%dma_wait3A_92, %dma_wait3A_93, %dma_wait3A_94] : memref<2x128x128xf32, #tpu.memory_space<vmem>> -> memref<1x128x128xf32, #tpu.memory_space<vmem>>
      %dma_wait3A_96 = tpu.memref_squeeze %dma_wait3A_95 : memref<1x128x128xf32, #tpu.memory_space<vmem>> -> memref<128x128xf32, #tpu.memory_space<vmem>>
      %dma_wait3A_97 = arith.constant 0 : i32
      %dma_wait3A_98 = tpu.memref_slice %arg10[%dma_wait3A, %dma_wait3A_97] : memref<2x128xi32, #tpu.memory_space<vmem>> -> memref<1x128xi32, #tpu.memory_space<vmem>>
      %dma_wait3A_99 = tpu.memref_squeeze %dma_wait3A_98 : memref<1x128xi32, #tpu.memory_space<vmem>> -> memref<128xi32, #tpu.memory_space<vmem>>
      %dma_wait3A_100 = arith.constant 0 : i32
      %dma_wait3A_101 = arith.constant 0 : i32
      %dma_wait3A_102 = tpu.memref_slice %arg4[%dma_wait3A_100, %dma_wait3A_101] : memref<51200x128xf32, #tpu.memory_space<hbm>> -> memref<51200x128xf32, #tpu.memory_space<hbm>>
      tpu.wait_indirect_dma semaphore(%arg15 : memref<!tpu.dma_semaphore, #tpu.memory_space<semaphore_mem>>) src(%dma_wait3A_102 : memref<51200x128xf32, #tpu.memory_space<hbm>>) dst(%dma_wait3A_96 : memref<128x128xf32, #tpu.memory_space<vmem>>)
      %dma_wait3A_103 = arith.constant 0 : i32
      %dma_wait3A_104 = arith.constant 0 : i32
      %dma_wait3A_105 = arith.constant 0 : i32
      %dma_wait3A_106 = arith.constant 0 : i32
      %dma_wait3A_107 = tpu.memref_slice %arg13[%dma_wait3A_104, %dma_wait3A_105, %dma_wait3A_106] : memref<2x128x128xf32, #tpu.memory_space<vmem>> -> memref<1x128x128xf32, #tpu.memory_space<vmem>>
      %dma_wait3A_108 = tpu.memref_squeeze %dma_wait3A_107 : memref<1x128x128xf32, #tpu.memory_space<vmem>> -> memref<128x128xf32, #tpu.memory_space<vmem>>
      %dma_wait3A_109 = arith.constant 0 : i32
      %dma_wait3A_110 = tpu.memref_slice %arg11[%dma_wait3A_103, %dma_wait3A_109] : memref<2x128xi32, #tpu.memory_space<vmem>> -> memref<1x128xi32, #tpu.memory_space<vmem>>
      %dma_wait3A_111 = tpu.memref_squeeze %dma_wait3A_110 : memref<1x128xi32, #tpu.memory_space<vmem>> -> memref<128xi32, #tpu.memory_space<vmem>>
      %dma_wait3A_112 = arith.constant 0 : i32
      %dma_wait3A_113 = arith.constant 0 : i32
      %dma_wait3A_114 = tpu.memref_slice %arg5[%dma_wait3A_112, %dma_wait3A_113] : memref<10240x128xf32, #tpu.memory_space<hbm>> -> memref<10240x128xf32, #tpu.memory_space<hbm>>
      tpu.wait_indirect_dma semaphore(%arg15 : memref<!tpu.dma_semaphore, #tpu.memory_space<semaphore_mem>>) src(%dma_wait3A_114 : memref<10240x128xf32, #tpu.memory_space<hbm>>) dst(%dma_wait3A_108 : memref<128x128xf32, #tpu.memory_space<vmem>>)
      %dma_wait3A_115 = arith.constant 0 : i32
      %dma_wait3A_116 = arith.constant 0 : i32
      %dma_wait3A_117 = arith.constant 0 : i32
      %dma_wait3A_118 = arith.constant 0 : i32
      %dma_wait3A_119 = tpu.memref_slice %arg14[%dma_wait3A_116, %dma_wait3A_117, %dma_wait3A_118] : memref<2x128x128xf32, #tpu.memory_space<vmem>> -> memref<1x128x128xf32, #tpu.memory_space<vmem>>
      %dma_wait3A_120 = tpu.memref_squeeze %dma_wait3A_119 : memref<1x128x128xf32, #tpu.memory_space<vmem>> -> memref<128x128xf32, #tpu.memory_space<vmem>>
      %dma_wait3A_121 = arith.constant 0 : i32
      %dma_wait3A_122 = tpu.memref_slice %arg10[%dma_wait3A_115, %dma_wait3A_121] : memref<2x128xi32, #tpu.memory_space<vmem>> -> memref<1x128xi32, #tpu.memory_space<vmem>>
      %dma_wait3A_123 = tpu.memref_squeeze %dma_wait3A_122 : memref<1x128xi32, #tpu.memory_space<vmem>> -> memref<128xi32, #tpu.memory_space<vmem>>
      %dma_wait3A_124 = arith.constant 0 : i32
      %dma_wait3A_125 = arith.constant 0 : i32
      %dma_wait3A_126 = tpu.memref_slice %arg6[%dma_wait3A_124, %dma_wait3A_125] : memref<51200x128xf32, #tpu.memory_space<hbm>> -> memref<51200x128xf32, #tpu.memory_space<hbm>>
      tpu.wait_indirect_dma semaphore(%arg15 : memref<!tpu.dma_semaphore, #tpu.memory_space<semaphore_mem>>) src(%dma_wait3A_126 : memref<51200x128xf32, #tpu.memory_space<hbm>>) dst(%dma_wait3A_120 : memref<128x128xf32, #tpu.memory_space<vmem>>)
      %dma_wait3A_127 = arith.constant 1 : i32
      %dma_wait3A_128 = arith.constant 1 : i32
      %dma_wait3A_129 = arith.constant 0 : i32
      %dma_wait3A_130 = arith.constant 0 : i32
      %dma_wait3A_131 = tpu.memref_slice %arg12[%dma_wait3A_128, %dma_wait3A_129, %dma_wait3A_130] : memref<2x128x128xf32, #tpu.memory_space<vmem>> -> memref<1x128x128xf32, #tpu.memory_space<vmem>>
      %dma_wait3A_132 = tpu.memref_squeeze %dma_wait3A_131 : memref<1x128x128xf32, #tpu.memory_space<vmem>> -> memref<128x128xf32, #tpu.memory_space<vmem>>
      %dma_wait3A_133 = arith.constant 0 : i32
      %dma_wait3A_134 = tpu.memref_slice %arg10[%dma_wait3A_127, %dma_wait3A_133] : memref<2x128xi32, #tpu.memory_space<vmem>> -> memref<1x128xi32, #tpu.memory_space<vmem>>
      %dma_wait3A_135 = tpu.memref_squeeze %dma_wait3A_134 : memref<1x128xi32, #tpu.memory_space<vmem>> -> memref<128xi32, #tpu.memory_space<vmem>>
      %dma_wait3A_136 = arith.constant 0 : i32
      %dma_wait3A_137 = arith.constant 0 : i32
      %dma_wait3A_138 = tpu.memref_slice %arg4[%dma_wait3A_136, %dma_wait3A_137] : memref<51200x128xf32, #tpu.memory_space<hbm>> -> memref<51200x128xf32, #tpu.memory_space<hbm>>
      tpu.wait_indirect_dma semaphore(%arg15 : memref<!tpu.dma_semaphore, #tpu.memory_space<semaphore_mem>>) src(%dma_wait3A_138 : memref<51200x128xf32, #tpu.memory_space<hbm>>) dst(%dma_wait3A_132 : memref<128x128xf32, #tpu.memory_space<vmem>>)
      %dma_wait3A_139 = arith.constant 1 : i32
      %dma_wait3A_140 = arith.constant 1 : i32
      %dma_wait3A_141 = arith.constant 0 : i32
      %dma_wait3A_142 = arith.constant 0 : i32
      %dma_wait3A_143 = tpu.memref_slice %arg13[%dma_wait3A_140, %dma_wait3A_141, %dma_wait3A_142] : memref<2x128x128xf32, #tpu.memory_space<vmem>> -> memref<1x128x128xf32, #tpu.memory_space<vmem>>
      %dma_wait3A_144 = tpu.memref_squeeze %dma_wait3A_143 : memref<1x128x128xf32, #tpu.memory_space<vmem>> -> memref<128x128xf32, #tpu.memory_space<vmem>>
      %dma_wait3A_145 = arith.constant 0 : i32
      %dma_wait3A_146 = tpu.memref_slice %arg11[%dma_wait3A_139, %dma_wait3A_145] : memref<2x128xi32, #tpu.memory_space<vmem>> -> memref<1x128xi32, #tpu.memory_space<vmem>>
      %dma_wait3A_147 = tpu.memref_squeeze %dma_wait3A_146 : memref<1x128xi32, #tpu.memory_space<vmem>> -> memref<128xi32, #tpu.memory_space<vmem>>
      %dma_wait3A_148 = arith.constant 0 : i32
      %dma_wait3A_149 = arith.constant 0 : i32
      %dma_wait3A_150 = tpu.memref_slice %arg5[%dma_wait3A_148, %dma_wait3A_149] : memref<10240x128xf32, #tpu.memory_space<hbm>> -> memref<10240x128xf32, #tpu.memory_space<hbm>>
      tpu.wait_indirect_dma semaphore(%arg15 : memref<!tpu.dma_semaphore, #tpu.memory_space<semaphore_mem>>) src(%dma_wait3A_150 : memref<10240x128xf32, #tpu.memory_space<hbm>>) dst(%dma_wait3A_144 : memref<128x128xf32, #tpu.memory_space<vmem>>)
      %dma_wait3A_151 = arith.constant 1 : i32
      %dma_wait3A_152 = arith.constant 1 : i32
      %dma_wait3A_153 = arith.constant 0 : i32
      %dma_wait3A_154 = arith.constant 0 : i32
      %dma_wait3A_155 = tpu.memref_slice %arg14[%dma_wait3A_152, %dma_wait3A_153, %dma_wait3A_154] : memref<2x128x128xf32, #tpu.memory_space<vmem>> -> memref<1x128x128xf32, #tpu.memory_space<vmem>>
      %dma_wait3A_156 = tpu.memref_squeeze %dma_wait3A_155 : memref<1x128x128xf32, #tpu.memory_space<vmem>> -> memref<128x128xf32, #tpu.memory_space<vmem>>
      %dma_wait3A_157 = arith.constant 0 : i32
      %dma_wait3A_158 = tpu.memref_slice %arg10[%dma_wait3A_151, %dma_wait3A_157] : memref<2x128xi32, #tpu.memory_space<vmem>> -> memref<1x128xi32, #tpu.memory_space<vmem>>
      %dma_wait3A_159 = tpu.memref_squeeze %dma_wait3A_158 : memref<1x128xi32, #tpu.memory_space<vmem>> -> memref<128xi32, #tpu.memory_space<vmem>>
      %dma_wait3A_160 = arith.constant 0 : i32
      %dma_wait3A_161 = arith.constant 0 : i32
      %dma_wait3A_162 = tpu.memref_slice %arg6[%dma_wait3A_160, %dma_wait3A_161] : memref<51200x128xf32, #tpu.memory_space<hbm>> -> memref<51200x128xf32, #tpu.memory_space<hbm>>
      tpu.wait_indirect_dma semaphore(%arg15 : memref<!tpu.dma_semaphore, #tpu.memory_space<semaphore_mem>>) src(%dma_wait3A_162 : memref<51200x128xf32, #tpu.memory_space<hbm>>) dst(%dma_wait3A_156 : memref<128x128xf32, #tpu.memory_space<vmem>>)
      %dma_start3A_163 = arith.constant 0 : i32
      %dma_start3A_164 = arith.constant 0 : i32
      %dma_start3A_165 = arith.constant 0 : i32
      %dma_start3A_166 = tpu.memref_slice %arg12[%dma_start3A_163, %dma_start3A_164, %dma_start3A_165] : memref<2x128x128xf32, #tpu.memory_space<vmem>> -> memref<1x128x128xf32, #tpu.memory_space<vmem>>
      %dma_start3A_167 = tpu.memref_squeeze %dma_start3A_166 : memref<1x128x128xf32, #tpu.memory_space<vmem>> -> memref<128x128xf32, #tpu.memory_space<vmem>>
      %dma_start3A_168 = arith.constant 0 : i32
      %dma_start3A_169 = tpu.memref_slice %arg7[%mul3A_15, %dma_start3A_168] : memref<163840x128xf32, #tpu.memory_space<hbm>> -> memref<128x128xf32, #tpu.memory_space<hbm>>
      %dma_start3A_170 = arith.constant 0 : i32
      %dma_start3A_171 = tpu.memref_slice %arg7[%mul3A_15, %dma_start3A_170] : memref<163840x128xf32, #tpu.memory_space<hbm>> -> memref<128x128xf32, #tpu.memory_space<hbm>>
      %dma_start3A_172 = arith.constant 0 : i32
      %dma_start3A_173 = arith.constant 0 : i32
      %dma_start3A_174 = tpu.memref_slice %arg12[%dma_start3A_163, %dma_start3A_172, %dma_start3A_173] : memref<2x128x128xf32, #tpu.memory_space<vmem>> -> memref<1x128x128xf32, #tpu.memory_space<vmem>>
      %dma_start3A_175 = tpu.memref_squeeze %dma_start3A_174 : memref<1x128x128xf32, #tpu.memory_space<vmem>> -> memref<128x128xf32, #tpu.memory_space<vmem>>
      tpu.enqueue_dma source(%dma_start3A_175 : memref<128x128xf32, #tpu.memory_space<vmem>>) target(%dma_start3A_171 : memref<128x128xf32, #tpu.memory_space<hbm>>) target_semaphore(%arg16 : memref<!tpu.dma_semaphore, #tpu.memory_space<semaphore_mem>>)
      %dma_start3A_176 = arith.constant 0 : i32
      %dma_start3A_177 = arith.constant 0 : i32
      %dma_start3A_178 = arith.constant 0 : i32
      %dma_start3A_179 = tpu.memref_slice %arg13[%dma_start3A_176, %dma_start3A_177, %dma_start3A_178] : memref<2x128x128xf32, #tpu.memory_space<vmem>> -> memref<1x128x128xf32, #tpu.memory_space<vmem>>
      %dma_start3A_180 = tpu.memref_squeeze %dma_start3A_179 : memref<1x128x128xf32, #tpu.memory_space<vmem>> -> memref<128x128xf32, #tpu.memory_space<vmem>>
      %dma_start3A_181 = arith.constant 0 : i32
      %dma_start3A_182 = tpu.memref_slice %arg8[%mul3A_15, %dma_start3A_181] : memref<163840x128xf32, #tpu.memory_space<hbm>> -> memref<128x128xf32, #tpu.memory_space<hbm>>
      %dma_start3A_183 = arith.constant 0 : i32
      %dma_start3A_184 = tpu.memref_slice %arg8[%mul3A_15, %dma_start3A_183] : memref<163840x128xf32, #tpu.memory_space<hbm>> -> memref<128x128xf32, #tpu.memory_space<hbm>>
      %dma_start3A_185 = arith.constant 0 : i32
      %dma_start3A_186 = arith.constant 0 : i32
      %dma_start3A_187 = tpu.memref_slice %arg13[%dma_start3A_176, %dma_start3A_185, %dma_start3A_186] : memref<2x128x128xf32, #tpu.memory_space<vmem>> -> memref<1x128x128xf32, #tpu.memory_space<vmem>>
      %dma_start3A_188 = tpu.memref_squeeze %dma_start3A_187 : memref<1x128x128xf32, #tpu.memory_space<vmem>> -> memref<128x128xf32, #tpu.memory_space<vmem>>
      tpu.enqueue_dma source(%dma_start3A_188 : memref<128x128xf32, #tpu.memory_space<vmem>>) target(%dma_start3A_184 : memref<128x128xf32, #tpu.memory_space<hbm>>) target_semaphore(%arg16 : memref<!tpu.dma_semaphore, #tpu.memory_space<semaphore_mem>>)
      %dma_start3A_189 = arith.constant 0 : i32
      %dma_start3A_190 = arith.constant 0 : i32
      %dma_start3A_191 = arith.constant 0 : i32
      %dma_start3A_192 = tpu.memref_slice %arg14[%dma_start3A_189, %dma_start3A_190, %dma_start3A_191] : memref<2x128x128xf32, #tpu.memory_space<vmem>> -> memref<1x128x128xf32, #tpu.memory_space<vmem>>
      %dma_start3A_193 = tpu.memref_squeeze %dma_start3A_192 : memref<1x128x128xf32, #tpu.memory_space<vmem>> -> memref<128x128xf32, #tpu.memory_space<vmem>>
      %dma_start3A_194 = arith.constant 0 : i32
      %dma_start3A_195 = tpu.memref_slice %arg9[%mul3A_15, %dma_start3A_194] : memref<163840x128xf32, #tpu.memory_space<hbm>> -> memref<128x128xf32, #tpu.memory_space<hbm>>
      %dma_start3A_196 = arith.constant 0 : i32
      %dma_start3A_197 = tpu.memref_slice %arg9[%mul3A_15, %dma_start3A_196] : memref<163840x128xf32, #tpu.memory_space<hbm>> -> memref<128x128xf32, #tpu.memory_space<hbm>>
      %dma_start3A_198 = arith.constant 0 : i32
      %dma_start3A_199 = arith.constant 0 : i32
      %dma_start3A_200 = tpu.memref_slice %arg14[%dma_start3A_189, %dma_start3A_198, %dma_start3A_199] : memref<2x128x128xf32, #tpu.memory_space<vmem>> -> memref<1x128x128xf32, #tpu.memory_space<vmem>>
      %dma_start3A_201 = tpu.memref_squeeze %dma_start3A_200 : memref<1x128x128xf32, #tpu.memory_space<vmem>> -> memref<128x128xf32, #tpu.memory_space<vmem>>
      tpu.enqueue_dma source(%dma_start3A_201 : memref<128x128xf32, #tpu.memory_space<vmem>>) target(%dma_start3A_197 : memref<128x128xf32, #tpu.memory_space<hbm>>) target_semaphore(%arg16 : memref<!tpu.dma_semaphore, #tpu.memory_space<semaphore_mem>>)
      %dma_start3A_202 = arith.constant 1 : i32
      %dma_start3A_203 = arith.constant 0 : i32
      %dma_start3A_204 = arith.constant 0 : i32
      %dma_start3A_205 = tpu.memref_slice %arg12[%dma_start3A_202, %dma_start3A_203, %dma_start3A_204] : memref<2x128x128xf32, #tpu.memory_space<vmem>> -> memref<1x128x128xf32, #tpu.memory_space<vmem>>
      %dma_start3A_206 = tpu.memref_squeeze %dma_start3A_205 : memref<1x128x128xf32, #tpu.memory_space<vmem>> -> memref<128x128xf32, #tpu.memory_space<vmem>>
      %dma_start3A_207 = arith.constant 0 : i32
      %dma_start3A_208 = tpu.memref_slice %arg7[%add3A_17, %dma_start3A_207] : memref<163840x128xf32, #tpu.memory_space<hbm>> -> memref<128x128xf32, #tpu.memory_space<hbm>>
      %dma_start3A_209 = arith.constant 0 : i32
      %dma_start3A_210 = tpu.memref_slice %arg7[%add3A_17, %dma_start3A_209] : memref<163840x128xf32, #tpu.memory_space<hbm>> -> memref<128x128xf32, #tpu.memory_space<hbm>>
      %dma_start3A_211 = arith.constant 0 : i32
      %dma_start3A_212 = arith.constant 0 : i32
      %dma_start3A_213 = tpu.memref_slice %arg12[%dma_start3A_202, %dma_start3A_211, %dma_start3A_212] : memref<2x128x128xf32, #tpu.memory_space<vmem>> -> memref<1x128x128xf32, #tpu.memory_space<vmem>>
      %dma_start3A_214 = tpu.memref_squeeze %dma_start3A_213 : memref<1x128x128xf32, #tpu.memory_space<vmem>> -> memref<128x128xf32, #tpu.memory_space<vmem>>
      tpu.enqueue_dma source(%dma_start3A_214 : memref<128x128xf32, #tpu.memory_space<vmem>>) target(%dma_start3A_210 : memref<128x128xf32, #tpu.memory_space<hbm>>) target_semaphore(%arg16 : memref<!tpu.dma_semaphore, #tpu.memory_space<semaphore_mem>>)
      %dma_start3A_215 = arith.constant 1 : i32
      %dma_start3A_216 = arith.constant 0 : i32
      %dma_start3A_217 = arith.constant 0 : i32
      %dma_start3A_218 = tpu.memref_slice %arg13[%dma_start3A_215, %dma_start3A_216, %dma_start3A_217] : memref<2x128x128xf32, #tpu.memory_space<vmem>> -> memref<1x128x128xf32, #tpu.memory_space<vmem>>
      %dma_start3A_219 = tpu.memref_squeeze %dma_start3A_218 : memref<1x128x128xf32, #tpu.memory_space<vmem>> -> memref<128x128xf32, #tpu.memory_space<vmem>>
      %dma_start3A_220 = arith.constant 0 : i32
      %dma_start3A_221 = tpu.memref_slice %arg8[%add3A_17, %dma_start3A_220] : memref<163840x128xf32, #tpu.memory_space<hbm>> -> memref<128x128xf32, #tpu.memory_space<hbm>>
      %dma_start3A_222 = arith.constant 0 : i32
      %dma_start3A_223 = tpu.memref_slice %arg8[%add3A_17, %dma_start3A_222] : memref<163840x128xf32, #tpu.memory_space<hbm>> -> memref<128x128xf32, #tpu.memory_space<hbm>>
      %dma_start3A_224 = arith.constant 0 : i32
      %dma_start3A_225 = arith.constant 0 : i32
      %dma_start3A_226 = tpu.memref_slice %arg13[%dma_start3A_215, %dma_start3A_224, %dma_start3A_225] : memref<2x128x128xf32, #tpu.memory_space<vmem>> -> memref<1x128x128xf32, #tpu.memory_space<vmem>>
      %dma_start3A_227 = tpu.memref_squeeze %dma_start3A_226 : memref<1x128x128xf32, #tpu.memory_space<vmem>> -> memref<128x128xf32, #tpu.memory_space<vmem>>
      tpu.enqueue_dma source(%dma_start3A_227 : memref<128x128xf32, #tpu.memory_space<vmem>>) target(%dma_start3A_223 : memref<128x128xf32, #tpu.memory_space<hbm>>) target_semaphore(%arg16 : memref<!tpu.dma_semaphore, #tpu.memory_space<semaphore_mem>>)
      %dma_start3A_228 = arith.constant 1 : i32
      %dma_start3A_229 = arith.constant 0 : i32
      %dma_start3A_230 = arith.constant 0 : i32
      %dma_start3A_231 = tpu.memref_slice %arg14[%dma_start3A_228, %dma_start3A_229, %dma_start3A_230] : memref<2x128x128xf32, #tpu.memory_space<vmem>> -> memref<1x128x128xf32, #tpu.memory_space<vmem>>
      %dma_start3A_232 = tpu.memref_squeeze %dma_start3A_231 : memref<1x128x128xf32, #tpu.memory_space<vmem>> -> memref<128x128xf32, #tpu.memory_space<vmem>>
      %dma_start3A_233 = arith.constant 0 : i32
      %dma_start3A_234 = tpu.memref_slice %arg9[%add3A_17, %dma_start3A_233] : memref<163840x128xf32, #tpu.memory_space<hbm>> -> memref<128x128xf32, #tpu.memory_space<hbm>>
      %dma_start3A_235 = arith.constant 0 : i32
      %dma_start3A_236 = tpu.memref_slice %arg9[%add3A_17, %dma_start3A_235] : memref<163840x128xf32, #tpu.memory_space<hbm>> -> memref<128x128xf32, #tpu.memory_space<hbm>>
      %dma_start3A_237 = arith.constant 0 : i32
      %dma_start3A_238 = arith.constant 0 : i32
      %dma_start3A_239 = tpu.memref_slice %arg14[%dma_start3A_228, %dma_start3A_237, %dma_start3A_238] : memref<2x128x128xf32, #tpu.memory_space<vmem>> -> memref<1x128x128xf32, #tpu.memory_space<vmem>>
      %dma_start3A_240 = tpu.memref_squeeze %dma_start3A_239 : memref<1x128x128xf32, #tpu.memory_space<vmem>> -> memref<128x128xf32, #tpu.memory_space<vmem>>
      tpu.enqueue_dma source(%dma_start3A_240 : memref<128x128xf32, #tpu.memory_space<vmem>>) target(%dma_start3A_236 : memref<128x128xf32, #tpu.memory_space<hbm>>) target_semaphore(%arg16 : memref<!tpu.dma_semaphore, #tpu.memory_space<semaphore_mem>>)
      %dma_wait3A_241 = arith.constant 0 : i32
      %dma_wait3A_242 = arith.constant 0 : i32
      %dma_wait3A_243 = arith.constant 0 : i32
      %dma_wait3A_244 = tpu.memref_slice %arg12[%dma_wait3A_241, %dma_wait3A_242, %dma_wait3A_243] : memref<2x128x128xf32, #tpu.memory_space<vmem>> -> memref<1x128x128xf32, #tpu.memory_space<vmem>>
      %dma_wait3A_245 = tpu.memref_squeeze %dma_wait3A_244 : memref<1x128x128xf32, #tpu.memory_space<vmem>> -> memref<128x128xf32, #tpu.memory_space<vmem>>
      %dma_wait3A_246 = arith.constant 0 : i32
      %dma_wait3A_247 = tpu.memref_slice %arg7[%mul3A_15, %dma_wait3A_246] : memref<163840x128xf32, #tpu.memory_space<hbm>> -> memref<128x128xf32, #tpu.memory_space<hbm>>
      %dma_wait3A_248 = arith.constant 0 : i32
      %dma_wait3A_249 = tpu.memref_slice %arg7[%mul3A_15, %dma_wait3A_248] : memref<163840x128xf32, #tpu.memory_space<hbm>> -> memref<128x128xf32, #tpu.memory_space<hbm>>
      %dma_wait3A_250 = arith.constant 0 : i32
      %dma_wait3A_251 = arith.constant 0 : i32
      %dma_wait3A_252 = tpu.memref_slice %arg12[%dma_wait3A_241, %dma_wait3A_250, %dma_wait3A_251] : memref<2x128x128xf32, #tpu.memory_space<vmem>> -> memref<1x128x128xf32, #tpu.memory_space<vmem>>
      %dma_wait3A_253 = tpu.memref_squeeze %dma_wait3A_252 : memref<1x128x128xf32, #tpu.memory_space<vmem>> -> memref<128x128xf32, #tpu.memory_space<vmem>>
      tpu.wait_dma2 semaphore(%arg16 : memref<!tpu.dma_semaphore, #tpu.memory_space<semaphore_mem>>) src(%dma_wait3A_253 : memref<128x128xf32, #tpu.memory_space<vmem>>) dst(%dma_wait3A_249 : memref<128x128xf32, #tpu.memory_space<hbm>>)
      %dma_wait3A_254 = arith.constant 0 : i32
      %dma_wait3A_255 = arith.constant 0 : i32
      %dma_wait3A_256 = arith.constant 0 : i32
      %dma_wait3A_257 = tpu.memref_slice %arg13[%dma_wait3A_254, %dma_wait3A_255, %dma_wait3A_256] : memref<2x128x128xf32, #tpu.memory_space<vmem>> -> memref<1x128x128xf32, #tpu.memory_space<vmem>>
      %dma_wait3A_258 = tpu.memref_squeeze %dma_wait3A_257 : memref<1x128x128xf32, #tpu.memory_space<vmem>> -> memref<128x128xf32, #tpu.memory_space<vmem>>
      %dma_wait3A_259 = arith.constant 0 : i32
      %dma_wait3A_260 = tpu.memref_slice %arg8[%mul3A_15, %dma_wait3A_259] : memref<163840x128xf32, #tpu.memory_space<hbm>> -> memref<128x128xf32, #tpu.memory_space<hbm>>
      %dma_wait3A_261 = arith.constant 0 : i32
      %dma_wait3A_262 = tpu.memref_slice %arg8[%mul3A_15, %dma_wait3A_261] : memref<163840x128xf32, #tpu.memory_space<hbm>> -> memref<128x128xf32, #tpu.memory_space<hbm>>
      %dma_wait3A_263 = arith.constant 0 : i32
      %dma_wait3A_264 = arith.constant 0 : i32
      %dma_wait3A_265 = tpu.memref_slice %arg13[%dma_wait3A_254, %dma_wait3A_263, %dma_wait3A_264] : memref<2x128x128xf32, #tpu.memory_space<vmem>> -> memref<1x128x128xf32, #tpu.memory_space<vmem>>
      %dma_wait3A_266 = tpu.memref_squeeze %dma_wait3A_265 : memref<1x128x128xf32, #tpu.memory_space<vmem>> -> memref<128x128xf32, #tpu.memory_space<vmem>>
      tpu.wait_dma2 semaphore(%arg16 : memref<!tpu.dma_semaphore, #tpu.memory_space<semaphore_mem>>) src(%dma_wait3A_266 : memref<128x128xf32, #tpu.memory_space<vmem>>) dst(%dma_wait3A_262 : memref<128x128xf32, #tpu.memory_space<hbm>>)
      %dma_wait3A_267 = arith.constant 0 : i32
      %dma_wait3A_268 = arith.constant 0 : i32
      %dma_wait3A_269 = arith.constant 0 : i32
      %dma_wait3A_270 = tpu.memref_slice %arg14[%dma_wait3A_267, %dma_wait3A_268, %dma_wait3A_269] : memref<2x128x128xf32, #tpu.memory_space<vmem>> -> memref<1x128x128xf32, #tpu.memory_space<vmem>>
      %dma_wait3A_271 = tpu.memref_squeeze %dma_wait3A_270 : memref<1x128x128xf32, #tpu.memory_space<vmem>> -> memref<128x128xf32, #tpu.memory_space<vmem>>
      %dma_wait3A_272 = arith.constant 0 : i32
      %dma_wait3A_273 = tpu.memref_slice %arg9[%mul3A_15, %dma_wait3A_272] : memref<163840x128xf32, #tpu.memory_space<hbm>> -> memref<128x128xf32, #tpu.memory_space<hbm>>
      %dma_wait3A_274 = arith.constant 0 : i32
      %dma_wait3A_275 = tpu.memref_slice %arg9[%mul3A_15, %dma_wait3A_274] : memref<163840x128xf32, #tpu.memory_space<hbm>> -> memref<128x128xf32, #tpu.memory_space<hbm>>
      %dma_wait3A_276 = arith.constant 0 : i32
      %dma_wait3A_277 = arith.constant 0 : i32
      %dma_wait3A_278 = tpu.memref_slice %arg14[%dma_wait3A_267, %dma_wait3A_276, %dma_wait3A_277] : memref<2x128x128xf32, #tpu.memory_space<vmem>> -> memref<1x128x128xf32, #tpu.memory_space<vmem>>
      %dma_wait3A_279 = tpu.memref_squeeze %dma_wait3A_278 : memref<1x128x128xf32, #tpu.memory_space<vmem>> -> memref<128x128xf32, #tpu.memory_space<vmem>>
      tpu.wait_dma2 semaphore(%arg16 : memref<!tpu.dma_semaphore, #tpu.memory_space<semaphore_mem>>) src(%dma_wait3A_279 : memref<128x128xf32, #tpu.memory_space<vmem>>) dst(%dma_wait3A_275 : memref<128x128xf32, #tpu.memory_space<hbm>>)
      %dma_wait3A_280 = arith.constant 1 : i32
      %dma_wait3A_281 = arith.constant 0 : i32
      %dma_wait3A_282 = arith.constant 0 : i32
      %dma_wait3A_283 = tpu.memref_slice %arg12[%dma_wait3A_280, %dma_wait3A_281, %dma_wait3A_282] : memref<2x128x128xf32, #tpu.memory_space<vmem>> -> memref<1x128x128xf32, #tpu.memory_space<vmem>>
      %dma_wait3A_284 = tpu.memref_squeeze %dma_wait3A_283 : memref<1x128x128xf32, #tpu.memory_space<vmem>> -> memref<128x128xf32, #tpu.memory_space<vmem>>
      %dma_wait3A_285 = arith.constant 0 : i32
      %dma_wait3A_286 = tpu.memref_slice %arg7[%add3A_17, %dma_wait3A_285] : memref<163840x128xf32, #tpu.memory_space<hbm>> -> memref<128x128xf32, #tpu.memory_space<hbm>>
      %dma_wait3A_287 = arith.constant 0 : i32
      %dma_wait3A_288 = tpu.memref_slice %arg7[%add3A_17, %dma_wait3A_287] : memref<163840x128xf32, #tpu.memory_space<hbm>> -> memref<128x128xf32, #tpu.memory_space<hbm>>
      %dma_wait3A_289 = arith.constant 0 : i32
      %dma_wait3A_290 = arith.constant 0 : i32
      %dma_wait3A_291 = tpu.memref_slice %arg12[%dma_wait3A_280, %dma_wait3A_289, %dma_wait3A_290] : memref<2x128x128xf32, #tpu.memory_space<vmem>> -> memref<1x128x128xf32, #tpu.memory_space<vmem>>
      %dma_wait3A_292 = tpu.memref_squeeze %dma_wait3A_291 : memref<1x128x128xf32, #tpu.memory_space<vmem>> -> memref<128x128xf32, #tpu.memory_space<vmem>>
      tpu.wait_dma2 semaphore(%arg16 : memref<!tpu.dma_semaphore, #tpu.memory_space<semaphore_mem>>) src(%dma_wait3A_292 : memref<128x128xf32, #tpu.memory_space<vmem>>) dst(%dma_wait3A_288 : memref<128x128xf32, #tpu.memory_space<hbm>>)
      %dma_wait3A_293 = arith.constant 1 : i32
      %dma_wait3A_294 = arith.constant 0 : i32
      %dma_wait3A_295 = arith.constant 0 : i32
      %dma_wait3A_296 = tpu.memref_slice %arg13[%dma_wait3A_293, %dma_wait3A_294, %dma_wait3A_295] : memref<2x128x128xf32, #tpu.memory_space<vmem>> -> memref<1x128x128xf32, #tpu.memory_space<vmem>>
      %dma_wait3A_297 = tpu.memref_squeeze %dma_wait3A_296 : memref<1x128x128xf32, #tpu.memory_space<vmem>> -> memref<128x128xf32, #tpu.memory_space<vmem>>
      %dma_wait3A_298 = arith.constant 0 : i32
      %dma_wait3A_299 = tpu.memref_slice %arg8[%add3A_17, %dma_wait3A_298] : memref<163840x128xf32, #tpu.memory_space<hbm>> -> memref<128x128xf32, #tpu.memory_space<hbm>>
      %dma_wait3A_300 = arith.constant 0 : i32
      %dma_wait3A_301 = tpu.memref_slice %arg8[%add3A_17, %dma_wait3A_300] : memref<163840x128xf32, #tpu.memory_space<hbm>> -> memref<128x128xf32, #tpu.memory_space<hbm>>
      %dma_wait3A_302 = arith.constant 0 : i32
      %dma_wait3A_303 = arith.constant 0 : i32
      %dma_wait3A_304 = tpu.memref_slice %arg13[%dma_wait3A_293, %dma_wait3A_302, %dma_wait3A_303] : memref<2x128x128xf32, #tpu.memory_space<vmem>> -> memref<1x128x128xf32, #tpu.memory_space<vmem>>
      %dma_wait3A_305 = tpu.memref_squeeze %dma_wait3A_304 : memref<1x128x128xf32, #tpu.memory_space<vmem>> -> memref<128x128xf32, #tpu.memory_space<vmem>>
      tpu.wait_dma2 semaphore(%arg16 : memref<!tpu.dma_semaphore, #tpu.memory_space<semaphore_mem>>) src(%dma_wait3A_305 : memref<128x128xf32, #tpu.memory_space<vmem>>) dst(%dma_wait3A_301 : memref<128x128xf32, #tpu.memory_space<hbm>>)
      %dma_wait3A_306 = arith.constant 1 : i32
      %dma_wait3A_307 = arith.constant 0 : i32
      %dma_wait3A_308 = arith.constant 0 : i32
      %dma_wait3A_309 = tpu.memref_slice %arg14[%dma_wait3A_306, %dma_wait3A_307, %dma_wait3A_308] : memref<2x128x128xf32, #tpu.memory_space<vmem>> -> memref<1x128x128xf32, #tpu.memory_space<vmem>>
      %dma_wait3A_310 = tpu.memref_squeeze %dma_wait3A_309 : memref<1x128x128xf32, #tpu.memory_space<vmem>> -> memref<128x128xf32, #tpu.memory_space<vmem>>
      %dma_wait3A_311 = arith.constant 0 : i32
      %dma_wait3A_312 = tpu.memref_slice %arg9[%add3A_17, %dma_wait3A_311] : memref<163840x128xf32, #tpu.memory_space<hbm>> -> memref<128x128xf32, #tpu.memory_space<hbm>>
      %dma_wait3A_313 = arith.constant 0 : i32
      %dma_wait3A_314 = tpu.memref_slice %arg9[%add3A_17, %dma_wait3A_313] : memref<163840x128xf32, #tpu.memory_space<hbm>> -> memref<128x128xf32, #tpu.memory_space<hbm>>
      %dma_wait3A_315 = arith.constant 0 : i32
      %dma_wait3A_316 = arith.constant 0 : i32
      %dma_wait3A_317 = tpu.memref_slice %arg14[%dma_wait3A_306, %dma_wait3A_315, %dma_wait3A_316] : memref<2x128x128xf32, #tpu.memory_space<vmem>> -> memref<1x128x128xf32, #tpu.memory_space<vmem>>
      %dma_wait3A_318 = tpu.memref_squeeze %dma_wait3A_317 : memref<1x128x128xf32, #tpu.memory_space<vmem>> -> memref<128x128xf32, #tpu.memory_space<vmem>>
      tpu.wait_dma2 semaphore(%arg16 : memref<!tpu.dma_semaphore, #tpu.memory_space<semaphore_mem>>) src(%dma_wait3A_318 : memref<128x128xf32, #tpu.memory_space<vmem>>) dst(%dma_wait3A_314 : memref<128x128xf32, #tpu.memory_space<hbm>>)
      %scan3A_319 = arith.constant 0 : i32
      scf.yield %scan3A_319 : i32
    }
    %scan3A_6 = arith.constant 20 : i32
    return
  }
}

#map = affine_map<(d0, d1) -> (0, 0)>
#map1 = affine_map<(d0, d1) -> (0)>
module attributes {stable_mosaic.version = 14 : i64} {
  func.func @_sc_gather_rows(%arg0: i32, %arg1: i32, %arg2: memref<30000x128xf32, #tpu.memory_space<hbm>>, %arg3: memref<10240xi32, #tpu.memory_space<hbm>>, %arg4: memref<10240x128xf32, #tpu.memory_space<hbm>>, %arg5: memref<80xi32, #tpu.memory_space<vmem>>, %arg6: memref<80x128xf32, #tpu.memory_space<vmem>>, %arg7: memref<!tpu.dma_semaphore, #tpu.memory_space<semaphore_mem>>) attributes {dimension_semantics = [#tpu.dimension_semantics<core_parallel>, #tpu.dimension_semantics<subcore_parallel>], iteration_bounds = array<i64: 2, 16>, scalar_prefetch = 0 : i64, scratch_operands = 3 : i64, tpu.core_type = #tpu.core_type<sc_vector_subcore>, window_params = [{transform_indices = #map}, {transform_indices = #map1}, {transform_indices = #map}]} {
    %mul3A = arith.constant 2 : i32
    %mul3A_0 = arith.muli %arg1, %mul3A : i32
    %add3A = arith.addi %mul3A_0, %arg0 : i32
    %scan3A = arith.constant 0 : i32
    %scan3A_1 = arith.constant 0 : i32
    %scan3A_2 = arith.constant 4 : i32
    %scan3A_3 = arith.addi %scan3A_1, %scan3A_2 : i32
    %scan3A_4 = arith.constant 1 : i32
    %scan3A_5 = scf.for %scan3A_7 = %scan3A_1 to %scan3A_3 step %scan3A_4 iter_args(%scan3A_8 = %scan3A) -> (i32)  : i32 {
      %mul3A_9 = arith.constant 320 : i32
      %mul3A_10 = arith.muli %add3A, %mul3A_9 : i32
      %mul3A_11 = arith.constant 80 : i32
      %mul3A_12 = arith.muli %scan3A_7, %mul3A_11 : i32
      %add3A_13 = arith.addi %mul3A_10, %mul3A_12 : i32
      "tpu.region"() ({
        %run_scoped3A = tpu.sem_alloc : memref<!tpu.dma_semaphore, #tpu.memory_space<semaphore_mem>>
        %dma_start3A_19 = tpu.memref_slice %arg3[%add3A_13] : memref<10240xi32, #tpu.memory_space<hbm>> -> memref<80xi32, #tpu.memory_space<hbm>>
        %dma_start3A_20 = tpu.memref_slice %arg3[%add3A_13] : memref<10240xi32, #tpu.memory_space<hbm>> -> memref<80xi32, #tpu.memory_space<hbm>>
        tpu.enqueue_dma source(%dma_start3A_20 : memref<80xi32, #tpu.memory_space<hbm>>) target(%arg5 : memref<80xi32, #tpu.memory_space<vmem>>) target_semaphore(%run_scoped3A : memref<!tpu.dma_semaphore, #tpu.memory_space<semaphore_mem>>)
        %dma_wait3A_21 = tpu.memref_slice %arg3[%add3A_13] : memref<10240xi32, #tpu.memory_space<hbm>> -> memref<80xi32, #tpu.memory_space<hbm>>
        %dma_wait3A_22 = tpu.memref_slice %arg3[%add3A_13] : memref<10240xi32, #tpu.memory_space<hbm>> -> memref<80xi32, #tpu.memory_space<hbm>>
        tpu.wait_dma2 semaphore(%run_scoped3A : memref<!tpu.dma_semaphore, #tpu.memory_space<semaphore_mem>>) src(%dma_wait3A_22 : memref<80xi32, #tpu.memory_space<hbm>>) dst(%arg5 : memref<80xi32, #tpu.memory_space<vmem>>)
        tpu.yield
      }) : () -> ()
      %dma_start3A = arith.constant 0 : i32
      %dma_start3A_14 = arith.constant 0 : i32
      %dma_start3A_15 = tpu.memref_slice %arg2[%dma_start3A, %dma_start3A_14] : memref<30000x128xf32, #tpu.memory_space<hbm>> -> memref<30000x128xf32, #tpu.memory_space<hbm>>
      tpu.enqueue_indirect_dma source(%dma_start3A_15 : memref<30000x128xf32, #tpu.memory_space<hbm>>) target(%arg6 : memref<80x128xf32, #tpu.memory_space<vmem>>) offsets(%arg5 : memref<80xi32, #tpu.memory_space<vmem>>) semaphore(%arg7 : memref<!tpu.dma_semaphore, #tpu.memory_space<semaphore_mem>>)
      %dma_wait3A = arith.constant 0 : i32
      %dma_wait3A_16 = arith.constant 0 : i32
      %dma_wait3A_17 = tpu.memref_slice %arg2[%dma_wait3A, %dma_wait3A_16] : memref<30000x128xf32, #tpu.memory_space<hbm>> -> memref<30000x128xf32, #tpu.memory_space<hbm>>
      tpu.wait_indirect_dma semaphore(%arg7 : memref<!tpu.dma_semaphore, #tpu.memory_space<semaphore_mem>>) src(%dma_wait3A_17 : memref<30000x128xf32, #tpu.memory_space<hbm>>) dst(%arg6 : memref<80x128xf32, #tpu.memory_space<vmem>>)
      "tpu.region"() ({
        %run_scoped3A = tpu.sem_alloc : memref<!tpu.dma_semaphore, #tpu.memory_space<semaphore_mem>>
        %dma_start3A_19 = arith.constant 0 : i32
        %dma_start3A_20 = tpu.memref_slice %arg4[%add3A_13, %dma_start3A_19] : memref<10240x128xf32, #tpu.memory_space<hbm>> -> memref<80x128xf32, #tpu.memory_space<hbm>>
        %dma_start3A_21 = arith.constant 0 : i32
        %dma_start3A_22 = tpu.memref_slice %arg4[%add3A_13, %dma_start3A_21] : memref<10240x128xf32, #tpu.memory_space<hbm>> -> memref<80x128xf32, #tpu.memory_space<hbm>>
        tpu.enqueue_dma source(%arg6 : memref<80x128xf32, #tpu.memory_space<vmem>>) target(%dma_start3A_22 : memref<80x128xf32, #tpu.memory_space<hbm>>) target_semaphore(%run_scoped3A : memref<!tpu.dma_semaphore, #tpu.memory_space<semaphore_mem>>)
        %dma_wait3A_23 = arith.constant 0 : i32
        %dma_wait3A_24 = tpu.memref_slice %arg4[%add3A_13, %dma_wait3A_23] : memref<10240x128xf32, #tpu.memory_space<hbm>> -> memref<80x128xf32, #tpu.memory_space<hbm>>
        %dma_wait3A_25 = arith.constant 0 : i32
        %dma_wait3A_26 = tpu.memref_slice %arg4[%add3A_13, %dma_wait3A_25] : memref<10240x128xf32, #tpu.memory_space<hbm>> -> memref<80x128xf32, #tpu.memory_space<hbm>>
        tpu.wait_dma2 semaphore(%run_scoped3A : memref<!tpu.dma_semaphore, #tpu.memory_space<semaphore_mem>>) src(%arg6 : memref<80x128xf32, #tpu.memory_space<vmem>>) dst(%dma_wait3A_26 : memref<80x128xf32, #tpu.memory_space<hbm>>)
        tpu.yield
      }) : () -> ()
      %scan3A_18 = arith.constant 0 : i32
      scf.yield %scan3A_18 : i32
    }
    %scan3A_6 = arith.constant 4 : i32
    return
  }
}

#map = affine_map<(d0, d1) -> (0)>
#map1 = affine_map<(d0, d1) -> (0, 0)>
#map2 = affine_map<(d0, d1) -> (0, 0, 0)>
module attributes {stable_mosaic.version = 14 : i64} {
  func.func @_sc_scatter128(%arg0: i32, %arg1: i32, %arg2: memref<163840xi32, #tpu.memory_space<hbm>>, %arg3: memref<163840x128xf32, #tpu.memory_space<hbm>>, %arg4: memref<10240x128xf32, #tpu.memory_space<hbm>>, %arg5: memref<2x10240x128xf32, #tpu.memory_space<hbm>>, %arg6: memref<2x128xi32, #tpu.memory_space<vmem>>, %arg7: memref<2x128x128xf32, #tpu.memory_space<vmem>>, %arg8: memref<10240x128xf32, #tpu.memory_space<vmem_shared>>, %arg9: memref<!tpu.dma_semaphore, #tpu.memory_space<semaphore_mem>>, %arg10: memref<!tpu.dma_semaphore, #tpu.memory_space<semaphore_mem>>) attributes {dimension_semantics = [#tpu.dimension_semantics<core_parallel>, #tpu.dimension_semantics<subcore_parallel>], iteration_bounds = array<i64: 2, 16>, scalar_prefetch = 0 : i64, scratch_operands = 5 : i64, tpu.core_type = #tpu.core_type<sc_vector_subcore>, window_params = [{transform_indices = #map}, {transform_indices = #map1}, {transform_indices = #map1}, {transform_indices = #map2}]} {
    %mul3A = arith.constant 2 : i32
    %mul3A_0 = arith.muli %arg1, %mul3A : i32
    %add3A = arith.addi %mul3A_0, %arg0 : i32
    %eq3A = arith.constant 0 : i32
    %eq3A_1 = arith.cmpi eq, %arg1, %eq3A : i32
    %convert_element_type3A = arith.extui %eq3A_1 : i1 to i32
    %cond3A = arith.constant 0 : i32
    %cond3A_2 = arith.cmpi ne, %convert_element_type3A, %cond3A : i32
    scf.if %cond3A_2 {
      "tpu.region"() ({
        %run_scoped3A = tpu.sem_alloc : memref<!tpu.dma_semaphore, #tpu.memory_space<semaphore_mem>>
        tpu.enqueue_dma source(%arg4 : memref<10240x128xf32, #tpu.memory_space<hbm>>) target(%arg8 : memref<10240x128xf32, #tpu.memory_space<vmem_shared>>) target_semaphore(%run_scoped3A : memref<!tpu.dma_semaphore, #tpu.memory_space<semaphore_mem>>)
        tpu.wait_dma2 semaphore(%run_scoped3A : memref<!tpu.dma_semaphore, #tpu.memory_space<semaphore_mem>>) src(%arg4 : memref<10240x128xf32, #tpu.memory_space<hbm>>) dst(%arg8 : memref<10240x128xf32, #tpu.memory_space<vmem_shared>>)
        tpu.yield
      }) : () -> ()
    } else {
    }
    %barrier3A = arith.constant 0 : index
    tpu.barrier barrier_id(%barrier3A)
    %scan3A = arith.constant 0 : i32
    %scan3A_3 = arith.constant 0 : i32
    %scan3A_4 = arith.constant 20 : i32
    %scan3A_5 = arith.addi %scan3A_3, %scan3A_4 : i32
    %scan3A_6 = arith.constant 1 : i32
    %scan3A_7 = scf.for %scan3A_15 = %scan3A_3 to %scan3A_5 step %scan3A_6 iter_args(%scan3A_16 = %scan3A) -> (i32)  : i32 {
      %mul3A_17 = arith.constant 40 : i32
      %mul3A_18 = arith.muli %add3A, %mul3A_17 : i32
      %mul3A_19 = arith.constant 2 : i32
      %mul3A_20 = arith.muli %mul3A_19, %scan3A_15 : i32
      %add3A_21 = arith.addi %mul3A_18, %mul3A_20 : i32
      %mul3A_22 = arith.constant 128 : i32
      %mul3A_23 = arith.muli %add3A_21, %mul3A_22 : i32
      %add3A_24 = arith.constant 128 : i32
      %add3A_25 = arith.addi %mul3A_23, %add3A_24 : i32
      %run_scoped3A = arith.constant 0 : i32
      "tpu.region"() ({
        %run_scoped3A_126 = tpu.sem_alloc : memref<!tpu.dma_semaphore, #tpu.memory_space<semaphore_mem>>
        %dma_start3A_127 = arith.constant 0 : i32
        %dma_start3A_128 = tpu.memref_slice %arg6[%run_scoped3A, %dma_start3A_127] : memref<2x128xi32, #tpu.memory_space<vmem>> -> memref<1x128xi32, #tpu.memory_space<vmem>>
        %dma_start3A_129 = tpu.memref_squeeze %dma_start3A_128 : memref<1x128xi32, #tpu.memory_space<vmem>> -> memref<128xi32, #tpu.memory_space<vmem>>
        %dma_start3A_130 = tpu.memref_slice %arg2[%mul3A_23] : memref<163840xi32, #tpu.memory_space<hbm>> -> memref<128xi32, #tpu.memory_space<hbm>>
        %dma_start3A_131 = arith.constant 0 : i32
        %dma_start3A_132 = tpu.memref_slice %arg6[%run_scoped3A, %dma_start3A_131] : memref<2x128xi32, #tpu.memory_space<vmem>> -> memref<1x128xi32, #tpu.memory_space<vmem>>
        %dma_start3A_133 = tpu.memref_squeeze %dma_start3A_132 : memref<1x128xi32, #tpu.memory_space<vmem>> -> memref<128xi32, #tpu.memory_space<vmem>>
        %dma_start3A_134 = tpu.memref_slice %arg2[%mul3A_23] : memref<163840xi32, #tpu.memory_space<hbm>> -> memref<128xi32, #tpu.memory_space<hbm>>
        tpu.enqueue_dma source(%dma_start3A_134 : memref<128xi32, #tpu.memory_space<hbm>>) target(%dma_start3A_133 : memref<128xi32, #tpu.memory_space<vmem>>) target_semaphore(%run_scoped3A_126 : memref<!tpu.dma_semaphore, #tpu.memory_space<semaphore_mem>>)
        %dma_wait3A_135 = arith.constant 0 : i32
        %dma_wait3A_136 = tpu.memref_slice %arg6[%run_scoped3A, %dma_wait3A_135] : memref<2x128xi32, #tpu.memory_space<vmem>> -> memref<1x128xi32, #tpu.memory_space<vmem>>
        %dma_wait3A_137 = tpu.memref_squeeze %dma_wait3A_136 : memref<1x128xi32, #tpu.memory_space<vmem>> -> memref<128xi32, #tpu.memory_space<vmem>>
        %dma_wait3A_138 = tpu.memref_slice %arg2[%mul3A_23] : memref<163840xi32, #tpu.memory_space<hbm>> -> memref<128xi32, #tpu.memory_space<hbm>>
        %dma_wait3A_139 = arith.constant 0 : i32
        %dma_wait3A_140 = tpu.memref_slice %arg6[%run_scoped3A, %dma_wait3A_139] : memref<2x128xi32, #tpu.memory_space<vmem>> -> memref<1x128xi32, #tpu.memory_space<vmem>>
        %dma_wait3A_141 = tpu.memref_squeeze %dma_wait3A_140 : memref<1x128xi32, #tpu.memory_space<vmem>> -> memref<128xi32, #tpu.memory_space<vmem>>
        %dma_wait3A_142 = tpu.memref_slice %arg2[%mul3A_23] : memref<163840xi32, #tpu.memory_space<hbm>> -> memref<128xi32, #tpu.memory_space<hbm>>
        tpu.wait_dma2 semaphore(%run_scoped3A_126 : memref<!tpu.dma_semaphore, #tpu.memory_space<semaphore_mem>>) src(%dma_wait3A_142 : memref<128xi32, #tpu.memory_space<hbm>>) dst(%dma_wait3A_141 : memref<128xi32, #tpu.memory_space<vmem>>)
        tpu.yield
      }) : () -> ()
      %run_scoped3A_26 = arith.constant 1 : i32
      "tpu.region"() ({
        %run_scoped3A_126 = tpu.sem_alloc : memref<!tpu.dma_semaphore, #tpu.memory_space<semaphore_mem>>
        %dma_start3A_127 = arith.constant 0 : i32
        %dma_start3A_128 = tpu.memref_slice %arg6[%run_scoped3A_26, %dma_start3A_127] : memref<2x128xi32, #tpu.memory_space<vmem>> -> memref<1x128xi32, #tpu.memory_space<vmem>>
        %dma_start3A_129 = tpu.memref_squeeze %dma_start3A_128 : memref<1x128xi32, #tpu.memory_space<vmem>> -> memref<128xi32, #tpu.memory_space<vmem>>
        %dma_start3A_130 = tpu.memref_slice %arg2[%add3A_25] : memref<163840xi32, #tpu.memory_space<hbm>> -> memref<128xi32, #tpu.memory_space<hbm>>
        %dma_start3A_131 = arith.constant 0 : i32
        %dma_start3A_132 = tpu.memref_slice %arg6[%run_scoped3A_26, %dma_start3A_131] : memref<2x128xi32, #tpu.memory_space<vmem>> -> memref<1x128xi32, #tpu.memory_space<vmem>>
        %dma_start3A_133 = tpu.memref_squeeze %dma_start3A_132 : memref<1x128xi32, #tpu.memory_space<vmem>> -> memref<128xi32, #tpu.memory_space<vmem>>
        %dma_start3A_134 = tpu.memref_slice %arg2[%add3A_25] : memref<163840xi32, #tpu.memory_space<hbm>> -> memref<128xi32, #tpu.memory_space<hbm>>
        tpu.enqueue_dma source(%dma_start3A_134 : memref<128xi32, #tpu.memory_space<hbm>>) target(%dma_start3A_133 : memref<128xi32, #tpu.memory_space<vmem>>) target_semaphore(%run_scoped3A_126 : memref<!tpu.dma_semaphore, #tpu.memory_space<semaphore_mem>>)
        %dma_wait3A_135 = arith.constant 0 : i32
        %dma_wait3A_136 = tpu.memref_slice %arg6[%run_scoped3A_26, %dma_wait3A_135] : memref<2x128xi32, #tpu.memory_space<vmem>> -> memref<1x128xi32, #tpu.memory_space<vmem>>
        %dma_wait3A_137 = tpu.memref_squeeze %dma_wait3A_136 : memref<1x128xi32, #tpu.memory_space<vmem>> -> memref<128xi32, #tpu.memory_space<vmem>>
        %dma_wait3A_138 = tpu.memref_slice %arg2[%add3A_25] : memref<163840xi32, #tpu.memory_space<hbm>> -> memref<128xi32, #tpu.memory_space<hbm>>
        %dma_wait3A_139 = arith.constant 0 : i32
        %dma_wait3A_140 = tpu.memref_slice %arg6[%run_scoped3A_26, %dma_wait3A_139] : memref<2x128xi32, #tpu.memory_space<vmem>> -> memref<1x128xi32, #tpu.memory_space<vmem>>
        %dma_wait3A_141 = tpu.memref_squeeze %dma_wait3A_140 : memref<1x128xi32, #tpu.memory_space<vmem>> -> memref<128xi32, #tpu.memory_space<vmem>>
        %dma_wait3A_142 = tpu.memref_slice %arg2[%add3A_25] : memref<163840xi32, #tpu.memory_space<hbm>> -> memref<128xi32, #tpu.memory_space<hbm>>
        tpu.wait_dma2 semaphore(%run_scoped3A_126 : memref<!tpu.dma_semaphore, #tpu.memory_space<semaphore_mem>>) src(%dma_wait3A_142 : memref<128xi32, #tpu.memory_space<hbm>>) dst(%dma_wait3A_141 : memref<128xi32, #tpu.memory_space<vmem>>)
        tpu.yield
      }) : () -> ()
      %dma_start3A = arith.constant 0 : i32
      %dma_start3A_27 = arith.constant 0 : i32
      %dma_start3A_28 = arith.constant 0 : i32
      %dma_start3A_29 = tpu.memref_slice %arg7[%dma_start3A, %dma_start3A_27, %dma_start3A_28] : memref<2x128x128xf32, #tpu.memory_space<vmem>> -> memref<1x128x128xf32, #tpu.memory_space<vmem>>
      %dma_start3A_30 = tpu.memref_squeeze %dma_start3A_29 : memref<1x128x128xf32, #tpu.memory_space<vmem>> -> memref<128x128xf32, #tpu.memory_space<vmem>>
      %dma_start3A_31 = arith.constant 0 : i32
      %dma_start3A_32 = tpu.memref_slice %arg3[%mul3A_23, %dma_start3A_31] : memref<163840x128xf32, #tpu.memory_space<hbm>> -> memref<128x128xf32, #tpu.memory_space<hbm>>
      %dma_start3A_33 = arith.constant 0 : i32
      %dma_start3A_34 = arith.constant 0 : i32
      %dma_start3A_35 = tpu.memref_slice %arg7[%dma_start3A, %dma_start3A_33, %dma_start3A_34] : memref<2x128x128xf32, #tpu.memory_space<vmem>> -> memref<1x128x128xf32, #tpu.memory_space<vmem>>
      %dma_start3A_36 = tpu.memref_squeeze %dma_start3A_35 : memref<1x128x128xf32, #tpu.memory_space<vmem>> -> memref<128x128xf32, #tpu.memory_space<vmem>>
      %dma_start3A_37 = arith.constant 0 : i32
      %dma_start3A_38 = tpu.memref_slice %arg3[%mul3A_23, %dma_start3A_37] : memref<163840x128xf32, #tpu.memory_space<hbm>> -> memref<128x128xf32, #tpu.memory_space<hbm>>
      tpu.enqueue_dma source(%dma_start3A_38 : memref<128x128xf32, #tpu.memory_space<hbm>>) target(%dma_start3A_36 : memref<128x128xf32, #tpu.memory_space<vmem>>) target_semaphore(%arg9 : memref<!tpu.dma_semaphore, #tpu.memory_space<semaphore_mem>>)
      %dma_start3A_39 = arith.constant 1 : i32
      %dma_start3A_40 = arith.constant 0 : i32
      %dma_start3A_41 = arith.constant 0 : i32
      %dma_start3A_42 = tpu.memref_slice %arg7[%dma_start3A_39, %dma_start3A_40, %dma_start3A_41] : memref<2x128x128xf32, #tpu.memory_space<vmem>> -> memref<1x128x128xf32, #tpu.memory_space<vmem>>
      %dma_start3A_43 = tpu.memref_squeeze %dma_start3A_42 : memref<1x128x128xf32, #tpu.memory_space<vmem>> -> memref<128x128xf32, #tpu.memory_space<vmem>>
      %dma_start3A_44 = arith.constant 0 : i32
      %dma_start3A_45 = tpu.memref_slice %arg3[%add3A_25, %dma_start3A_44] : memref<163840x128xf32, #tpu.memory_space<hbm>> -> memref<128x128xf32, #tpu.memory_space<hbm>>
      %dma_start3A_46 = arith.constant 0 : i32
      %dma_start3A_47 = arith.constant 0 : i32
      %dma_start3A_48 = tpu.memref_slice %arg7[%dma_start3A_39, %dma_start3A_46, %dma_start3A_47] : memref<2x128x128xf32, #tpu.memory_space<vmem>> -> memref<1x128x128xf32, #tpu.memory_space<vmem>>
      %dma_start3A_49 = tpu.memref_squeeze %dma_start3A_48 : memref<1x128x128xf32, #tpu.memory_space<vmem>> -> memref<128x128xf32, #tpu.memory_space<vmem>>
      %dma_start3A_50 = arith.constant 0 : i32
      %dma_start3A_51 = tpu.memref_slice %arg3[%add3A_25, %dma_start3A_50] : memref<163840x128xf32, #tpu.memory_space<hbm>> -> memref<128x128xf32, #tpu.memory_space<hbm>>
      tpu.enqueue_dma source(%dma_start3A_51 : memref<128x128xf32, #tpu.memory_space<hbm>>) target(%dma_start3A_49 : memref<128x128xf32, #tpu.memory_space<vmem>>) target_semaphore(%arg9 : memref<!tpu.dma_semaphore, #tpu.memory_space<semaphore_mem>>)
      %dma_wait3A = arith.constant 0 : i32
      %dma_wait3A_52 = arith.constant 0 : i32
      %dma_wait3A_53 = arith.constant 0 : i32
      %dma_wait3A_54 = tpu.memref_slice %arg7[%dma_wait3A, %dma_wait3A_52, %dma_wait3A_53] : memref<2x128x128xf32, #tpu.memory_space<vmem>> -> memref<1x128x128xf32, #tpu.memory_space<vmem>>
      %dma_wait3A_55 = tpu.memref_squeeze %dma_wait3A_54 : memref<1x128x128xf32, #tpu.memory_space<vmem>> -> memref<128x128xf32, #tpu.memory_space<vmem>>
      %dma_wait3A_56 = arith.constant 0 : i32
      %dma_wait3A_57 = tpu.memref_slice %arg3[%mul3A_23, %dma_wait3A_56] : memref<163840x128xf32, #tpu.memory_space<hbm>> -> memref<128x128xf32, #tpu.memory_space<hbm>>
      %dma_wait3A_58 = arith.constant 0 : i32
      %dma_wait3A_59 = arith.constant 0 : i32
      %dma_wait3A_60 = tpu.memref_slice %arg7[%dma_wait3A, %dma_wait3A_58, %dma_wait3A_59] : memref<2x128x128xf32, #tpu.memory_space<vmem>> -> memref<1x128x128xf32, #tpu.memory_space<vmem>>
      %dma_wait3A_61 = tpu.memref_squeeze %dma_wait3A_60 : memref<1x128x128xf32, #tpu.memory_space<vmem>> -> memref<128x128xf32, #tpu.memory_space<vmem>>
      %dma_wait3A_62 = arith.constant 0 : i32
      %dma_wait3A_63 = tpu.memref_slice %arg3[%mul3A_23, %dma_wait3A_62] : memref<163840x128xf32, #tpu.memory_space<hbm>> -> memref<128x128xf32, #tpu.memory_space<hbm>>
      tpu.wait_dma2 semaphore(%arg9 : memref<!tpu.dma_semaphore, #tpu.memory_space<semaphore_mem>>) src(%dma_wait3A_63 : memref<128x128xf32, #tpu.memory_space<hbm>>) dst(%dma_wait3A_61 : memref<128x128xf32, #tpu.memory_space<vmem>>)
      %dma_start3A_64 = arith.constant 0 : i32
      %dma_start3A_65 = arith.constant 0 : i32
      %dma_start3A_66 = arith.constant 0 : i32
      %dma_start3A_67 = arith.constant 0 : i32
      %dma_start3A_68 = tpu.memref_slice %arg7[%dma_start3A_64, %dma_start3A_66, %dma_start3A_67] : memref<2x128x128xf32, #tpu.memory_space<vmem>> -> memref<1x128x128xf32, #tpu.memory_space<vmem>>
      %dma_start3A_69 = tpu.memref_squeeze %dma_start3A_68 : memref<1x128x128xf32, #tpu.memory_space<vmem>> -> memref<128x128xf32, #tpu.memory_space<vmem>>
      %dma_start3A_70 = arith.constant 0 : i32
      %dma_start3A_71 = tpu.memref_slice %arg6[%dma_start3A_65, %dma_start3A_70] : memref<2x128xi32, #tpu.memory_space<vmem>> -> memref<1x128xi32, #tpu.memory_space<vmem>>
      %dma_start3A_72 = tpu.memref_squeeze %dma_start3A_71 : memref<1x128xi32, #tpu.memory_space<vmem>> -> memref<128xi32, #tpu.memory_space<vmem>>
      %dma_start3A_73 = arith.constant 0 : i32
      %dma_start3A_74 = arith.constant 0 : i32
      %dma_start3A_75 = tpu.memref_slice %arg8[%dma_start3A_73, %dma_start3A_74] : memref<10240x128xf32, #tpu.memory_space<vmem_shared>> -> memref<10240x128xf32, #tpu.memory_space<vmem_shared>>
      tpu.enqueue_indirect_dma source(%dma_start3A_69 : memref<128x128xf32, #tpu.memory_space<vmem>>) target(%dma_start3A_75 : memref<10240x128xf32, #tpu.memory_space<vmem_shared>>) offsets(%dma_start3A_72 : memref<128xi32, #tpu.memory_space<vmem>>) semaphore(%arg10 : memref<!tpu.dma_semaphore, #tpu.memory_space<semaphore_mem>>) {add = true}
      %dma_wait3A_76 = arith.constant 1 : i32
      %dma_wait3A_77 = arith.constant 0 : i32
      %dma_wait3A_78 = arith.constant 0 : i32
      %dma_wait3A_79 = tpu.memref_slice %arg7[%dma_wait3A_76, %dma_wait3A_77, %dma_wait3A_78] : memref<2x128x128xf32, #tpu.memory_space<vmem>> -> memref<1x128x128xf32, #tpu.memory_space<vmem>>
      %dma_wait3A_80 = tpu.memref_squeeze %dma_wait3A_79 : memref<1x128x128xf32, #tpu.memory_space<vmem>> -> memref<128x128xf32, #tpu.memory_space<vmem>>
      %dma_wait3A_81 = arith.constant 0 : i32
      %dma_wait3A_82 = tpu.memref_slice %arg3[%add3A_25, %dma_wait3A_81] : memref<163840x128xf32, #tpu.memory_space<hbm>> -> memref<128x128xf32, #tpu.memory_space<hbm>>
      %dma_wait3A_83 = arith.constant 0 : i32
      %dma_wait3A_84 = arith.constant 0 : i32
      %dma_wait3A_85 = tpu.memref_slice %arg7[%dma_wait3A_76, %dma_wait3A_83, %dma_wait3A_84] : memref<2x128x128xf32, #tpu.memory_space<vmem>> -> memref<1x128x128xf32, #tpu.memory_space<vmem>>
      %dma_wait3A_86 = tpu.memref_squeeze %dma_wait3A_85 : memref<1x128x128xf32, #tpu.memory_space<vmem>> -> memref<128x128xf32, #tpu.memory_space<vmem>>
      %dma_wait3A_87 = arith.constant 0 : i32
      %dma_wait3A_88 = tpu.memref_slice %arg3[%add3A_25, %dma_wait3A_87] : memref<163840x128xf32, #tpu.memory_space<hbm>> -> memref<128x128xf32, #tpu.memory_space<hbm>>
      tpu.wait_dma2 semaphore(%arg9 : memref<!tpu.dma_semaphore, #tpu.memory_space<semaphore_mem>>) src(%dma_wait3A_88 : memref<128x128xf32, #tpu.memory_space<hbm>>) dst(%dma_wait3A_86 : memref<128x128xf32, #tpu.memory_space<vmem>>)
      %dma_start3A_89 = arith.constant 1 : i32
      %dma_start3A_90 = arith.constant 1 : i32
      %dma_start3A_91 = arith.constant 0 : i32
      %dma_start3A_92 = arith.constant 0 : i32
      %dma_start3A_93 = tpu.memref_slice %arg7[%dma_start3A_89, %dma_start3A_91, %dma_start3A_92] : memref<2x128x128xf32, #tpu.memory_space<vmem>> -> memref<1x128x128xf32, #tpu.memory_space<vmem>>
      %dma_start3A_94 = tpu.memref_squeeze %dma_start3A_93 : memref<1x128x128xf32, #tpu.memory_space<vmem>> -> memref<128x128xf32, #tpu.memory_space<vmem>>
      %dma_start3A_95 = arith.constant 0 : i32
      %dma_start3A_96 = tpu.memref_slice %arg6[%dma_start3A_90, %dma_start3A_95] : memref<2x128xi32, #tpu.memory_space<vmem>> -> memref<1x128xi32, #tpu.memory_space<vmem>>
      %dma_start3A_97 = tpu.memref_squeeze %dma_start3A_96 : memref<1x128xi32, #tpu.memory_space<vmem>> -> memref<128xi32, #tpu.memory_space<vmem>>
      %dma_start3A_98 = arith.constant 0 : i32
      %dma_start3A_99 = arith.constant 0 : i32
      %dma_start3A_100 = tpu.memref_slice %arg8[%dma_start3A_98, %dma_start3A_99] : memref<10240x128xf32, #tpu.memory_space<vmem_shared>> -> memref<10240x128xf32, #tpu.memory_space<vmem_shared>>
      tpu.enqueue_indirect_dma source(%dma_start3A_94 : memref<128x128xf32, #tpu.memory_space<vmem>>) target(%dma_start3A_100 : memref<10240x128xf32, #tpu.memory_space<vmem_shared>>) offsets(%dma_start3A_97 : memref<128xi32, #tpu.memory_space<vmem>>) semaphore(%arg10 : memref<!tpu.dma_semaphore, #tpu.memory_space<semaphore_mem>>) {add = true}
      %dma_wait3A_101 = arith.constant 0 : i32
      %dma_wait3A_102 = arith.constant 0 : i32
      %dma_wait3A_103 = arith.constant 0 : i32
      %dma_wait3A_104 = arith.constant 0 : i32
      %dma_wait3A_105 = tpu.memref_slice %arg7[%dma_wait3A_101, %dma_wait3A_103, %dma_wait3A_104] : memref<2x128x128xf32, #tpu.memory_space<vmem>> -> memref<1x128x128xf32, #tpu.memory_space<vmem>>
      %dma_wait3A_106 = tpu.memref_squeeze %dma_wait3A_105 : memref<1x128x128xf32, #tpu.memory_space<vmem>> -> memref<128x128xf32, #tpu.memory_space<vmem>>
      %dma_wait3A_107 = arith.constant 0 : i32
      %dma_wait3A_108 = tpu.memref_slice %arg6[%dma_wait3A_102, %dma_wait3A_107] : memref<2x128xi32, #tpu.memory_space<vmem>> -> memref<1x128xi32, #tpu.memory_space<vmem>>
      %dma_wait3A_109 = tpu.memref_squeeze %dma_wait3A_108 : memref<1x128xi32, #tpu.memory_space<vmem>> -> memref<128xi32, #tpu.memory_space<vmem>>
      %dma_wait3A_110 = arith.constant 0 : i32
      %dma_wait3A_111 = arith.constant 0 : i32
      %dma_wait3A_112 = tpu.memref_slice %arg8[%dma_wait3A_110, %dma_wait3A_111] : memref<10240x128xf32, #tpu.memory_space<vmem_shared>> -> memref<10240x128xf32, #tpu.memory_space<vmem_shared>>
      tpu.wait_indirect_dma semaphore(%arg10 : memref<!tpu.dma_semaphore, #tpu.memory_space<semaphore_mem>>) src(%dma_wait3A_106 : memref<128x128xf32, #tpu.memory_space<vmem>>) dst(%dma_wait3A_112 : memref<10240x128xf32, #tpu.memory_space<vmem_shared>>)
      %dma_wait3A_113 = arith.constant 1 : i32
      %dma_wait3A_114 = arith.constant 1 : i32
      %dma_wait3A_115 = arith.constant 0 : i32
      %dma_wait3A_116 = arith.constant 0 : i32
      %dma_wait3A_117 = tpu.memref_slice %arg7[%dma_wait3A_113, %dma_wait3A_115, %dma_wait3A_116] : memref<2x128x128xf32, #tpu.memory_space<vmem>> -> memref<1x128x128xf32, #tpu.memory_space<vmem>>
      %dma_wait3A_118 = tpu.memref_squeeze %dma_wait3A_117 : memref<1x128x128xf32, #tpu.memory_space<vmem>> -> memref<128x128xf32, #tpu.memory_space<vmem>>
      %dma_wait3A_119 = arith.constant 0 : i32
      %dma_wait3A_120 = tpu.memref_slice %arg6[%dma_wait3A_114, %dma_wait3A_119] : memref<2x128xi32, #tpu.memory_space<vmem>> -> memref<1x128xi32, #tpu.memory_space<vmem>>
      %dma_wait3A_121 = tpu.memref_squeeze %dma_wait3A_120 : memref<1x128xi32, #tpu.memory_space<vmem>> -> memref<128xi32, #tpu.memory_space<vmem>>
      %dma_wait3A_122 = arith.constant 0 : i32
      %dma_wait3A_123 = arith.constant 0 : i32
      %dma_wait3A_124 = tpu.memref_slice %arg8[%dma_wait3A_122, %dma_wait3A_123] : memref<10240x128xf32, #tpu.memory_space<vmem_shared>> -> memref<10240x128xf32, #tpu.memory_space<vmem_shared>>
      tpu.wait_indirect_dma semaphore(%arg10 : memref<!tpu.dma_semaphore, #tpu.memory_space<semaphore_mem>>) src(%dma_wait3A_118 : memref<128x128xf32, #tpu.memory_space<vmem>>) dst(%dma_wait3A_124 : memref<10240x128xf32, #tpu.memory_space<vmem_shared>>)
      %scan3A_125 = arith.constant 0 : i32
      scf.yield %scan3A_125 : i32
    }
    %scan3A_8 = arith.constant 20 : i32
    %barrier3A_9 = arith.constant 0 : index
    tpu.barrier barrier_id(%barrier3A_9)
    %eq3A_10 = arith.constant 0 : i32
    %eq3A_11 = arith.cmpi eq, %arg1, %eq3A_10 : i32
    %convert_element_type3A_12 = arith.extui %eq3A_11 : i1 to i32
    %cond3A_13 = arith.constant 0 : i32
    %cond3A_14 = arith.cmpi ne, %convert_element_type3A_12, %cond3A_13 : i32
    scf.if %cond3A_14 {
      "tpu.region"() ({
        %run_scoped3A = tpu.sem_alloc : memref<!tpu.dma_semaphore, #tpu.memory_space<semaphore_mem>>
        %dma_start3A = arith.constant 0 : i32
        %dma_start3A_15 = arith.constant 0 : i32
        %dma_start3A_16 = tpu.memref_slice %arg5[%arg0, %dma_start3A, %dma_start3A_15] : memref<2x10240x128xf32, #tpu.memory_space<hbm>> -> memref<1x10240x128xf32, #tpu.memory_space<hbm>>
        %dma_start3A_17 = tpu.memref_squeeze %dma_start3A_16 : memref<1x10240x128xf32, #tpu.memory_space<hbm>> -> memref<10240x128xf32, #tpu.memory_space<hbm>>
        tpu.enqueue_dma source(%arg8 : memref<10240x128xf32, #tpu.memory_space<vmem_shared>>) target(%dma_start3A_17 : memref<10240x128xf32, #tpu.memory_space<hbm>>) target_semaphore(%run_scoped3A : memref<!tpu.dma_semaphore, #tpu.memory_space<semaphore_mem>>)
        %dma_wait3A = arith.constant 0 : i32
        %dma_wait3A_18 = arith.constant 0 : i32
        %dma_wait3A_19 = tpu.memref_slice %arg5[%arg0, %dma_wait3A, %dma_wait3A_18] : memref<2x10240x128xf32, #tpu.memory_space<hbm>> -> memref<1x10240x128xf32, #tpu.memory_space<hbm>>
        %dma_wait3A_20 = tpu.memref_squeeze %dma_wait3A_19 : memref<1x10240x128xf32, #tpu.memory_space<hbm>> -> memref<10240x128xf32, #tpu.memory_space<hbm>>
        tpu.wait_dma2 semaphore(%run_scoped3A : memref<!tpu.dma_semaphore, #tpu.memory_space<semaphore_mem>>) src(%arg8 : memref<10240x128xf32, #tpu.memory_space<vmem_shared>>) dst(%dma_wait3A_20 : memref<10240x128xf32, #tpu.memory_space<hbm>>)
        tpu.yield
      }) : () -> ()
    } else {
    }
    return
  }
}

#map = affine_map<(d0, d1) -> (0)>
#map1 = affine_map<(d0, d1) -> (0, 0)>
#map2 = affine_map<(d0, d1) -> (0, 0, 0)>
module attributes {stable_mosaic.version = 14 : i64} {
  func.func @_sc_scatter128(%arg0: i32, %arg1: i32, %arg2: memref<163840xi32, #tpu.memory_space<hbm>>, %arg3: memref<163840x128xf32, #tpu.memory_space<hbm>>, %arg4: memref<10240x128xf32, #tpu.memory_space<hbm>>, %arg5: memref<2x10240x128xf32, #tpu.memory_space<hbm>>, %arg6: memref<2x128xi32, #tpu.memory_space<vmem>>, %arg7: memref<2x128x128xf32, #tpu.memory_space<vmem>>, %arg8: memref<10240x128xf32, #tpu.memory_space<vmem_shared>>, %arg9: memref<!tpu.dma_semaphore, #tpu.memory_space<semaphore_mem>>, %arg10: memref<!tpu.dma_semaphore, #tpu.memory_space<semaphore_mem>>) attributes {dimension_semantics = [#tpu.dimension_semantics<core_parallel>, #tpu.dimension_semantics<subcore_parallel>], iteration_bounds = array<i64: 2, 16>, scalar_prefetch = 0 : i64, scratch_operands = 5 : i64, tpu.core_type = #tpu.core_type<sc_vector_subcore>, window_params = [{transform_indices = #map}, {transform_indices = #map1}, {transform_indices = #map1}, {transform_indices = #map2}]} {
    %mul3A = arith.constant 2 : i32
    %mul3A_0 = arith.muli %arg1, %mul3A : i32
    %add3A = arith.addi %mul3A_0, %arg0 : i32
    %eq3A = arith.constant 0 : i32
    %eq3A_1 = arith.cmpi eq, %arg1, %eq3A : i32
    %convert_element_type3A = arith.extui %eq3A_1 : i1 to i32
    %cond3A = arith.constant 0 : i32
    %cond3A_2 = arith.cmpi ne, %convert_element_type3A, %cond3A : i32
    scf.if %cond3A_2 {
      "tpu.region"() ({
        %run_scoped3A = tpu.sem_alloc : memref<!tpu.dma_semaphore, #tpu.memory_space<semaphore_mem>>
        tpu.enqueue_dma source(%arg4 : memref<10240x128xf32, #tpu.memory_space<hbm>>) target(%arg8 : memref<10240x128xf32, #tpu.memory_space<vmem_shared>>) target_semaphore(%run_scoped3A : memref<!tpu.dma_semaphore, #tpu.memory_space<semaphore_mem>>)
        tpu.wait_dma2 semaphore(%run_scoped3A : memref<!tpu.dma_semaphore, #tpu.memory_space<semaphore_mem>>) src(%arg4 : memref<10240x128xf32, #tpu.memory_space<hbm>>) dst(%arg8 : memref<10240x128xf32, #tpu.memory_space<vmem_shared>>)
        tpu.yield
      }) : () -> ()
    } else {
    }
    %barrier3A = arith.constant 0 : index
    tpu.barrier barrier_id(%barrier3A)
    %scan3A = arith.constant 0 : i32
    %scan3A_3 = arith.constant 0 : i32
    %scan3A_4 = arith.constant 20 : i32
    %scan3A_5 = arith.addi %scan3A_3, %scan3A_4 : i32
    %scan3A_6 = arith.constant 1 : i32
    %scan3A_7 = scf.for %scan3A_15 = %scan3A_3 to %scan3A_5 step %scan3A_6 iter_args(%scan3A_16 = %scan3A) -> (i32)  : i32 {
      %mul3A_17 = arith.constant 40 : i32
      %mul3A_18 = arith.muli %add3A, %mul3A_17 : i32
      %mul3A_19 = arith.constant 2 : i32
      %mul3A_20 = arith.muli %mul3A_19, %scan3A_15 : i32
      %add3A_21 = arith.addi %mul3A_18, %mul3A_20 : i32
      %mul3A_22 = arith.constant 128 : i32
      %mul3A_23 = arith.muli %add3A_21, %mul3A_22 : i32
      %add3A_24 = arith.constant 128 : i32
      %add3A_25 = arith.addi %mul3A_23, %add3A_24 : i32
      %run_scoped3A = arith.constant 0 : i32
      "tpu.region"() ({
        %run_scoped3A_126 = tpu.sem_alloc : memref<!tpu.dma_semaphore, #tpu.memory_space<semaphore_mem>>
        %dma_start3A_127 = arith.constant 0 : i32
        %dma_start3A_128 = tpu.memref_slice %arg6[%run_scoped3A, %dma_start3A_127] : memref<2x128xi32, #tpu.memory_space<vmem>> -> memref<1x128xi32, #tpu.memory_space<vmem>>
        %dma_start3A_129 = tpu.memref_squeeze %dma_start3A_128 : memref<1x128xi32, #tpu.memory_space<vmem>> -> memref<128xi32, #tpu.memory_space<vmem>>
        %dma_start3A_130 = tpu.memref_slice %arg2[%mul3A_23] : memref<163840xi32, #tpu.memory_space<hbm>> -> memref<128xi32, #tpu.memory_space<hbm>>
        %dma_start3A_131 = arith.constant 0 : i32
        %dma_start3A_132 = tpu.memref_slice %arg6[%run_scoped3A, %dma_start3A_131] : memref<2x128xi32, #tpu.memory_space<vmem>> -> memref<1x128xi32, #tpu.memory_space<vmem>>
        %dma_start3A_133 = tpu.memref_squeeze %dma_start3A_132 : memref<1x128xi32, #tpu.memory_space<vmem>> -> memref<128xi32, #tpu.memory_space<vmem>>
        %dma_start3A_134 = tpu.memref_slice %arg2[%mul3A_23] : memref<163840xi32, #tpu.memory_space<hbm>> -> memref<128xi32, #tpu.memory_space<hbm>>
        tpu.enqueue_dma source(%dma_start3A_134 : memref<128xi32, #tpu.memory_space<hbm>>) target(%dma_start3A_133 : memref<128xi32, #tpu.memory_space<vmem>>) target_semaphore(%run_scoped3A_126 : memref<!tpu.dma_semaphore, #tpu.memory_space<semaphore_mem>>)
        %dma_wait3A_135 = arith.constant 0 : i32
        %dma_wait3A_136 = tpu.memref_slice %arg6[%run_scoped3A, %dma_wait3A_135] : memref<2x128xi32, #tpu.memory_space<vmem>> -> memref<1x128xi32, #tpu.memory_space<vmem>>
        %dma_wait3A_137 = tpu.memref_squeeze %dma_wait3A_136 : memref<1x128xi32, #tpu.memory_space<vmem>> -> memref<128xi32, #tpu.memory_space<vmem>>
        %dma_wait3A_138 = tpu.memref_slice %arg2[%mul3A_23] : memref<163840xi32, #tpu.memory_space<hbm>> -> memref<128xi32, #tpu.memory_space<hbm>>
        %dma_wait3A_139 = arith.constant 0 : i32
        %dma_wait3A_140 = tpu.memref_slice %arg6[%run_scoped3A, %dma_wait3A_139] : memref<2x128xi32, #tpu.memory_space<vmem>> -> memref<1x128xi32, #tpu.memory_space<vmem>>
        %dma_wait3A_141 = tpu.memref_squeeze %dma_wait3A_140 : memref<1x128xi32, #tpu.memory_space<vmem>> -> memref<128xi32, #tpu.memory_space<vmem>>
        %dma_wait3A_142 = tpu.memref_slice %arg2[%mul3A_23] : memref<163840xi32, #tpu.memory_space<hbm>> -> memref<128xi32, #tpu.memory_space<hbm>>
        tpu.wait_dma2 semaphore(%run_scoped3A_126 : memref<!tpu.dma_semaphore, #tpu.memory_space<semaphore_mem>>) src(%dma_wait3A_142 : memref<128xi32, #tpu.memory_space<hbm>>) dst(%dma_wait3A_141 : memref<128xi32, #tpu.memory_space<vmem>>)
        tpu.yield
      }) : () -> ()
      %run_scoped3A_26 = arith.constant 1 : i32
      "tpu.region"() ({
        %run_scoped3A_126 = tpu.sem_alloc : memref<!tpu.dma_semaphore, #tpu.memory_space<semaphore_mem>>
        %dma_start3A_127 = arith.constant 0 : i32
        %dma_start3A_128 = tpu.memref_slice %arg6[%run_scoped3A_26, %dma_start3A_127] : memref<2x128xi32, #tpu.memory_space<vmem>> -> memref<1x128xi32, #tpu.memory_space<vmem>>
        %dma_start3A_129 = tpu.memref_squeeze %dma_start3A_128 : memref<1x128xi32, #tpu.memory_space<vmem>> -> memref<128xi32, #tpu.memory_space<vmem>>
        %dma_start3A_130 = tpu.memref_slice %arg2[%add3A_25] : memref<163840xi32, #tpu.memory_space<hbm>> -> memref<128xi32, #tpu.memory_space<hbm>>
        %dma_start3A_131 = arith.constant 0 : i32
        %dma_start3A_132 = tpu.memref_slice %arg6[%run_scoped3A_26, %dma_start3A_131] : memref<2x128xi32, #tpu.memory_space<vmem>> -> memref<1x128xi32, #tpu.memory_space<vmem>>
        %dma_start3A_133 = tpu.memref_squeeze %dma_start3A_132 : memref<1x128xi32, #tpu.memory_space<vmem>> -> memref<128xi32, #tpu.memory_space<vmem>>
        %dma_start3A_134 = tpu.memref_slice %arg2[%add3A_25] : memref<163840xi32, #tpu.memory_space<hbm>> -> memref<128xi32, #tpu.memory_space<hbm>>
        tpu.enqueue_dma source(%dma_start3A_134 : memref<128xi32, #tpu.memory_space<hbm>>) target(%dma_start3A_133 : memref<128xi32, #tpu.memory_space<vmem>>) target_semaphore(%run_scoped3A_126 : memref<!tpu.dma_semaphore, #tpu.memory_space<semaphore_mem>>)
        %dma_wait3A_135 = arith.constant 0 : i32
        %dma_wait3A_136 = tpu.memref_slice %arg6[%run_scoped3A_26, %dma_wait3A_135] : memref<2x128xi32, #tpu.memory_space<vmem>> -> memref<1x128xi32, #tpu.memory_space<vmem>>
        %dma_wait3A_137 = tpu.memref_squeeze %dma_wait3A_136 : memref<1x128xi32, #tpu.memory_space<vmem>> -> memref<128xi32, #tpu.memory_space<vmem>>
        %dma_wait3A_138 = tpu.memref_slice %arg2[%add3A_25] : memref<163840xi32, #tpu.memory_space<hbm>> -> memref<128xi32, #tpu.memory_space<hbm>>
        %dma_wait3A_139 = arith.constant 0 : i32
        %dma_wait3A_140 = tpu.memref_slice %arg6[%run_scoped3A_26, %dma_wait3A_139] : memref<2x128xi32, #tpu.memory_space<vmem>> -> memref<1x128xi32, #tpu.memory_space<vmem>>
        %dma_wait3A_141 = tpu.memref_squeeze %dma_wait3A_140 : memref<1x128xi32, #tpu.memory_space<vmem>> -> memref<128xi32, #tpu.memory_space<vmem>>
        %dma_wait3A_142 = tpu.memref_slice %arg2[%add3A_25] : memref<163840xi32, #tpu.memory_space<hbm>> -> memref<128xi32, #tpu.memory_space<hbm>>
        tpu.wait_dma2 semaphore(%run_scoped3A_126 : memref<!tpu.dma_semaphore, #tpu.memory_space<semaphore_mem>>) src(%dma_wait3A_142 : memref<128xi32, #tpu.memory_space<hbm>>) dst(%dma_wait3A_141 : memref<128xi32, #tpu.memory_space<vmem>>)
        tpu.yield
      }) : () -> ()
      %dma_start3A = arith.constant 0 : i32
      %dma_start3A_27 = arith.constant 0 : i32
      %dma_start3A_28 = arith.constant 0 : i32
      %dma_start3A_29 = tpu.memref_slice %arg7[%dma_start3A, %dma_start3A_27, %dma_start3A_28] : memref<2x128x128xf32, #tpu.memory_space<vmem>> -> memref<1x128x128xf32, #tpu.memory_space<vmem>>
      %dma_start3A_30 = tpu.memref_squeeze %dma_start3A_29 : memref<1x128x128xf32, #tpu.memory_space<vmem>> -> memref<128x128xf32, #tpu.memory_space<vmem>>
      %dma_start3A_31 = arith.constant 0 : i32
      %dma_start3A_32 = tpu.memref_slice %arg3[%mul3A_23, %dma_start3A_31] : memref<163840x128xf32, #tpu.memory_space<hbm>> -> memref<128x128xf32, #tpu.memory_space<hbm>>
      %dma_start3A_33 = arith.constant 0 : i32
      %dma_start3A_34 = arith.constant 0 : i32
      %dma_start3A_35 = tpu.memref_slice %arg7[%dma_start3A, %dma_start3A_33, %dma_start3A_34] : memref<2x128x128xf32, #tpu.memory_space<vmem>> -> memref<1x128x128xf32, #tpu.memory_space<vmem>>
      %dma_start3A_36 = tpu.memref_squeeze %dma_start3A_35 : memref<1x128x128xf32, #tpu.memory_space<vmem>> -> memref<128x128xf32, #tpu.memory_space<vmem>>
      %dma_start3A_37 = arith.constant 0 : i32
      %dma_start3A_38 = tpu.memref_slice %arg3[%mul3A_23, %dma_start3A_37] : memref<163840x128xf32, #tpu.memory_space<hbm>> -> memref<128x128xf32, #tpu.memory_space<hbm>>
      tpu.enqueue_dma source(%dma_start3A_38 : memref<128x128xf32, #tpu.memory_space<hbm>>) target(%dma_start3A_36 : memref<128x128xf32, #tpu.memory_space<vmem>>) target_semaphore(%arg9 : memref<!tpu.dma_semaphore, #tpu.memory_space<semaphore_mem>>)
      %dma_start3A_39 = arith.constant 1 : i32
      %dma_start3A_40 = arith.constant 0 : i32
      %dma_start3A_41 = arith.constant 0 : i32
      %dma_start3A_42 = tpu.memref_slice %arg7[%dma_start3A_39, %dma_start3A_40, %dma_start3A_41] : memref<2x128x128xf32, #tpu.memory_space<vmem>> -> memref<1x128x128xf32, #tpu.memory_space<vmem>>
      %dma_start3A_43 = tpu.memref_squeeze %dma_start3A_42 : memref<1x128x128xf32, #tpu.memory_space<vmem>> -> memref<128x128xf32, #tpu.memory_space<vmem>>
      %dma_start3A_44 = arith.constant 0 : i32
      %dma_start3A_45 = tpu.memref_slice %arg3[%add3A_25, %dma_start3A_44] : memref<163840x128xf32, #tpu.memory_space<hbm>> -> memref<128x128xf32, #tpu.memory_space<hbm>>
      %dma_start3A_46 = arith.constant 0 : i32
      %dma_start3A_47 = arith.constant 0 : i32
      %dma_start3A_48 = tpu.memref_slice %arg7[%dma_start3A_39, %dma_start3A_46, %dma_start3A_47] : memref<2x128x128xf32, #tpu.memory_space<vmem>> -> memref<1x128x128xf32, #tpu.memory_space<vmem>>
      %dma_start3A_49 = tpu.memref_squeeze %dma_start3A_48 : memref<1x128x128xf32, #tpu.memory_space<vmem>> -> memref<128x128xf32, #tpu.memory_space<vmem>>
      %dma_start3A_50 = arith.constant 0 : i32
      %dma_start3A_51 = tpu.memref_slice %arg3[%add3A_25, %dma_start3A_50] : memref<163840x128xf32, #tpu.memory_space<hbm>> -> memref<128x128xf32, #tpu.memory_space<hbm>>
      tpu.enqueue_dma source(%dma_start3A_51 : memref<128x128xf32, #tpu.memory_space<hbm>>) target(%dma_start3A_49 : memref<128x128xf32, #tpu.memory_space<vmem>>) target_semaphore(%arg9 : memref<!tpu.dma_semaphore, #tpu.memory_space<semaphore_mem>>)
      %dma_wait3A = arith.constant 0 : i32
      %dma_wait3A_52 = arith.constant 0 : i32
      %dma_wait3A_53 = arith.constant 0 : i32
      %dma_wait3A_54 = tpu.memref_slice %arg7[%dma_wait3A, %dma_wait3A_52, %dma_wait3A_53] : memref<2x128x128xf32, #tpu.memory_space<vmem>> -> memref<1x128x128xf32, #tpu.memory_space<vmem>>
      %dma_wait3A_55 = tpu.memref_squeeze %dma_wait3A_54 : memref<1x128x128xf32, #tpu.memory_space<vmem>> -> memref<128x128xf32, #tpu.memory_space<vmem>>
      %dma_wait3A_56 = arith.constant 0 : i32
      %dma_wait3A_57 = tpu.memref_slice %arg3[%mul3A_23, %dma_wait3A_56] : memref<163840x128xf32, #tpu.memory_space<hbm>> -> memref<128x128xf32, #tpu.memory_space<hbm>>
      %dma_wait3A_58 = arith.constant 0 : i32
      %dma_wait3A_59 = arith.constant 0 : i32
      %dma_wait3A_60 = tpu.memref_slice %arg7[%dma_wait3A, %dma_wait3A_58, %dma_wait3A_59] : memref<2x128x128xf32, #tpu.memory_space<vmem>> -> memref<1x128x128xf32, #tpu.memory_space<vmem>>
      %dma_wait3A_61 = tpu.memref_squeeze %dma_wait3A_60 : memref<1x128x128xf32, #tpu.memory_space<vmem>> -> memref<128x128xf32, #tpu.memory_space<vmem>>
      %dma_wait3A_62 = arith.constant 0 : i32
      %dma_wait3A_63 = tpu.memref_slice %arg3[%mul3A_23, %dma_wait3A_62] : memref<163840x128xf32, #tpu.memory_space<hbm>> -> memref<128x128xf32, #tpu.memory_space<hbm>>
      tpu.wait_dma2 semaphore(%arg9 : memref<!tpu.dma_semaphore, #tpu.memory_space<semaphore_mem>>) src(%dma_wait3A_63 : memref<128x128xf32, #tpu.memory_space<hbm>>) dst(%dma_wait3A_61 : memref<128x128xf32, #tpu.memory_space<vmem>>)
      %dma_start3A_64 = arith.constant 0 : i32
      %dma_start3A_65 = arith.constant 0 : i32
      %dma_start3A_66 = arith.constant 0 : i32
      %dma_start3A_67 = arith.constant 0 : i32
      %dma_start3A_68 = tpu.memref_slice %arg7[%dma_start3A_64, %dma_start3A_66, %dma_start3A_67] : memref<2x128x128xf32, #tpu.memory_space<vmem>> -> memref<1x128x128xf32, #tpu.memory_space<vmem>>
      %dma_start3A_69 = tpu.memref_squeeze %dma_start3A_68 : memref<1x128x128xf32, #tpu.memory_space<vmem>> -> memref<128x128xf32, #tpu.memory_space<vmem>>
      %dma_start3A_70 = arith.constant 0 : i32
      %dma_start3A_71 = tpu.memref_slice %arg6[%dma_start3A_65, %dma_start3A_70] : memref<2x128xi32, #tpu.memory_space<vmem>> -> memref<1x128xi32, #tpu.memory_space<vmem>>
      %dma_start3A_72 = tpu.memref_squeeze %dma_start3A_71 : memref<1x128xi32, #tpu.memory_space<vmem>> -> memref<128xi32, #tpu.memory_space<vmem>>
      %dma_start3A_73 = arith.constant 0 : i32
      %dma_start3A_74 = arith.constant 0 : i32
      %dma_start3A_75 = tpu.memref_slice %arg8[%dma_start3A_73, %dma_start3A_74] : memref<10240x128xf32, #tpu.memory_space<vmem_shared>> -> memref<10240x128xf32, #tpu.memory_space<vmem_shared>>
      tpu.enqueue_indirect_dma source(%dma_start3A_69 : memref<128x128xf32, #tpu.memory_space<vmem>>) target(%dma_start3A_75 : memref<10240x128xf32, #tpu.memory_space<vmem_shared>>) offsets(%dma_start3A_72 : memref<128xi32, #tpu.memory_space<vmem>>) semaphore(%arg10 : memref<!tpu.dma_semaphore, #tpu.memory_space<semaphore_mem>>) {add = true}
      %dma_wait3A_76 = arith.constant 1 : i32
      %dma_wait3A_77 = arith.constant 0 : i32
      %dma_wait3A_78 = arith.constant 0 : i32
      %dma_wait3A_79 = tpu.memref_slice %arg7[%dma_wait3A_76, %dma_wait3A_77, %dma_wait3A_78] : memref<2x128x128xf32, #tpu.memory_space<vmem>> -> memref<1x128x128xf32, #tpu.memory_space<vmem>>
      %dma_wait3A_80 = tpu.memref_squeeze %dma_wait3A_79 : memref<1x128x128xf32, #tpu.memory_space<vmem>> -> memref<128x128xf32, #tpu.memory_space<vmem>>
      %dma_wait3A_81 = arith.constant 0 : i32
      %dma_wait3A_82 = tpu.memref_slice %arg3[%add3A_25, %dma_wait3A_81] : memref<163840x128xf32, #tpu.memory_space<hbm>> -> memref<128x128xf32, #tpu.memory_space<hbm>>
      %dma_wait3A_83 = arith.constant 0 : i32
      %dma_wait3A_84 = arith.constant 0 : i32
      %dma_wait3A_85 = tpu.memref_slice %arg7[%dma_wait3A_76, %dma_wait3A_83, %dma_wait3A_84] : memref<2x128x128xf32, #tpu.memory_space<vmem>> -> memref<1x128x128xf32, #tpu.memory_space<vmem>>
      %dma_wait3A_86 = tpu.memref_squeeze %dma_wait3A_85 : memref<1x128x128xf32, #tpu.memory_space<vmem>> -> memref<128x128xf32, #tpu.memory_space<vmem>>
      %dma_wait3A_87 = arith.constant 0 : i32
      %dma_wait3A_88 = tpu.memref_slice %arg3[%add3A_25, %dma_wait3A_87] : memref<163840x128xf32, #tpu.memory_space<hbm>> -> memref<128x128xf32, #tpu.memory_space<hbm>>
      tpu.wait_dma2 semaphore(%arg9 : memref<!tpu.dma_semaphore, #tpu.memory_space<semaphore_mem>>) src(%dma_wait3A_88 : memref<128x128xf32, #tpu.memory_space<hbm>>) dst(%dma_wait3A_86 : memref<128x128xf32, #tpu.memory_space<vmem>>)
      %dma_start3A_89 = arith.constant 1 : i32
      %dma_start3A_90 = arith.constant 1 : i32
      %dma_start3A_91 = arith.constant 0 : i32
      %dma_start3A_92 = arith.constant 0 : i32
      %dma_start3A_93 = tpu.memref_slice %arg7[%dma_start3A_89, %dma_start3A_91, %dma_start3A_92] : memref<2x128x128xf32, #tpu.memory_space<vmem>> -> memref<1x128x128xf32, #tpu.memory_space<vmem>>
      %dma_start3A_94 = tpu.memref_squeeze %dma_start3A_93 : memref<1x128x128xf32, #tpu.memory_space<vmem>> -> memref<128x128xf32, #tpu.memory_space<vmem>>
      %dma_start3A_95 = arith.constant 0 : i32
      %dma_start3A_96 = tpu.memref_slice %arg6[%dma_start3A_90, %dma_start3A_95] : memref<2x128xi32, #tpu.memory_space<vmem>> -> memref<1x128xi32, #tpu.memory_space<vmem>>
      %dma_start3A_97 = tpu.memref_squeeze %dma_start3A_96 : memref<1x128xi32, #tpu.memory_space<vmem>> -> memref<128xi32, #tpu.memory_space<vmem>>
      %dma_start3A_98 = arith.constant 0 : i32
      %dma_start3A_99 = arith.constant 0 : i32
      %dma_start3A_100 = tpu.memref_slice %arg8[%dma_start3A_98, %dma_start3A_99] : memref<10240x128xf32, #tpu.memory_space<vmem_shared>> -> memref<10240x128xf32, #tpu.memory_space<vmem_shared>>
      tpu.enqueue_indirect_dma source(%dma_start3A_94 : memref<128x128xf32, #tpu.memory_space<vmem>>) target(%dma_start3A_100 : memref<10240x128xf32, #tpu.memory_space<vmem_shared>>) offsets(%dma_start3A_97 : memref<128xi32, #tpu.memory_space<vmem>>) semaphore(%arg10 : memref<!tpu.dma_semaphore, #tpu.memory_space<semaphore_mem>>) {add = true}
      %dma_wait3A_101 = arith.constant 0 : i32
      %dma_wait3A_102 = arith.constant 0 : i32
      %dma_wait3A_103 = arith.constant 0 : i32
      %dma_wait3A_104 = arith.constant 0 : i32
      %dma_wait3A_105 = tpu.memref_slice %arg7[%dma_wait3A_101, %dma_wait3A_103, %dma_wait3A_104] : memref<2x128x128xf32, #tpu.memory_space<vmem>> -> memref<1x128x128xf32, #tpu.memory_space<vmem>>
      %dma_wait3A_106 = tpu.memref_squeeze %dma_wait3A_105 : memref<1x128x128xf32, #tpu.memory_space<vmem>> -> memref<128x128xf32, #tpu.memory_space<vmem>>
      %dma_wait3A_107 = arith.constant 0 : i32
      %dma_wait3A_108 = tpu.memref_slice %arg6[%dma_wait3A_102, %dma_wait3A_107] : memref<2x128xi32, #tpu.memory_space<vmem>> -> memref<1x128xi32, #tpu.memory_space<vmem>>
      %dma_wait3A_109 = tpu.memref_squeeze %dma_wait3A_108 : memref<1x128xi32, #tpu.memory_space<vmem>> -> memref<128xi32, #tpu.memory_space<vmem>>
      %dma_wait3A_110 = arith.constant 0 : i32
      %dma_wait3A_111 = arith.constant 0 : i32
      %dma_wait3A_112 = tpu.memref_slice %arg8[%dma_wait3A_110, %dma_wait3A_111] : memref<10240x128xf32, #tpu.memory_space<vmem_shared>> -> memref<10240x128xf32, #tpu.memory_space<vmem_shared>>
      tpu.wait_indirect_dma semaphore(%arg10 : memref<!tpu.dma_semaphore, #tpu.memory_space<semaphore_mem>>) src(%dma_wait3A_106 : memref<128x128xf32, #tpu.memory_space<vmem>>) dst(%dma_wait3A_112 : memref<10240x128xf32, #tpu.memory_space<vmem_shared>>)
      %dma_wait3A_113 = arith.constant 1 : i32
      %dma_wait3A_114 = arith.constant 1 : i32
      %dma_wait3A_115 = arith.constant 0 : i32
      %dma_wait3A_116 = arith.constant 0 : i32
      %dma_wait3A_117 = tpu.memref_slice %arg7[%dma_wait3A_113, %dma_wait3A_115, %dma_wait3A_116] : memref<2x128x128xf32, #tpu.memory_space<vmem>> -> memref<1x128x128xf32, #tpu.memory_space<vmem>>
      %dma_wait3A_118 = tpu.memref_squeeze %dma_wait3A_117 : memref<1x128x128xf32, #tpu.memory_space<vmem>> -> memref<128x128xf32, #tpu.memory_space<vmem>>
      %dma_wait3A_119 = arith.constant 0 : i32
      %dma_wait3A_120 = tpu.memref_slice %arg6[%dma_wait3A_114, %dma_wait3A_119] : memref<2x128xi32, #tpu.memory_space<vmem>> -> memref<1x128xi32, #tpu.memory_space<vmem>>
      %dma_wait3A_121 = tpu.memref_squeeze %dma_wait3A_120 : memref<1x128xi32, #tpu.memory_space<vmem>> -> memref<128xi32, #tpu.memory_space<vmem>>
      %dma_wait3A_122 = arith.constant 0 : i32
      %dma_wait3A_123 = arith.constant 0 : i32
      %dma_wait3A_124 = tpu.memref_slice %arg8[%dma_wait3A_122, %dma_wait3A_123] : memref<10240x128xf32, #tpu.memory_space<vmem_shared>> -> memref<10240x128xf32, #tpu.memory_space<vmem_shared>>
      tpu.wait_indirect_dma semaphore(%arg10 : memref<!tpu.dma_semaphore, #tpu.memory_space<semaphore_mem>>) src(%dma_wait3A_118 : memref<128x128xf32, #tpu.memory_space<vmem>>) dst(%dma_wait3A_124 : memref<10240x128xf32, #tpu.memory_space<vmem_shared>>)
      %scan3A_125 = arith.constant 0 : i32
      scf.yield %scan3A_125 : i32
    }
    %scan3A_8 = arith.constant 20 : i32
    %barrier3A_9 = arith.constant 0 : index
    tpu.barrier barrier_id(%barrier3A_9)
    %eq3A_10 = arith.constant 0 : i32
    %eq3A_11 = arith.cmpi eq, %arg1, %eq3A_10 : i32
    %convert_element_type3A_12 = arith.extui %eq3A_11 : i1 to i32
    %cond3A_13 = arith.constant 0 : i32
    %cond3A_14 = arith.cmpi ne, %convert_element_type3A_12, %cond3A_13 : i32
    scf.if %cond3A_14 {
      "tpu.region"() ({
        %run_scoped3A = tpu.sem_alloc : memref<!tpu.dma_semaphore, #tpu.memory_space<semaphore_mem>>
        %dma_start3A = arith.constant 0 : i32
        %dma_start3A_15 = arith.constant 0 : i32
        %dma_start3A_16 = tpu.memref_slice %arg5[%arg0, %dma_start3A, %dma_start3A_15] : memref<2x10240x128xf32, #tpu.memory_space<hbm>> -> memref<1x10240x128xf32, #tpu.memory_space<hbm>>
        %dma_start3A_17 = tpu.memref_squeeze %dma_start3A_16 : memref<1x10240x128xf32, #tpu.memory_space<hbm>> -> memref<10240x128xf32, #tpu.memory_space<hbm>>
        tpu.enqueue_dma source(%arg8 : memref<10240x128xf32, #tpu.memory_space<vmem_shared>>) target(%dma_start3A_17 : memref<10240x128xf32, #tpu.memory_space<hbm>>) target_semaphore(%run_scoped3A : memref<!tpu.dma_semaphore, #tpu.memory_space<semaphore_mem>>)
        %dma_wait3A = arith.constant 0 : i32
        %dma_wait3A_18 = arith.constant 0 : i32
        %dma_wait3A_19 = tpu.memref_slice %arg5[%arg0, %dma_wait3A, %dma_wait3A_18] : memref<2x10240x128xf32, #tpu.memory_space<hbm>> -> memref<1x10240x128xf32, #tpu.memory_space<hbm>>
        %dma_wait3A_20 = tpu.memref_squeeze %dma_wait3A_19 : memref<1x10240x128xf32, #tpu.memory_space<hbm>> -> memref<10240x128xf32, #tpu.memory_space<hbm>>
        tpu.wait_dma2 semaphore(%run_scoped3A : memref<!tpu.dma_semaphore, #tpu.memory_space<semaphore_mem>>) src(%arg8 : memref<10240x128xf32, #tpu.memory_space<vmem_shared>>) dst(%dma_wait3A_20 : memref<10240x128xf32, #tpu.memory_space<hbm>>)
        tpu.yield
      }) : () -> ()
    } else {
    }
    return
  }
}

#map = affine_map<(d0, d1) -> (0)>
#map1 = affine_map<(d0, d1) -> (0, 0)>
module attributes {stable_mosaic.version = 14 : i64} {
  func.func @_sc_gather3(%arg0: i32, %arg1: i32, %arg2: memref<163840xi32, #tpu.memory_space<hbm>>, %arg3: memref<163840xi32, #tpu.memory_space<hbm>>, %arg4: memref<51200x128xf32, #tpu.memory_space<hbm>>, %arg5: memref<10240x128xf32, #tpu.memory_space<hbm>>, %arg6: memref<51200x128xf32, #tpu.memory_space<hbm>>, %arg7: memref<163840x128xf32, #tpu.memory_space<hbm>>, %arg8: memref<163840x128xf32, #tpu.memory_space<hbm>>, %arg9: memref<163840x128xf32, #tpu.memory_space<hbm>>, %arg10: memref<2x128xi32, #tpu.memory_space<vmem>>, %arg11: memref<2x128xi32, #tpu.memory_space<vmem>>, %arg12: memref<2x128x128xf32, #tpu.memory_space<vmem>>, %arg13: memref<2x128x128xf32, #tpu.memory_space<vmem>>, %arg14: memref<2x128x128xf32, #tpu.memory_space<vmem>>, %arg15: memref<!tpu.dma_semaphore, #tpu.memory_space<semaphore_mem>>, %arg16: memref<!tpu.dma_semaphore, #tpu.memory_space<semaphore_mem>>) attributes {dimension_semantics = [#tpu.dimension_semantics<core_parallel>, #tpu.dimension_semantics<subcore_parallel>], iteration_bounds = array<i64: 2, 16>, scalar_prefetch = 0 : i64, scratch_operands = 7 : i64, tpu.core_type = #tpu.core_type<sc_vector_subcore>, window_params = [{transform_indices = #map}, {transform_indices = #map}, {transform_indices = #map1}, {transform_indices = #map1}, {transform_indices = #map1}, {transform_indices = #map1}, {transform_indices = #map1}, {transform_indices = #map1}]} {
    %mul3A = arith.constant 2 : i32
    %mul3A_0 = arith.muli %arg1, %mul3A : i32
    %add3A = arith.addi %mul3A_0, %arg0 : i32
    %scan3A = arith.constant 0 : i32
    %scan3A_1 = arith.constant 0 : i32
    %scan3A_2 = arith.constant 20 : i32
    %scan3A_3 = arith.addi %scan3A_1, %scan3A_2 : i32
    %scan3A_4 = arith.constant 1 : i32
    %scan3A_5 = scf.for %scan3A_7 = %scan3A_1 to %scan3A_3 step %scan3A_4 iter_args(%scan3A_8 = %scan3A) -> (i32)  : i32 {
      %mul3A_9 = arith.constant 40 : i32
      %mul3A_10 = arith.muli %add3A, %mul3A_9 : i32
      %mul3A_11 = arith.constant 2 : i32
      %mul3A_12 = arith.muli %mul3A_11, %scan3A_7 : i32
      %add3A_13 = arith.addi %mul3A_10, %mul3A_12 : i32
      %mul3A_14 = arith.constant 128 : i32
      %mul3A_15 = arith.muli %add3A_13, %mul3A_14 : i32
      %add3A_16 = arith.constant 128 : i32
      %add3A_17 = arith.addi %mul3A_15, %add3A_16 : i32
      %run_scoped3A = arith.constant 0 : i32
      "tpu.region"() ({
        %run_scoped3A_320 = tpu.sem_alloc : memref<!tpu.dma_semaphore, #tpu.memory_space<semaphore_mem>>
        %dma_start3A_321 = arith.constant 0 : i32
        %dma_start3A_322 = tpu.memref_slice %arg10[%run_scoped3A, %dma_start3A_321] : memref<2x128xi32, #tpu.memory_space<vmem>> -> memref<1x128xi32, #tpu.memory_space<vmem>>
        %dma_start3A_323 = tpu.memref_squeeze %dma_start3A_322 : memref<1x128xi32, #tpu.memory_space<vmem>> -> memref<128xi32, #tpu.memory_space<vmem>>
        %dma_start3A_324 = tpu.memref_slice %arg2[%mul3A_15] : memref<163840xi32, #tpu.memory_space<hbm>> -> memref<128xi32, #tpu.memory_space<hbm>>
        %dma_start3A_325 = arith.constant 0 : i32
        %dma_start3A_326 = tpu.memref_slice %arg10[%run_scoped3A, %dma_start3A_325] : memref<2x128xi32, #tpu.memory_space<vmem>> -> memref<1x128xi32, #tpu.memory_space<vmem>>
        %dma_start3A_327 = tpu.memref_squeeze %dma_start3A_326 : memref<1x128xi32, #tpu.memory_space<vmem>> -> memref<128xi32, #tpu.memory_space<vmem>>
        %dma_start3A_328 = tpu.memref_slice %arg2[%mul3A_15] : memref<163840xi32, #tpu.memory_space<hbm>> -> memref<128xi32, #tpu.memory_space<hbm>>
        tpu.enqueue_dma source(%dma_start3A_328 : memref<128xi32, #tpu.memory_space<hbm>>) target(%dma_start3A_327 : memref<128xi32, #tpu.memory_space<vmem>>) target_semaphore(%run_scoped3A_320 : memref<!tpu.dma_semaphore, #tpu.memory_space<semaphore_mem>>)
        %dma_wait3A_329 = arith.constant 0 : i32
        %dma_wait3A_330 = tpu.memref_slice %arg10[%run_scoped3A, %dma_wait3A_329] : memref<2x128xi32, #tpu.memory_space<vmem>> -> memref<1x128xi32, #tpu.memory_space<vmem>>
        %dma_wait3A_331 = tpu.memref_squeeze %dma_wait3A_330 : memref<1x128xi32, #tpu.memory_space<vmem>> -> memref<128xi32, #tpu.memory_space<vmem>>
        %dma_wait3A_332 = tpu.memref_slice %arg2[%mul3A_15] : memref<163840xi32, #tpu.memory_space<hbm>> -> memref<128xi32, #tpu.memory_space<hbm>>
        %dma_wait3A_333 = arith.constant 0 : i32
        %dma_wait3A_334 = tpu.memref_slice %arg10[%run_scoped3A, %dma_wait3A_333] : memref<2x128xi32, #tpu.memory_space<vmem>> -> memref<1x128xi32, #tpu.memory_space<vmem>>
        %dma_wait3A_335 = tpu.memref_squeeze %dma_wait3A_334 : memref<1x128xi32, #tpu.memory_space<vmem>> -> memref<128xi32, #tpu.memory_space<vmem>>
        %dma_wait3A_336 = tpu.memref_slice %arg2[%mul3A_15] : memref<163840xi32, #tpu.memory_space<hbm>> -> memref<128xi32, #tpu.memory_space<hbm>>
        tpu.wait_dma2 semaphore(%run_scoped3A_320 : memref<!tpu.dma_semaphore, #tpu.memory_space<semaphore_mem>>) src(%dma_wait3A_336 : memref<128xi32, #tpu.memory_space<hbm>>) dst(%dma_wait3A_335 : memref<128xi32, #tpu.memory_space<vmem>>)
        tpu.yield
      }) : () -> ()
      %run_scoped3A_18 = arith.constant 0 : i32
      "tpu.region"() ({
        %run_scoped3A_320 = tpu.sem_alloc : memref<!tpu.dma_semaphore, #tpu.memory_space<semaphore_mem>>
        %dma_start3A_321 = arith.constant 0 : i32
        %dma_start3A_322 = tpu.memref_slice %arg11[%run_scoped3A_18, %dma_start3A_321] : memref<2x128xi32, #tpu.memory_space<vmem>> -> memref<1x128xi32, #tpu.memory_space<vmem>>
        %dma_start3A_323 = tpu.memref_squeeze %dma_start3A_322 : memref<1x128xi32, #tpu.memory_space<vmem>> -> memref<128xi32, #tpu.memory_space<vmem>>
        %dma_start3A_324 = tpu.memref_slice %arg3[%mul3A_15] : memref<163840xi32, #tpu.memory_space<hbm>> -> memref<128xi32, #tpu.memory_space<hbm>>
        %dma_start3A_325 = arith.constant 0 : i32
        %dma_start3A_326 = tpu.memref_slice %arg11[%run_scoped3A_18, %dma_start3A_325] : memref<2x128xi32, #tpu.memory_space<vmem>> -> memref<1x128xi32, #tpu.memory_space<vmem>>
        %dma_start3A_327 = tpu.memref_squeeze %dma_start3A_326 : memref<1x128xi32, #tpu.memory_space<vmem>> -> memref<128xi32, #tpu.memory_space<vmem>>
        %dma_start3A_328 = tpu.memref_slice %arg3[%mul3A_15] : memref<163840xi32, #tpu.memory_space<hbm>> -> memref<128xi32, #tpu.memory_space<hbm>>
        tpu.enqueue_dma source(%dma_start3A_328 : memref<128xi32, #tpu.memory_space<hbm>>) target(%dma_start3A_327 : memref<128xi32, #tpu.memory_space<vmem>>) target_semaphore(%run_scoped3A_320 : memref<!tpu.dma_semaphore, #tpu.memory_space<semaphore_mem>>)
        %dma_wait3A_329 = arith.constant 0 : i32
        %dma_wait3A_330 = tpu.memref_slice %arg11[%run_scoped3A_18, %dma_wait3A_329] : memref<2x128xi32, #tpu.memory_space<vmem>> -> memref<1x128xi32, #tpu.memory_space<vmem>>
        %dma_wait3A_331 = tpu.memref_squeeze %dma_wait3A_330 : memref<1x128xi32, #tpu.memory_space<vmem>> -> memref<128xi32, #tpu.memory_space<vmem>>
        %dma_wait3A_332 = tpu.memref_slice %arg3[%mul3A_15] : memref<163840xi32, #tpu.memory_space<hbm>> -> memref<128xi32, #tpu.memory_space<hbm>>
        %dma_wait3A_333 = arith.constant 0 : i32
        %dma_wait3A_334 = tpu.memref_slice %arg11[%run_scoped3A_18, %dma_wait3A_333] : memref<2x128xi32, #tpu.memory_space<vmem>> -> memref<1x128xi32, #tpu.memory_space<vmem>>
        %dma_wait3A_335 = tpu.memref_squeeze %dma_wait3A_334 : memref<1x128xi32, #tpu.memory_space<vmem>> -> memref<128xi32, #tpu.memory_space<vmem>>
        %dma_wait3A_336 = tpu.memref_slice %arg3[%mul3A_15] : memref<163840xi32, #tpu.memory_space<hbm>> -> memref<128xi32, #tpu.memory_space<hbm>>
        tpu.wait_dma2 semaphore(%run_scoped3A_320 : memref<!tpu.dma_semaphore, #tpu.memory_space<semaphore_mem>>) src(%dma_wait3A_336 : memref<128xi32, #tpu.memory_space<hbm>>) dst(%dma_wait3A_335 : memref<128xi32, #tpu.memory_space<vmem>>)
        tpu.yield
      }) : () -> ()
      %run_scoped3A_19 = arith.constant 1 : i32
      "tpu.region"() ({
        %run_scoped3A_320 = tpu.sem_alloc : memref<!tpu.dma_semaphore, #tpu.memory_space<semaphore_mem>>
        %dma_start3A_321 = arith.constant 0 : i32
        %dma_start3A_322 = tpu.memref_slice %arg10[%run_scoped3A_19, %dma_start3A_321] : memref<2x128xi32, #tpu.memory_space<vmem>> -> memref<1x128xi32, #tpu.memory_space<vmem>>
        %dma_start3A_323 = tpu.memref_squeeze %dma_start3A_322 : memref<1x128xi32, #tpu.memory_space<vmem>> -> memref<128xi32, #tpu.memory_space<vmem>>
        %dma_start3A_324 = tpu.memref_slice %arg2[%add3A_17] : memref<163840xi32, #tpu.memory_space<hbm>> -> memref<128xi32, #tpu.memory_space<hbm>>
        %dma_start3A_325 = arith.constant 0 : i32
        %dma_start3A_326 = tpu.memref_slice %arg10[%run_scoped3A_19, %dma_start3A_325] : memref<2x128xi32, #tpu.memory_space<vmem>> -> memref<1x128xi32, #tpu.memory_space<vmem>>
        %dma_start3A_327 = tpu.memref_squeeze %dma_start3A_326 : memref<1x128xi32, #tpu.memory_space<vmem>> -> memref<128xi32, #tpu.memory_space<vmem>>
        %dma_start3A_328 = tpu.memref_slice %arg2[%add3A_17] : memref<163840xi32, #tpu.memory_space<hbm>> -> memref<128xi32, #tpu.memory_space<hbm>>
        tpu.enqueue_dma source(%dma_start3A_328 : memref<128xi32, #tpu.memory_space<hbm>>) target(%dma_start3A_327 : memref<128xi32, #tpu.memory_space<vmem>>) target_semaphore(%run_scoped3A_320 : memref<!tpu.dma_semaphore, #tpu.memory_space<semaphore_mem>>)
        %dma_wait3A_329 = arith.constant 0 : i32
        %dma_wait3A_330 = tpu.memref_slice %arg10[%run_scoped3A_19, %dma_wait3A_329] : memref<2x128xi32, #tpu.memory_space<vmem>> -> memref<1x128xi32, #tpu.memory_space<vmem>>
        %dma_wait3A_331 = tpu.memref_squeeze %dma_wait3A_330 : memref<1x128xi32, #tpu.memory_space<vmem>> -> memref<128xi32, #tpu.memory_space<vmem>>
        %dma_wait3A_332 = tpu.memref_slice %arg2[%add3A_17] : memref<163840xi32, #tpu.memory_space<hbm>> -> memref<128xi32, #tpu.memory_space<hbm>>
        %dma_wait3A_333 = arith.constant 0 : i32
        %dma_wait3A_334 = tpu.memref_slice %arg10[%run_scoped3A_19, %dma_wait3A_333] : memref<2x128xi32, #tpu.memory_space<vmem>> -> memref<1x128xi32, #tpu.memory_space<vmem>>
        %dma_wait3A_335 = tpu.memref_squeeze %dma_wait3A_334 : memref<1x128xi32, #tpu.memory_space<vmem>> -> memref<128xi32, #tpu.memory_space<vmem>>
        %dma_wait3A_336 = tpu.memref_slice %arg2[%add3A_17] : memref<163840xi32, #tpu.memory_space<hbm>> -> memref<128xi32, #tpu.memory_space<hbm>>
        tpu.wait_dma2 semaphore(%run_scoped3A_320 : memref<!tpu.dma_semaphore, #tpu.memory_space<semaphore_mem>>) src(%dma_wait3A_336 : memref<128xi32, #tpu.memory_space<hbm>>) dst(%dma_wait3A_335 : memref<128xi32, #tpu.memory_space<vmem>>)
        tpu.yield
      }) : () -> ()
      %run_scoped3A_20 = arith.constant 1 : i32
      "tpu.region"() ({
        %run_scoped3A_320 = tpu.sem_alloc : memref<!tpu.dma_semaphore, #tpu.memory_space<semaphore_mem>>
        %dma_start3A_321 = arith.constant 0 : i32
        %dma_start3A_322 = tpu.memref_slice %arg11[%run_scoped3A_20, %dma_start3A_321] : memref<2x128xi32, #tpu.memory_space<vmem>> -> memref<1x128xi32, #tpu.memory_space<vmem>>
        %dma_start3A_323 = tpu.memref_squeeze %dma_start3A_322 : memref<1x128xi32, #tpu.memory_space<vmem>> -> memref<128xi32, #tpu.memory_space<vmem>>
        %dma_start3A_324 = tpu.memref_slice %arg3[%add3A_17] : memref<163840xi32, #tpu.memory_space<hbm>> -> memref<128xi32, #tpu.memory_space<hbm>>
        %dma_start3A_325 = arith.constant 0 : i32
        %dma_start3A_326 = tpu.memref_slice %arg11[%run_scoped3A_20, %dma_start3A_325] : memref<2x128xi32, #tpu.memory_space<vmem>> -> memref<1x128xi32, #tpu.memory_space<vmem>>
        %dma_start3A_327 = tpu.memref_squeeze %dma_start3A_326 : memref<1x128xi32, #tpu.memory_space<vmem>> -> memref<128xi32, #tpu.memory_space<vmem>>
        %dma_start3A_328 = tpu.memref_slice %arg3[%add3A_17] : memref<163840xi32, #tpu.memory_space<hbm>> -> memref<128xi32, #tpu.memory_space<hbm>>
        tpu.enqueue_dma source(%dma_start3A_328 : memref<128xi32, #tpu.memory_space<hbm>>) target(%dma_start3A_327 : memref<128xi32, #tpu.memory_space<vmem>>) target_semaphore(%run_scoped3A_320 : memref<!tpu.dma_semaphore, #tpu.memory_space<semaphore_mem>>)
        %dma_wait3A_329 = arith.constant 0 : i32
        %dma_wait3A_330 = tpu.memref_slice %arg11[%run_scoped3A_20, %dma_wait3A_329] : memref<2x128xi32, #tpu.memory_space<vmem>> -> memref<1x128xi32, #tpu.memory_space<vmem>>
        %dma_wait3A_331 = tpu.memref_squeeze %dma_wait3A_330 : memref<1x128xi32, #tpu.memory_space<vmem>> -> memref<128xi32, #tpu.memory_space<vmem>>
        %dma_wait3A_332 = tpu.memref_slice %arg3[%add3A_17] : memref<163840xi32, #tpu.memory_space<hbm>> -> memref<128xi32, #tpu.memory_space<hbm>>
        %dma_wait3A_333 = arith.constant 0 : i32
        %dma_wait3A_334 = tpu.memref_slice %arg11[%run_scoped3A_20, %dma_wait3A_333] : memref<2x128xi32, #tpu.memory_space<vmem>> -> memref<1x128xi32, #tpu.memory_space<vmem>>
        %dma_wait3A_335 = tpu.memref_squeeze %dma_wait3A_334 : memref<1x128xi32, #tpu.memory_space<vmem>> -> memref<128xi32, #tpu.memory_space<vmem>>
        %dma_wait3A_336 = tpu.memref_slice %arg3[%add3A_17] : memref<163840xi32, #tpu.memory_space<hbm>> -> memref<128xi32, #tpu.memory_space<hbm>>
        tpu.wait_dma2 semaphore(%run_scoped3A_320 : memref<!tpu.dma_semaphore, #tpu.memory_space<semaphore_mem>>) src(%dma_wait3A_336 : memref<128xi32, #tpu.memory_space<hbm>>) dst(%dma_wait3A_335 : memref<128xi32, #tpu.memory_space<vmem>>)
        tpu.yield
      }) : () -> ()
      %dma_start3A = arith.constant 0 : i32
      %dma_start3A_21 = arith.constant 0 : i32
      %dma_start3A_22 = arith.constant 0 : i32
      %dma_start3A_23 = arith.constant 0 : i32
      %dma_start3A_24 = tpu.memref_slice %arg12[%dma_start3A_21, %dma_start3A_22, %dma_start3A_23] : memref<2x128x128xf32, #tpu.memory_space<vmem>> -> memref<1x128x128xf32, #tpu.memory_space<vmem>>
      %dma_start3A_25 = tpu.memref_squeeze %dma_start3A_24 : memref<1x128x128xf32, #tpu.memory_space<vmem>> -> memref<128x128xf32, #tpu.memory_space<vmem>>
      %dma_start3A_26 = arith.constant 0 : i32
      %dma_start3A_27 = tpu.memref_slice %arg10[%dma_start3A, %dma_start3A_26] : memref<2x128xi32, #tpu.memory_space<vmem>> -> memref<1x128xi32, #tpu.memory_space<vmem>>
      %dma_start3A_28 = tpu.memref_squeeze %dma_start3A_27 : memref<1x128xi32, #tpu.memory_space<vmem>> -> memref<128xi32, #tpu.memory_space<vmem>>
      %dma_start3A_29 = arith.constant 0 : i32
      %dma_start3A_30 = arith.constant 0 : i32
      %dma_start3A_31 = tpu.memref_slice %arg4[%dma_start3A_29, %dma_start3A_30] : memref<51200x128xf32, #tpu.memory_space<hbm>> -> memref<51200x128xf32, #tpu.memory_space<hbm>>
      tpu.enqueue_indirect_dma source(%dma_start3A_31 : memref<51200x128xf32, #tpu.memory_space<hbm>>) target(%dma_start3A_25 : memref<128x128xf32, #tpu.memory_space<vmem>>) offsets(%dma_start3A_28 : memref<128xi32, #tpu.memory_space<vmem>>) semaphore(%arg15 : memref<!tpu.dma_semaphore, #tpu.memory_space<semaphore_mem>>)
      %dma_start3A_32 = arith.constant 0 : i32
      %dma_start3A_33 = arith.constant 0 : i32
      %dma_start3A_34 = arith.constant 0 : i32
      %dma_start3A_35 = arith.constant 0 : i32
      %dma_start3A_36 = tpu.memref_slice %arg13[%dma_start3A_33, %dma_start3A_34, %dma_start3A_35] : memref<2x128x128xf32, #tpu.memory_space<vmem>> -> memref<1x128x128xf32, #tpu.memory_space<vmem>>
      %dma_start3A_37 = tpu.memref_squeeze %dma_start3A_36 : memref<1x128x128xf32, #tpu.memory_space<vmem>> -> memref<128x128xf32, #tpu.memory_space<vmem>>
      %dma_start3A_38 = arith.constant 0 : i32
      %dma_start3A_39 = tpu.memref_slice %arg11[%dma_start3A_32, %dma_start3A_38] : memref<2x128xi32, #tpu.memory_space<vmem>> -> memref<1x128xi32, #tpu.memory_space<vmem>>
      %dma_start3A_40 = tpu.memref_squeeze %dma_start3A_39 : memref<1x128xi32, #tpu.memory_space<vmem>> -> memref<128xi32, #tpu.memory_space<vmem>>
      %dma_start3A_41 = arith.constant 0 : i32
      %dma_start3A_42 = arith.constant 0 : i32
      %dma_start3A_43 = tpu.memref_slice %arg5[%dma_start3A_41, %dma_start3A_42] : memref<10240x128xf32, #tpu.memory_space<hbm>> -> memref<10240x128xf32, #tpu.memory_space<hbm>>
      tpu.enqueue_indirect_dma source(%dma_start3A_43 : memref<10240x128xf32, #tpu.memory_space<hbm>>) target(%dma_start3A_37 : memref<128x128xf32, #tpu.memory_space<vmem>>) offsets(%dma_start3A_40 : memref<128xi32, #tpu.memory_space<vmem>>) semaphore(%arg15 : memref<!tpu.dma_semaphore, #tpu.memory_space<semaphore_mem>>)
      %dma_start3A_44 = arith.constant 0 : i32
      %dma_start3A_45 = arith.constant 0 : i32
      %dma_start3A_46 = arith.constant 0 : i32
      %dma_start3A_47 = arith.constant 0 : i32
      %dma_start3A_48 = tpu.memref_slice %arg14[%dma_start3A_45, %dma_start3A_46, %dma_start3A_47] : memref<2x128x128xf32, #tpu.memory_space<vmem>> -> memref<1x128x128xf32, #tpu.memory_space<vmem>>
      %dma_start3A_49 = tpu.memref_squeeze %dma_start3A_48 : memref<1x128x128xf32, #tpu.memory_space<vmem>> -> memref<128x128xf32, #tpu.memory_space<vmem>>
      %dma_start3A_50 = arith.constant 0 : i32
      %dma_start3A_51 = tpu.memref_slice %arg10[%dma_start3A_44, %dma_start3A_50] : memref<2x128xi32, #tpu.memory_space<vmem>> -> memref<1x128xi32, #tpu.memory_space<vmem>>
      %dma_start3A_52 = tpu.memref_squeeze %dma_start3A_51 : memref<1x128xi32, #tpu.memory_space<vmem>> -> memref<128xi32, #tpu.memory_space<vmem>>
      %dma_start3A_53 = arith.constant 0 : i32
      %dma_start3A_54 = arith.constant 0 : i32
      %dma_start3A_55 = tpu.memref_slice %arg6[%dma_start3A_53, %dma_start3A_54] : memref<51200x128xf32, #tpu.memory_space<hbm>> -> memref<51200x128xf32, #tpu.memory_space<hbm>>
      tpu.enqueue_indirect_dma source(%dma_start3A_55 : memref<51200x128xf32, #tpu.memory_space<hbm>>) target(%dma_start3A_49 : memref<128x128xf32, #tpu.memory_space<vmem>>) offsets(%dma_start3A_52 : memref<128xi32, #tpu.memory_space<vmem>>) semaphore(%arg15 : memref<!tpu.dma_semaphore, #tpu.memory_space<semaphore_mem>>)
      %dma_start3A_56 = arith.constant 1 : i32
      %dma_start3A_57 = arith.constant 1 : i32
      %dma_start3A_58 = arith.constant 0 : i32
      %dma_start3A_59 = arith.constant 0 : i32
      %dma_start3A_60 = tpu.memref_slice %arg12[%dma_start3A_57, %dma_start3A_58, %dma_start3A_59] : memref<2x128x128xf32, #tpu.memory_space<vmem>> -> memref<1x128x128xf32, #tpu.memory_space<vmem>>
      %dma_start3A_61 = tpu.memref_squeeze %dma_start3A_60 : memref<1x128x128xf32, #tpu.memory_space<vmem>> -> memref<128x128xf32, #tpu.memory_space<vmem>>
      %dma_start3A_62 = arith.constant 0 : i32
      %dma_start3A_63 = tpu.memref_slice %arg10[%dma_start3A_56, %dma_start3A_62] : memref<2x128xi32, #tpu.memory_space<vmem>> -> memref<1x128xi32, #tpu.memory_space<vmem>>
      %dma_start3A_64 = tpu.memref_squeeze %dma_start3A_63 : memref<1x128xi32, #tpu.memory_space<vmem>> -> memref<128xi32, #tpu.memory_space<vmem>>
      %dma_start3A_65 = arith.constant 0 : i32
      %dma_start3A_66 = arith.constant 0 : i32
      %dma_start3A_67 = tpu.memref_slice %arg4[%dma_start3A_65, %dma_start3A_66] : memref<51200x128xf32, #tpu.memory_space<hbm>> -> memref<51200x128xf32, #tpu.memory_space<hbm>>
      tpu.enqueue_indirect_dma source(%dma_start3A_67 : memref<51200x128xf32, #tpu.memory_space<hbm>>) target(%dma_start3A_61 : memref<128x128xf32, #tpu.memory_space<vmem>>) offsets(%dma_start3A_64 : memref<128xi32, #tpu.memory_space<vmem>>) semaphore(%arg15 : memref<!tpu.dma_semaphore, #tpu.memory_space<semaphore_mem>>)
      %dma_start3A_68 = arith.constant 1 : i32
      %dma_start3A_69 = arith.constant 1 : i32
      %dma_start3A_70 = arith.constant 0 : i32
      %dma_start3A_71 = arith.constant 0 : i32
      %dma_start3A_72 = tpu.memref_slice %arg13[%dma_start3A_69, %dma_start3A_70, %dma_start3A_71] : memref<2x128x128xf32, #tpu.memory_space<vmem>> -> memref<1x128x128xf32, #tpu.memory_space<vmem>>
      %dma_start3A_73 = tpu.memref_squeeze %dma_start3A_72 : memref<1x128x128xf32, #tpu.memory_space<vmem>> -> memref<128x128xf32, #tpu.memory_space<vmem>>
      %dma_start3A_74 = arith.constant 0 : i32
      %dma_start3A_75 = tpu.memref_slice %arg11[%dma_start3A_68, %dma_start3A_74] : memref<2x128xi32, #tpu.memory_space<vmem>> -> memref<1x128xi32, #tpu.memory_space<vmem>>
      %dma_start3A_76 = tpu.memref_squeeze %dma_start3A_75 : memref<1x128xi32, #tpu.memory_space<vmem>> -> memref<128xi32, #tpu.memory_space<vmem>>
      %dma_start3A_77 = arith.constant 0 : i32
      %dma_start3A_78 = arith.constant 0 : i32
      %dma_start3A_79 = tpu.memref_slice %arg5[%dma_start3A_77, %dma_start3A_78] : memref<10240x128xf32, #tpu.memory_space<hbm>> -> memref<10240x128xf32, #tpu.memory_space<hbm>>
      tpu.enqueue_indirect_dma source(%dma_start3A_79 : memref<10240x128xf32, #tpu.memory_space<hbm>>) target(%dma_start3A_73 : memref<128x128xf32, #tpu.memory_space<vmem>>) offsets(%dma_start3A_76 : memref<128xi32, #tpu.memory_space<vmem>>) semaphore(%arg15 : memref<!tpu.dma_semaphore, #tpu.memory_space<semaphore_mem>>)
      %dma_start3A_80 = arith.constant 1 : i32
      %dma_start3A_81 = arith.constant 1 : i32
      %dma_start3A_82 = arith.constant 0 : i32
      %dma_start3A_83 = arith.constant 0 : i32
      %dma_start3A_84 = tpu.memref_slice %arg14[%dma_start3A_81, %dma_start3A_82, %dma_start3A_83] : memref<2x128x128xf32, #tpu.memory_space<vmem>> -> memref<1x128x128xf32, #tpu.memory_space<vmem>>
      %dma_start3A_85 = tpu.memref_squeeze %dma_start3A_84 : memref<1x128x128xf32, #tpu.memory_space<vmem>> -> memref<128x128xf32, #tpu.memory_space<vmem>>
      %dma_start3A_86 = arith.constant 0 : i32
      %dma_start3A_87 = tpu.memref_slice %arg10[%dma_start3A_80, %dma_start3A_86] : memref<2x128xi32, #tpu.memory_space<vmem>> -> memref<1x128xi32, #tpu.memory_space<vmem>>
      %dma_start3A_88 = tpu.memref_squeeze %dma_start3A_87 : memref<1x128xi32, #tpu.memory_space<vmem>> -> memref<128xi32, #tpu.memory_space<vmem>>
      %dma_start3A_89 = arith.constant 0 : i32
      %dma_start3A_90 = arith.constant 0 : i32
      %dma_start3A_91 = tpu.memref_slice %arg6[%dma_start3A_89, %dma_start3A_90] : memref<51200x128xf32, #tpu.memory_space<hbm>> -> memref<51200x128xf32, #tpu.memory_space<hbm>>
      tpu.enqueue_indirect_dma source(%dma_start3A_91 : memref<51200x128xf32, #tpu.memory_space<hbm>>) target(%dma_start3A_85 : memref<128x128xf32, #tpu.memory_space<vmem>>) offsets(%dma_start3A_88 : memref<128xi32, #tpu.memory_space<vmem>>) semaphore(%arg15 : memref<!tpu.dma_semaphore, #tpu.memory_space<semaphore_mem>>)
      %dma_wait3A = arith.constant 0 : i32
      %dma_wait3A_92 = arith.constant 0 : i32
      %dma_wait3A_93 = arith.constant 0 : i32
      %dma_wait3A_94 = arith.constant 0 : i32
      %dma_wait3A_95 = tpu.memref_slice %arg12[%dma_wait3A_92, %dma_wait3A_93, %dma_wait3A_94] : memref<2x128x128xf32, #tpu.memory_space<vmem>> -> memref<1x128x128xf32, #tpu.memory_space<vmem>>
      %dma_wait3A_96 = tpu.memref_squeeze %dma_wait3A_95 : memref<1x128x128xf32, #tpu.memory_space<vmem>> -> memref<128x128xf32, #tpu.memory_space<vmem>>
      %dma_wait3A_97 = arith.constant 0 : i32
      %dma_wait3A_98 = tpu.memref_slice %arg10[%dma_wait3A, %dma_wait3A_97] : memref<2x128xi32, #tpu.memory_space<vmem>> -> memref<1x128xi32, #tpu.memory_space<vmem>>
      %dma_wait3A_99 = tpu.memref_squeeze %dma_wait3A_98 : memref<1x128xi32, #tpu.memory_space<vmem>> -> memref<128xi32, #tpu.memory_space<vmem>>
      %dma_wait3A_100 = arith.constant 0 : i32
      %dma_wait3A_101 = arith.constant 0 : i32
      %dma_wait3A_102 = tpu.memref_slice %arg4[%dma_wait3A_100, %dma_wait3A_101] : memref<51200x128xf32, #tpu.memory_space<hbm>> -> memref<51200x128xf32, #tpu.memory_space<hbm>>
      tpu.wait_indirect_dma semaphore(%arg15 : memref<!tpu.dma_semaphore, #tpu.memory_space<semaphore_mem>>) src(%dma_wait3A_102 : memref<51200x128xf32, #tpu.memory_space<hbm>>) dst(%dma_wait3A_96 : memref<128x128xf32, #tpu.memory_space<vmem>>)
      %dma_wait3A_103 = arith.constant 0 : i32
      %dma_wait3A_104 = arith.constant 0 : i32
      %dma_wait3A_105 = arith.constant 0 : i32
      %dma_wait3A_106 = arith.constant 0 : i32
      %dma_wait3A_107 = tpu.memref_slice %arg13[%dma_wait3A_104, %dma_wait3A_105, %dma_wait3A_106] : memref<2x128x128xf32, #tpu.memory_space<vmem>> -> memref<1x128x128xf32, #tpu.memory_space<vmem>>
      %dma_wait3A_108 = tpu.memref_squeeze %dma_wait3A_107 : memref<1x128x128xf32, #tpu.memory_space<vmem>> -> memref<128x128xf32, #tpu.memory_space<vmem>>
      %dma_wait3A_109 = arith.constant 0 : i32
      %dma_wait3A_110 = tpu.memref_slice %arg11[%dma_wait3A_103, %dma_wait3A_109] : memref<2x128xi32, #tpu.memory_space<vmem>> -> memref<1x128xi32, #tpu.memory_space<vmem>>
      %dma_wait3A_111 = tpu.memref_squeeze %dma_wait3A_110 : memref<1x128xi32, #tpu.memory_space<vmem>> -> memref<128xi32, #tpu.memory_space<vmem>>
      %dma_wait3A_112 = arith.constant 0 : i32
      %dma_wait3A_113 = arith.constant 0 : i32
      %dma_wait3A_114 = tpu.memref_slice %arg5[%dma_wait3A_112, %dma_wait3A_113] : memref<10240x128xf32, #tpu.memory_space<hbm>> -> memref<10240x128xf32, #tpu.memory_space<hbm>>
      tpu.wait_indirect_dma semaphore(%arg15 : memref<!tpu.dma_semaphore, #tpu.memory_space<semaphore_mem>>) src(%dma_wait3A_114 : memref<10240x128xf32, #tpu.memory_space<hbm>>) dst(%dma_wait3A_108 : memref<128x128xf32, #tpu.memory_space<vmem>>)
      %dma_wait3A_115 = arith.constant 0 : i32
      %dma_wait3A_116 = arith.constant 0 : i32
      %dma_wait3A_117 = arith.constant 0 : i32
      %dma_wait3A_118 = arith.constant 0 : i32
      %dma_wait3A_119 = tpu.memref_slice %arg14[%dma_wait3A_116, %dma_wait3A_117, %dma_wait3A_118] : memref<2x128x128xf32, #tpu.memory_space<vmem>> -> memref<1x128x128xf32, #tpu.memory_space<vmem>>
      %dma_wait3A_120 = tpu.memref_squeeze %dma_wait3A_119 : memref<1x128x128xf32, #tpu.memory_space<vmem>> -> memref<128x128xf32, #tpu.memory_space<vmem>>
      %dma_wait3A_121 = arith.constant 0 : i32
      %dma_wait3A_122 = tpu.memref_slice %arg10[%dma_wait3A_115, %dma_wait3A_121] : memref<2x128xi32, #tpu.memory_space<vmem>> -> memref<1x128xi32, #tpu.memory_space<vmem>>
      %dma_wait3A_123 = tpu.memref_squeeze %dma_wait3A_122 : memref<1x128xi32, #tpu.memory_space<vmem>> -> memref<128xi32, #tpu.memory_space<vmem>>
      %dma_wait3A_124 = arith.constant 0 : i32
      %dma_wait3A_125 = arith.constant 0 : i32
      %dma_wait3A_126 = tpu.memref_slice %arg6[%dma_wait3A_124, %dma_wait3A_125] : memref<51200x128xf32, #tpu.memory_space<hbm>> -> memref<51200x128xf32, #tpu.memory_space<hbm>>
      tpu.wait_indirect_dma semaphore(%arg15 : memref<!tpu.dma_semaphore, #tpu.memory_space<semaphore_mem>>) src(%dma_wait3A_126 : memref<51200x128xf32, #tpu.memory_space<hbm>>) dst(%dma_wait3A_120 : memref<128x128xf32, #tpu.memory_space<vmem>>)
      %dma_wait3A_127 = arith.constant 1 : i32
      %dma_wait3A_128 = arith.constant 1 : i32
      %dma_wait3A_129 = arith.constant 0 : i32
      %dma_wait3A_130 = arith.constant 0 : i32
      %dma_wait3A_131 = tpu.memref_slice %arg12[%dma_wait3A_128, %dma_wait3A_129, %dma_wait3A_130] : memref<2x128x128xf32, #tpu.memory_space<vmem>> -> memref<1x128x128xf32, #tpu.memory_space<vmem>>
      %dma_wait3A_132 = tpu.memref_squeeze %dma_wait3A_131 : memref<1x128x128xf32, #tpu.memory_space<vmem>> -> memref<128x128xf32, #tpu.memory_space<vmem>>
      %dma_wait3A_133 = arith.constant 0 : i32
      %dma_wait3A_134 = tpu.memref_slice %arg10[%dma_wait3A_127, %dma_wait3A_133] : memref<2x128xi32, #tpu.memory_space<vmem>> -> memref<1x128xi32, #tpu.memory_space<vmem>>
      %dma_wait3A_135 = tpu.memref_squeeze %dma_wait3A_134 : memref<1x128xi32, #tpu.memory_space<vmem>> -> memref<128xi32, #tpu.memory_space<vmem>>
      %dma_wait3A_136 = arith.constant 0 : i32
      %dma_wait3A_137 = arith.constant 0 : i32
      %dma_wait3A_138 = tpu.memref_slice %arg4[%dma_wait3A_136, %dma_wait3A_137] : memref<51200x128xf32, #tpu.memory_space<hbm>> -> memref<51200x128xf32, #tpu.memory_space<hbm>>
      tpu.wait_indirect_dma semaphore(%arg15 : memref<!tpu.dma_semaphore, #tpu.memory_space<semaphore_mem>>) src(%dma_wait3A_138 : memref<51200x128xf32, #tpu.memory_space<hbm>>) dst(%dma_wait3A_132 : memref<128x128xf32, #tpu.memory_space<vmem>>)
      %dma_wait3A_139 = arith.constant 1 : i32
      %dma_wait3A_140 = arith.constant 1 : i32
      %dma_wait3A_141 = arith.constant 0 : i32
      %dma_wait3A_142 = arith.constant 0 : i32
      %dma_wait3A_143 = tpu.memref_slice %arg13[%dma_wait3A_140, %dma_wait3A_141, %dma_wait3A_142] : memref<2x128x128xf32, #tpu.memory_space<vmem>> -> memref<1x128x128xf32, #tpu.memory_space<vmem>>
      %dma_wait3A_144 = tpu.memref_squeeze %dma_wait3A_143 : memref<1x128x128xf32, #tpu.memory_space<vmem>> -> memref<128x128xf32, #tpu.memory_space<vmem>>
      %dma_wait3A_145 = arith.constant 0 : i32
      %dma_wait3A_146 = tpu.memref_slice %arg11[%dma_wait3A_139, %dma_wait3A_145] : memref<2x128xi32, #tpu.memory_space<vmem>> -> memref<1x128xi32, #tpu.memory_space<vmem>>
      %dma_wait3A_147 = tpu.memref_squeeze %dma_wait3A_146 : memref<1x128xi32, #tpu.memory_space<vmem>> -> memref<128xi32, #tpu.memory_space<vmem>>
      %dma_wait3A_148 = arith.constant 0 : i32
      %dma_wait3A_149 = arith.constant 0 : i32
      %dma_wait3A_150 = tpu.memref_slice %arg5[%dma_wait3A_148, %dma_wait3A_149] : memref<10240x128xf32, #tpu.memory_space<hbm>> -> memref<10240x128xf32, #tpu.memory_space<hbm>>
      tpu.wait_indirect_dma semaphore(%arg15 : memref<!tpu.dma_semaphore, #tpu.memory_space<semaphore_mem>>) src(%dma_wait3A_150 : memref<10240x128xf32, #tpu.memory_space<hbm>>) dst(%dma_wait3A_144 : memref<128x128xf32, #tpu.memory_space<vmem>>)
      %dma_wait3A_151 = arith.constant 1 : i32
      %dma_wait3A_152 = arith.constant 1 : i32
      %dma_wait3A_153 = arith.constant 0 : i32
      %dma_wait3A_154 = arith.constant 0 : i32
      %dma_wait3A_155 = tpu.memref_slice %arg14[%dma_wait3A_152, %dma_wait3A_153, %dma_wait3A_154] : memref<2x128x128xf32, #tpu.memory_space<vmem>> -> memref<1x128x128xf32, #tpu.memory_space<vmem>>
      %dma_wait3A_156 = tpu.memref_squeeze %dma_wait3A_155 : memref<1x128x128xf32, #tpu.memory_space<vmem>> -> memref<128x128xf32, #tpu.memory_space<vmem>>
      %dma_wait3A_157 = arith.constant 0 : i32
      %dma_wait3A_158 = tpu.memref_slice %arg10[%dma_wait3A_151, %dma_wait3A_157] : memref<2x128xi32, #tpu.memory_space<vmem>> -> memref<1x128xi32, #tpu.memory_space<vmem>>
      %dma_wait3A_159 = tpu.memref_squeeze %dma_wait3A_158 : memref<1x128xi32, #tpu.memory_space<vmem>> -> memref<128xi32, #tpu.memory_space<vmem>>
      %dma_wait3A_160 = arith.constant 0 : i32
      %dma_wait3A_161 = arith.constant 0 : i32
      %dma_wait3A_162 = tpu.memref_slice %arg6[%dma_wait3A_160, %dma_wait3A_161] : memref<51200x128xf32, #tpu.memory_space<hbm>> -> memref<51200x128xf32, #tpu.memory_space<hbm>>
      tpu.wait_indirect_dma semaphore(%arg15 : memref<!tpu.dma_semaphore, #tpu.memory_space<semaphore_mem>>) src(%dma_wait3A_162 : memref<51200x128xf32, #tpu.memory_space<hbm>>) dst(%dma_wait3A_156 : memref<128x128xf32, #tpu.memory_space<vmem>>)
      %dma_start3A_163 = arith.constant 0 : i32
      %dma_start3A_164 = arith.constant 0 : i32
      %dma_start3A_165 = arith.constant 0 : i32
      %dma_start3A_166 = tpu.memref_slice %arg12[%dma_start3A_163, %dma_start3A_164, %dma_start3A_165] : memref<2x128x128xf32, #tpu.memory_space<vmem>> -> memref<1x128x128xf32, #tpu.memory_space<vmem>>
      %dma_start3A_167 = tpu.memref_squeeze %dma_start3A_166 : memref<1x128x128xf32, #tpu.memory_space<vmem>> -> memref<128x128xf32, #tpu.memory_space<vmem>>
      %dma_start3A_168 = arith.constant 0 : i32
      %dma_start3A_169 = tpu.memref_slice %arg7[%mul3A_15, %dma_start3A_168] : memref<163840x128xf32, #tpu.memory_space<hbm>> -> memref<128x128xf32, #tpu.memory_space<hbm>>
      %dma_start3A_170 = arith.constant 0 : i32
      %dma_start3A_171 = tpu.memref_slice %arg7[%mul3A_15, %dma_start3A_170] : memref<163840x128xf32, #tpu.memory_space<hbm>> -> memref<128x128xf32, #tpu.memory_space<hbm>>
      %dma_start3A_172 = arith.constant 0 : i32
      %dma_start3A_173 = arith.constant 0 : i32
      %dma_start3A_174 = tpu.memref_slice %arg12[%dma_start3A_163, %dma_start3A_172, %dma_start3A_173] : memref<2x128x128xf32, #tpu.memory_space<vmem>> -> memref<1x128x128xf32, #tpu.memory_space<vmem>>
      %dma_start3A_175 = tpu.memref_squeeze %dma_start3A_174 : memref<1x128x128xf32, #tpu.memory_space<vmem>> -> memref<128x128xf32, #tpu.memory_space<vmem>>
      tpu.enqueue_dma source(%dma_start3A_175 : memref<128x128xf32, #tpu.memory_space<vmem>>) target(%dma_start3A_171 : memref<128x128xf32, #tpu.memory_space<hbm>>) target_semaphore(%arg16 : memref<!tpu.dma_semaphore, #tpu.memory_space<semaphore_mem>>)
      %dma_start3A_176 = arith.constant 0 : i32
      %dma_start3A_177 = arith.constant 0 : i32
      %dma_start3A_178 = arith.constant 0 : i32
      %dma_start3A_179 = tpu.memref_slice %arg13[%dma_start3A_176, %dma_start3A_177, %dma_start3A_178] : memref<2x128x128xf32, #tpu.memory_space<vmem>> -> memref<1x128x128xf32, #tpu.memory_space<vmem>>
      %dma_start3A_180 = tpu.memref_squeeze %dma_start3A_179 : memref<1x128x128xf32, #tpu.memory_space<vmem>> -> memref<128x128xf32, #tpu.memory_space<vmem>>
      %dma_start3A_181 = arith.constant 0 : i32
      %dma_start3A_182 = tpu.memref_slice %arg8[%mul3A_15, %dma_start3A_181] : memref<163840x128xf32, #tpu.memory_space<hbm>> -> memref<128x128xf32, #tpu.memory_space<hbm>>
      %dma_start3A_183 = arith.constant 0 : i32
      %dma_start3A_184 = tpu.memref_slice %arg8[%mul3A_15, %dma_start3A_183] : memref<163840x128xf32, #tpu.memory_space<hbm>> -> memref<128x128xf32, #tpu.memory_space<hbm>>
      %dma_start3A_185 = arith.constant 0 : i32
      %dma_start3A_186 = arith.constant 0 : i32
      %dma_start3A_187 = tpu.memref_slice %arg13[%dma_start3A_176, %dma_start3A_185, %dma_start3A_186] : memref<2x128x128xf32, #tpu.memory_space<vmem>> -> memref<1x128x128xf32, #tpu.memory_space<vmem>>
      %dma_start3A_188 = tpu.memref_squeeze %dma_start3A_187 : memref<1x128x128xf32, #tpu.memory_space<vmem>> -> memref<128x128xf32, #tpu.memory_space<vmem>>
      tpu.enqueue_dma source(%dma_start3A_188 : memref<128x128xf32, #tpu.memory_space<vmem>>) target(%dma_start3A_184 : memref<128x128xf32, #tpu.memory_space<hbm>>) target_semaphore(%arg16 : memref<!tpu.dma_semaphore, #tpu.memory_space<semaphore_mem>>)
      %dma_start3A_189 = arith.constant 0 : i32
      %dma_start3A_190 = arith.constant 0 : i32
      %dma_start3A_191 = arith.constant 0 : i32
      %dma_start3A_192 = tpu.memref_slice %arg14[%dma_start3A_189, %dma_start3A_190, %dma_start3A_191] : memref<2x128x128xf32, #tpu.memory_space<vmem>> -> memref<1x128x128xf32, #tpu.memory_space<vmem>>
      %dma_start3A_193 = tpu.memref_squeeze %dma_start3A_192 : memref<1x128x128xf32, #tpu.memory_space<vmem>> -> memref<128x128xf32, #tpu.memory_space<vmem>>
      %dma_start3A_194 = arith.constant 0 : i32
      %dma_start3A_195 = tpu.memref_slice %arg9[%mul3A_15, %dma_start3A_194] : memref<163840x128xf32, #tpu.memory_space<hbm>> -> memref<128x128xf32, #tpu.memory_space<hbm>>
      %dma_start3A_196 = arith.constant 0 : i32
      %dma_start3A_197 = tpu.memref_slice %arg9[%mul3A_15, %dma_start3A_196] : memref<163840x128xf32, #tpu.memory_space<hbm>> -> memref<128x128xf32, #tpu.memory_space<hbm>>
      %dma_start3A_198 = arith.constant 0 : i32
      %dma_start3A_199 = arith.constant 0 : i32
      %dma_start3A_200 = tpu.memref_slice %arg14[%dma_start3A_189, %dma_start3A_198, %dma_start3A_199] : memref<2x128x128xf32, #tpu.memory_space<vmem>> -> memref<1x128x128xf32, #tpu.memory_space<vmem>>
      %dma_start3A_201 = tpu.memref_squeeze %dma_start3A_200 : memref<1x128x128xf32, #tpu.memory_space<vmem>> -> memref<128x128xf32, #tpu.memory_space<vmem>>
      tpu.enqueue_dma source(%dma_start3A_201 : memref<128x128xf32, #tpu.memory_space<vmem>>) target(%dma_start3A_197 : memref<128x128xf32, #tpu.memory_space<hbm>>) target_semaphore(%arg16 : memref<!tpu.dma_semaphore, #tpu.memory_space<semaphore_mem>>)
      %dma_start3A_202 = arith.constant 1 : i32
      %dma_start3A_203 = arith.constant 0 : i32
      %dma_start3A_204 = arith.constant 0 : i32
      %dma_start3A_205 = tpu.memref_slice %arg12[%dma_start3A_202, %dma_start3A_203, %dma_start3A_204] : memref<2x128x128xf32, #tpu.memory_space<vmem>> -> memref<1x128x128xf32, #tpu.memory_space<vmem>>
      %dma_start3A_206 = tpu.memref_squeeze %dma_start3A_205 : memref<1x128x128xf32, #tpu.memory_space<vmem>> -> memref<128x128xf32, #tpu.memory_space<vmem>>
      %dma_start3A_207 = arith.constant 0 : i32
      %dma_start3A_208 = tpu.memref_slice %arg7[%add3A_17, %dma_start3A_207] : memref<163840x128xf32, #tpu.memory_space<hbm>> -> memref<128x128xf32, #tpu.memory_space<hbm>>
      %dma_start3A_209 = arith.constant 0 : i32
      %dma_start3A_210 = tpu.memref_slice %arg7[%add3A_17, %dma_start3A_209] : memref<163840x128xf32, #tpu.memory_space<hbm>> -> memref<128x128xf32, #tpu.memory_space<hbm>>
      %dma_start3A_211 = arith.constant 0 : i32
      %dma_start3A_212 = arith.constant 0 : i32
      %dma_start3A_213 = tpu.memref_slice %arg12[%dma_start3A_202, %dma_start3A_211, %dma_start3A_212] : memref<2x128x128xf32, #tpu.memory_space<vmem>> -> memref<1x128x128xf32, #tpu.memory_space<vmem>>
      %dma_start3A_214 = tpu.memref_squeeze %dma_start3A_213 : memref<1x128x128xf32, #tpu.memory_space<vmem>> -> memref<128x128xf32, #tpu.memory_space<vmem>>
      tpu.enqueue_dma source(%dma_start3A_214 : memref<128x128xf32, #tpu.memory_space<vmem>>) target(%dma_start3A_210 : memref<128x128xf32, #tpu.memory_space<hbm>>) target_semaphore(%arg16 : memref<!tpu.dma_semaphore, #tpu.memory_space<semaphore_mem>>)
      %dma_start3A_215 = arith.constant 1 : i32
      %dma_start3A_216 = arith.constant 0 : i32
      %dma_start3A_217 = arith.constant 0 : i32
      %dma_start3A_218 = tpu.memref_slice %arg13[%dma_start3A_215, %dma_start3A_216, %dma_start3A_217] : memref<2x128x128xf32, #tpu.memory_space<vmem>> -> memref<1x128x128xf32, #tpu.memory_space<vmem>>
      %dma_start3A_219 = tpu.memref_squeeze %dma_start3A_218 : memref<1x128x128xf32, #tpu.memory_space<vmem>> -> memref<128x128xf32, #tpu.memory_space<vmem>>
      %dma_start3A_220 = arith.constant 0 : i32
      %dma_start3A_221 = tpu.memref_slice %arg8[%add3A_17, %dma_start3A_220] : memref<163840x128xf32, #tpu.memory_space<hbm>> -> memref<128x128xf32, #tpu.memory_space<hbm>>
      %dma_start3A_222 = arith.constant 0 : i32
      %dma_start3A_223 = tpu.memref_slice %arg8[%add3A_17, %dma_start3A_222] : memref<163840x128xf32, #tpu.memory_space<hbm>> -> memref<128x128xf32, #tpu.memory_space<hbm>>
      %dma_start3A_224 = arith.constant 0 : i32
      %dma_start3A_225 = arith.constant 0 : i32
      %dma_start3A_226 = tpu.memref_slice %arg13[%dma_start3A_215, %dma_start3A_224, %dma_start3A_225] : memref<2x128x128xf32, #tpu.memory_space<vmem>> -> memref<1x128x128xf32, #tpu.memory_space<vmem>>
      %dma_start3A_227 = tpu.memref_squeeze %dma_start3A_226 : memref<1x128x128xf32, #tpu.memory_space<vmem>> -> memref<128x128xf32, #tpu.memory_space<vmem>>
      tpu.enqueue_dma source(%dma_start3A_227 : memref<128x128xf32, #tpu.memory_space<vmem>>) target(%dma_start3A_223 : memref<128x128xf32, #tpu.memory_space<hbm>>) target_semaphore(%arg16 : memref<!tpu.dma_semaphore, #tpu.memory_space<semaphore_mem>>)
      %dma_start3A_228 = arith.constant 1 : i32
      %dma_start3A_229 = arith.constant 0 : i32
      %dma_start3A_230 = arith.constant 0 : i32
      %dma_start3A_231 = tpu.memref_slice %arg14[%dma_start3A_228, %dma_start3A_229, %dma_start3A_230] : memref<2x128x128xf32, #tpu.memory_space<vmem>> -> memref<1x128x128xf32, #tpu.memory_space<vmem>>
      %dma_start3A_232 = tpu.memref_squeeze %dma_start3A_231 : memref<1x128x128xf32, #tpu.memory_space<vmem>> -> memref<128x128xf32, #tpu.memory_space<vmem>>
      %dma_start3A_233 = arith.constant 0 : i32
      %dma_start3A_234 = tpu.memref_slice %arg9[%add3A_17, %dma_start3A_233] : memref<163840x128xf32, #tpu.memory_space<hbm>> -> memref<128x128xf32, #tpu.memory_space<hbm>>
      %dma_start3A_235 = arith.constant 0 : i32
      %dma_start3A_236 = tpu.memref_slice %arg9[%add3A_17, %dma_start3A_235] : memref<163840x128xf32, #tpu.memory_space<hbm>> -> memref<128x128xf32, #tpu.memory_space<hbm>>
      %dma_start3A_237 = arith.constant 0 : i32
      %dma_start3A_238 = arith.constant 0 : i32
      %dma_start3A_239 = tpu.memref_slice %arg14[%dma_start3A_228, %dma_start3A_237, %dma_start3A_238] : memref<2x128x128xf32, #tpu.memory_space<vmem>> -> memref<1x128x128xf32, #tpu.memory_space<vmem>>
      %dma_start3A_240 = tpu.memref_squeeze %dma_start3A_239 : memref<1x128x128xf32, #tpu.memory_space<vmem>> -> memref<128x128xf32, #tpu.memory_space<vmem>>
      tpu.enqueue_dma source(%dma_start3A_240 : memref<128x128xf32, #tpu.memory_space<vmem>>) target(%dma_start3A_236 : memref<128x128xf32, #tpu.memory_space<hbm>>) target_semaphore(%arg16 : memref<!tpu.dma_semaphore, #tpu.memory_space<semaphore_mem>>)
      %dma_wait3A_241 = arith.constant 0 : i32
      %dma_wait3A_242 = arith.constant 0 : i32
      %dma_wait3A_243 = arith.constant 0 : i32
      %dma_wait3A_244 = tpu.memref_slice %arg12[%dma_wait3A_241, %dma_wait3A_242, %dma_wait3A_243] : memref<2x128x128xf32, #tpu.memory_space<vmem>> -> memref<1x128x128xf32, #tpu.memory_space<vmem>>
      %dma_wait3A_245 = tpu.memref_squeeze %dma_wait3A_244 : memref<1x128x128xf32, #tpu.memory_space<vmem>> -> memref<128x128xf32, #tpu.memory_space<vmem>>
      %dma_wait3A_246 = arith.constant 0 : i32
      %dma_wait3A_247 = tpu.memref_slice %arg7[%mul3A_15, %dma_wait3A_246] : memref<163840x128xf32, #tpu.memory_space<hbm>> -> memref<128x128xf32, #tpu.memory_space<hbm>>
      %dma_wait3A_248 = arith.constant 0 : i32
      %dma_wait3A_249 = tpu.memref_slice %arg7[%mul3A_15, %dma_wait3A_248] : memref<163840x128xf32, #tpu.memory_space<hbm>> -> memref<128x128xf32, #tpu.memory_space<hbm>>
      %dma_wait3A_250 = arith.constant 0 : i32
      %dma_wait3A_251 = arith.constant 0 : i32
      %dma_wait3A_252 = tpu.memref_slice %arg12[%dma_wait3A_241, %dma_wait3A_250, %dma_wait3A_251] : memref<2x128x128xf32, #tpu.memory_space<vmem>> -> memref<1x128x128xf32, #tpu.memory_space<vmem>>
      %dma_wait3A_253 = tpu.memref_squeeze %dma_wait3A_252 : memref<1x128x128xf32, #tpu.memory_space<vmem>> -> memref<128x128xf32, #tpu.memory_space<vmem>>
      tpu.wait_dma2 semaphore(%arg16 : memref<!tpu.dma_semaphore, #tpu.memory_space<semaphore_mem>>) src(%dma_wait3A_253 : memref<128x128xf32, #tpu.memory_space<vmem>>) dst(%dma_wait3A_249 : memref<128x128xf32, #tpu.memory_space<hbm>>)
      %dma_wait3A_254 = arith.constant 0 : i32
      %dma_wait3A_255 = arith.constant 0 : i32
      %dma_wait3A_256 = arith.constant 0 : i32
      %dma_wait3A_257 = tpu.memref_slice %arg13[%dma_wait3A_254, %dma_wait3A_255, %dma_wait3A_256] : memref<2x128x128xf32, #tpu.memory_space<vmem>> -> memref<1x128x128xf32, #tpu.memory_space<vmem>>
      %dma_wait3A_258 = tpu.memref_squeeze %dma_wait3A_257 : memref<1x128x128xf32, #tpu.memory_space<vmem>> -> memref<128x128xf32, #tpu.memory_space<vmem>>
      %dma_wait3A_259 = arith.constant 0 : i32
      %dma_wait3A_260 = tpu.memref_slice %arg8[%mul3A_15, %dma_wait3A_259] : memref<163840x128xf32, #tpu.memory_space<hbm>> -> memref<128x128xf32, #tpu.memory_space<hbm>>
      %dma_wait3A_261 = arith.constant 0 : i32
      %dma_wait3A_262 = tpu.memref_slice %arg8[%mul3A_15, %dma_wait3A_261] : memref<163840x128xf32, #tpu.memory_space<hbm>> -> memref<128x128xf32, #tpu.memory_space<hbm>>
      %dma_wait3A_263 = arith.constant 0 : i32
      %dma_wait3A_264 = arith.constant 0 : i32
      %dma_wait3A_265 = tpu.memref_slice %arg13[%dma_wait3A_254, %dma_wait3A_263, %dma_wait3A_264] : memref<2x128x128xf32, #tpu.memory_space<vmem>> -> memref<1x128x128xf32, #tpu.memory_space<vmem>>
      %dma_wait3A_266 = tpu.memref_squeeze %dma_wait3A_265 : memref<1x128x128xf32, #tpu.memory_space<vmem>> -> memref<128x128xf32, #tpu.memory_space<vmem>>
      tpu.wait_dma2 semaphore(%arg16 : memref<!tpu.dma_semaphore, #tpu.memory_space<semaphore_mem>>) src(%dma_wait3A_266 : memref<128x128xf32, #tpu.memory_space<vmem>>) dst(%dma_wait3A_262 : memref<128x128xf32, #tpu.memory_space<hbm>>)
      %dma_wait3A_267 = arith.constant 0 : i32
      %dma_wait3A_268 = arith.constant 0 : i32
      %dma_wait3A_269 = arith.constant 0 : i32
      %dma_wait3A_270 = tpu.memref_slice %arg14[%dma_wait3A_267, %dma_wait3A_268, %dma_wait3A_269] : memref<2x128x128xf32, #tpu.memory_space<vmem>> -> memref<1x128x128xf32, #tpu.memory_space<vmem>>
      %dma_wait3A_271 = tpu.memref_squeeze %dma_wait3A_270 : memref<1x128x128xf32, #tpu.memory_space<vmem>> -> memref<128x128xf32, #tpu.memory_space<vmem>>
      %dma_wait3A_272 = arith.constant 0 : i32
      %dma_wait3A_273 = tpu.memref_slice %arg9[%mul3A_15, %dma_wait3A_272] : memref<163840x128xf32, #tpu.memory_space<hbm>> -> memref<128x128xf32, #tpu.memory_space<hbm>>
      %dma_wait3A_274 = arith.constant 0 : i32
      %dma_wait3A_275 = tpu.memref_slice %arg9[%mul3A_15, %dma_wait3A_274] : memref<163840x128xf32, #tpu.memory_space<hbm>> -> memref<128x128xf32, #tpu.memory_space<hbm>>
      %dma_wait3A_276 = arith.constant 0 : i32
      %dma_wait3A_277 = arith.constant 0 : i32
      %dma_wait3A_278 = tpu.memref_slice %arg14[%dma_wait3A_267, %dma_wait3A_276, %dma_wait3A_277] : memref<2x128x128xf32, #tpu.memory_space<vmem>> -> memref<1x128x128xf32, #tpu.memory_space<vmem>>
      %dma_wait3A_279 = tpu.memref_squeeze %dma_wait3A_278 : memref<1x128x128xf32, #tpu.memory_space<vmem>> -> memref<128x128xf32, #tpu.memory_space<vmem>>
      tpu.wait_dma2 semaphore(%arg16 : memref<!tpu.dma_semaphore, #tpu.memory_space<semaphore_mem>>) src(%dma_wait3A_279 : memref<128x128xf32, #tpu.memory_space<vmem>>) dst(%dma_wait3A_275 : memref<128x128xf32, #tpu.memory_space<hbm>>)
      %dma_wait3A_280 = arith.constant 1 : i32
      %dma_wait3A_281 = arith.constant 0 : i32
      %dma_wait3A_282 = arith.constant 0 : i32
      %dma_wait3A_283 = tpu.memref_slice %arg12[%dma_wait3A_280, %dma_wait3A_281, %dma_wait3A_282] : memref<2x128x128xf32, #tpu.memory_space<vmem>> -> memref<1x128x128xf32, #tpu.memory_space<vmem>>
      %dma_wait3A_284 = tpu.memref_squeeze %dma_wait3A_283 : memref<1x128x128xf32, #tpu.memory_space<vmem>> -> memref<128x128xf32, #tpu.memory_space<vmem>>
      %dma_wait3A_285 = arith.constant 0 : i32
      %dma_wait3A_286 = tpu.memref_slice %arg7[%add3A_17, %dma_wait3A_285] : memref<163840x128xf32, #tpu.memory_space<hbm>> -> memref<128x128xf32, #tpu.memory_space<hbm>>
      %dma_wait3A_287 = arith.constant 0 : i32
      %dma_wait3A_288 = tpu.memref_slice %arg7[%add3A_17, %dma_wait3A_287] : memref<163840x128xf32, #tpu.memory_space<hbm>> -> memref<128x128xf32, #tpu.memory_space<hbm>>
      %dma_wait3A_289 = arith.constant 0 : i32
      %dma_wait3A_290 = arith.constant 0 : i32
      %dma_wait3A_291 = tpu.memref_slice %arg12[%dma_wait3A_280, %dma_wait3A_289, %dma_wait3A_290] : memref<2x128x128xf32, #tpu.memory_space<vmem>> -> memref<1x128x128xf32, #tpu.memory_space<vmem>>
      %dma_wait3A_292 = tpu.memref_squeeze %dma_wait3A_291 : memref<1x128x128xf32, #tpu.memory_space<vmem>> -> memref<128x128xf32, #tpu.memory_space<vmem>>
      tpu.wait_dma2 semaphore(%arg16 : memref<!tpu.dma_semaphore, #tpu.memory_space<semaphore_mem>>) src(%dma_wait3A_292 : memref<128x128xf32, #tpu.memory_space<vmem>>) dst(%dma_wait3A_288 : memref<128x128xf32, #tpu.memory_space<hbm>>)
      %dma_wait3A_293 = arith.constant 1 : i32
      %dma_wait3A_294 = arith.constant 0 : i32
      %dma_wait3A_295 = arith.constant 0 : i32
      %dma_wait3A_296 = tpu.memref_slice %arg13[%dma_wait3A_293, %dma_wait3A_294, %dma_wait3A_295] : memref<2x128x128xf32, #tpu.memory_space<vmem>> -> memref<1x128x128xf32, #tpu.memory_space<vmem>>
      %dma_wait3A_297 = tpu.memref_squeeze %dma_wait3A_296 : memref<1x128x128xf32, #tpu.memory_space<vmem>> -> memref<128x128xf32, #tpu.memory_space<vmem>>
      %dma_wait3A_298 = arith.constant 0 : i32
      %dma_wait3A_299 = tpu.memref_slice %arg8[%add3A_17, %dma_wait3A_298] : memref<163840x128xf32, #tpu.memory_space<hbm>> -> memref<128x128xf32, #tpu.memory_space<hbm>>
      %dma_wait3A_300 = arith.constant 0 : i32
      %dma_wait3A_301 = tpu.memref_slice %arg8[%add3A_17, %dma_wait3A_300] : memref<163840x128xf32, #tpu.memory_space<hbm>> -> memref<128x128xf32, #tpu.memory_space<hbm>>
      %dma_wait3A_302 = arith.constant 0 : i32
      %dma_wait3A_303 = arith.constant 0 : i32
      %dma_wait3A_304 = tpu.memref_slice %arg13[%dma_wait3A_293, %dma_wait3A_302, %dma_wait3A_303] : memref<2x128x128xf32, #tpu.memory_space<vmem>> -> memref<1x128x128xf32, #tpu.memory_space<vmem>>
      %dma_wait3A_305 = tpu.memref_squeeze %dma_wait3A_304 : memref<1x128x128xf32, #tpu.memory_space<vmem>> -> memref<128x128xf32, #tpu.memory_space<vmem>>
      tpu.wait_dma2 semaphore(%arg16 : memref<!tpu.dma_semaphore, #tpu.memory_space<semaphore_mem>>) src(%dma_wait3A_305 : memref<128x128xf32, #tpu.memory_space<vmem>>) dst(%dma_wait3A_301 : memref<128x128xf32, #tpu.memory_space<hbm>>)
      %dma_wait3A_306 = arith.constant 1 : i32
      %dma_wait3A_307 = arith.constant 0 : i32
      %dma_wait3A_308 = arith.constant 0 : i32
      %dma_wait3A_309 = tpu.memref_slice %arg14[%dma_wait3A_306, %dma_wait3A_307, %dma_wait3A_308] : memref<2x128x128xf32, #tpu.memory_space<vmem>> -> memref<1x128x128xf32, #tpu.memory_space<vmem>>
      %dma_wait3A_310 = tpu.memref_squeeze %dma_wait3A_309 : memref<1x128x128xf32, #tpu.memory_space<vmem>> -> memref<128x128xf32, #tpu.memory_space<vmem>>
      %dma_wait3A_311 = arith.constant 0 : i32
      %dma_wait3A_312 = tpu.memref_slice %arg9[%add3A_17, %dma_wait3A_311] : memref<163840x128xf32, #tpu.memory_space<hbm>> -> memref<128x128xf32, #tpu.memory_space<hbm>>
      %dma_wait3A_313 = arith.constant 0 : i32
      %dma_wait3A_314 = tpu.memref_slice %arg9[%add3A_17, %dma_wait3A_313] : memref<163840x128xf32, #tpu.memory_space<hbm>> -> memref<128x128xf32, #tpu.memory_space<hbm>>
      %dma_wait3A_315 = arith.constant 0 : i32
      %dma_wait3A_316 = arith.constant 0 : i32
      %dma_wait3A_317 = tpu.memref_slice %arg14[%dma_wait3A_306, %dma_wait3A_315, %dma_wait3A_316] : memref<2x128x128xf32, #tpu.memory_space<vmem>> -> memref<1x128x128xf32, #tpu.memory_space<vmem>>
      %dma_wait3A_318 = tpu.memref_squeeze %dma_wait3A_317 : memref<1x128x128xf32, #tpu.memory_space<vmem>> -> memref<128x128xf32, #tpu.memory_space<vmem>>
      tpu.wait_dma2 semaphore(%arg16 : memref<!tpu.dma_semaphore, #tpu.memory_space<semaphore_mem>>) src(%dma_wait3A_318 : memref<128x128xf32, #tpu.memory_space<vmem>>) dst(%dma_wait3A_314 : memref<128x128xf32, #tpu.memory_space<hbm>>)
      %scan3A_319 = arith.constant 0 : i32
      scf.yield %scan3A_319 : i32
    }
    %scan3A_6 = arith.constant 20 : i32
    return
  }
}

#map = affine_map<(d0, d1) -> (0)>
#map1 = affine_map<(d0, d1) -> (0, 0)>
#map2 = affine_map<(d0, d1) -> (0, 0, 0)>
module attributes {stable_mosaic.version = 14 : i64} {
  func.func @_sc_scatter128(%arg0: i32, %arg1: i32, %arg2: memref<163840xi32, #tpu.memory_space<hbm>>, %arg3: memref<163840x128xf32, #tpu.memory_space<hbm>>, %arg4: memref<10240x128xf32, #tpu.memory_space<hbm>>, %arg5: memref<2x10240x128xf32, #tpu.memory_space<hbm>>, %arg6: memref<2x128xi32, #tpu.memory_space<vmem>>, %arg7: memref<2x128x128xf32, #tpu.memory_space<vmem>>, %arg8: memref<10240x128xf32, #tpu.memory_space<vmem_shared>>, %arg9: memref<!tpu.dma_semaphore, #tpu.memory_space<semaphore_mem>>, %arg10: memref<!tpu.dma_semaphore, #tpu.memory_space<semaphore_mem>>) attributes {dimension_semantics = [#tpu.dimension_semantics<core_parallel>, #tpu.dimension_semantics<subcore_parallel>], iteration_bounds = array<i64: 2, 16>, scalar_prefetch = 0 : i64, scratch_operands = 5 : i64, tpu.core_type = #tpu.core_type<sc_vector_subcore>, window_params = [{transform_indices = #map}, {transform_indices = #map1}, {transform_indices = #map1}, {transform_indices = #map2}]} {
    %mul3A = arith.constant 2 : i32
    %mul3A_0 = arith.muli %arg1, %mul3A : i32
    %add3A = arith.addi %mul3A_0, %arg0 : i32
    %eq3A = arith.constant 0 : i32
    %eq3A_1 = arith.cmpi eq, %arg1, %eq3A : i32
    %convert_element_type3A = arith.extui %eq3A_1 : i1 to i32
    %cond3A = arith.constant 0 : i32
    %cond3A_2 = arith.cmpi ne, %convert_element_type3A, %cond3A : i32
    scf.if %cond3A_2 {
      "tpu.region"() ({
        %run_scoped3A = tpu.sem_alloc : memref<!tpu.dma_semaphore, #tpu.memory_space<semaphore_mem>>
        tpu.enqueue_dma source(%arg4 : memref<10240x128xf32, #tpu.memory_space<hbm>>) target(%arg8 : memref<10240x128xf32, #tpu.memory_space<vmem_shared>>) target_semaphore(%run_scoped3A : memref<!tpu.dma_semaphore, #tpu.memory_space<semaphore_mem>>)
        tpu.wait_dma2 semaphore(%run_scoped3A : memref<!tpu.dma_semaphore, #tpu.memory_space<semaphore_mem>>) src(%arg4 : memref<10240x128xf32, #tpu.memory_space<hbm>>) dst(%arg8 : memref<10240x128xf32, #tpu.memory_space<vmem_shared>>)
        tpu.yield
      }) : () -> ()
    } else {
    }
    %barrier3A = arith.constant 0 : index
    tpu.barrier barrier_id(%barrier3A)
    %scan3A = arith.constant 0 : i32
    %scan3A_3 = arith.constant 0 : i32
    %scan3A_4 = arith.constant 20 : i32
    %scan3A_5 = arith.addi %scan3A_3, %scan3A_4 : i32
    %scan3A_6 = arith.constant 1 : i32
    %scan3A_7 = scf.for %scan3A_15 = %scan3A_3 to %scan3A_5 step %scan3A_6 iter_args(%scan3A_16 = %scan3A) -> (i32)  : i32 {
      %mul3A_17 = arith.constant 40 : i32
      %mul3A_18 = arith.muli %add3A, %mul3A_17 : i32
      %mul3A_19 = arith.constant 2 : i32
      %mul3A_20 = arith.muli %mul3A_19, %scan3A_15 : i32
      %add3A_21 = arith.addi %mul3A_18, %mul3A_20 : i32
      %mul3A_22 = arith.constant 128 : i32
      %mul3A_23 = arith.muli %add3A_21, %mul3A_22 : i32
      %add3A_24 = arith.constant 128 : i32
      %add3A_25 = arith.addi %mul3A_23, %add3A_24 : i32
      %run_scoped3A = arith.constant 0 : i32
      "tpu.region"() ({
        %run_scoped3A_126 = tpu.sem_alloc : memref<!tpu.dma_semaphore, #tpu.memory_space<semaphore_mem>>
        %dma_start3A_127 = arith.constant 0 : i32
        %dma_start3A_128 = tpu.memref_slice %arg6[%run_scoped3A, %dma_start3A_127] : memref<2x128xi32, #tpu.memory_space<vmem>> -> memref<1x128xi32, #tpu.memory_space<vmem>>
        %dma_start3A_129 = tpu.memref_squeeze %dma_start3A_128 : memref<1x128xi32, #tpu.memory_space<vmem>> -> memref<128xi32, #tpu.memory_space<vmem>>
        %dma_start3A_130 = tpu.memref_slice %arg2[%mul3A_23] : memref<163840xi32, #tpu.memory_space<hbm>> -> memref<128xi32, #tpu.memory_space<hbm>>
        %dma_start3A_131 = arith.constant 0 : i32
        %dma_start3A_132 = tpu.memref_slice %arg6[%run_scoped3A, %dma_start3A_131] : memref<2x128xi32, #tpu.memory_space<vmem>> -> memref<1x128xi32, #tpu.memory_space<vmem>>
        %dma_start3A_133 = tpu.memref_squeeze %dma_start3A_132 : memref<1x128xi32, #tpu.memory_space<vmem>> -> memref<128xi32, #tpu.memory_space<vmem>>
        %dma_start3A_134 = tpu.memref_slice %arg2[%mul3A_23] : memref<163840xi32, #tpu.memory_space<hbm>> -> memref<128xi32, #tpu.memory_space<hbm>>
        tpu.enqueue_dma source(%dma_start3A_134 : memref<128xi32, #tpu.memory_space<hbm>>) target(%dma_start3A_133 : memref<128xi32, #tpu.memory_space<vmem>>) target_semaphore(%run_scoped3A_126 : memref<!tpu.dma_semaphore, #tpu.memory_space<semaphore_mem>>)
        %dma_wait3A_135 = arith.constant 0 : i32
        %dma_wait3A_136 = tpu.memref_slice %arg6[%run_scoped3A, %dma_wait3A_135] : memref<2x128xi32, #tpu.memory_space<vmem>> -> memref<1x128xi32, #tpu.memory_space<vmem>>
        %dma_wait3A_137 = tpu.memref_squeeze %dma_wait3A_136 : memref<1x128xi32, #tpu.memory_space<vmem>> -> memref<128xi32, #tpu.memory_space<vmem>>
        %dma_wait3A_138 = tpu.memref_slice %arg2[%mul3A_23] : memref<163840xi32, #tpu.memory_space<hbm>> -> memref<128xi32, #tpu.memory_space<hbm>>
        %dma_wait3A_139 = arith.constant 0 : i32
        %dma_wait3A_140 = tpu.memref_slice %arg6[%run_scoped3A, %dma_wait3A_139] : memref<2x128xi32, #tpu.memory_space<vmem>> -> memref<1x128xi32, #tpu.memory_space<vmem>>
        %dma_wait3A_141 = tpu.memref_squeeze %dma_wait3A_140 : memref<1x128xi32, #tpu.memory_space<vmem>> -> memref<128xi32, #tpu.memory_space<vmem>>
        %dma_wait3A_142 = tpu.memref_slice %arg2[%mul3A_23] : memref<163840xi32, #tpu.memory_space<hbm>> -> memref<128xi32, #tpu.memory_space<hbm>>
        tpu.wait_dma2 semaphore(%run_scoped3A_126 : memref<!tpu.dma_semaphore, #tpu.memory_space<semaphore_mem>>) src(%dma_wait3A_142 : memref<128xi32, #tpu.memory_space<hbm>>) dst(%dma_wait3A_141 : memref<128xi32, #tpu.memory_space<vmem>>)
        tpu.yield
      }) : () -> ()
      %run_scoped3A_26 = arith.constant 1 : i32
      "tpu.region"() ({
        %run_scoped3A_126 = tpu.sem_alloc : memref<!tpu.dma_semaphore, #tpu.memory_space<semaphore_mem>>
        %dma_start3A_127 = arith.constant 0 : i32
        %dma_start3A_128 = tpu.memref_slice %arg6[%run_scoped3A_26, %dma_start3A_127] : memref<2x128xi32, #tpu.memory_space<vmem>> -> memref<1x128xi32, #tpu.memory_space<vmem>>
        %dma_start3A_129 = tpu.memref_squeeze %dma_start3A_128 : memref<1x128xi32, #tpu.memory_space<vmem>> -> memref<128xi32, #tpu.memory_space<vmem>>
        %dma_start3A_130 = tpu.memref_slice %arg2[%add3A_25] : memref<163840xi32, #tpu.memory_space<hbm>> -> memref<128xi32, #tpu.memory_space<hbm>>
        %dma_start3A_131 = arith.constant 0 : i32
        %dma_start3A_132 = tpu.memref_slice %arg6[%run_scoped3A_26, %dma_start3A_131] : memref<2x128xi32, #tpu.memory_space<vmem>> -> memref<1x128xi32, #tpu.memory_space<vmem>>
        %dma_start3A_133 = tpu.memref_squeeze %dma_start3A_132 : memref<1x128xi32, #tpu.memory_space<vmem>> -> memref<128xi32, #tpu.memory_space<vmem>>
        %dma_start3A_134 = tpu.memref_slice %arg2[%add3A_25] : memref<163840xi32, #tpu.memory_space<hbm>> -> memref<128xi32, #tpu.memory_space<hbm>>
        tpu.enqueue_dma source(%dma_start3A_134 : memref<128xi32, #tpu.memory_space<hbm>>) target(%dma_start3A_133 : memref<128xi32, #tpu.memory_space<vmem>>) target_semaphore(%run_scoped3A_126 : memref<!tpu.dma_semaphore, #tpu.memory_space<semaphore_mem>>)
        %dma_wait3A_135 = arith.constant 0 : i32
        %dma_wait3A_136 = tpu.memref_slice %arg6[%run_scoped3A_26, %dma_wait3A_135] : memref<2x128xi32, #tpu.memory_space<vmem>> -> memref<1x128xi32, #tpu.memory_space<vmem>>
        %dma_wait3A_137 = tpu.memref_squeeze %dma_wait3A_136 : memref<1x128xi32, #tpu.memory_space<vmem>> -> memref<128xi32, #tpu.memory_space<vmem>>
        %dma_wait3A_138 = tpu.memref_slice %arg2[%add3A_25] : memref<163840xi32, #tpu.memory_space<hbm>> -> memref<128xi32, #tpu.memory_space<hbm>>
        %dma_wait3A_139 = arith.constant 0 : i32
        %dma_wait3A_140 = tpu.memref_slice %arg6[%run_scoped3A_26, %dma_wait3A_139] : memref<2x128xi32, #tpu.memory_space<vmem>> -> memref<1x128xi32, #tpu.memory_space<vmem>>
        %dma_wait3A_141 = tpu.memref_squeeze %dma_wait3A_140 : memref<1x128xi32, #tpu.memory_space<vmem>> -> memref<128xi32, #tpu.memory_space<vmem>>
        %dma_wait3A_142 = tpu.memref_slice %arg2[%add3A_25] : memref<163840xi32, #tpu.memory_space<hbm>> -> memref<128xi32, #tpu.memory_space<hbm>>
        tpu.wait_dma2 semaphore(%run_scoped3A_126 : memref<!tpu.dma_semaphore, #tpu.memory_space<semaphore_mem>>) src(%dma_wait3A_142 : memref<128xi32, #tpu.memory_space<hbm>>) dst(%dma_wait3A_141 : memref<128xi32, #tpu.memory_space<vmem>>)
        tpu.yield
      }) : () -> ()
      %dma_start3A = arith.constant 0 : i32
      %dma_start3A_27 = arith.constant 0 : i32
      %dma_start3A_28 = arith.constant 0 : i32
      %dma_start3A_29 = tpu.memref_slice %arg7[%dma_start3A, %dma_start3A_27, %dma_start3A_28] : memref<2x128x128xf32, #tpu.memory_space<vmem>> -> memref<1x128x128xf32, #tpu.memory_space<vmem>>
      %dma_start3A_30 = tpu.memref_squeeze %dma_start3A_29 : memref<1x128x128xf32, #tpu.memory_space<vmem>> -> memref<128x128xf32, #tpu.memory_space<vmem>>
      %dma_start3A_31 = arith.constant 0 : i32
      %dma_start3A_32 = tpu.memref_slice %arg3[%mul3A_23, %dma_start3A_31] : memref<163840x128xf32, #tpu.memory_space<hbm>> -> memref<128x128xf32, #tpu.memory_space<hbm>>
      %dma_start3A_33 = arith.constant 0 : i32
      %dma_start3A_34 = arith.constant 0 : i32
      %dma_start3A_35 = tpu.memref_slice %arg7[%dma_start3A, %dma_start3A_33, %dma_start3A_34] : memref<2x128x128xf32, #tpu.memory_space<vmem>> -> memref<1x128x128xf32, #tpu.memory_space<vmem>>
      %dma_start3A_36 = tpu.memref_squeeze %dma_start3A_35 : memref<1x128x128xf32, #tpu.memory_space<vmem>> -> memref<128x128xf32, #tpu.memory_space<vmem>>
      %dma_start3A_37 = arith.constant 0 : i32
      %dma_start3A_38 = tpu.memref_slice %arg3[%mul3A_23, %dma_start3A_37] : memref<163840x128xf32, #tpu.memory_space<hbm>> -> memref<128x128xf32, #tpu.memory_space<hbm>>
      tpu.enqueue_dma source(%dma_start3A_38 : memref<128x128xf32, #tpu.memory_space<hbm>>) target(%dma_start3A_36 : memref<128x128xf32, #tpu.memory_space<vmem>>) target_semaphore(%arg9 : memref<!tpu.dma_semaphore, #tpu.memory_space<semaphore_mem>>)
      %dma_start3A_39 = arith.constant 1 : i32
      %dma_start3A_40 = arith.constant 0 : i32
      %dma_start3A_41 = arith.constant 0 : i32
      %dma_start3A_42 = tpu.memref_slice %arg7[%dma_start3A_39, %dma_start3A_40, %dma_start3A_41] : memref<2x128x128xf32, #tpu.memory_space<vmem>> -> memref<1x128x128xf32, #tpu.memory_space<vmem>>
      %dma_start3A_43 = tpu.memref_squeeze %dma_start3A_42 : memref<1x128x128xf32, #tpu.memory_space<vmem>> -> memref<128x128xf32, #tpu.memory_space<vmem>>
      %dma_start3A_44 = arith.constant 0 : i32
      %dma_start3A_45 = tpu.memref_slice %arg3[%add3A_25, %dma_start3A_44] : memref<163840x128xf32, #tpu.memory_space<hbm>> -> memref<128x128xf32, #tpu.memory_space<hbm>>
      %dma_start3A_46 = arith.constant 0 : i32
      %dma_start3A_47 = arith.constant 0 : i32
      %dma_start3A_48 = tpu.memref_slice %arg7[%dma_start3A_39, %dma_start3A_46, %dma_start3A_47] : memref<2x128x128xf32, #tpu.memory_space<vmem>> -> memref<1x128x128xf32, #tpu.memory_space<vmem>>
      %dma_start3A_49 = tpu.memref_squeeze %dma_start3A_48 : memref<1x128x128xf32, #tpu.memory_space<vmem>> -> memref<128x128xf32, #tpu.memory_space<vmem>>
      %dma_start3A_50 = arith.constant 0 : i32
      %dma_start3A_51 = tpu.memref_slice %arg3[%add3A_25, %dma_start3A_50] : memref<163840x128xf32, #tpu.memory_space<hbm>> -> memref<128x128xf32, #tpu.memory_space<hbm>>
      tpu.enqueue_dma source(%dma_start3A_51 : memref<128x128xf32, #tpu.memory_space<hbm>>) target(%dma_start3A_49 : memref<128x128xf32, #tpu.memory_space<vmem>>) target_semaphore(%arg9 : memref<!tpu.dma_semaphore, #tpu.memory_space<semaphore_mem>>)
      %dma_wait3A = arith.constant 0 : i32
      %dma_wait3A_52 = arith.constant 0 : i32
      %dma_wait3A_53 = arith.constant 0 : i32
      %dma_wait3A_54 = tpu.memref_slice %arg7[%dma_wait3A, %dma_wait3A_52, %dma_wait3A_53] : memref<2x128x128xf32, #tpu.memory_space<vmem>> -> memref<1x128x128xf32, #tpu.memory_space<vmem>>
      %dma_wait3A_55 = tpu.memref_squeeze %dma_wait3A_54 : memref<1x128x128xf32, #tpu.memory_space<vmem>> -> memref<128x128xf32, #tpu.memory_space<vmem>>
      %dma_wait3A_56 = arith.constant 0 : i32
      %dma_wait3A_57 = tpu.memref_slice %arg3[%mul3A_23, %dma_wait3A_56] : memref<163840x128xf32, #tpu.memory_space<hbm>> -> memref<128x128xf32, #tpu.memory_space<hbm>>
      %dma_wait3A_58 = arith.constant 0 : i32
      %dma_wait3A_59 = arith.constant 0 : i32
      %dma_wait3A_60 = tpu.memref_slice %arg7[%dma_wait3A, %dma_wait3A_58, %dma_wait3A_59] : memref<2x128x128xf32, #tpu.memory_space<vmem>> -> memref<1x128x128xf32, #tpu.memory_space<vmem>>
      %dma_wait3A_61 = tpu.memref_squeeze %dma_wait3A_60 : memref<1x128x128xf32, #tpu.memory_space<vmem>> -> memref<128x128xf32, #tpu.memory_space<vmem>>
      %dma_wait3A_62 = arith.constant 0 : i32
      %dma_wait3A_63 = tpu.memref_slice %arg3[%mul3A_23, %dma_wait3A_62] : memref<163840x128xf32, #tpu.memory_space<hbm>> -> memref<128x128xf32, #tpu.memory_space<hbm>>
      tpu.wait_dma2 semaphore(%arg9 : memref<!tpu.dma_semaphore, #tpu.memory_space<semaphore_mem>>) src(%dma_wait3A_63 : memref<128x128xf32, #tpu.memory_space<hbm>>) dst(%dma_wait3A_61 : memref<128x128xf32, #tpu.memory_space<vmem>>)
      %dma_start3A_64 = arith.constant 0 : i32
      %dma_start3A_65 = arith.constant 0 : i32
      %dma_start3A_66 = arith.constant 0 : i32
      %dma_start3A_67 = arith.constant 0 : i32
      %dma_start3A_68 = tpu.memref_slice %arg7[%dma_start3A_64, %dma_start3A_66, %dma_start3A_67] : memref<2x128x128xf32, #tpu.memory_space<vmem>> -> memref<1x128x128xf32, #tpu.memory_space<vmem>>
      %dma_start3A_69 = tpu.memref_squeeze %dma_start3A_68 : memref<1x128x128xf32, #tpu.memory_space<vmem>> -> memref<128x128xf32, #tpu.memory_space<vmem>>
      %dma_start3A_70 = arith.constant 0 : i32
      %dma_start3A_71 = tpu.memref_slice %arg6[%dma_start3A_65, %dma_start3A_70] : memref<2x128xi32, #tpu.memory_space<vmem>> -> memref<1x128xi32, #tpu.memory_space<vmem>>
      %dma_start3A_72 = tpu.memref_squeeze %dma_start3A_71 : memref<1x128xi32, #tpu.memory_space<vmem>> -> memref<128xi32, #tpu.memory_space<vmem>>
      %dma_start3A_73 = arith.constant 0 : i32
      %dma_start3A_74 = arith.constant 0 : i32
      %dma_start3A_75 = tpu.memref_slice %arg8[%dma_start3A_73, %dma_start3A_74] : memref<10240x128xf32, #tpu.memory_space<vmem_shared>> -> memref<10240x128xf32, #tpu.memory_space<vmem_shared>>
      tpu.enqueue_indirect_dma source(%dma_start3A_69 : memref<128x128xf32, #tpu.memory_space<vmem>>) target(%dma_start3A_75 : memref<10240x128xf32, #tpu.memory_space<vmem_shared>>) offsets(%dma_start3A_72 : memref<128xi32, #tpu.memory_space<vmem>>) semaphore(%arg10 : memref<!tpu.dma_semaphore, #tpu.memory_space<semaphore_mem>>) {add = true}
      %dma_wait3A_76 = arith.constant 1 : i32
      %dma_wait3A_77 = arith.constant 0 : i32
      %dma_wait3A_78 = arith.constant 0 : i32
      %dma_wait3A_79 = tpu.memref_slice %arg7[%dma_wait3A_76, %dma_wait3A_77, %dma_wait3A_78] : memref<2x128x128xf32, #tpu.memory_space<vmem>> -> memref<1x128x128xf32, #tpu.memory_space<vmem>>
      %dma_wait3A_80 = tpu.memref_squeeze %dma_wait3A_79 : memref<1x128x128xf32, #tpu.memory_space<vmem>> -> memref<128x128xf32, #tpu.memory_space<vmem>>
      %dma_wait3A_81 = arith.constant 0 : i32
      %dma_wait3A_82 = tpu.memref_slice %arg3[%add3A_25, %dma_wait3A_81] : memref<163840x128xf32, #tpu.memory_space<hbm>> -> memref<128x128xf32, #tpu.memory_space<hbm>>
      %dma_wait3A_83 = arith.constant 0 : i32
      %dma_wait3A_84 = arith.constant 0 : i32
      %dma_wait3A_85 = tpu.memref_slice %arg7[%dma_wait3A_76, %dma_wait3A_83, %dma_wait3A_84] : memref<2x128x128xf32, #tpu.memory_space<vmem>> -> memref<1x128x128xf32, #tpu.memory_space<vmem>>
      %dma_wait3A_86 = tpu.memref_squeeze %dma_wait3A_85 : memref<1x128x128xf32, #tpu.memory_space<vmem>> -> memref<128x128xf32, #tpu.memory_space<vmem>>
      %dma_wait3A_87 = arith.constant 0 : i32
      %dma_wait3A_88 = tpu.memref_slice %arg3[%add3A_25, %dma_wait3A_87] : memref<163840x128xf32, #tpu.memory_space<hbm>> -> memref<128x128xf32, #tpu.memory_space<hbm>>
      tpu.wait_dma2 semaphore(%arg9 : memref<!tpu.dma_semaphore, #tpu.memory_space<semaphore_mem>>) src(%dma_wait3A_88 : memref<128x128xf32, #tpu.memory_space<hbm>>) dst(%dma_wait3A_86 : memref<128x128xf32, #tpu.memory_space<vmem>>)
      %dma_start3A_89 = arith.constant 1 : i32
      %dma_start3A_90 = arith.constant 1 : i32
      %dma_start3A_91 = arith.constant 0 : i32
      %dma_start3A_92 = arith.constant 0 : i32
      %dma_start3A_93 = tpu.memref_slice %arg7[%dma_start3A_89, %dma_start3A_91, %dma_start3A_92] : memref<2x128x128xf32, #tpu.memory_space<vmem>> -> memref<1x128x128xf32, #tpu.memory_space<vmem>>
      %dma_start3A_94 = tpu.memref_squeeze %dma_start3A_93 : memref<1x128x128xf32, #tpu.memory_space<vmem>> -> memref<128x128xf32, #tpu.memory_space<vmem>>
      %dma_start3A_95 = arith.constant 0 : i32
      %dma_start3A_96 = tpu.memref_slice %arg6[%dma_start3A_90, %dma_start3A_95] : memref<2x128xi32, #tpu.memory_space<vmem>> -> memref<1x128xi32, #tpu.memory_space<vmem>>
      %dma_start3A_97 = tpu.memref_squeeze %dma_start3A_96 : memref<1x128xi32, #tpu.memory_space<vmem>> -> memref<128xi32, #tpu.memory_space<vmem>>
      %dma_start3A_98 = arith.constant 0 : i32
      %dma_start3A_99 = arith.constant 0 : i32
      %dma_start3A_100 = tpu.memref_slice %arg8[%dma_start3A_98, %dma_start3A_99] : memref<10240x128xf32, #tpu.memory_space<vmem_shared>> -> memref<10240x128xf32, #tpu.memory_space<vmem_shared>>
      tpu.enqueue_indirect_dma source(%dma_start3A_94 : memref<128x128xf32, #tpu.memory_space<vmem>>) target(%dma_start3A_100 : memref<10240x128xf32, #tpu.memory_space<vmem_shared>>) offsets(%dma_start3A_97 : memref<128xi32, #tpu.memory_space<vmem>>) semaphore(%arg10 : memref<!tpu.dma_semaphore, #tpu.memory_space<semaphore_mem>>) {add = true}
      %dma_wait3A_101 = arith.constant 0 : i32
      %dma_wait3A_102 = arith.constant 0 : i32
      %dma_wait3A_103 = arith.constant 0 : i32
      %dma_wait3A_104 = arith.constant 0 : i32
      %dma_wait3A_105 = tpu.memref_slice %arg7[%dma_wait3A_101, %dma_wait3A_103, %dma_wait3A_104] : memref<2x128x128xf32, #tpu.memory_space<vmem>> -> memref<1x128x128xf32, #tpu.memory_space<vmem>>
      %dma_wait3A_106 = tpu.memref_squeeze %dma_wait3A_105 : memref<1x128x128xf32, #tpu.memory_space<vmem>> -> memref<128x128xf32, #tpu.memory_space<vmem>>
      %dma_wait3A_107 = arith.constant 0 : i32
      %dma_wait3A_108 = tpu.memref_slice %arg6[%dma_wait3A_102, %dma_wait3A_107] : memref<2x128xi32, #tpu.memory_space<vmem>> -> memref<1x128xi32, #tpu.memory_space<vmem>>
      %dma_wait3A_109 = tpu.memref_squeeze %dma_wait3A_108 : memref<1x128xi32, #tpu.memory_space<vmem>> -> memref<128xi32, #tpu.memory_space<vmem>>
      %dma_wait3A_110 = arith.constant 0 : i32
      %dma_wait3A_111 = arith.constant 0 : i32
      %dma_wait3A_112 = tpu.memref_slice %arg8[%dma_wait3A_110, %dma_wait3A_111] : memref<10240x128xf32, #tpu.memory_space<vmem_shared>> -> memref<10240x128xf32, #tpu.memory_space<vmem_shared>>
      tpu.wait_indirect_dma semaphore(%arg10 : memref<!tpu.dma_semaphore, #tpu.memory_space<semaphore_mem>>) src(%dma_wait3A_106 : memref<128x128xf32, #tpu.memory_space<vmem>>) dst(%dma_wait3A_112 : memref<10240x128xf32, #tpu.memory_space<vmem_shared>>)
      %dma_wait3A_113 = arith.constant 1 : i32
      %dma_wait3A_114 = arith.constant 1 : i32
      %dma_wait3A_115 = arith.constant 0 : i32
      %dma_wait3A_116 = arith.constant 0 : i32
      %dma_wait3A_117 = tpu.memref_slice %arg7[%dma_wait3A_113, %dma_wait3A_115, %dma_wait3A_116] : memref<2x128x128xf32, #tpu.memory_space<vmem>> -> memref<1x128x128xf32, #tpu.memory_space<vmem>>
      %dma_wait3A_118 = tpu.memref_squeeze %dma_wait3A_117 : memref<1x128x128xf32, #tpu.memory_space<vmem>> -> memref<128x128xf32, #tpu.memory_space<vmem>>
      %dma_wait3A_119 = arith.constant 0 : i32
      %dma_wait3A_120 = tpu.memref_slice %arg6[%dma_wait3A_114, %dma_wait3A_119] : memref<2x128xi32, #tpu.memory_space<vmem>> -> memref<1x128xi32, #tpu.memory_space<vmem>>
      %dma_wait3A_121 = tpu.memref_squeeze %dma_wait3A_120 : memref<1x128xi32, #tpu.memory_space<vmem>> -> memref<128xi32, #tpu.memory_space<vmem>>
      %dma_wait3A_122 = arith.constant 0 : i32
      %dma_wait3A_123 = arith.constant 0 : i32
      %dma_wait3A_124 = tpu.memref_slice %arg8[%dma_wait3A_122, %dma_wait3A_123] : memref<10240x128xf32, #tpu.memory_space<vmem_shared>> -> memref<10240x128xf32, #tpu.memory_space<vmem_shared>>
      tpu.wait_indirect_dma semaphore(%arg10 : memref<!tpu.dma_semaphore, #tpu.memory_space<semaphore_mem>>) src(%dma_wait3A_118 : memref<128x128xf32, #tpu.memory_space<vmem>>) dst(%dma_wait3A_124 : memref<10240x128xf32, #tpu.memory_space<vmem_shared>>)
      %scan3A_125 = arith.constant 0 : i32
      scf.yield %scan3A_125 : i32
    }
    %scan3A_8 = arith.constant 20 : i32
    %barrier3A_9 = arith.constant 0 : index
    tpu.barrier barrier_id(%barrier3A_9)
    %eq3A_10 = arith.constant 0 : i32
    %eq3A_11 = arith.cmpi eq, %arg1, %eq3A_10 : i32
    %convert_element_type3A_12 = arith.extui %eq3A_11 : i1 to i32
    %cond3A_13 = arith.constant 0 : i32
    %cond3A_14 = arith.cmpi ne, %convert_element_type3A_12, %cond3A_13 : i32
    scf.if %cond3A_14 {
      "tpu.region"() ({
        %run_scoped3A = tpu.sem_alloc : memref<!tpu.dma_semaphore, #tpu.memory_space<semaphore_mem>>
        %dma_start3A = arith.constant 0 : i32
        %dma_start3A_15 = arith.constant 0 : i32
        %dma_start3A_16 = tpu.memref_slice %arg5[%arg0, %dma_start3A, %dma_start3A_15] : memref<2x10240x128xf32, #tpu.memory_space<hbm>> -> memref<1x10240x128xf32, #tpu.memory_space<hbm>>
        %dma_start3A_17 = tpu.memref_squeeze %dma_start3A_16 : memref<1x10240x128xf32, #tpu.memory_space<hbm>> -> memref<10240x128xf32, #tpu.memory_space<hbm>>
        tpu.enqueue_dma source(%arg8 : memref<10240x128xf32, #tpu.memory_space<vmem_shared>>) target(%dma_start3A_17 : memref<10240x128xf32, #tpu.memory_space<hbm>>) target_semaphore(%run_scoped3A : memref<!tpu.dma_semaphore, #tpu.memory_space<semaphore_mem>>)
        %dma_wait3A = arith.constant 0 : i32
        %dma_wait3A_18 = arith.constant 0 : i32
        %dma_wait3A_19 = tpu.memref_slice %arg5[%arg0, %dma_wait3A, %dma_wait3A_18] : memref<2x10240x128xf32, #tpu.memory_space<hbm>> -> memref<1x10240x128xf32, #tpu.memory_space<hbm>>
        %dma_wait3A_20 = tpu.memref_squeeze %dma_wait3A_19 : memref<1x10240x128xf32, #tpu.memory_space<hbm>> -> memref<10240x128xf32, #tpu.memory_space<hbm>>
        tpu.wait_dma2 semaphore(%run_scoped3A : memref<!tpu.dma_semaphore, #tpu.memory_space<semaphore_mem>>) src(%arg8 : memref<10240x128xf32, #tpu.memory_space<vmem_shared>>) dst(%dma_wait3A_20 : memref<10240x128xf32, #tpu.memory_space<hbm>>)
        tpu.yield
      }) : () -> ()
    } else {
    }
    return
  }
}

#map = affine_map<(d0, d1) -> (0)>
#map1 = affine_map<(d0, d1) -> (0, 0)>
#map2 = affine_map<(d0, d1) -> (0, 0, 0)>
module attributes {stable_mosaic.version = 14 : i64} {
  func.func @_sc_scatter128(%arg0: i32, %arg1: i32, %arg2: memref<163840xi32, #tpu.memory_space<hbm>>, %arg3: memref<163840x128xf32, #tpu.memory_space<hbm>>, %arg4: memref<10240x128xf32, #tpu.memory_space<hbm>>, %arg5: memref<2x10240x128xf32, #tpu.memory_space<hbm>>, %arg6: memref<2x128xi32, #tpu.memory_space<vmem>>, %arg7: memref<2x128x128xf32, #tpu.memory_space<vmem>>, %arg8: memref<10240x128xf32, #tpu.memory_space<vmem_shared>>, %arg9: memref<!tpu.dma_semaphore, #tpu.memory_space<semaphore_mem>>, %arg10: memref<!tpu.dma_semaphore, #tpu.memory_space<semaphore_mem>>) attributes {dimension_semantics = [#tpu.dimension_semantics<core_parallel>, #tpu.dimension_semantics<subcore_parallel>], iteration_bounds = array<i64: 2, 16>, scalar_prefetch = 0 : i64, scratch_operands = 5 : i64, tpu.core_type = #tpu.core_type<sc_vector_subcore>, window_params = [{transform_indices = #map}, {transform_indices = #map1}, {transform_indices = #map1}, {transform_indices = #map2}]} {
    %mul3A = arith.constant 2 : i32
    %mul3A_0 = arith.muli %arg1, %mul3A : i32
    %add3A = arith.addi %mul3A_0, %arg0 : i32
    %eq3A = arith.constant 0 : i32
    %eq3A_1 = arith.cmpi eq, %arg1, %eq3A : i32
    %convert_element_type3A = arith.extui %eq3A_1 : i1 to i32
    %cond3A = arith.constant 0 : i32
    %cond3A_2 = arith.cmpi ne, %convert_element_type3A, %cond3A : i32
    scf.if %cond3A_2 {
      "tpu.region"() ({
        %run_scoped3A = tpu.sem_alloc : memref<!tpu.dma_semaphore, #tpu.memory_space<semaphore_mem>>
        tpu.enqueue_dma source(%arg4 : memref<10240x128xf32, #tpu.memory_space<hbm>>) target(%arg8 : memref<10240x128xf32, #tpu.memory_space<vmem_shared>>) target_semaphore(%run_scoped3A : memref<!tpu.dma_semaphore, #tpu.memory_space<semaphore_mem>>)
        tpu.wait_dma2 semaphore(%run_scoped3A : memref<!tpu.dma_semaphore, #tpu.memory_space<semaphore_mem>>) src(%arg4 : memref<10240x128xf32, #tpu.memory_space<hbm>>) dst(%arg8 : memref<10240x128xf32, #tpu.memory_space<vmem_shared>>)
        tpu.yield
      }) : () -> ()
    } else {
    }
    %barrier3A = arith.constant 0 : index
    tpu.barrier barrier_id(%barrier3A)
    %scan3A = arith.constant 0 : i32
    %scan3A_3 = arith.constant 0 : i32
    %scan3A_4 = arith.constant 20 : i32
    %scan3A_5 = arith.addi %scan3A_3, %scan3A_4 : i32
    %scan3A_6 = arith.constant 1 : i32
    %scan3A_7 = scf.for %scan3A_15 = %scan3A_3 to %scan3A_5 step %scan3A_6 iter_args(%scan3A_16 = %scan3A) -> (i32)  : i32 {
      %mul3A_17 = arith.constant 40 : i32
      %mul3A_18 = arith.muli %add3A, %mul3A_17 : i32
      %mul3A_19 = arith.constant 2 : i32
      %mul3A_20 = arith.muli %mul3A_19, %scan3A_15 : i32
      %add3A_21 = arith.addi %mul3A_18, %mul3A_20 : i32
      %mul3A_22 = arith.constant 128 : i32
      %mul3A_23 = arith.muli %add3A_21, %mul3A_22 : i32
      %add3A_24 = arith.constant 128 : i32
      %add3A_25 = arith.addi %mul3A_23, %add3A_24 : i32
      %run_scoped3A = arith.constant 0 : i32
      "tpu.region"() ({
        %run_scoped3A_126 = tpu.sem_alloc : memref<!tpu.dma_semaphore, #tpu.memory_space<semaphore_mem>>
        %dma_start3A_127 = arith.constant 0 : i32
        %dma_start3A_128 = tpu.memref_slice %arg6[%run_scoped3A, %dma_start3A_127] : memref<2x128xi32, #tpu.memory_space<vmem>> -> memref<1x128xi32, #tpu.memory_space<vmem>>
        %dma_start3A_129 = tpu.memref_squeeze %dma_start3A_128 : memref<1x128xi32, #tpu.memory_space<vmem>> -> memref<128xi32, #tpu.memory_space<vmem>>
        %dma_start3A_130 = tpu.memref_slice %arg2[%mul3A_23] : memref<163840xi32, #tpu.memory_space<hbm>> -> memref<128xi32, #tpu.memory_space<hbm>>
        %dma_start3A_131 = arith.constant 0 : i32
        %dma_start3A_132 = tpu.memref_slice %arg6[%run_scoped3A, %dma_start3A_131] : memref<2x128xi32, #tpu.memory_space<vmem>> -> memref<1x128xi32, #tpu.memory_space<vmem>>
        %dma_start3A_133 = tpu.memref_squeeze %dma_start3A_132 : memref<1x128xi32, #tpu.memory_space<vmem>> -> memref<128xi32, #tpu.memory_space<vmem>>
        %dma_start3A_134 = tpu.memref_slice %arg2[%mul3A_23] : memref<163840xi32, #tpu.memory_space<hbm>> -> memref<128xi32, #tpu.memory_space<hbm>>
        tpu.enqueue_dma source(%dma_start3A_134 : memref<128xi32, #tpu.memory_space<hbm>>) target(%dma_start3A_133 : memref<128xi32, #tpu.memory_space<vmem>>) target_semaphore(%run_scoped3A_126 : memref<!tpu.dma_semaphore, #tpu.memory_space<semaphore_mem>>)
        %dma_wait3A_135 = arith.constant 0 : i32
        %dma_wait3A_136 = tpu.memref_slice %arg6[%run_scoped3A, %dma_wait3A_135] : memref<2x128xi32, #tpu.memory_space<vmem>> -> memref<1x128xi32, #tpu.memory_space<vmem>>
        %dma_wait3A_137 = tpu.memref_squeeze %dma_wait3A_136 : memref<1x128xi32, #tpu.memory_space<vmem>> -> memref<128xi32, #tpu.memory_space<vmem>>
        %dma_wait3A_138 = tpu.memref_slice %arg2[%mul3A_23] : memref<163840xi32, #tpu.memory_space<hbm>> -> memref<128xi32, #tpu.memory_space<hbm>>
        %dma_wait3A_139 = arith.constant 0 : i32
        %dma_wait3A_140 = tpu.memref_slice %arg6[%run_scoped3A, %dma_wait3A_139] : memref<2x128xi32, #tpu.memory_space<vmem>> -> memref<1x128xi32, #tpu.memory_space<vmem>>
        %dma_wait3A_141 = tpu.memref_squeeze %dma_wait3A_140 : memref<1x128xi32, #tpu.memory_space<vmem>> -> memref<128xi32, #tpu.memory_space<vmem>>
        %dma_wait3A_142 = tpu.memref_slice %arg2[%mul3A_23] : memref<163840xi32, #tpu.memory_space<hbm>> -> memref<128xi32, #tpu.memory_space<hbm>>
        tpu.wait_dma2 semaphore(%run_scoped3A_126 : memref<!tpu.dma_semaphore, #tpu.memory_space<semaphore_mem>>) src(%dma_wait3A_142 : memref<128xi32, #tpu.memory_space<hbm>>) dst(%dma_wait3A_141 : memref<128xi32, #tpu.memory_space<vmem>>)
        tpu.yield
      }) : () -> ()
      %run_scoped3A_26 = arith.constant 1 : i32
      "tpu.region"() ({
        %run_scoped3A_126 = tpu.sem_alloc : memref<!tpu.dma_semaphore, #tpu.memory_space<semaphore_mem>>
        %dma_start3A_127 = arith.constant 0 : i32
        %dma_start3A_128 = tpu.memref_slice %arg6[%run_scoped3A_26, %dma_start3A_127] : memref<2x128xi32, #tpu.memory_space<vmem>> -> memref<1x128xi32, #tpu.memory_space<vmem>>
        %dma_start3A_129 = tpu.memref_squeeze %dma_start3A_128 : memref<1x128xi32, #tpu.memory_space<vmem>> -> memref<128xi32, #tpu.memory_space<vmem>>
        %dma_start3A_130 = tpu.memref_slice %arg2[%add3A_25] : memref<163840xi32, #tpu.memory_space<hbm>> -> memref<128xi32, #tpu.memory_space<hbm>>
        %dma_start3A_131 = arith.constant 0 : i32
        %dma_start3A_132 = tpu.memref_slice %arg6[%run_scoped3A_26, %dma_start3A_131] : memref<2x128xi32, #tpu.memory_space<vmem>> -> memref<1x128xi32, #tpu.memory_space<vmem>>
        %dma_start3A_133 = tpu.memref_squeeze %dma_start3A_132 : memref<1x128xi32, #tpu.memory_space<vmem>> -> memref<128xi32, #tpu.memory_space<vmem>>
        %dma_start3A_134 = tpu.memref_slice %arg2[%add3A_25] : memref<163840xi32, #tpu.memory_space<hbm>> -> memref<128xi32, #tpu.memory_space<hbm>>
        tpu.enqueue_dma source(%dma_start3A_134 : memref<128xi32, #tpu.memory_space<hbm>>) target(%dma_start3A_133 : memref<128xi32, #tpu.memory_space<vmem>>) target_semaphore(%run_scoped3A_126 : memref<!tpu.dma_semaphore, #tpu.memory_space<semaphore_mem>>)
        %dma_wait3A_135 = arith.constant 0 : i32
        %dma_wait3A_136 = tpu.memref_slice %arg6[%run_scoped3A_26, %dma_wait3A_135] : memref<2x128xi32, #tpu.memory_space<vmem>> -> memref<1x128xi32, #tpu.memory_space<vmem>>
        %dma_wait3A_137 = tpu.memref_squeeze %dma_wait3A_136 : memref<1x128xi32, #tpu.memory_space<vmem>> -> memref<128xi32, #tpu.memory_space<vmem>>
        %dma_wait3A_138 = tpu.memref_slice %arg2[%add3A_25] : memref<163840xi32, #tpu.memory_space<hbm>> -> memref<128xi32, #tpu.memory_space<hbm>>
        %dma_wait3A_139 = arith.constant 0 : i32
        %dma_wait3A_140 = tpu.memref_slice %arg6[%run_scoped3A_26, %dma_wait3A_139] : memref<2x128xi32, #tpu.memory_space<vmem>> -> memref<1x128xi32, #tpu.memory_space<vmem>>
        %dma_wait3A_141 = tpu.memref_squeeze %dma_wait3A_140 : memref<1x128xi32, #tpu.memory_space<vmem>> -> memref<128xi32, #tpu.memory_space<vmem>>
        %dma_wait3A_142 = tpu.memref_slice %arg2[%add3A_25] : memref<163840xi32, #tpu.memory_space<hbm>> -> memref<128xi32, #tpu.memory_space<hbm>>
        tpu.wait_dma2 semaphore(%run_scoped3A_126 : memref<!tpu.dma_semaphore, #tpu.memory_space<semaphore_mem>>) src(%dma_wait3A_142 : memref<128xi32, #tpu.memory_space<hbm>>) dst(%dma_wait3A_141 : memref<128xi32, #tpu.memory_space<vmem>>)
        tpu.yield
      }) : () -> ()
      %dma_start3A = arith.constant 0 : i32
      %dma_start3A_27 = arith.constant 0 : i32
      %dma_start3A_28 = arith.constant 0 : i32
      %dma_start3A_29 = tpu.memref_slice %arg7[%dma_start3A, %dma_start3A_27, %dma_start3A_28] : memref<2x128x128xf32, #tpu.memory_space<vmem>> -> memref<1x128x128xf32, #tpu.memory_space<vmem>>
      %dma_start3A_30 = tpu.memref_squeeze %dma_start3A_29 : memref<1x128x128xf32, #tpu.memory_space<vmem>> -> memref<128x128xf32, #tpu.memory_space<vmem>>
      %dma_start3A_31 = arith.constant 0 : i32
      %dma_start3A_32 = tpu.memref_slice %arg3[%mul3A_23, %dma_start3A_31] : memref<163840x128xf32, #tpu.memory_space<hbm>> -> memref<128x128xf32, #tpu.memory_space<hbm>>
      %dma_start3A_33 = arith.constant 0 : i32
      %dma_start3A_34 = arith.constant 0 : i32
      %dma_start3A_35 = tpu.memref_slice %arg7[%dma_start3A, %dma_start3A_33, %dma_start3A_34] : memref<2x128x128xf32, #tpu.memory_space<vmem>> -> memref<1x128x128xf32, #tpu.memory_space<vmem>>
      %dma_start3A_36 = tpu.memref_squeeze %dma_start3A_35 : memref<1x128x128xf32, #tpu.memory_space<vmem>> -> memref<128x128xf32, #tpu.memory_space<vmem>>
      %dma_start3A_37 = arith.constant 0 : i32
      %dma_start3A_38 = tpu.memref_slice %arg3[%mul3A_23, %dma_start3A_37] : memref<163840x128xf32, #tpu.memory_space<hbm>> -> memref<128x128xf32, #tpu.memory_space<hbm>>
      tpu.enqueue_dma source(%dma_start3A_38 : memref<128x128xf32, #tpu.memory_space<hbm>>) target(%dma_start3A_36 : memref<128x128xf32, #tpu.memory_space<vmem>>) target_semaphore(%arg9 : memref<!tpu.dma_semaphore, #tpu.memory_space<semaphore_mem>>)
      %dma_start3A_39 = arith.constant 1 : i32
      %dma_start3A_40 = arith.constant 0 : i32
      %dma_start3A_41 = arith.constant 0 : i32
      %dma_start3A_42 = tpu.memref_slice %arg7[%dma_start3A_39, %dma_start3A_40, %dma_start3A_41] : memref<2x128x128xf32, #tpu.memory_space<vmem>> -> memref<1x128x128xf32, #tpu.memory_space<vmem>>
      %dma_start3A_43 = tpu.memref_squeeze %dma_start3A_42 : memref<1x128x128xf32, #tpu.memory_space<vmem>> -> memref<128x128xf32, #tpu.memory_space<vmem>>
      %dma_start3A_44 = arith.constant 0 : i32
      %dma_start3A_45 = tpu.memref_slice %arg3[%add3A_25, %dma_start3A_44] : memref<163840x128xf32, #tpu.memory_space<hbm>> -> memref<128x128xf32, #tpu.memory_space<hbm>>
      %dma_start3A_46 = arith.constant 0 : i32
      %dma_start3A_47 = arith.constant 0 : i32
      %dma_start3A_48 = tpu.memref_slice %arg7[%dma_start3A_39, %dma_start3A_46, %dma_start3A_47] : memref<2x128x128xf32, #tpu.memory_space<vmem>> -> memref<1x128x128xf32, #tpu.memory_space<vmem>>
      %dma_start3A_49 = tpu.memref_squeeze %dma_start3A_48 : memref<1x128x128xf32, #tpu.memory_space<vmem>> -> memref<128x128xf32, #tpu.memory_space<vmem>>
      %dma_start3A_50 = arith.constant 0 : i32
      %dma_start3A_51 = tpu.memref_slice %arg3[%add3A_25, %dma_start3A_50] : memref<163840x128xf32, #tpu.memory_space<hbm>> -> memref<128x128xf32, #tpu.memory_space<hbm>>
      tpu.enqueue_dma source(%dma_start3A_51 : memref<128x128xf32, #tpu.memory_space<hbm>>) target(%dma_start3A_49 : memref<128x128xf32, #tpu.memory_space<vmem>>) target_semaphore(%arg9 : memref<!tpu.dma_semaphore, #tpu.memory_space<semaphore_mem>>)
      %dma_wait3A = arith.constant 0 : i32
      %dma_wait3A_52 = arith.constant 0 : i32
      %dma_wait3A_53 = arith.constant 0 : i32
      %dma_wait3A_54 = tpu.memref_slice %arg7[%dma_wait3A, %dma_wait3A_52, %dma_wait3A_53] : memref<2x128x128xf32, #tpu.memory_space<vmem>> -> memref<1x128x128xf32, #tpu.memory_space<vmem>>
      %dma_wait3A_55 = tpu.memref_squeeze %dma_wait3A_54 : memref<1x128x128xf32, #tpu.memory_space<vmem>> -> memref<128x128xf32, #tpu.memory_space<vmem>>
      %dma_wait3A_56 = arith.constant 0 : i32
      %dma_wait3A_57 = tpu.memref_slice %arg3[%mul3A_23, %dma_wait3A_56] : memref<163840x128xf32, #tpu.memory_space<hbm>> -> memref<128x128xf32, #tpu.memory_space<hbm>>
      %dma_wait3A_58 = arith.constant 0 : i32
      %dma_wait3A_59 = arith.constant 0 : i32
      %dma_wait3A_60 = tpu.memref_slice %arg7[%dma_wait3A, %dma_wait3A_58, %dma_wait3A_59] : memref<2x128x128xf32, #tpu.memory_space<vmem>> -> memref<1x128x128xf32, #tpu.memory_space<vmem>>
      %dma_wait3A_61 = tpu.memref_squeeze %dma_wait3A_60 : memref<1x128x128xf32, #tpu.memory_space<vmem>> -> memref<128x128xf32, #tpu.memory_space<vmem>>
      %dma_wait3A_62 = arith.constant 0 : i32
      %dma_wait3A_63 = tpu.memref_slice %arg3[%mul3A_23, %dma_wait3A_62] : memref<163840x128xf32, #tpu.memory_space<hbm>> -> memref<128x128xf32, #tpu.memory_space<hbm>>
      tpu.wait_dma2 semaphore(%arg9 : memref<!tpu.dma_semaphore, #tpu.memory_space<semaphore_mem>>) src(%dma_wait3A_63 : memref<128x128xf32, #tpu.memory_space<hbm>>) dst(%dma_wait3A_61 : memref<128x128xf32, #tpu.memory_space<vmem>>)
      %dma_start3A_64 = arith.constant 0 : i32
      %dma_start3A_65 = arith.constant 0 : i32
      %dma_start3A_66 = arith.constant 0 : i32
      %dma_start3A_67 = arith.constant 0 : i32
      %dma_start3A_68 = tpu.memref_slice %arg7[%dma_start3A_64, %dma_start3A_66, %dma_start3A_67] : memref<2x128x128xf32, #tpu.memory_space<vmem>> -> memref<1x128x128xf32, #tpu.memory_space<vmem>>
      %dma_start3A_69 = tpu.memref_squeeze %dma_start3A_68 : memref<1x128x128xf32, #tpu.memory_space<vmem>> -> memref<128x128xf32, #tpu.memory_space<vmem>>
      %dma_start3A_70 = arith.constant 0 : i32
      %dma_start3A_71 = tpu.memref_slice %arg6[%dma_start3A_65, %dma_start3A_70] : memref<2x128xi32, #tpu.memory_space<vmem>> -> memref<1x128xi32, #tpu.memory_space<vmem>>
      %dma_start3A_72 = tpu.memref_squeeze %dma_start3A_71 : memref<1x128xi32, #tpu.memory_space<vmem>> -> memref<128xi32, #tpu.memory_space<vmem>>
      %dma_start3A_73 = arith.constant 0 : i32
      %dma_start3A_74 = arith.constant 0 : i32
      %dma_start3A_75 = tpu.memref_slice %arg8[%dma_start3A_73, %dma_start3A_74] : memref<10240x128xf32, #tpu.memory_space<vmem_shared>> -> memref<10240x128xf32, #tpu.memory_space<vmem_shared>>
      tpu.enqueue_indirect_dma source(%dma_start3A_69 : memref<128x128xf32, #tpu.memory_space<vmem>>) target(%dma_start3A_75 : memref<10240x128xf32, #tpu.memory_space<vmem_shared>>) offsets(%dma_start3A_72 : memref<128xi32, #tpu.memory_space<vmem>>) semaphore(%arg10 : memref<!tpu.dma_semaphore, #tpu.memory_space<semaphore_mem>>) {add = true}
      %dma_wait3A_76 = arith.constant 1 : i32
      %dma_wait3A_77 = arith.constant 0 : i32
      %dma_wait3A_78 = arith.constant 0 : i32
      %dma_wait3A_79 = tpu.memref_slice %arg7[%dma_wait3A_76, %dma_wait3A_77, %dma_wait3A_78] : memref<2x128x128xf32, #tpu.memory_space<vmem>> -> memref<1x128x128xf32, #tpu.memory_space<vmem>>
      %dma_wait3A_80 = tpu.memref_squeeze %dma_wait3A_79 : memref<1x128x128xf32, #tpu.memory_space<vmem>> -> memref<128x128xf32, #tpu.memory_space<vmem>>
      %dma_wait3A_81 = arith.constant 0 : i32
      %dma_wait3A_82 = tpu.memref_slice %arg3[%add3A_25, %dma_wait3A_81] : memref<163840x128xf32, #tpu.memory_space<hbm>> -> memref<128x128xf32, #tpu.memory_space<hbm>>
      %dma_wait3A_83 = arith.constant 0 : i32
      %dma_wait3A_84 = arith.constant 0 : i32
      %dma_wait3A_85 = tpu.memref_slice %arg7[%dma_wait3A_76, %dma_wait3A_83, %dma_wait3A_84] : memref<2x128x128xf32, #tpu.memory_space<vmem>> -> memref<1x128x128xf32, #tpu.memory_space<vmem>>
      %dma_wait3A_86 = tpu.memref_squeeze %dma_wait3A_85 : memref<1x128x128xf32, #tpu.memory_space<vmem>> -> memref<128x128xf32, #tpu.memory_space<vmem>>
      %dma_wait3A_87 = arith.constant 0 : i32
      %dma_wait3A_88 = tpu.memref_slice %arg3[%add3A_25, %dma_wait3A_87] : memref<163840x128xf32, #tpu.memory_space<hbm>> -> memref<128x128xf32, #tpu.memory_space<hbm>>
      tpu.wait_dma2 semaphore(%arg9 : memref<!tpu.dma_semaphore, #tpu.memory_space<semaphore_mem>>) src(%dma_wait3A_88 : memref<128x128xf32, #tpu.memory_space<hbm>>) dst(%dma_wait3A_86 : memref<128x128xf32, #tpu.memory_space<vmem>>)
      %dma_start3A_89 = arith.constant 1 : i32
      %dma_start3A_90 = arith.constant 1 : i32
      %dma_start3A_91 = arith.constant 0 : i32
      %dma_start3A_92 = arith.constant 0 : i32
      %dma_start3A_93 = tpu.memref_slice %arg7[%dma_start3A_89, %dma_start3A_91, %dma_start3A_92] : memref<2x128x128xf32, #tpu.memory_space<vmem>> -> memref<1x128x128xf32, #tpu.memory_space<vmem>>
      %dma_start3A_94 = tpu.memref_squeeze %dma_start3A_93 : memref<1x128x128xf32, #tpu.memory_space<vmem>> -> memref<128x128xf32, #tpu.memory_space<vmem>>
      %dma_start3A_95 = arith.constant 0 : i32
      %dma_start3A_96 = tpu.memref_slice %arg6[%dma_start3A_90, %dma_start3A_95] : memref<2x128xi32, #tpu.memory_space<vmem>> -> memref<1x128xi32, #tpu.memory_space<vmem>>
      %dma_start3A_97 = tpu.memref_squeeze %dma_start3A_96 : memref<1x128xi32, #tpu.memory_space<vmem>> -> memref<128xi32, #tpu.memory_space<vmem>>
      %dma_start3A_98 = arith.constant 0 : i32
      %dma_start3A_99 = arith.constant 0 : i32
      %dma_start3A_100 = tpu.memref_slice %arg8[%dma_start3A_98, %dma_start3A_99] : memref<10240x128xf32, #tpu.memory_space<vmem_shared>> -> memref<10240x128xf32, #tpu.memory_space<vmem_shared>>
      tpu.enqueue_indirect_dma source(%dma_start3A_94 : memref<128x128xf32, #tpu.memory_space<vmem>>) target(%dma_start3A_100 : memref<10240x128xf32, #tpu.memory_space<vmem_shared>>) offsets(%dma_start3A_97 : memref<128xi32, #tpu.memory_space<vmem>>) semaphore(%arg10 : memref<!tpu.dma_semaphore, #tpu.memory_space<semaphore_mem>>) {add = true}
      %dma_wait3A_101 = arith.constant 0 : i32
      %dma_wait3A_102 = arith.constant 0 : i32
      %dma_wait3A_103 = arith.constant 0 : i32
      %dma_wait3A_104 = arith.constant 0 : i32
      %dma_wait3A_105 = tpu.memref_slice %arg7[%dma_wait3A_101, %dma_wait3A_103, %dma_wait3A_104] : memref<2x128x128xf32, #tpu.memory_space<vmem>> -> memref<1x128x128xf32, #tpu.memory_space<vmem>>
      %dma_wait3A_106 = tpu.memref_squeeze %dma_wait3A_105 : memref<1x128x128xf32, #tpu.memory_space<vmem>> -> memref<128x128xf32, #tpu.memory_space<vmem>>
      %dma_wait3A_107 = arith.constant 0 : i32
      %dma_wait3A_108 = tpu.memref_slice %arg6[%dma_wait3A_102, %dma_wait3A_107] : memref<2x128xi32, #tpu.memory_space<vmem>> -> memref<1x128xi32, #tpu.memory_space<vmem>>
      %dma_wait3A_109 = tpu.memref_squeeze %dma_wait3A_108 : memref<1x128xi32, #tpu.memory_space<vmem>> -> memref<128xi32, #tpu.memory_space<vmem>>
      %dma_wait3A_110 = arith.constant 0 : i32
      %dma_wait3A_111 = arith.constant 0 : i32
      %dma_wait3A_112 = tpu.memref_slice %arg8[%dma_wait3A_110, %dma_wait3A_111] : memref<10240x128xf32, #tpu.memory_space<vmem_shared>> -> memref<10240x128xf32, #tpu.memory_space<vmem_shared>>
      tpu.wait_indirect_dma semaphore(%arg10 : memref<!tpu.dma_semaphore, #tpu.memory_space<semaphore_mem>>) src(%dma_wait3A_106 : memref<128x128xf32, #tpu.memory_space<vmem>>) dst(%dma_wait3A_112 : memref<10240x128xf32, #tpu.memory_space<vmem_shared>>)
      %dma_wait3A_113 = arith.constant 1 : i32
      %dma_wait3A_114 = arith.constant 1 : i32
      %dma_wait3A_115 = arith.constant 0 : i32
      %dma_wait3A_116 = arith.constant 0 : i32
      %dma_wait3A_117 = tpu.memref_slice %arg7[%dma_wait3A_113, %dma_wait3A_115, %dma_wait3A_116] : memref<2x128x128xf32, #tpu.memory_space<vmem>> -> memref<1x128x128xf32, #tpu.memory_space<vmem>>
      %dma_wait3A_118 = tpu.memref_squeeze %dma_wait3A_117 : memref<1x128x128xf32, #tpu.memory_space<vmem>> -> memref<128x128xf32, #tpu.memory_space<vmem>>
      %dma_wait3A_119 = arith.constant 0 : i32
      %dma_wait3A_120 = tpu.memref_slice %arg6[%dma_wait3A_114, %dma_wait3A_119] : memref<2x128xi32, #tpu.memory_space<vmem>> -> memref<1x128xi32, #tpu.memory_space<vmem>>
      %dma_wait3A_121 = tpu.memref_squeeze %dma_wait3A_120 : memref<1x128xi32, #tpu.memory_space<vmem>> -> memref<128xi32, #tpu.memory_space<vmem>>
      %dma_wait3A_122 = arith.constant 0 : i32
      %dma_wait3A_123 = arith.constant 0 : i32
      %dma_wait3A_124 = tpu.memref_slice %arg8[%dma_wait3A_122, %dma_wait3A_123] : memref<10240x128xf32, #tpu.memory_space<vmem_shared>> -> memref<10240x128xf32, #tpu.memory_space<vmem_shared>>
      tpu.wait_indirect_dma semaphore(%arg10 : memref<!tpu.dma_semaphore, #tpu.memory_space<semaphore_mem>>) src(%dma_wait3A_118 : memref<128x128xf32, #tpu.memory_space<vmem>>) dst(%dma_wait3A_124 : memref<10240x128xf32, #tpu.memory_space<vmem_shared>>)
      %scan3A_125 = arith.constant 0 : i32
      scf.yield %scan3A_125 : i32
    }
    %scan3A_8 = arith.constant 20 : i32
    %barrier3A_9 = arith.constant 0 : index
    tpu.barrier barrier_id(%barrier3A_9)
    %eq3A_10 = arith.constant 0 : i32
    %eq3A_11 = arith.cmpi eq, %arg1, %eq3A_10 : i32
    %convert_element_type3A_12 = arith.extui %eq3A_11 : i1 to i32
    %cond3A_13 = arith.constant 0 : i32
    %cond3A_14 = arith.cmpi ne, %convert_element_type3A_12, %cond3A_13 : i32
    scf.if %cond3A_14 {
      "tpu.region"() ({
        %run_scoped3A = tpu.sem_alloc : memref<!tpu.dma_semaphore, #tpu.memory_space<semaphore_mem>>
        %dma_start3A = arith.constant 0 : i32
        %dma_start3A_15 = arith.constant 0 : i32
        %dma_start3A_16 = tpu.memref_slice %arg5[%arg0, %dma_start3A, %dma_start3A_15] : memref<2x10240x128xf32, #tpu.memory_space<hbm>> -> memref<1x10240x128xf32, #tpu.memory_space<hbm>>
        %dma_start3A_17 = tpu.memref_squeeze %dma_start3A_16 : memref<1x10240x128xf32, #tpu.memory_space<hbm>> -> memref<10240x128xf32, #tpu.memory_space<hbm>>
        tpu.enqueue_dma source(%arg8 : memref<10240x128xf32, #tpu.memory_space<vmem_shared>>) target(%dma_start3A_17 : memref<10240x128xf32, #tpu.memory_space<hbm>>) target_semaphore(%run_scoped3A : memref<!tpu.dma_semaphore, #tpu.memory_space<semaphore_mem>>)
        %dma_wait3A = arith.constant 0 : i32
        %dma_wait3A_18 = arith.constant 0 : i32
        %dma_wait3A_19 = tpu.memref_slice %arg5[%arg0, %dma_wait3A, %dma_wait3A_18] : memref<2x10240x128xf32, #tpu.memory_space<hbm>> -> memref<1x10240x128xf32, #tpu.memory_space<hbm>>
        %dma_wait3A_20 = tpu.memref_squeeze %dma_wait3A_19 : memref<1x10240x128xf32, #tpu.memory_space<hbm>> -> memref<10240x128xf32, #tpu.memory_space<hbm>>
        tpu.wait_dma2 semaphore(%run_scoped3A : memref<!tpu.dma_semaphore, #tpu.memory_space<semaphore_mem>>) src(%arg8 : memref<10240x128xf32, #tpu.memory_space<vmem_shared>>) dst(%dma_wait3A_20 : memref<10240x128xf32, #tpu.memory_space<hbm>>)
        tpu.yield
      }) : () -> ()
    } else {
    }
    return
  }
}

module attributes {stable_mosaic.version = 14 : i64} {
  func.func @_dense1_body(%arg0: i32, %arg1: memref<256x128xf32, #tpu.memory_space<vmem>>, %arg2: memref<256x8xf32, #tpu.memory_space<vmem>>, %arg3: memref<3x128x128xf32, #tpu.memory_space<vmem>>, %arg4: memref<3x5x128x128xf32, #tpu.memory_space<vmem>>, %arg5: memref<3x5x128x128xf32, #tpu.memory_space<vmem>>, %arg6: memref<256x128xf32, #tpu.memory_space<vmem>>, %arg7: memref<256x640xf32, #tpu.memory_space<vmem>>, %arg8: memref<256x640xf32, #tpu.memory_space<vmem>>) attributes {dimension_semantics = [#tpu.dimension_semantics<arbitrary>], iteration_bounds = array<i64: 40>, scalar_prefetch = 0 : i64, scratch_operands = 0 : i64, tpu.core_type = #tpu.core_type<tc>, window_params = [{transform_indices = @transform_0, window_bounds = array<i64: 256, 128>}, {transform_indices = @transform_1, window_bounds = array<i64: 256, 8>}, {pipeline_mode = #tpu.pipeline_mode<synchronous>, transform_indices = @transform_2, window_bounds = array<i64: 3, 128, 128>}, {pipeline_mode = #tpu.pipeline_mode<synchronous>, transform_indices = @transform_3, window_bounds = array<i64: 3, 5, 128, 128>}, {pipeline_mode = #tpu.pipeline_mode<synchronous>, transform_indices = @transform_4, window_bounds = array<i64: 3, 5, 128, 128>}, {transform_indices = @transform_5, window_bounds = array<i64: 256, 128>}, {transform_indices = @transform_6, window_bounds = array<i64: 256, 640>}, {transform_indices = @transform_7, window_bounds = array<i64: 256, 640>}]} {
    %get3A = arith.constant 0 : index
    %get3A_0 = arith.constant 0 : index
    %get3A_1 = vector.load %arg1[%get3A, %get3A_0] : memref<256x128xf32, #tpu.memory_space<vmem>>, vector<256x128xf32>
    %broadcast_in_dim3A = arith.constant 0.000000e+00 : f32
    %broadcast_in_dim3A_2 = vector.broadcast %broadcast_in_dim3A : f32 to vector<256x128xf32>
    %broadcast_in_dim3A_3 = arith.constant 0.000000e+00 : f32
    %broadcast_in_dim3A_4 = vector.broadcast %broadcast_in_dim3A_3 : f32 to vector<256x128xf32>
    %broadcast_in_dim3A_5 = arith.constant 0.000000e+00 : f32
    %broadcast_in_dim3A_6 = vector.broadcast %broadcast_in_dim3A_5 : f32 to vector<256x128xf32>
    %broadcast_in_dim3A_7 = arith.constant 0.000000e+00 : f32
    %broadcast_in_dim3A_8 = vector.broadcast %broadcast_in_dim3A_7 : f32 to vector<256x128xf32>
    %broadcast_in_dim3A_9 = arith.constant 0.000000e+00 : f32
    %broadcast_in_dim3A_10 = vector.broadcast %broadcast_in_dim3A_9 : f32 to vector<256x128xf32>
    %broadcast_in_dim3A_11 = arith.constant 0.000000e+00 : f32
    %broadcast_in_dim3A_12 = vector.broadcast %broadcast_in_dim3A_11 : f32 to vector<256x128xf32>
    %broadcast_in_dim3A_13 = arith.constant 0.000000e+00 : f32
    %broadcast_in_dim3A_14 = vector.broadcast %broadcast_in_dim3A_13 : f32 to vector<256x128xf32>
    %broadcast_in_dim3A_15 = arith.constant 0.000000e+00 : f32
    %broadcast_in_dim3A_16 = vector.broadcast %broadcast_in_dim3A_15 : f32 to vector<256x128xf32>
    %broadcast_in_dim3A_17 = arith.constant 0.000000e+00 : f32
    %broadcast_in_dim3A_18 = vector.broadcast %broadcast_in_dim3A_17 : f32 to vector<256x128xf32>
    %broadcast_in_dim3A_19 = arith.constant 0.000000e+00 : f32
    %broadcast_in_dim3A_20 = vector.broadcast %broadcast_in_dim3A_19 : f32 to vector<256x128xf32>
    %broadcast_in_dim3A_21 = arith.constant 0.000000e+00 : f32
    %broadcast_in_dim3A_22 = vector.broadcast %broadcast_in_dim3A_21 : f32 to vector<256x128xf32>
    %get3A_23 = arith.constant 0 : index
    %get3A_24 = arith.constant 0 : index
    %get3A_25 = vector.load %arg2[%get3A_23, %get3A_24] : memref<256x8xf32, #tpu.memory_space<vmem>>, vector<256x1xf32>
    %get3A_26 = arith.constant 0 : index
    %get3A_27 = arith.constant 0 : index
    %get3A_28 = arith.constant 0 : index
    %get3A_29 = vector.load %arg3[%get3A_26, %get3A_27, %get3A_28] : memref<3x128x128xf32, #tpu.memory_space<vmem>>, vector<1x128x128xf32>
    %get3A_30 = vector.shape_cast %get3A_29 : vector<1x128x128xf32> to vector<128x128xf32>
    %dot_general3A = arith.constant dense<0.000000e+00> : vector<256x128xf32>
    %dot_general3A_31 = tpu.matmul %get3A_1, %get3A_30, %dot_general3A {dimension_numbers = #tpu.dot_dimension_numbers<[1], [0], [0], [1], [0, 0, 1, 1], [], []>, transpose_lhs_hint = false} : vector<256x128xf32>, vector<128x128xf32>, vector<256x128xf32> -> vector<256x128xf32>
    %mul3A = vector.broadcast %get3A_25 : vector<256x1xf32> to vector<256x128xf32>
    %mul3A_32 = arith.mulf %mul3A, %dot_general3A_31 : vector<256x128xf32>
    %add3A = arith.addf %broadcast_in_dim3A_2, %mul3A_32 : vector<256x128xf32>
    %get3A_33 = arith.constant 0 : index
    %get3A_34 = arith.constant 0 : index
    %get3A_35 = arith.constant 0 : index
    %get3A_36 = arith.constant 0 : index
    %get3A_37 = vector.load %arg4[%get3A_33, %get3A_34, %get3A_35, %get3A_36] : memref<3x5x128x128xf32, #tpu.memory_space<vmem>>, vector<1x1x128x128xf32>
    %get3A_38 = vector.shape_cast %get3A_37 : vector<1x1x128x128xf32> to vector<128x128xf32>
    %dot_general3A_39 = arith.constant dense<0.000000e+00> : vector<256x128xf32>
    %dot_general3A_40 = tpu.matmul %get3A_1, %get3A_38, %dot_general3A_39 {dimension_numbers = #tpu.dot_dimension_numbers<[1], [0], [0], [1], [0, 0, 1, 1], [], []>, transpose_lhs_hint = false} : vector<256x128xf32>, vector<128x128xf32>, vector<256x128xf32> -> vector<256x128xf32>
    %mul3A_41 = vector.broadcast %get3A_25 : vector<256x1xf32> to vector<256x128xf32>
    %mul3A_42 = arith.mulf %mul3A_41, %dot_general3A_40 : vector<256x128xf32>
    %add3A_43 = arith.addf %broadcast_in_dim3A_4, %mul3A_42 : vector<256x128xf32>
    %get3A_44 = arith.constant 0 : index
    %get3A_45 = arith.constant 0 : index
    %get3A_46 = arith.constant 0 : index
    %get3A_47 = arith.constant 0 : index
    %get3A_48 = vector.load %arg5[%get3A_44, %get3A_45, %get3A_46, %get3A_47] : memref<3x5x128x128xf32, #tpu.memory_space<vmem>>, vector<1x1x128x128xf32>
    %get3A_49 = vector.shape_cast %get3A_48 : vector<1x1x128x128xf32> to vector<128x128xf32>
    %dot_general3A_50 = arith.constant dense<0.000000e+00> : vector<256x128xf32>
    %dot_general3A_51 = tpu.matmul %get3A_1, %get3A_49, %dot_general3A_50 {dimension_numbers = #tpu.dot_dimension_numbers<[1], [0], [0], [1], [0, 0, 1, 1], [], []>, transpose_lhs_hint = false} : vector<256x128xf32>, vector<128x128xf32>, vector<256x128xf32> -> vector<256x128xf32>
    %mul3A_52 = vector.broadcast %get3A_25 : vector<256x1xf32> to vector<256x128xf32>
    %mul3A_53 = arith.mulf %mul3A_52, %dot_general3A_51 : vector<256x128xf32>
    %add3A_54 = arith.addf %broadcast_in_dim3A_14, %mul3A_53 : vector<256x128xf32>
    %get3A_55 = arith.constant 0 : index
    %get3A_56 = arith.constant 1 : index
    %get3A_57 = arith.constant 0 : index
    %get3A_58 = arith.constant 0 : index
    %get3A_59 = vector.load %arg4[%get3A_55, %get3A_56, %get3A_57, %get3A_58] : memref<3x5x128x128xf32, #tpu.memory_space<vmem>>, vector<1x1x128x128xf32>
    %get3A_60 = vector.shape_cast %get3A_59 : vector<1x1x128x128xf32> to vector<128x128xf32>
    %dot_general3A_61 = arith.constant dense<0.000000e+00> : vector<256x128xf32>
    %dot_general3A_62 = tpu.matmul %get3A_1, %get3A_60, %dot_general3A_61 {dimension_numbers = #tpu.dot_dimension_numbers<[1], [0], [0], [1], [0, 0, 1, 1], [], []>, transpose_lhs_hint = false} : vector<256x128xf32>, vector<128x128xf32>, vector<256x128xf32> -> vector<256x128xf32>
    %mul3A_63 = vector.broadcast %get3A_25 : vector<256x1xf32> to vector<256x128xf32>
    %mul3A_64 = arith.mulf %mul3A_63, %dot_general3A_62 : vector<256x128xf32>
    %add3A_65 = arith.addf %broadcast_in_dim3A_6, %mul3A_64 : vector<256x128xf32>
    %get3A_66 = arith.constant 0 : index
    %get3A_67 = arith.constant 1 : index
    %get3A_68 = arith.constant 0 : index
    %get3A_69 = arith.constant 0 : index
    %get3A_70 = vector.load %arg5[%get3A_66, %get3A_67, %get3A_68, %get3A_69] : memref<3x5x128x128xf32, #tpu.memory_space<vmem>>, vector<1x1x128x128xf32>
    %get3A_71 = vector.shape_cast %get3A_70 : vector<1x1x128x128xf32> to vector<128x128xf32>
    %dot_general3A_72 = arith.constant dense<0.000000e+00> : vector<256x128xf32>
    %dot_general3A_73 = tpu.matmul %get3A_1, %get3A_71, %dot_general3A_72 {dimension_numbers = #tpu.dot_dimension_numbers<[1], [0], [0], [1], [0, 0, 1, 1], [], []>, transpose_lhs_hint = false} : vector<256x128xf32>, vector<128x128xf32>, vector<256x128xf32> -> vector<256x128xf32>
    %mul3A_74 = vector.broadcast %get3A_25 : vector<256x1xf32> to vector<256x128xf32>
    %mul3A_75 = arith.mulf %mul3A_74, %dot_general3A_73 : vector<256x128xf32>
    %add3A_76 = arith.addf %broadcast_in_dim3A_16, %mul3A_75 : vector<256x128xf32>
    %get3A_77 = arith.constant 0 : index
    %get3A_78 = arith.constant 2 : index
    %get3A_79 = arith.constant 0 : index
    %get3A_80 = arith.constant 0 : index
    %get3A_81 = vector.load %arg4[%get3A_77, %get3A_78, %get3A_79, %get3A_80] : memref<3x5x128x128xf32, #tpu.memory_space<vmem>>, vector<1x1x128x128xf32>
    %get3A_82 = vector.shape_cast %get3A_81 : vector<1x1x128x128xf32> to vector<128x128xf32>
    %dot_general3A_83 = arith.constant dense<0.000000e+00> : vector<256x128xf32>
    %dot_general3A_84 = tpu.matmul %get3A_1, %get3A_82, %dot_general3A_83 {dimension_numbers = #tpu.dot_dimension_numbers<[1], [0], [0], [1], [0, 0, 1, 1], [], []>, transpose_lhs_hint = false} : vector<256x128xf32>, vector<128x128xf32>, vector<256x128xf32> -> vector<256x128xf32>
    %mul3A_85 = vector.broadcast %get3A_25 : vector<256x1xf32> to vector<256x128xf32>
    %mul3A_86 = arith.mulf %mul3A_85, %dot_general3A_84 : vector<256x128xf32>
    %add3A_87 = arith.addf %broadcast_in_dim3A_8, %mul3A_86 : vector<256x128xf32>
    %get3A_88 = arith.constant 0 : index
    %get3A_89 = arith.constant 2 : index
    %get3A_90 = arith.constant 0 : index
    %get3A_91 = arith.constant 0 : index
    %get3A_92 = vector.load %arg5[%get3A_88, %get3A_89, %get3A_90, %get3A_91] : memref<3x5x128x128xf32, #tpu.memory_space<vmem>>, vector<1x1x128x128xf32>
    %get3A_93 = vector.shape_cast %get3A_92 : vector<1x1x128x128xf32> to vector<128x128xf32>
    %dot_general3A_94 = arith.constant dense<0.000000e+00> : vector<256x128xf32>
    %dot_general3A_95 = tpu.matmul %get3A_1, %get3A_93, %dot_general3A_94 {dimension_numbers = #tpu.dot_dimension_numbers<[1], [0], [0], [1], [0, 0, 1, 1], [], []>, transpose_lhs_hint = false} : vector<256x128xf32>, vector<128x128xf32>, vector<256x128xf32> -> vector<256x128xf32>
    %mul3A_96 = vector.broadcast %get3A_25 : vector<256x1xf32> to vector<256x128xf32>
    %mul3A_97 = arith.mulf %mul3A_96, %dot_general3A_95 : vector<256x128xf32>
    %add3A_98 = arith.addf %broadcast_in_dim3A_18, %mul3A_97 : vector<256x128xf32>
    %get3A_99 = arith.constant 0 : index
    %get3A_100 = arith.constant 3 : index
    %get3A_101 = arith.constant 0 : index
    %get3A_102 = arith.constant 0 : index
    %get3A_103 = vector.load %arg4[%get3A_99, %get3A_100, %get3A_101, %get3A_102] : memref<3x5x128x128xf32, #tpu.memory_space<vmem>>, vector<1x1x128x128xf32>
    %get3A_104 = vector.shape_cast %get3A_103 : vector<1x1x128x128xf32> to vector<128x128xf32>
    %dot_general3A_105 = arith.constant dense<0.000000e+00> : vector<256x128xf32>
    %dot_general3A_106 = tpu.matmul %get3A_1, %get3A_104, %dot_general3A_105 {dimension_numbers = #tpu.dot_dimension_numbers<[1], [0], [0], [1], [0, 0, 1, 1], [], []>, transpose_lhs_hint = false} : vector<256x128xf32>, vector<128x128xf32>, vector<256x128xf32> -> vector<256x128xf32>
    %mul3A_107 = vector.broadcast %get3A_25 : vector<256x1xf32> to vector<256x128xf32>
    %mul3A_108 = arith.mulf %mul3A_107, %dot_general3A_106 : vector<256x128xf32>
    %add3A_109 = arith.addf %broadcast_in_dim3A_10, %mul3A_108 : vector<256x128xf32>
    %get3A_110 = arith.constant 0 : index
    %get3A_111 = arith.constant 3 : index
    %get3A_112 = arith.constant 0 : index
    %get3A_113 = arith.constant 0 : index
    %get3A_114 = vector.load %arg5[%get3A_110, %get3A_111, %get3A_112, %get3A_113] : memref<3x5x128x128xf32, #tpu.memory_space<vmem>>, vector<1x1x128x128xf32>
    %get3A_115 = vector.shape_cast %get3A_114 : vector<1x1x128x128xf32> to vector<128x128xf32>
    %dot_general3A_116 = arith.constant dense<0.000000e+00> : vector<256x128xf32>
    %dot_general3A_117 = tpu.matmul %get3A_1, %get3A_115, %dot_general3A_116 {dimension_numbers = #tpu.dot_dimension_numbers<[1], [0], [0], [1], [0, 0, 1, 1], [], []>, transpose_lhs_hint = false} : vector<256x128xf32>, vector<128x128xf32>, vector<256x128xf32> -> vector<256x128xf32>
    %mul3A_118 = vector.broadcast %get3A_25 : vector<256x1xf32> to vector<256x128xf32>
    %mul3A_119 = arith.mulf %mul3A_118, %dot_general3A_117 : vector<256x128xf32>
    %add3A_120 = arith.addf %broadcast_in_dim3A_20, %mul3A_119 : vector<256x128xf32>
    %get3A_121 = arith.constant 0 : index
    %get3A_122 = arith.constant 4 : index
    %get3A_123 = arith.constant 0 : index
    %get3A_124 = arith.constant 0 : index
    %get3A_125 = vector.load %arg4[%get3A_121, %get3A_122, %get3A_123, %get3A_124] : memref<3x5x128x128xf32, #tpu.memory_space<vmem>>, vector<1x1x128x128xf32>
    %get3A_126 = vector.shape_cast %get3A_125 : vector<1x1x128x128xf32> to vector<128x128xf32>
    %dot_general3A_127 = arith.constant dense<0.000000e+00> : vector<256x128xf32>
    %dot_general3A_128 = tpu.matmul %get3A_1, %get3A_126, %dot_general3A_127 {dimension_numbers = #tpu.dot_dimension_numbers<[1], [0], [0], [1], [0, 0, 1, 1], [], []>, transpose_lhs_hint = false} : vector<256x128xf32>, vector<128x128xf32>, vector<256x128xf32> -> vector<256x128xf32>
    %mul3A_129 = vector.broadcast %get3A_25 : vector<256x1xf32> to vector<256x128xf32>
    %mul3A_130 = arith.mulf %mul3A_129, %dot_general3A_128 : vector<256x128xf32>
    %add3A_131 = arith.addf %broadcast_in_dim3A_12, %mul3A_130 : vector<256x128xf32>
    %get3A_132 = arith.constant 0 : index
    %get3A_133 = arith.constant 4 : index
    %get3A_134 = arith.constant 0 : index
    %get3A_135 = arith.constant 0 : index
    %get3A_136 = vector.load %arg5[%get3A_132, %get3A_133, %get3A_134, %get3A_135] : memref<3x5x128x128xf32, #tpu.memory_space<vmem>>, vector<1x1x128x128xf32>
    %get3A_137 = vector.shape_cast %get3A_136 : vector<1x1x128x128xf32> to vector<128x128xf32>
    %dot_general3A_138 = arith.constant dense<0.000000e+00> : vector<256x128xf32>
    %dot_general3A_139 = tpu.matmul %get3A_1, %get3A_137, %dot_general3A_138 {dimension_numbers = #tpu.dot_dimension_numbers<[1], [0], [0], [1], [0, 0, 1, 1], [], []>, transpose_lhs_hint = false} : vector<256x128xf32>, vector<128x128xf32>, vector<256x128xf32> -> vector<256x128xf32>
    %mul3A_140 = vector.broadcast %get3A_25 : vector<256x1xf32> to vector<256x128xf32>
    %mul3A_141 = arith.mulf %mul3A_140, %dot_general3A_139 : vector<256x128xf32>
    %add3A_142 = arith.addf %broadcast_in_dim3A_22, %mul3A_141 : vector<256x128xf32>
    %get3A_143 = arith.constant 0 : index
    %get3A_144 = arith.constant 1 : index
    %get3A_145 = vector.load %arg2[%get3A_143, %get3A_144] : memref<256x8xf32, #tpu.memory_space<vmem>>, vector<256x1xf32>
    %get3A_146 = arith.constant 1 : index
    %get3A_147 = arith.constant 0 : index
    %get3A_148 = arith.constant 0 : index
    %get3A_149 = vector.load %arg3[%get3A_146, %get3A_147, %get3A_148] : memref<3x128x128xf32, #tpu.memory_space<vmem>>, vector<1x128x128xf32>
    %get3A_150 = vector.shape_cast %get3A_149 : vector<1x128x128xf32> to vector<128x128xf32>
    %dot_general3A_151 = arith.constant dense<0.000000e+00> : vector<256x128xf32>
    %dot_general3A_152 = tpu.matmul %get3A_1, %get3A_150, %dot_general3A_151 {dimension_numbers = #tpu.dot_dimension_numbers<[1], [0], [0], [1], [0, 0, 1, 1], [], []>, transpose_lhs_hint = false} : vector<256x128xf32>, vector<128x128xf32>, vector<256x128xf32> -> vector<256x128xf32>
    %mul3A_153 = vector.broadcast %get3A_145 : vector<256x1xf32> to vector<256x128xf32>
    %mul3A_154 = arith.mulf %mul3A_153, %dot_general3A_152 : vector<256x128xf32>
    %add3A_155 = arith.addf %add3A, %mul3A_154 : vector<256x128xf32>
    %get3A_156 = arith.constant 1 : index
    %get3A_157 = arith.constant 0 : index
    %get3A_158 = arith.constant 0 : index
    %get3A_159 = arith.constant 0 : index
    %get3A_160 = vector.load %arg4[%get3A_156, %get3A_157, %get3A_158, %get3A_159] : memref<3x5x128x128xf32, #tpu.memory_space<vmem>>, vector<1x1x128x128xf32>
    %get3A_161 = vector.shape_cast %get3A_160 : vector<1x1x128x128xf32> to vector<128x128xf32>
    %dot_general3A_162 = arith.constant dense<0.000000e+00> : vector<256x128xf32>
    %dot_general3A_163 = tpu.matmul %get3A_1, %get3A_161, %dot_general3A_162 {dimension_numbers = #tpu.dot_dimension_numbers<[1], [0], [0], [1], [0, 0, 1, 1], [], []>, transpose_lhs_hint = false} : vector<256x128xf32>, vector<128x128xf32>, vector<256x128xf32> -> vector<256x128xf32>
    %mul3A_164 = vector.broadcast %get3A_145 : vector<256x1xf32> to vector<256x128xf32>
    %mul3A_165 = arith.mulf %mul3A_164, %dot_general3A_163 : vector<256x128xf32>
    %add3A_166 = arith.addf %add3A_43, %mul3A_165 : vector<256x128xf32>
    %get3A_167 = arith.constant 1 : index
    %get3A_168 = arith.constant 0 : index
    %get3A_169 = arith.constant 0 : index
    %get3A_170 = arith.constant 0 : index
    %get3A_171 = vector.load %arg5[%get3A_167, %get3A_168, %get3A_169, %get3A_170] : memref<3x5x128x128xf32, #tpu.memory_space<vmem>>, vector<1x1x128x128xf32>
    %get3A_172 = vector.shape_cast %get3A_171 : vector<1x1x128x128xf32> to vector<128x128xf32>
    %dot_general3A_173 = arith.constant dense<0.000000e+00> : vector<256x128xf32>
    %dot_general3A_174 = tpu.matmul %get3A_1, %get3A_172, %dot_general3A_173 {dimension_numbers = #tpu.dot_dimension_numbers<[1], [0], [0], [1], [0, 0, 1, 1], [], []>, transpose_lhs_hint = false} : vector<256x128xf32>, vector<128x128xf32>, vector<256x128xf32> -> vector<256x128xf32>
    %mul3A_175 = vector.broadcast %get3A_145 : vector<256x1xf32> to vector<256x128xf32>
    %mul3A_176 = arith.mulf %mul3A_175, %dot_general3A_174 : vector<256x128xf32>
    %add3A_177 = arith.addf %add3A_54, %mul3A_176 : vector<256x128xf32>
    %get3A_178 = arith.constant 1 : index
    %get3A_179 = arith.constant 1 : index
    %get3A_180 = arith.constant 0 : index
    %get3A_181 = arith.constant 0 : index
    %get3A_182 = vector.load %arg4[%get3A_178, %get3A_179, %get3A_180, %get3A_181] : memref<3x5x128x128xf32, #tpu.memory_space<vmem>>, vector<1x1x128x128xf32>
    %get3A_183 = vector.shape_cast %get3A_182 : vector<1x1x128x128xf32> to vector<128x128xf32>
    %dot_general3A_184 = arith.constant dense<0.000000e+00> : vector<256x128xf32>
    %dot_general3A_185 = tpu.matmul %get3A_1, %get3A_183, %dot_general3A_184 {dimension_numbers = #tpu.dot_dimension_numbers<[1], [0], [0], [1], [0, 0, 1, 1], [], []>, transpose_lhs_hint = false} : vector<256x128xf32>, vector<128x128xf32>, vector<256x128xf32> -> vector<256x128xf32>
    %mul3A_186 = vector.broadcast %get3A_145 : vector<256x1xf32> to vector<256x128xf32>
    %mul3A_187 = arith.mulf %mul3A_186, %dot_general3A_185 : vector<256x128xf32>
    %add3A_188 = arith.addf %add3A_65, %mul3A_187 : vector<256x128xf32>
    %get3A_189 = arith.constant 1 : index
    %get3A_190 = arith.constant 1 : index
    %get3A_191 = arith.constant 0 : index
    %get3A_192 = arith.constant 0 : index
    %get3A_193 = vector.load %arg5[%get3A_189, %get3A_190, %get3A_191, %get3A_192] : memref<3x5x128x128xf32, #tpu.memory_space<vmem>>, vector<1x1x128x128xf32>
    %get3A_194 = vector.shape_cast %get3A_193 : vector<1x1x128x128xf32> to vector<128x128xf32>
    %dot_general3A_195 = arith.constant dense<0.000000e+00> : vector<256x128xf32>
    %dot_general3A_196 = tpu.matmul %get3A_1, %get3A_194, %dot_general3A_195 {dimension_numbers = #tpu.dot_dimension_numbers<[1], [0], [0], [1], [0, 0, 1, 1], [], []>, transpose_lhs_hint = false} : vector<256x128xf32>, vector<128x128xf32>, vector<256x128xf32> -> vector<256x128xf32>
    %mul3A_197 = vector.broadcast %get3A_145 : vector<256x1xf32> to vector<256x128xf32>
    %mul3A_198 = arith.mulf %mul3A_197, %dot_general3A_196 : vector<256x128xf32>
    %add3A_199 = arith.addf %add3A_76, %mul3A_198 : vector<256x128xf32>
    %get3A_200 = arith.constant 1 : index
    %get3A_201 = arith.constant 2 : index
    %get3A_202 = arith.constant 0 : index
    %get3A_203 = arith.constant 0 : index
    %get3A_204 = vector.load %arg4[%get3A_200, %get3A_201, %get3A_202, %get3A_203] : memref<3x5x128x128xf32, #tpu.memory_space<vmem>>, vector<1x1x128x128xf32>
    %get3A_205 = vector.shape_cast %get3A_204 : vector<1x1x128x128xf32> to vector<128x128xf32>
    %dot_general3A_206 = arith.constant dense<0.000000e+00> : vector<256x128xf32>
    %dot_general3A_207 = tpu.matmul %get3A_1, %get3A_205, %dot_general3A_206 {dimension_numbers = #tpu.dot_dimension_numbers<[1], [0], [0], [1], [0, 0, 1, 1], [], []>, transpose_lhs_hint = false} : vector<256x128xf32>, vector<128x128xf32>, vector<256x128xf32> -> vector<256x128xf32>
    %mul3A_208 = vector.broadcast %get3A_145 : vector<256x1xf32> to vector<256x128xf32>
    %mul3A_209 = arith.mulf %mul3A_208, %dot_general3A_207 : vector<256x128xf32>
    %add3A_210 = arith.addf %add3A_87, %mul3A_209 : vector<256x128xf32>
    %get3A_211 = arith.constant 1 : index
    %get3A_212 = arith.constant 2 : index
    %get3A_213 = arith.constant 0 : index
    %get3A_214 = arith.constant 0 : index
    %get3A_215 = vector.load %arg5[%get3A_211, %get3A_212, %get3A_213, %get3A_214] : memref<3x5x128x128xf32, #tpu.memory_space<vmem>>, vector<1x1x128x128xf32>
    %get3A_216 = vector.shape_cast %get3A_215 : vector<1x1x128x128xf32> to vector<128x128xf32>
    %dot_general3A_217 = arith.constant dense<0.000000e+00> : vector<256x128xf32>
    %dot_general3A_218 = tpu.matmul %get3A_1, %get3A_216, %dot_general3A_217 {dimension_numbers = #tpu.dot_dimension_numbers<[1], [0], [0], [1], [0, 0, 1, 1], [], []>, transpose_lhs_hint = false} : vector<256x128xf32>, vector<128x128xf32>, vector<256x128xf32> -> vector<256x128xf32>
    %mul3A_219 = vector.broadcast %get3A_145 : vector<256x1xf32> to vector<256x128xf32>
    %mul3A_220 = arith.mulf %mul3A_219, %dot_general3A_218 : vector<256x128xf32>
    %add3A_221 = arith.addf %add3A_98, %mul3A_220 : vector<256x128xf32>
    %get3A_222 = arith.constant 1 : index
    %get3A_223 = arith.constant 3 : index
    %get3A_224 = arith.constant 0 : index
    %get3A_225 = arith.constant 0 : index
    %get3A_226 = vector.load %arg4[%get3A_222, %get3A_223, %get3A_224, %get3A_225] : memref<3x5x128x128xf32, #tpu.memory_space<vmem>>, vector<1x1x128x128xf32>
    %get3A_227 = vector.shape_cast %get3A_226 : vector<1x1x128x128xf32> to vector<128x128xf32>
    %dot_general3A_228 = arith.constant dense<0.000000e+00> : vector<256x128xf32>
    %dot_general3A_229 = tpu.matmul %get3A_1, %get3A_227, %dot_general3A_228 {dimension_numbers = #tpu.dot_dimension_numbers<[1], [0], [0], [1], [0, 0, 1, 1], [], []>, transpose_lhs_hint = false} : vector<256x128xf32>, vector<128x128xf32>, vector<256x128xf32> -> vector<256x128xf32>
    %mul3A_230 = vector.broadcast %get3A_145 : vector<256x1xf32> to vector<256x128xf32>
    %mul3A_231 = arith.mulf %mul3A_230, %dot_general3A_229 : vector<256x128xf32>
    %add3A_232 = arith.addf %add3A_109, %mul3A_231 : vector<256x128xf32>
    %get3A_233 = arith.constant 1 : index
    %get3A_234 = arith.constant 3 : index
    %get3A_235 = arith.constant 0 : index
    %get3A_236 = arith.constant 0 : index
    %get3A_237 = vector.load %arg5[%get3A_233, %get3A_234, %get3A_235, %get3A_236] : memref<3x5x128x128xf32, #tpu.memory_space<vmem>>, vector<1x1x128x128xf32>
    %get3A_238 = vector.shape_cast %get3A_237 : vector<1x1x128x128xf32> to vector<128x128xf32>
    %dot_general3A_239 = arith.constant dense<0.000000e+00> : vector<256x128xf32>
    %dot_general3A_240 = tpu.matmul %get3A_1, %get3A_238, %dot_general3A_239 {dimension_numbers = #tpu.dot_dimension_numbers<[1], [0], [0], [1], [0, 0, 1, 1], [], []>, transpose_lhs_hint = false} : vector<256x128xf32>, vector<128x128xf32>, vector<256x128xf32> -> vector<256x128xf32>
    %mul3A_241 = vector.broadcast %get3A_145 : vector<256x1xf32> to vector<256x128xf32>
    %mul3A_242 = arith.mulf %mul3A_241, %dot_general3A_240 : vector<256x128xf32>
    %add3A_243 = arith.addf %add3A_120, %mul3A_242 : vector<256x128xf32>
    %get3A_244 = arith.constant 1 : index
    %get3A_245 = arith.constant 4 : index
    %get3A_246 = arith.constant 0 : index
    %get3A_247 = arith.constant 0 : index
    %get3A_248 = vector.load %arg4[%get3A_244, %get3A_245, %get3A_246, %get3A_247] : memref<3x5x128x128xf32, #tpu.memory_space<vmem>>, vector<1x1x128x128xf32>
    %get3A_249 = vector.shape_cast %get3A_248 : vector<1x1x128x128xf32> to vector<128x128xf32>
    %dot_general3A_250 = arith.constant dense<0.000000e+00> : vector<256x128xf32>
    %dot_general3A_251 = tpu.matmul %get3A_1, %get3A_249, %dot_general3A_250 {dimension_numbers = #tpu.dot_dimension_numbers<[1], [0], [0], [1], [0, 0, 1, 1], [], []>, transpose_lhs_hint = false} : vector<256x128xf32>, vector<128x128xf32>, vector<256x128xf32> -> vector<256x128xf32>
    %mul3A_252 = vector.broadcast %get3A_145 : vector<256x1xf32> to vector<256x128xf32>
    %mul3A_253 = arith.mulf %mul3A_252, %dot_general3A_251 : vector<256x128xf32>
    %add3A_254 = arith.addf %add3A_131, %mul3A_253 : vector<256x128xf32>
    %get3A_255 = arith.constant 1 : index
    %get3A_256 = arith.constant 4 : index
    %get3A_257 = arith.constant 0 : index
    %get3A_258 = arith.constant 0 : index
    %get3A_259 = vector.load %arg5[%get3A_255, %get3A_256, %get3A_257, %get3A_258] : memref<3x5x128x128xf32, #tpu.memory_space<vmem>>, vector<1x1x128x128xf32>
    %get3A_260 = vector.shape_cast %get3A_259 : vector<1x1x128x128xf32> to vector<128x128xf32>
    %dot_general3A_261 = arith.constant dense<0.000000e+00> : vector<256x128xf32>
    %dot_general3A_262 = tpu.matmul %get3A_1, %get3A_260, %dot_general3A_261 {dimension_numbers = #tpu.dot_dimension_numbers<[1], [0], [0], [1], [0, 0, 1, 1], [], []>, transpose_lhs_hint = false} : vector<256x128xf32>, vector<128x128xf32>, vector<256x128xf32> -> vector<256x128xf32>
    %mul3A_263 = vector.broadcast %get3A_145 : vector<256x1xf32> to vector<256x128xf32>
    %mul3A_264 = arith.mulf %mul3A_263, %dot_general3A_262 : vector<256x128xf32>
    %add3A_265 = arith.addf %add3A_142, %mul3A_264 : vector<256x128xf32>
    %get3A_266 = arith.constant 0 : index
    %get3A_267 = arith.constant 2 : index
    %get3A_268 = vector.load %arg2[%get3A_266, %get3A_267] : memref<256x8xf32, #tpu.memory_space<vmem>>, vector<256x1xf32>
    %get3A_269 = arith.constant 2 : index
    %get3A_270 = arith.constant 0 : index
    %get3A_271 = arith.constant 0 : index
    %get3A_272 = vector.load %arg3[%get3A_269, %get3A_270, %get3A_271] : memref<3x128x128xf32, #tpu.memory_space<vmem>>, vector<1x128x128xf32>
    %get3A_273 = vector.shape_cast %get3A_272 : vector<1x128x128xf32> to vector<128x128xf32>
    %dot_general3A_274 = arith.constant dense<0.000000e+00> : vector<256x128xf32>
    %dot_general3A_275 = tpu.matmul %get3A_1, %get3A_273, %dot_general3A_274 {dimension_numbers = #tpu.dot_dimension_numbers<[1], [0], [0], [1], [0, 0, 1, 1], [], []>, transpose_lhs_hint = false} : vector<256x128xf32>, vector<128x128xf32>, vector<256x128xf32> -> vector<256x128xf32>
    %mul3A_276 = vector.broadcast %get3A_268 : vector<256x1xf32> to vector<256x128xf32>
    %mul3A_277 = arith.mulf %mul3A_276, %dot_general3A_275 : vector<256x128xf32>
    %add3A_278 = arith.addf %add3A_155, %mul3A_277 : vector<256x128xf32>
    %get3A_279 = arith.constant 2 : index
    %get3A_280 = arith.constant 0 : index
    %get3A_281 = arith.constant 0 : index
    %get3A_282 = arith.constant 0 : index
    %get3A_283 = vector.load %arg4[%get3A_279, %get3A_280, %get3A_281, %get3A_282] : memref<3x5x128x128xf32, #tpu.memory_space<vmem>>, vector<1x1x128x128xf32>
    %get3A_284 = vector.shape_cast %get3A_283 : vector<1x1x128x128xf32> to vector<128x128xf32>
    %dot_general3A_285 = arith.constant dense<0.000000e+00> : vector<256x128xf32>
    %dot_general3A_286 = tpu.matmul %get3A_1, %get3A_284, %dot_general3A_285 {dimension_numbers = #tpu.dot_dimension_numbers<[1], [0], [0], [1], [0, 0, 1, 1], [], []>, transpose_lhs_hint = false} : vector<256x128xf32>, vector<128x128xf32>, vector<256x128xf32> -> vector<256x128xf32>
    %mul3A_287 = vector.broadcast %get3A_268 : vector<256x1xf32> to vector<256x128xf32>
    %mul3A_288 = arith.mulf %mul3A_287, %dot_general3A_286 : vector<256x128xf32>
    %add3A_289 = arith.addf %add3A_166, %mul3A_288 : vector<256x128xf32>
    %get3A_290 = arith.constant 2 : index
    %get3A_291 = arith.constant 0 : index
    %get3A_292 = arith.constant 0 : index
    %get3A_293 = arith.constant 0 : index
    %get3A_294 = vector.load %arg5[%get3A_290, %get3A_291, %get3A_292, %get3A_293] : memref<3x5x128x128xf32, #tpu.memory_space<vmem>>, vector<1x1x128x128xf32>
    %get3A_295 = vector.shape_cast %get3A_294 : vector<1x1x128x128xf32> to vector<128x128xf32>
    %dot_general3A_296 = arith.constant dense<0.000000e+00> : vector<256x128xf32>
    %dot_general3A_297 = tpu.matmul %get3A_1, %get3A_295, %dot_general3A_296 {dimension_numbers = #tpu.dot_dimension_numbers<[1], [0], [0], [1], [0, 0, 1, 1], [], []>, transpose_lhs_hint = false} : vector<256x128xf32>, vector<128x128xf32>, vector<256x128xf32> -> vector<256x128xf32>
    %mul3A_298 = vector.broadcast %get3A_268 : vector<256x1xf32> to vector<256x128xf32>
    %mul3A_299 = arith.mulf %mul3A_298, %dot_general3A_297 : vector<256x128xf32>
    %add3A_300 = arith.addf %add3A_177, %mul3A_299 : vector<256x128xf32>
    %get3A_301 = arith.constant 2 : index
    %get3A_302 = arith.constant 1 : index
    %get3A_303 = arith.constant 0 : index
    %get3A_304 = arith.constant 0 : index
    %get3A_305 = vector.load %arg4[%get3A_301, %get3A_302, %get3A_303, %get3A_304] : memref<3x5x128x128xf32, #tpu.memory_space<vmem>>, vector<1x1x128x128xf32>
    %get3A_306 = vector.shape_cast %get3A_305 : vector<1x1x128x128xf32> to vector<128x128xf32>
    %dot_general3A_307 = arith.constant dense<0.000000e+00> : vector<256x128xf32>
    %dot_general3A_308 = tpu.matmul %get3A_1, %get3A_306, %dot_general3A_307 {dimension_numbers = #tpu.dot_dimension_numbers<[1], [0], [0], [1], [0, 0, 1, 1], [], []>, transpose_lhs_hint = false} : vector<256x128xf32>, vector<128x128xf32>, vector<256x128xf32> -> vector<256x128xf32>
    %mul3A_309 = vector.broadcast %get3A_268 : vector<256x1xf32> to vector<256x128xf32>
    %mul3A_310 = arith.mulf %mul3A_309, %dot_general3A_308 : vector<256x128xf32>
    %add3A_311 = arith.addf %add3A_188, %mul3A_310 : vector<256x128xf32>
    %get3A_312 = arith.constant 2 : index
    %get3A_313 = arith.constant 1 : index
    %get3A_314 = arith.constant 0 : index
    %get3A_315 = arith.constant 0 : index
    %get3A_316 = vector.load %arg5[%get3A_312, %get3A_313, %get3A_314, %get3A_315] : memref<3x5x128x128xf32, #tpu.memory_space<vmem>>, vector<1x1x128x128xf32>
    %get3A_317 = vector.shape_cast %get3A_316 : vector<1x1x128x128xf32> to vector<128x128xf32>
    %dot_general3A_318 = arith.constant dense<0.000000e+00> : vector<256x128xf32>
    %dot_general3A_319 = tpu.matmul %get3A_1, %get3A_317, %dot_general3A_318 {dimension_numbers = #tpu.dot_dimension_numbers<[1], [0], [0], [1], [0, 0, 1, 1], [], []>, transpose_lhs_hint = false} : vector<256x128xf32>, vector<128x128xf32>, vector<256x128xf32> -> vector<256x128xf32>
    %mul3A_320 = vector.broadcast %get3A_268 : vector<256x1xf32> to vector<256x128xf32>
    %mul3A_321 = arith.mulf %mul3A_320, %dot_general3A_319 : vector<256x128xf32>
    %add3A_322 = arith.addf %add3A_199, %mul3A_321 : vector<256x128xf32>
    %get3A_323 = arith.constant 2 : index
    %get3A_324 = arith.constant 2 : index
    %get3A_325 = arith.constant 0 : index
    %get3A_326 = arith.constant 0 : index
    %get3A_327 = vector.load %arg4[%get3A_323, %get3A_324, %get3A_325, %get3A_326] : memref<3x5x128x128xf32, #tpu.memory_space<vmem>>, vector<1x1x128x128xf32>
    %get3A_328 = vector.shape_cast %get3A_327 : vector<1x1x128x128xf32> to vector<128x128xf32>
    %dot_general3A_329 = arith.constant dense<0.000000e+00> : vector<256x128xf32>
    %dot_general3A_330 = tpu.matmul %get3A_1, %get3A_328, %dot_general3A_329 {dimension_numbers = #tpu.dot_dimension_numbers<[1], [0], [0], [1], [0, 0, 1, 1], [], []>, transpose_lhs_hint = false} : vector<256x128xf32>, vector<128x128xf32>, vector<256x128xf32> -> vector<256x128xf32>
    %mul3A_331 = vector.broadcast %get3A_268 : vector<256x1xf32> to vector<256x128xf32>
    %mul3A_332 = arith.mulf %mul3A_331, %dot_general3A_330 : vector<256x128xf32>
    %add3A_333 = arith.addf %add3A_210, %mul3A_332 : vector<256x128xf32>
    %get3A_334 = arith.constant 2 : index
    %get3A_335 = arith.constant 2 : index
    %get3A_336 = arith.constant 0 : index
    %get3A_337 = arith.constant 0 : index
    %get3A_338 = vector.load %arg5[%get3A_334, %get3A_335, %get3A_336, %get3A_337] : memref<3x5x128x128xf32, #tpu.memory_space<vmem>>, vector<1x1x128x128xf32>
    %get3A_339 = vector.shape_cast %get3A_338 : vector<1x1x128x128xf32> to vector<128x128xf32>
    %dot_general3A_340 = arith.constant dense<0.000000e+00> : vector<256x128xf32>
    %dot_general3A_341 = tpu.matmul %get3A_1, %get3A_339, %dot_general3A_340 {dimension_numbers = #tpu.dot_dimension_numbers<[1], [0], [0], [1], [0, 0, 1, 1], [], []>, transpose_lhs_hint = false} : vector<256x128xf32>, vector<128x128xf32>, vector<256x128xf32> -> vector<256x128xf32>
    %mul3A_342 = vector.broadcast %get3A_268 : vector<256x1xf32> to vector<256x128xf32>
    %mul3A_343 = arith.mulf %mul3A_342, %dot_general3A_341 : vector<256x128xf32>
    %add3A_344 = arith.addf %add3A_221, %mul3A_343 : vector<256x128xf32>
    %get3A_345 = arith.constant 2 : index
    %get3A_346 = arith.constant 3 : index
    %get3A_347 = arith.constant 0 : index
    %get3A_348 = arith.constant 0 : index
    %get3A_349 = vector.load %arg4[%get3A_345, %get3A_346, %get3A_347, %get3A_348] : memref<3x5x128x128xf32, #tpu.memory_space<vmem>>, vector<1x1x128x128xf32>
    %get3A_350 = vector.shape_cast %get3A_349 : vector<1x1x128x128xf32> to vector<128x128xf32>
    %dot_general3A_351 = arith.constant dense<0.000000e+00> : vector<256x128xf32>
    %dot_general3A_352 = tpu.matmul %get3A_1, %get3A_350, %dot_general3A_351 {dimension_numbers = #tpu.dot_dimension_numbers<[1], [0], [0], [1], [0, 0, 1, 1], [], []>, transpose_lhs_hint = false} : vector<256x128xf32>, vector<128x128xf32>, vector<256x128xf32> -> vector<256x128xf32>
    %mul3A_353 = vector.broadcast %get3A_268 : vector<256x1xf32> to vector<256x128xf32>
    %mul3A_354 = arith.mulf %mul3A_353, %dot_general3A_352 : vector<256x128xf32>
    %add3A_355 = arith.addf %add3A_232, %mul3A_354 : vector<256x128xf32>
    %get3A_356 = arith.constant 2 : index
    %get3A_357 = arith.constant 3 : index
    %get3A_358 = arith.constant 0 : index
    %get3A_359 = arith.constant 0 : index
    %get3A_360 = vector.load %arg5[%get3A_356, %get3A_357, %get3A_358, %get3A_359] : memref<3x5x128x128xf32, #tpu.memory_space<vmem>>, vector<1x1x128x128xf32>
    %get3A_361 = vector.shape_cast %get3A_360 : vector<1x1x128x128xf32> to vector<128x128xf32>
    %dot_general3A_362 = arith.constant dense<0.000000e+00> : vector<256x128xf32>
    %dot_general3A_363 = tpu.matmul %get3A_1, %get3A_361, %dot_general3A_362 {dimension_numbers = #tpu.dot_dimension_numbers<[1], [0], [0], [1], [0, 0, 1, 1], [], []>, transpose_lhs_hint = false} : vector<256x128xf32>, vector<128x128xf32>, vector<256x128xf32> -> vector<256x128xf32>
    %mul3A_364 = vector.broadcast %get3A_268 : vector<256x1xf32> to vector<256x128xf32>
    %mul3A_365 = arith.mulf %mul3A_364, %dot_general3A_363 : vector<256x128xf32>
    %add3A_366 = arith.addf %add3A_243, %mul3A_365 : vector<256x128xf32>
    %get3A_367 = arith.constant 2 : index
    %get3A_368 = arith.constant 4 : index
    %get3A_369 = arith.constant 0 : index
    %get3A_370 = arith.constant 0 : index
    %get3A_371 = vector.load %arg4[%get3A_367, %get3A_368, %get3A_369, %get3A_370] : memref<3x5x128x128xf32, #tpu.memory_space<vmem>>, vector<1x1x128x128xf32>
    %get3A_372 = vector.shape_cast %get3A_371 : vector<1x1x128x128xf32> to vector<128x128xf32>
    %dot_general3A_373 = arith.constant dense<0.000000e+00> : vector<256x128xf32>
    %dot_general3A_374 = tpu.matmul %get3A_1, %get3A_372, %dot_general3A_373 {dimension_numbers = #tpu.dot_dimension_numbers<[1], [0], [0], [1], [0, 0, 1, 1], [], []>, transpose_lhs_hint = false} : vector<256x128xf32>, vector<128x128xf32>, vector<256x128xf32> -> vector<256x128xf32>
    %mul3A_375 = vector.broadcast %get3A_268 : vector<256x1xf32> to vector<256x128xf32>
    %mul3A_376 = arith.mulf %mul3A_375, %dot_general3A_374 : vector<256x128xf32>
    %add3A_377 = arith.addf %add3A_254, %mul3A_376 : vector<256x128xf32>
    %get3A_378 = arith.constant 2 : index
    %get3A_379 = arith.constant 4 : index
    %get3A_380 = arith.constant 0 : index
    %get3A_381 = arith.constant 0 : index
    %get3A_382 = vector.load %arg5[%get3A_378, %get3A_379, %get3A_380, %get3A_381] : memref<3x5x128x128xf32, #tpu.memory_space<vmem>>, vector<1x1x128x128xf32>
    %get3A_383 = vector.shape_cast %get3A_382 : vector<1x1x128x128xf32> to vector<128x128xf32>
    %dot_general3A_384 = arith.constant dense<0.000000e+00> : vector<256x128xf32>
    %dot_general3A_385 = tpu.matmul %get3A_1, %get3A_383, %dot_general3A_384 {dimension_numbers = #tpu.dot_dimension_numbers<[1], [0], [0], [1], [0, 0, 1, 1], [], []>, transpose_lhs_hint = false} : vector<256x128xf32>, vector<128x128xf32>, vector<256x128xf32> -> vector<256x128xf32>
    %mul3A_386 = vector.broadcast %get3A_268 : vector<256x1xf32> to vector<256x128xf32>
    %mul3A_387 = arith.mulf %mul3A_386, %dot_general3A_385 : vector<256x128xf32>
    %add3A_388 = arith.addf %add3A_265, %mul3A_387 : vector<256x128xf32>
    %swap3A = arith.constant 0 : index
    %swap3A_389 = arith.constant 0 : index
    %swap3A_390 = vector.load %arg6[%swap3A, %swap3A_389] : memref<256x128xf32, #tpu.memory_space<vmem>>, vector<256x128xf32>
    tpu.vector_store %arg6[%swap3A, %swap3A_389], %add3A_278 {strides = array<i32>} : memref<256x128xf32, #tpu.memory_space<vmem>>, vector<256x128xf32>,
    %concatenate3A = tpu.concatenate %add3A_289, %add3A_311, %add3A_333, %add3A_355, %add3A_377 in 1 : vector<256x128xf32>, vector<256x128xf32>, vector<256x128xf32>, vector<256x128xf32>, vector<256x128xf32> -> vector<256x640xf32>
    %swap3A_391 = arith.constant 0 : index
    %swap3A_392 = arith.constant 0 : index
    %swap3A_393 = vector.load %arg7[%swap3A_391, %swap3A_392] : memref<256x640xf32, #tpu.memory_space<vmem>>, vector<256x640xf32>
    tpu.vector_store %arg7[%swap3A_391, %swap3A_392], %concatenate3A {strides = array<i32>} : memref<256x640xf32, #tpu.memory_space<vmem>>, vector<256x640xf32>,
    %concatenate3A_394 = tpu.concatenate %add3A_300, %add3A_322, %add3A_344, %add3A_366, %add3A_388 in 1 : vector<256x128xf32>, vector<256x128xf32>, vector<256x128xf32>, vector<256x128xf32>, vector<256x128xf32> -> vector<256x640xf32>
    %swap3A_395 = arith.constant 0 : index
    %swap3A_396 = arith.constant 0 : index
    %swap3A_397 = vector.load %arg8[%swap3A_395, %swap3A_396] : memref<256x640xf32, #tpu.memory_space<vmem>>, vector<256x640xf32>
    tpu.vector_store %arg8[%swap3A_395, %swap3A_396], %concatenate3A_394 {strides = array<i32>} : memref<256x640xf32, #tpu.memory_space<vmem>>, vector<256x640xf32>,
    return
  }
  func.func @transform_0(%arg0: i32) -> (i32, i32) {
    %c0_i32 = arith.constant 0 : i32
    %c0_i32_0 = arith.constant 0 : i32
    return %arg0, %c0_i32 : i32, i32
  }
  func.func @transform_1(%arg0: i32) -> (i32, i32) {
    %c0_i32 = arith.constant 0 : i32
    %c0_i32_0 = arith.constant 0 : i32
    return %arg0, %c0_i32 : i32, i32
  }
  func.func @transform_2(%arg0: i32) -> (i32, i32, i32) {
    %c0_i32 = arith.constant 0 : i32
    %c0_i32_0 = arith.constant 0 : i32
    %c0_i32_1 = arith.constant 0 : i32
    %c0_i32_2 = arith.constant 0 : i32
    return %c0_i32, %c0_i32_0, %c0_i32_1 : i32, i32, i32
  }
  func.func @transform_3(%arg0: i32) -> (i32, i32, i32, i32) {
    %c0_i32 = arith.constant 0 : i32
    %c0_i32_0 = arith.constant 0 : i32
    %c0_i32_1 = arith.constant 0 : i32
    %c0_i32_2 = arith.constant 0 : i32
    %c0_i32_3 = arith.constant 0 : i32
    return %c0_i32, %c0_i32_0, %c0_i32_1, %c0_i32_2 : i32, i32, i32, i32
  }
  func.func @transform_4(%arg0: i32) -> (i32, i32, i32, i32) {
    %c0_i32 = arith.constant 0 : i32
    %c0_i32_0 = arith.constant 0 : i32
    %c0_i32_1 = arith.constant 0 : i32
    %c0_i32_2 = arith.constant 0 : i32
    %c0_i32_3 = arith.constant 0 : i32
    return %c0_i32, %c0_i32_0, %c0_i32_1, %c0_i32_2 : i32, i32, i32, i32
  }
  func.func @transform_5(%arg0: i32) -> (i32, i32) {
    %c0_i32 = arith.constant 0 : i32
    %c0_i32_0 = arith.constant 0 : i32
    return %arg0, %c0_i32 : i32, i32
  }
  func.func @transform_6(%arg0: i32) -> (i32, i32) {
    %c0_i32 = arith.constant 0 : i32
    %c0_i32_0 = arith.constant 0 : i32
    return %arg0, %c0_i32 : i32, i32
  }
  func.func @transform_7(%arg0: i32) -> (i32, i32) {
    %c0_i32 = arith.constant 0 : i32
    %c0_i32_0 = arith.constant 0 : i32
    return %arg0, %c0_i32 : i32, i32
  }
}

module attributes {stable_mosaic.version = 14 : i64} {
  func.func @_edgef_body(%arg0: i32, %arg1: memref<1024x128xf32, #tpu.memory_space<vmem>>, %arg2: memref<1024x128xf32, #tpu.memory_space<vmem>>, %arg3: memref<1024x128xf32, #tpu.memory_space<vmem>>, %arg4: memref<128x128xf32, #tpu.memory_space<vmem>>, %arg5: memref<1x128xf32, #tpu.memory_space<vmem>>, %arg6: memref<16x128xf32, #tpu.memory_space<vmem>>, %arg7: memref<1024x128xf32, #tpu.memory_space<vmem>>, %arg8: memref<1024x128xf32, #tpu.memory_space<vmem>>) attributes {dimension_semantics = [#tpu.dimension_semantics<arbitrary>], iteration_bounds = array<i64: 160>, scalar_prefetch = 0 : i64, scratch_operands = 0 : i64, tpu.core_type = #tpu.core_type<tc>, window_params = [{transform_indices = @transform_0, window_bounds = array<i64: 1024, 128>}, {transform_indices = @transform_1, window_bounds = array<i64: 1024, 128>}, {transform_indices = @transform_2, window_bounds = array<i64: 1024, 128>}, {pipeline_mode = #tpu.pipeline_mode<synchronous>, transform_indices = @transform_3, window_bounds = array<i64: 128, 128>}, {pipeline_mode = #tpu.pipeline_mode<synchronous>, transform_indices = @transform_4, window_bounds = array<i64: 1, 128>}, {pipeline_mode = #tpu.pipeline_mode<synchronous>, transform_indices = @transform_5, window_bounds = array<i64: 16, 128>}, {transform_indices = @transform_6, window_bounds = array<i64: 1024, 128>}, {transform_indices = @transform_7, window_bounds = array<i64: 1024, 128>}]} {
    %get3A = arith.constant 0 : index
    %get3A_0 = arith.constant 0 : index
    %get3A_1 = vector.load %arg1[%get3A, %get3A_0] : memref<1024x128xf32, #tpu.memory_space<vmem>>, vector<1024x128xf32>
    %get3A_2 = arith.constant 0 : index
    %get3A_3 = arith.constant 0 : index
    %get3A_4 = vector.load %arg2[%get3A_2, %get3A_3] : memref<1024x128xf32, #tpu.memory_space<vmem>>, vector<1024x128xf32>
    %mul3A = arith.mulf %get3A_1, %get3A_4 : vector<1024x128xf32>
    %get3A_5 = arith.constant 0 : index
    %get3A_6 = arith.constant 0 : index
    %get3A_7 = vector.load %arg4[%get3A_5, %get3A_6] : memref<128x128xf32, #tpu.memory_space<vmem>>, vector<128x128xf32>
    %dot_general3A = arith.constant dense<0.000000e+00> : vector<1024x128xf32>
    %dot_general3A_8 = tpu.matmul %mul3A, %get3A_7, %dot_general3A {dimension_numbers = #tpu.dot_dimension_numbers<[1], [0], [0], [1], [0, 0, 1, 1], [], []>, transpose_lhs_hint = false} : vector<1024x128xf32>, vector<128x128xf32>, vector<1024x128xf32> -> vector<1024x128xf32>
    %exp3A = math.exp %dot_general3A_8 : vector<1024x128xf32>
    %get3A_9 = arith.constant 0 : index
    %get3A_10 = arith.constant 0 : index
    %get3A_11 = vector.load %arg5[%get3A_9, %get3A_10] : memref<1x128xf32, #tpu.memory_space<vmem>>, vector<1x128xf32>
    %mul3A_12 = vector.broadcast %get3A_11 : vector<1x128xf32> to vector<1024x128xf32>
    %mul3A_13 = arith.mulf %exp3A, %mul3A_12 : vector<1024x128xf32>
    %swap3A = arith.constant 0 : index
    %swap3A_14 = arith.constant 0 : index
    %swap3A_15 = vector.load %arg7[%swap3A, %swap3A_14] : memref<1024x128xf32, #tpu.memory_space<vmem>>, vector<1024x128xf32>
    tpu.vector_store %arg7[%swap3A, %swap3A_14], %mul3A_13 {strides = array<i32>} : memref<1024x128xf32, #tpu.memory_space<vmem>>, vector<1024x128xf32>,
    %slice3A = vector.extract_strided_slice %mul3A_13 {offsets = [0, 0], sizes = [1024, 16], strides = [1, 1]} : vector<1024x128xf32> to vector<1024x16xf32>
    %get3A_16 = arith.constant 0 : index
    %get3A_17 = arith.constant 0 : index
    %get3A_18 = vector.load %arg6[%get3A_16, %get3A_17] : memref<16x128xf32, #tpu.memory_space<vmem>>, vector<16x128xf32>
    %dot_general3A_19 = arith.constant dense<0.000000e+00> : vector<1024x128xf32>
    %dot_general3A_20 = tpu.matmul %slice3A, %get3A_18, %dot_general3A_19 {dimension_numbers = #tpu.dot_dimension_numbers<[1], [0], [0], [1], [0, 0, 1, 1], [], []>, transpose_lhs_hint = false} : vector<1024x16xf32>, vector<16x128xf32>, vector<1024x128xf32> -> vector<1024x128xf32>
    %get3A_21 = arith.constant 0 : index
    %get3A_22 = arith.constant 0 : index
    %get3A_23 = vector.load %arg3[%get3A_21, %get3A_22] : memref<1024x128xf32, #tpu.memory_space<vmem>>, vector<1024x128xf32>
    %mul3A_24 = arith.mulf %get3A_23, %dot_general3A_20 : vector<1024x128xf32>
    %swap3A_25 = arith.constant 0 : index
    %swap3A_26 = arith.constant 0 : index
    %swap3A_27 = vector.load %arg8[%swap3A_25, %swap3A_26] : memref<1024x128xf32, #tpu.memory_space<vmem>>, vector<1024x128xf32>
    tpu.vector_store %arg8[%swap3A_25, %swap3A_26], %mul3A_24 {strides = array<i32>} : memref<1024x128xf32, #tpu.memory_space<vmem>>, vector<1024x128xf32>,
    return
  }
  func.func @transform_0(%arg0: i32) -> (i32, i32) {
    %c0_i32 = arith.constant 0 : i32
    %c0_i32_0 = arith.constant 0 : i32
    return %arg0, %c0_i32 : i32, i32
  }
  func.func @transform_1(%arg0: i32) -> (i32, i32) {
    %c0_i32 = arith.constant 0 : i32
    %c0_i32_0 = arith.constant 0 : i32
    return %arg0, %c0_i32 : i32, i32
  }
  func.func @transform_2(%arg0: i32) -> (i32, i32) {
    %c0_i32 = arith.constant 0 : i32
    %c0_i32_0 = arith.constant 0 : i32
    return %arg0, %c0_i32 : i32, i32
  }
  func.func @transform_3(%arg0: i32) -> (i32, i32) {
    %c0_i32 = arith.constant 0 : i32
    %c0_i32_0 = arith.constant 0 : i32
    %c0_i32_1 = arith.constant 0 : i32
    return %c0_i32, %c0_i32_0 : i32, i32
  }
  func.func @transform_4(%arg0: i32) -> (i32, i32) {
    %c0_i32 = arith.constant 0 : i32
    %c0_i32_0 = arith.constant 0 : i32
    %c0_i32_1 = arith.constant 0 : i32
    return %c0_i32, %c0_i32_0 : i32, i32
  }
  func.func @transform_5(%arg0: i32) -> (i32, i32) {
    %c0_i32 = arith.constant 0 : i32
    %c0_i32_0 = arith.constant 0 : i32
    %c0_i32_1 = arith.constant 0 : i32
    return %c0_i32, %c0_i32_0 : i32, i32
  }
  func.func @transform_6(%arg0: i32) -> (i32, i32) {
    %c0_i32 = arith.constant 0 : i32
    %c0_i32_0 = arith.constant 0 : i32
    return %arg0, %c0_i32 : i32, i32
  }
  func.func @transform_7(%arg0: i32) -> (i32, i32) {
    %c0_i32 = arith.constant 0 : i32
    %c0_i32_0 = arith.constant 0 : i32
    return %arg0, %c0_i32 : i32, i32
  }
}

module attributes {stable_mosaic.version = 14 : i64} {
  func.func @_dense2_body(%arg0: i32, %arg1: memref<256x128xf32, #tpu.memory_space<vmem>>, %arg2: memref<256x128xf32, #tpu.memory_space<vmem>>, %arg3: memref<256x128xf32, #tpu.memory_space<vmem>>, %arg4: memref<256x128xf32, #tpu.memory_space<vmem>>, %arg5: memref<16x128xf32, #tpu.memory_space<vmem>>, %arg6: memref<256x128xf32, #tpu.memory_space<vmem>>, %arg7: memref<256x8xf32, #tpu.memory_space<vmem>>, %arg8: memref<256x8xf32, #tpu.memory_space<vmem>>, %arg9: memref<3x128x128xf32, #tpu.memory_space<vmem>>, %arg10: memref<1x128xf32, #tpu.memory_space<vmem>>, %arg11: memref<1x128xf32, #tpu.memory_space<vmem>>, %arg12: memref<256x128xf32, #tpu.memory_space<vmem>>) attributes {dimension_semantics = [#tpu.dimension_semantics<arbitrary>], iteration_bounds = array<i64: 40>, scalar_prefetch = 0 : i64, scratch_operands = 0 : i64, tpu.core_type = #tpu.core_type<tc>, window_params = [{transform_indices = @transform_0, window_bounds = array<i64: 256, 128>}, {transform_indices = @transform_1, window_bounds = array<i64: 256, 128>}, {transform_indices = @transform_2, window_bounds = array<i64: 256, 128>}, {transform_indices = @transform_3, window_bounds = array<i64: 256, 128>}, {pipeline_mode = #tpu.pipeline_mode<synchronous>, transform_indices = @transform_4, window_bounds = array<i64: 16, 128>}, {transform_indices = @transform_5, window_bounds = array<i64: 256, 128>}, {transform_indices = @transform_6, window_bounds = array<i64: 256, 8>}, {transform_indices = @transform_7, window_bounds = array<i64: 256, 8>}, {pipeline_mode = #tpu.pipeline_mode<synchronous>, transform_indices = @transform_8, window_bounds = array<i64: 3, 128, 128>}, {pipeline_mode = #tpu.pipeline_mode<synchronous>, transform_indices = @transform_9, window_bounds = array<i64: 1, 128>}, {pipeline_mode = #tpu.pipeline_mode<synchronous>, transform_indices = @transform_10, window_bounds = array<i64: 1, 128>}, {transform_indices = @transform_11, window_bounds = array<i64: 256, 128>}]} {
    %get3A = arith.constant 0 : index
    %get3A_0 = arith.constant 0 : index
    %get3A_1 = vector.load %arg3[%get3A, %get3A_0] : memref<256x128xf32, #tpu.memory_space<vmem>>, vector<256x16xf32>
    %get3A_2 = arith.constant 0 : index
    %get3A_3 = arith.constant 0 : index
    %get3A_4 = vector.load %arg4[%get3A_2, %get3A_3] : memref<256x128xf32, #tpu.memory_space<vmem>>, vector<256x16xf32>
    %add3A = arith.addf %get3A_1, %get3A_4 : vector<256x16xf32>
    %max3A = arith.constant 9.99999971E-10 : f32
    %max3A_5 = vector.broadcast %max3A : f32 to vector<256x16xf32>
    %max3A_6 = arith.maximumf %add3A, %max3A_5 : vector<256x16xf32>
    %div3A = arith.constant 1.000000e+00 : f32
    %div3A_7 = vector.broadcast %div3A : f32 to vector<256x16xf32>
    %div3A_8 = arith.divf %div3A_7, %max3A_6 : vector<256x16xf32>
    %get3A_9 = arith.constant 0 : index
    %get3A_10 = arith.constant 0 : index
    %get3A_11 = vector.load %arg5[%get3A_9, %get3A_10] : memref<16x128xf32, #tpu.memory_space<vmem>>, vector<16x128xf32>
    %dot_general3A = arith.constant dense<0.000000e+00> : vector<256x128xf32>
    %dot_general3A_12 = tpu.matmul %div3A_8, %get3A_11, %dot_general3A {dimension_numbers = #tpu.dot_dimension_numbers<[1], [0], [0], [1], [0, 0, 1, 1], [], []>, transpose_lhs_hint = false} : vector<256x16xf32>, vector<16x128xf32>, vector<256x128xf32> -> vector<256x128xf32>
    %get3A_13 = arith.constant 0 : index
    %get3A_14 = arith.constant 0 : index
    %get3A_15 = vector.load %arg1[%get3A_13, %get3A_14] : memref<256x128xf32, #tpu.memory_space<vmem>>, vector<256x128xf32>
    %get3A_16 = arith.constant 0 : index
    %get3A_17 = arith.constant 0 : index
    %get3A_18 = vector.load %arg2[%get3A_16, %get3A_17] : memref<256x128xf32, #tpu.memory_space<vmem>>, vector<256x128xf32>
    %add3A_19 = arith.addf %get3A_15, %get3A_18 : vector<256x128xf32>
    %mul3A = arith.mulf %add3A_19, %dot_general3A_12 : vector<256x128xf32>
    %get3A_20 = arith.constant 0 : index
    %get3A_21 = arith.constant 0 : index
    %get3A_22 = vector.load %arg6[%get3A_20, %get3A_21] : memref<256x128xf32, #tpu.memory_space<vmem>>, vector<256x128xf32>
    %broadcast_in_dim3A = arith.constant 0.000000e+00 : f32
    %broadcast_in_dim3A_23 = vector.broadcast %broadcast_in_dim3A : f32 to vector<256x128xf32>
    %get3A_24 = arith.constant 0 : index
    %get3A_25 = arith.constant 0 : index
    %get3A_26 = vector.load %arg7[%get3A_24, %get3A_25] : memref<256x8xf32, #tpu.memory_space<vmem>>, vector<256x1xf32>
    %get3A_27 = arith.constant 0 : index
    %get3A_28 = arith.constant 0 : index
    %get3A_29 = arith.constant 0 : index
    %get3A_30 = vector.load %arg9[%get3A_27, %get3A_28, %get3A_29] : memref<3x128x128xf32, #tpu.memory_space<vmem>>, vector<1x128x128xf32>
    %get3A_31 = vector.shape_cast %get3A_30 : vector<1x128x128xf32> to vector<128x128xf32>
    %dot_general3A_32 = arith.constant dense<0.000000e+00> : vector<256x128xf32>
    %dot_general3A_33 = tpu.matmul %mul3A, %get3A_31, %dot_general3A_32 {dimension_numbers = #tpu.dot_dimension_numbers<[1], [0], [0], [1], [0, 0, 1, 1], [], []>, transpose_lhs_hint = false} : vector<256x128xf32>, vector<128x128xf32>, vector<256x128xf32> -> vector<256x128xf32>
    %mul3A_34 = vector.broadcast %get3A_26 : vector<256x1xf32> to vector<256x128xf32>
    %mul3A_35 = arith.mulf %mul3A_34, %dot_general3A_33 : vector<256x128xf32>
    %add3A_36 = arith.addf %broadcast_in_dim3A_23, %mul3A_35 : vector<256x128xf32>
    %get3A_37 = arith.constant 0 : index
    %get3A_38 = arith.constant 1 : index
    %get3A_39 = vector.load %arg7[%get3A_37, %get3A_38] : memref<256x8xf32, #tpu.memory_space<vmem>>, vector<256x1xf32>
    %get3A_40 = arith.constant 1 : index
    %get3A_41 = arith.constant 0 : index
    %get3A_42 = arith.constant 0 : index
    %get3A_43 = vector.load %arg9[%get3A_40, %get3A_41, %get3A_42] : memref<3x128x128xf32, #tpu.memory_space<vmem>>, vector<1x128x128xf32>
    %get3A_44 = vector.shape_cast %get3A_43 : vector<1x128x128xf32> to vector<128x128xf32>
    %dot_general3A_45 = arith.constant dense<0.000000e+00> : vector<256x128xf32>
    %dot_general3A_46 = tpu.matmul %mul3A, %get3A_44, %dot_general3A_45 {dimension_numbers = #tpu.dot_dimension_numbers<[1], [0], [0], [1], [0, 0, 1, 1], [], []>, transpose_lhs_hint = false} : vector<256x128xf32>, vector<128x128xf32>, vector<256x128xf32> -> vector<256x128xf32>
    %mul3A_47 = vector.broadcast %get3A_39 : vector<256x1xf32> to vector<256x128xf32>
    %mul3A_48 = arith.mulf %mul3A_47, %dot_general3A_46 : vector<256x128xf32>
    %add3A_49 = arith.addf %add3A_36, %mul3A_48 : vector<256x128xf32>
    %get3A_50 = arith.constant 0 : index
    %get3A_51 = arith.constant 2 : index
    %get3A_52 = vector.load %arg7[%get3A_50, %get3A_51] : memref<256x8xf32, #tpu.memory_space<vmem>>, vector<256x1xf32>
    %get3A_53 = arith.constant 2 : index
    %get3A_54 = arith.constant 0 : index
    %get3A_55 = arith.constant 0 : index
    %get3A_56 = vector.load %arg9[%get3A_53, %get3A_54, %get3A_55] : memref<3x128x128xf32, #tpu.memory_space<vmem>>, vector<1x128x128xf32>
    %get3A_57 = vector.shape_cast %get3A_56 : vector<1x128x128xf32> to vector<128x128xf32>
    %dot_general3A_58 = arith.constant dense<0.000000e+00> : vector<256x128xf32>
    %dot_general3A_59 = tpu.matmul %mul3A, %get3A_57, %dot_general3A_58 {dimension_numbers = #tpu.dot_dimension_numbers<[1], [0], [0], [1], [0, 0, 1, 1], [], []>, transpose_lhs_hint = false} : vector<256x128xf32>, vector<128x128xf32>, vector<256x128xf32> -> vector<256x128xf32>
    %mul3A_60 = vector.broadcast %get3A_52 : vector<256x1xf32> to vector<256x128xf32>
    %mul3A_61 = arith.mulf %mul3A_60, %dot_general3A_59 : vector<256x128xf32>
    %add3A_62 = arith.addf %add3A_49, %mul3A_61 : vector<256x128xf32>
    %get3A_63 = arith.constant 0 : index
    %get3A_64 = arith.constant 0 : index
    %get3A_65 = vector.load %arg8[%get3A_63, %get3A_64] : memref<256x8xf32, #tpu.memory_space<vmem>>, vector<256x1xf32>
    %mul3A_66 = vector.broadcast %get3A_65 : vector<256x1xf32> to vector<256x128xf32>
    %mul3A_67 = arith.mulf %add3A_62, %mul3A_66 : vector<256x128xf32>
    %sub3A = arith.constant 1.000000e+00 : f32
    %sub3A_68 = vector.broadcast %sub3A : f32 to vector<256x1xf32>
    %sub3A_69 = arith.subf %sub3A_68, %get3A_65 : vector<256x1xf32>
    %mul3A_70 = vector.broadcast %sub3A_69 : vector<256x1xf32> to vector<256x128xf32>
    %mul3A_71 = arith.mulf %get3A_22, %mul3A_70 : vector<256x128xf32>
    %add3A_72 = arith.addf %mul3A_67, %mul3A_71 : vector<256x128xf32>
    %reduce_sum3A = arith.constant dense<0.000000e+00> : vector<256xf32>
    %reduce_sum3A_73 = vector.multi_reduction <add>, %add3A_72, %reduce_sum3A [1] : vector<256x128xf32> to vector<256xf32>
    %broadcast_in_dim3A_74 = vector.shape_cast %reduce_sum3A_73 : vector<256xf32> to vector<256x1xf32>
    %div3A_75 = arith.constant 1.280000e+02 : f32
    %div3A_76 = vector.broadcast %div3A_75 : f32 to vector<256x1xf32>
    %div3A_77 = arith.divf %broadcast_in_dim3A_74, %div3A_76 : vector<256x1xf32>
    %sub3A_78 = vector.broadcast %div3A_77 : vector<256x1xf32> to vector<256x128xf32>
    %sub3A_79 = arith.subf %add3A_72, %sub3A_78 : vector<256x128xf32>
    %integer_pow3A = arith.mulf %sub3A_79, %sub3A_79 : vector<256x128xf32>
    %reduce_sum3A_80 = arith.constant dense<0.000000e+00> : vector<256xf32>
    %reduce_sum3A_81 = vector.multi_reduction <add>, %integer_pow3A, %reduce_sum3A_80 [1] : vector<256x128xf32> to vector<256xf32>
    %broadcast_in_dim3A_82 = vector.shape_cast %reduce_sum3A_81 : vector<256xf32> to vector<256x1xf32>
    %div3A_83 = arith.constant 1.280000e+02 : f32
    %div3A_84 = vector.broadcast %div3A_83 : f32 to vector<256x1xf32>
    %div3A_85 = arith.divf %broadcast_in_dim3A_82, %div3A_84 : vector<256x1xf32>
    %sub3A_86 = vector.broadcast %div3A_77 : vector<256x1xf32> to vector<256x128xf32>
    %sub3A_87 = arith.subf %add3A_72, %sub3A_86 : vector<256x128xf32>
    %add3A_88 = arith.constant 9.99999974E-6 : f32
    %add3A_89 = vector.broadcast %add3A_88 : f32 to vector<256x1xf32>
    %add3A_90 = arith.addf %div3A_85, %add3A_89 : vector<256x1xf32>
    %rsqrt3A = math.rsqrt %add3A_90 : vector<256x1xf32>
    %mul3A_91 = vector.broadcast %rsqrt3A : vector<256x1xf32> to vector<256x128xf32>
    %mul3A_92 = arith.mulf %sub3A_87, %mul3A_91 : vector<256x128xf32>
    %get3A_93 = arith.constant 0 : index
    %get3A_94 = arith.constant 0 : index
    %get3A_95 = vector.load %arg10[%get3A_93, %get3A_94] : memref<1x128xf32, #tpu.memory_space<vmem>>, vector<1x128xf32>
    %mul3A_96 = vector.broadcast %get3A_95 : vector<1x128xf32> to vector<256x128xf32>
    %mul3A_97 = arith.mulf %mul3A_92, %mul3A_96 : vector<256x128xf32>
    %get3A_98 = arith.constant 0 : index
    %get3A_99 = arith.constant 0 : index
    %get3A_100 = vector.load %arg11[%get3A_98, %get3A_99] : memref<1x128xf32, #tpu.memory_space<vmem>>, vector<1x128xf32>
    %add3A_101 = vector.broadcast %get3A_100 : vector<1x128xf32> to vector<256x128xf32>
    %add3A_102 = arith.addf %mul3A_97, %add3A_101 : vector<256x128xf32>
    %add3A_103 = arith.addf %add3A_102, %get3A_22 : vector<256x128xf32>
    %swap3A = arith.constant 0 : index
    %swap3A_104 = arith.constant 0 : index
    %swap3A_105 = vector.load %arg12[%swap3A, %swap3A_104] : memref<256x128xf32, #tpu.memory_space<vmem>>, vector<256x128xf32>
    tpu.vector_store %arg12[%swap3A, %swap3A_104], %add3A_103 {strides = array<i32>} : memref<256x128xf32, #tpu.memory_space<vmem>>, vector<256x128xf32>,
    return
  }
  func.func @transform_0(%arg0: i32) -> (i32, i32) {
    %c0_i32 = arith.constant 0 : i32
    %c0_i32_0 = arith.constant 0 : i32
    return %arg0, %c0_i32 : i32, i32
  }
  func.func @transform_1(%arg0: i32) -> (i32, i32) {
    %c0_i32 = arith.constant 0 : i32
    %c0_i32_0 = arith.constant 0 : i32
    return %arg0, %c0_i32 : i32, i32
  }
  func.func @transform_2(%arg0: i32) -> (i32, i32) {
    %c0_i32 = arith.constant 0 : i32
    %c0_i32_0 = arith.constant 0 : i32
    return %arg0, %c0_i32 : i32, i32
  }
  func.func @transform_3(%arg0: i32) -> (i32, i32) {
    %c0_i32 = arith.constant 0 : i32
    %c0_i32_0 = arith.constant 0 : i32
    return %arg0, %c0_i32 : i32, i32
  }
  func.func @transform_4(%arg0: i32) -> (i32, i32) {
    %c0_i32 = arith.constant 0 : i32
    %c0_i32_0 = arith.constant 0 : i32
    %c0_i32_1 = arith.constant 0 : i32
    return %c0_i32, %c0_i32_0 : i32, i32
  }
  func.func @transform_5(%arg0: i32) -> (i32, i32) {
    %c0_i32 = arith.constant 0 : i32
    %c0_i32_0 = arith.constant 0 : i32
    return %arg0, %c0_i32 : i32, i32
  }
  func.func @transform_6(%arg0: i32) -> (i32, i32) {
    %c0_i32 = arith.constant 0 : i32
    %c0_i32_0 = arith.constant 0 : i32
    return %arg0, %c0_i32 : i32, i32
  }
  func.func @transform_7(%arg0: i32) -> (i32, i32) {
    %c0_i32 = arith.constant 0 : i32
    %c0_i32_0 = arith.constant 0 : i32
    return %arg0, %c0_i32 : i32, i32
  }
  func.func @transform_8(%arg0: i32) -> (i32, i32, i32) {
    %c0_i32 = arith.constant 0 : i32
    %c0_i32_0 = arith.constant 0 : i32
    %c0_i32_1 = arith.constant 0 : i32
    %c0_i32_2 = arith.constant 0 : i32
    return %c0_i32, %c0_i32_0, %c0_i32_1 : i32, i32, i32
  }
  func.func @transform_9(%arg0: i32) -> (i32, i32) {
    %c0_i32 = arith.constant 0 : i32
    %c0_i32_0 = arith.constant 0 : i32
    %c0_i32_1 = arith.constant 0 : i32
    return %c0_i32, %c0_i32_0 : i32, i32
  }
  func.func @transform_10(%arg0: i32) -> (i32, i32) {
    %c0_i32 = arith.constant 0 : i32
    %c0_i32_0 = arith.constant 0 : i32
    %c0_i32_1 = arith.constant 0 : i32
    return %c0_i32, %c0_i32_0 : i32, i32
  }
  func.func @transform_11(%arg0: i32) -> (i32, i32) {
    %c0_i32 = arith.constant 0 : i32
    %c0_i32_0 = arith.constant 0 : i32
    return %arg0, %c0_i32 : i32, i32
  }
}

</mosaic_0001>

<sc_bundles>
// kernel: gather_offload_async_start
scs
__scs_entry_jumppad:
0x0: {  	(pc) =	sbr.rel $0x88, $3  }
0x1: {  	(tag) =	ssettag $0x0;
	lr =	simm.s32 $0x1  }
0x2: {  	[smem:$0x3F93] =	sst lr;
	_ =	strace $0xD0000000  }
0x3: {  	_ = 	snop  }
0x4: {  	_ = 	snop  }
0x5: {  	_ = 	snop  }
0x6: {  	_ = 	snop  }
0x7: {  	_ = 	snop  }
__scs_overlays_trampoline_lowered:
0x8: {  	[smem:$0x3FA2] =	sst s0  }
0x9: {  	[smem:$0x3FA3] =	sst s1  }
0xa: {  	[smem:$0x3FA4] =	sst s2  }
0xb: {  	[smem:$0x3FA5] =	sst s3  }
0xc: {  	[smem:$0x3FA6] =	sst s4  }
0xd: {  	[smem:$0x3FA7] =	sst s5  }
0xe: {  	[smem:$0x3FA8] =	sst s6  }
0xf: {  	[smem:$0x3FA9] =	sst s7  }
0x10: {  	[smem:$0x3FAA] =	sst s8  }
0x11: {  	[smem:$0x3FAB] =	sst s9;
	s0 =	simm.s32 @!p0 $0x0  }
0x12: {  	s1 =	sld [smem:$0x3F91];
	s0 =	simm.s32 @p0 $0x1  }
0x13: {  	[smem:$0x3FAC] =	sst s0;
	s0 =	simm.s32 @!p1 $0x0  }
0x14: {  	s2 =	sld [smem:$0x3F90];
	s0 =	simm.s32 @p1 $0x1  }
0x15: {  	[smem:$0x3FAD] =	sst s0;
	s0 =	simm.s32 @!p2 $0x0  }
0x16: {  	s3 =	sld [smem:$0x3FDB];
	s0 =	simm.s32 @p2 $0x1  }
0x17: {  	s4 =	simm.s32 $0x1BF5;
	[smem:$0x3FAF] =	sst s0  }
0x18: {  	s0 =	sld [smem:$0x3F92];
	_ =	swait.ge [sflag:s4], $0x0  }
0x19: {  	s7 =	sld [smem:$0x3F93]  }
0x1a: {  	s8 =	sadd.s32 $0xFFFFE003, lr  }
0x1b: {  	s9 =	sadd.s32 $0xFFFFFEF7, lr;
	s5 =	simm.s32 $0xFFFFFFFF;
	p2 =	slt.u32 s8, $0xFFFFF086  }
0x1c: {  	p1 =	slt.u32 s9, $0xF7A;
	s5 =	simm.s32 @!p2 $0x0  }
0x1d: {  	s5 =	simm.s32 @p1 $0x1;
	p0 =	seq.s32 s7, s2  }
0x1e: {  	s7 =	smul.u32 @!p0 $0xF7A, s2;
	p2 =	seq.s32 @!p0 s5, $0x0  }
0x1f: {  	s9 =	smul.u32 $0xF7A, s1;
	s8 =	simm.s32 @!p0 $0x1BF5;
	p2 =	por !p2, p0  }
0x20: {  	[sflag:s8] =	ssyncset.s32 @!p0 $0xFFFFF086;
	s6 =	sadd.s32 @!p0 s3, s7;
	s7 =	simm.s32 @!p0 $0x108  }
0x21: {  	s3 =	sadd.s32 s3, s9;
	s6 =	sadd.s32 @!p0 $0x88, s6;
	s7 =	simm.s32 @p2 $0x1082  }
0x22: {  	[simem:s7], [sflag:s8] =	dma.local @!p0 [hbm:s6], $0xF7A  }
0x23: {  	s9 =	sor.u32 $0xD0000000, s2;
	s6 =	simm.s32 $0x108;
	_ =	swait.ge @!p0 [sflag:s8], $0x0  }
0x24: {  	s3 =	sadd.s32 $0x88, s3;
	s6 =	simm.s32 @!p1 $0x1082;
	[sflag:s4] =	ssyncset.s32 $0xFFFFF086  }
0x25: {  	[simem:s6], [sflag:s4] =	dma.local [hbm:s3], $0xF7A  }
0x26: {  	[smem:$0x3F93] =	sst s1;
	(tag) =	ssettag s2;
	_ =	strace s9  }
0x27: {  	s1 =	sld [smem:$0x3FA3]  }
0x28: {  	s2 =	sld [smem:$0x3FA4]  }
0x29: {  	s4 =	sld [smem:$0x3FA6]  }
0x2a: {  	p0 =	seq.s32 s5, $0x0;
	s5 =	sld [smem:$0x3FA7]  }
0x2b: {  	s6 =	sld [smem:$0x3FA8]  }
0x2c: {  	s7 =	sld [smem:$0x3FA9]  }
0x2d: {  	s3 =	simm.s32 $0x108;
	s8 =	sld [smem:$0x3FAA]  }
0x2e: {  	s3 =	simm.s32 @!p0 $0x1082;
	s9 =	sld [smem:$0x3FAB]  }
0x2f: {  	lr =	sadd.s32 s0, s3;
	s0 =	sld [smem:$0x3FA2]  }
0x30: {  	s3 =	sld [smem:$0x3FA5]  }
0x31: {  	[smem:$0x3FAE] =	sst s10  }
0x32: {  	s10 =	sld [smem:$0x3FAC];
	_ =	sdelay $0x3  }
0x33: {  	p0 =	seq.s32 s10, $0x1;
	s10 =	sld [smem:$0x3FAE];
	_ =	sdelay $0x3  }
0x34: {  	[smem:$0x3FAE] =	sst s10  }
0x35: {  	s10 =	sld [smem:$0x3FAD];
	_ =	sdelay $0x3  }
0x36: {  	p1 =	seq.s32 s10, $0x1;
	s10 =	sld [smem:$0x3FAE];
	_ =	sdelay $0x3  }
0x37: {  	[smem:$0x3FAE] =	sst s10  }
0x38: {  	s10 =	sld [smem:$0x3FAF]  }
0x39: {  	_ = 	snop;
	(pc) =	sbr.ind lr, $3  }
0x3a: {  	_ = 	snop  }
0x3b: {  	_ = 	snop  }
0x3c: {  	p2 =	seq.s32 s10, $0x1;
	s10 =	sld [smem:$0x3FAE]  }
0x3d: {  	_ =	shalt  }
0x3e: {  	_ =	shalt  }
0x3f: {  	_ =	shalt  }
0x40: {  	_ =	shalt  }
0x41: {  	_ =	shalt  }
0x42: {  	_ =	shalt  }
0x43: {  	_ =	shalt  }
0x44: {  	_ =	shalt  }
0x45: {  	_ =	shalt  }
0x46: {  	_ =	shalt  }
0x47: {  	_ =	shalt  }
0x48: {  	_ =	shalt  }
0x49: {  	_ =	shalt  }
0x4a: {  	_ =	shalt  }
0x4b: {  	_ =	shalt  }
0x4c: {  	_ =	shalt  }
0x4d: {  	_ =	shalt  }
0x4e: {  	_ =	shalt  }
0x4f: {  	_ =	shalt  }
0x50: {  	_ =	shalt  }
0x51: {  	_ =	shalt  }
0x52: {  	_ =	shalt  }
0x53: {  	_ =	shalt  }
0x54: {  	_ =	shalt  }
0x55: {  	_ =	shalt  }
0x56: {  	_ =	shalt  }
0x57: {  	_ =	shalt  }
0x58: {  	_ =	shalt  }
0x59: {  	_ =	shalt  }
0x5a: {  	_ =	shalt  }
0x5b: {  	_ =	shalt  }
0x5c: {  	_ =	shalt  }
0x5d: {  	_ =	shalt  }
0x5e: {  	_ =	shalt  }
0x5f: {  	_ =	shalt  }
0x60: {  	_ =	shalt  }
0x61: {  	_ =	shalt  }
0x62: {  	_ =	shalt  }
0x63: {  	_ =	shalt  }
0x64: {  	_ =	shalt  }
0x65: {  	_ =	shalt  }
0x66: {  	_ =	shalt  }
0x67: {  	_ =	shalt  }
0x68: {  	_ =	shalt  }
0x69: {  	_ =	shalt  }
0x6a: {  	_ =	shalt  }
0x6b: {  	_ =	shalt  }
0x6c: {  	_ =	shalt  }
0x6d: {  	_ =	shalt  }
0x6e: {  	_ =	shalt  }
0x6f: {  	_ =	shalt  }
0x70: {  	_ =	shalt  }
0x71: {  	_ =	shalt  }
0x72: {  	_ =	shalt  }
0x73: {  	_ =	shalt  }
0x74: {  	_ =	shalt  }
0x75: {  	_ =	shalt  }
0x76: {  	_ =	shalt  }
0x77: {  	_ =	shalt  }
0x78: {  	_ =	shalt  }
0x79: {  	_ =	shalt  }
0x7a: {  	_ =	shalt  }
0x7b: {  	_ =	shalt  }
0x7c: {  	_ =	shalt  }
0x7d: {  	_ =	shalt  }
0x7e: {  	_ =	shalt  }
0x7f: {  	_ =	shalt  }
0x80: {  	_ =	shalt  }
0x81: {  	_ =	shalt  }
0x82: {  	_ =	shalt  }
0x83: {  	_ =	shalt  }
0x84: {  	_ =	shalt  }
0x85: {  	_ =	shalt  }
0x86: {  	_ =	shalt  }
0x87: {  	_ =	shalt  }
.Lfunc_end0:
.L_simem_size_0:
called_computation_lowered:
.L_overlay_start_0:
0x88: {  	s0 =	sld [smem:$0x3FD9]  }
0x89: {  	s1 =	sld [smem:$0x3FFE];
	_ =	sdelay $0x3  }
0x8a: {  	s0 =	sadd.s32 s1, s0  }
0x8b: {  	[smem:$0x3FBA] =	sst s0  }
0x8c: {  	_ = 	snop  }
0x8d: {  	s0 =	sld [smem:$0x3FD0];
	(tm) =	ssettm $0x1  }
0x8e: {  	s16 =	sld [smem:$0x3FFB];
	_ =	sdelay $0x3  }
0x8f: {  	_ =	strace s16  }
0x90: {  	s1 =	sld [smem:$0x3FFC];
	_ =	sdelay $0x3  }
0x91: {  	_ =	strace s1  }
0x92: {  	s1 =	sld [smem:$0x3FFD];
	_ =	sdelay $0x3  }
0x93: {  	_ =	strace s1  }
0x94: {  	_ =	strace $0x8FFFFFFF  }
0x95: {  	s17 =	sld [smem:$0x3FDB];
	_ =	sdelay $0x1  }
0x96: {  	s2 =	simm.s32 $_scs_section_size  }
0x97: {  	s3 =	simm.s32 $_size__tile_overlayer_lowered;
	s4 =	simm.s32 $_tile_overlayer_lowered  }
0x98: {  	s20 =	simm.s32 $0x1BFF;
	s19 =	sshll.u32 s4, $0x1;
	s1 =	sadd.s32 s2, s17  }
0x99: {  	s5 =	simm.s32 $0x0;
	s18 =	sshll.u32 s3, $0x1;
	s3 =	sadd.s32 s19, s1  }
0x9a: {  	[timem:s5], [sflag:s20] =	dma.local [hbm:s3], s18  }
0x9b: {  	_ =	swait.ge [sflag:s20], s18  }
0x9c: {  	s2 =	ssub.s32 $0x0, s18;
	[sflag:s20] =	ssyncset.done $0x0  }
0x9d: {  	[sflag:s20] =	ssyncadd.s32 s2;
	_ =	sdelay $0x1  }
0x9e: {  	s21 =	simm.s32 $0x1B8B  }
0x9f: {  	_ =	swait.ge [sflag:s21], $0x1  }
0xa0: {  	[sflag:s21] =	ssyncset.done $0x0  }
0xa1: {  	s23 =	simm.s32 $0x1B8E;
	s22 =	sld [smem:$0x3FFE];
	[sflag:s21] =	ssyncadd.s32 $0xFFFFFFFF  }
0xa2: {  	s24 =	simm.s32 $execute0_lowered;
	[smem:$0x3FD2] =	sst s23  }
0xa3: {  	s3 =	sshll.u32 s24, $0x1;
	_ =	strace $0x80000046;
	[dreg:$0x1] =	wrdreg $0xFFFFFFFF  }
0xa4: {  	s25 =	simm.s32 $_size_execute0_lowered;
	s1 =	sadd.s32 s1, s3;
	[dreg:$0x0] =	wrdreg $0x0  }
0xa5: {  	s3 =	sshll.u32 s25, $0x1;
	[dreg:$0x2] =	wrdreg s1  }
0xa6: {  	[dreg:$0x3] =	wrdreg s3  }
0xa7: {  	[dreg:$0x4] =	wrdreg $0xC0  }
0xa8: {  	_ =	task [dreg:s5], $0x5FFFF  }
0xa9: {  	[dreg:$0x1] =	wrdreg $0xFFFFFFFF  }
0xaa: {  	[dreg:$0x0] =	wrdreg $0x60  }
0xab: {  	[dreg:$0x2] =	wrdreg s0  }
0xac: {  	[dreg:$0x3] =	wrdreg s22  }
0xad: {  	[dreg:$0x4] =	wrdreg $0x9  }
0xae: {  	_ =	task.clear_ibuf [dreg:s5], $0x5FFFF;
	_ =	strace $0x90000046  }
0xaf: {  	s26 =	simm.s32 $0x9;
	_ =	strace $0x80000048  }
0xb0: {  	_ =	swait.ge [sflag:s26], $0x1  }
0xb1: {  	[sflag:s26] =	ssyncadd.s32 $0xFFFFFFFF  }
0xb2: {  	_ =	strace $0x90000048  }
0xb3: {  	_ =	sfence  }
0xb4: {  	s28 =	sld [smem:$0x0];
	_ =	sdelay $0x1  }
0xb5: {  	s29 =	srdreg.scid  }
0xb6: {  	s30 =	sshll.u32 s29, $0xD;
	s31 =	sshrl.u32 s29, $0x2  }
0xb7: {  	s2 =	sand.u32 $0x4000, s30;
	s1 =	sand.u32 $0x1, s29;
	s0 =	sadd.s32 s31, s28  }
0xb8: {  	s1 =	sor.u32 s2, s1;
	s0 =	sshll.u32 s0, $0x11  }
0xb9: {  	s0 =	sor.u32 s0, s1  }
0xba: {  	s0 =	sadd.s32 $0x8F2B, s0  }
0xbb: {  	[sflag:s0] =	ssyncadd.remote.s32 $0x1  }
0xbc: {  	_ =	sfence.sel $0xFFFF  }
0xbd: {  	[dreg:$0x0] =	wrdreg $0xFFFFFFFF;
	(pc) =	sbr.abs _section_cstart, $3  }
0xbe: {  	[dreg:$0x1] =	wrdreg $0xFFFFFFFF  }
0xbf: {  	_ =	task.clear_ibuf [dreg:s5], $0x2FFFF;
	_ =	strace $0x9FFFFFFF  }
0xc0: {  	(tm) =	ssettm $0x7FFFFFFF  }
0xc1: {  	_ =	shalt  }
tec
execute0_lowered:
.L_overlay_start_1:
0x0: {  	(tag) =	ssettag $0x1  }
0x1: {  	s2 =	rddreg [dreg:$0x0]  }
0x2: {  	s8 =	rddreg [dreg:$0x1]  }
0x3: {  	s0 =	rddreg [dreg:$0x2]  }
0x4: {  	_ =	strace $0x80000047;
	s4 =	simm.s32 $0x1;
	s1 =	stileid.u32  }
0x5: {  	s7 =	simm.s32 $0x1;
	s9 =	simm.s32 $0x1;
	s6 =	simm.s32 $0x2  }
0x6: {  	s10 =	simm.s32 $0x3;
	s13 =	simm.s32 $0x0;
	s12 =	simm.s32 $0x0  }
.Ltmp0:
0x7: {  	s3 =	sadd.s32 $0x6E00, s8;
	p0 =	slt.u32 s1, $0xA;
	(pc) =	sbr.rel .LBB2_1-.Ltmp0, $4  }
0x8: {  	[sflag:s4] =	ssyncpa.u1 $0x0;
	s7 =	simm.s32 @!p0 $0x0;
	p0 =	sne.s32 s1, $0x9  }
0x9: {  	s5 =	smul.u32 $0x190, s1;
	[sflag:s6] =	ssyncpa.u1 $0x0;
	s9 =	simm.s32 @!p0 $0x0  }
0xa: {  	s8 =	sadd.s32 $0x7400, s8;
	[sflag:s10] =	ssyncpa.u1 $0x0;
	s7 =	sadd.s32 s9, s7  }
0xb: {  	vm0 =	vmmov $0xffff;
	s10 =	simm.s32 $0x0;
	s11 =	smov.u32 s5;
	s9 =	sadd.s32 $0x1, s7  }
.LBB2_4:
0xc: {  	vm2 =	veq.s32 v2, $0x80000000;
	v4 =	vand.u32 $0x3, v4;
	v5 =	vor.u32 v6, v5  }
0xd: {  	v1 =	vand.u32 $0x3FFF, v1;
	v7 =	vshrl.u32 v2, $0xE;
	v56 =	vand.u32 $0x3FFF, v2  }
0xe: {  	v4 =	vsel vm1, $0xFFFFFFFF, v4;
	v3 =	vor.u32 v3, v5;
	v1 =	vsel vm1, $0xFFFFFFFF, v1  }
0xf: {  	vm1 =	vmmov vm2;
	v7 =	vand.u32 $0x3, v7;
	v54 =	vshrl.u32 v4, $0x2  }
0x10: {  	v4 =	vshll.u32 v4, $0x7;
	v55 =	vshll.u32 v1, $0x2;
	v57 =	vsel vm1, $0xFFFFFFFF, v7  }
0x11: {  	v2 =	vsel vm1, $0xFFFFFFFF, v56;
	v1 =	vand.u32 $0x7F, v1;
	v5 =	vmul.u32 $0x9E00, v54  }
0x12: {  	v6 =	vand.u32 $0xFFFFFE00, v55;
	v4 =	vand.u32 $0x180, v4;
	v7 =	vshrl.u32 v57, $0x2  }
0x13: {  	v59 =	vshll.u32 v2, $0x2;
	v58 =	vmul.u32 $0x9E00, v7;
	v5 =	vadd.s32 v6, v5  }
0x14: {  	v7 =	vand.u32 $0xFFFFFE00, v59;
	v6 =	vshll.u32 v57, $0x7;
	v4 =	vor.u32 v4, v5  }
0x15: {  	v60 =	vadd.s32 v7, v58;
	v61 =	vand.u32 $0x180, v6;
	v1 =	vor.u32 v1, v4  }
0x16: {  	[tilespmem:s16], [sflag:$0x1] =	stream.indirect_vreg.gather [hbm4b:s2+s10], $0x1, v0, vm0, $0x4038;
	v62 =	vand.u32 $0x7F, v2;
	v63 =	vor.u32 v61, v60;
	[tilespmem:$0x640] =	vst v63  }
0x17: {  	(ifvalue) =	ssetifvalue $0x7FFFFFFF;
	v0 =	vor.u32 v62, v63  }
0x18: {  	[tilespmem:s15], [sflag:$0x1] =	stream.indirect_vreg.gather [hbm4b:s2+s10], $0x1, v3, vm0, $0x4038;
	[tilespmem:$0x640] =	vst v63  }
0x19: {  	s29 =	sadd.s32 $0x10, s15;
	(ifvalue) =	ssetifvalue $0x7FFFFFFF  }
0x1a: {  	[tilespmem:s29], [sflag:$0x1] =	stream.indirect_vreg.gather [hbm4b:s2+s10], $0x1, v1, vm0, $0x4038;
	[tilespmem:$0x640] =	vst v63  }
0x1b: {  	s15 =	sadd.s32 $0x10, s29;
	(ifvalue) =	ssetifvalue $0x7FFFFFFF  }
0x1c: {  	[tilespmem:s15], [sflag:$0x1] =	stream.indirect_vreg.gather [hbm4b:s2+s10], $0x1, v0, vm0, $0x4038;
	[tilespmem:$0x640] =	vst v63  }
0x1d: {  	_ =	swait.ge [sflag:s4], $0x190  }
0x1e: {  	s30 =	sshrl.u32 s13, $0x3;
	[sflag:s4] =	ssyncset.done $0x0  }
0x1f: {  	s31 =	sand.u32 $0x7, s13;
	s15 =	sadd.s32 s8, s30;
	[sflag:s4] =	ssyncadd.s32 $0xFFFFFE70  }
0x20: {  	[hbm4b:s15+s31] =	stream.linear.scatter [tilespmem:s14], [sflag:$0x3], $0x190, $0x38;
	[tilespmem:$0x640] =	vst v63  }
.LBB2_5:
0x21: {  	s15 =	sadd.s32 $0x1900, s11  }
0x22: {  	p1 =	sgt.s32 s15, $0x270F  }
0x23: {  	s15 =	smov.u32 @p1 s5;
	p1 =	sne.s32 s12, s9  }
.Ltmp1:
0x24: {  	p0 =	slt.u32 s12, $0x2;
	(pc) =	sbr.rel @!p1 .LBB2_6-.Ltmp1, $4  }
0x25: {  	s14 =	simm.s32 @!p0 $0x3  }
0x26: {  	_ =	swait.ge @!p0 [sflag:s14], $0x190  }
0x27: {  	s16 =	sadd.s32 $0x1, s12;
	s13 =	smov.u32 s11;
	[sflag:s14] =	ssyncset.done @!p0 $0x0  }
0x28: {  	s12 =	smov.u32 s16;
	s11 =	smov.u32 s15;
	[sflag:s14] =	ssyncadd.s32 @!p0 $0xFFFFFE70  }
.LBB2_1:
0x29: {  	p0 =	sge.u32 s12, s7  }
0x2a: {  	s14 =	sxor.u32 @!p0 $0x1, s12  }
0x2b: {  	s14 =	smul.u32 @!p0 $0x640, s14  }
0x2c: {  	s31 =	sadd.s32 $0xFFFFFFFF, s12;
	s15 =	sshrl.u32 @!p0 s11, $0x3  }
0x2d: {  	s16 =	sand.u32 @!p0 $0x7, s11;
	s15 =	sadd.s32 @!p0 s3, s15;
	s14 =	sshra.s32 @!p0 s14, $0x2  }
0x2e: {  	[tilespmem:s14], [sflag:$0x2] =	stream.linear.gather @!p0 [hbm4b:s15+s16], $0x190, $0x38;
	[tilespmem:$0x640] =	vst v63  }
0x2f: {  	p0 =	sge.u32 s31, s7  }
.Ltmp2:
0x30: {  	_ = 	snop;
	(pc) =	sbr.rel @p0 .LBB2_5-.Ltmp2, $1  }
0x31: {  	_ =	sdelay $0x3  }
0x32: {  	s14 =	sand.u32 $0x1, s12  }
0x33: {  	_ =	swait.ge [sflag:s6], $0x190;
	p0 =	seq.s32 s14, $0x1;
	s14 =	simm.s32 $0x190  }
0x34: {  	[sflag:s6] =	ssyncset.done $0x0;
	s14 =	simm.s32 @!p0 $0x0  }
0x35: {  	[sflag:s6] =	ssyncadd.s32 $0xFFFFFE70;
	(ifvalue) =	ssetifvalue $0x7FFFFFFF;
	v0 =	vld.msk [tilespmem:s14+$0x0 ss:$0x1], $0xffff;
	_ =	sdelay $0x2  }
0x36: {  	s15 =	sadd.s32 $0x10, s14  }
0x37: {  	v2 =	vld.msk [tilespmem:s15+$0x0 ss:$0x1], $0xffff  }
0x38: {  	vm1 =	veq.s32 v0, $0x80000000;
	v1 =	vshrl.u32 v0, $0xE  }
0x39: {  	vm1 =	vmmov vm1;
	v3 =	vand.u32 $0x3, v1  }
0x3a: {  	v0 =	vand.u32 $0x3FFF, v0;
	v3 =	vsel vm1, $0xFFFFFFFF, v3  }
0x3b: {  	s15 =	sadd.s32 $0x10, s15;
	v0 =	vsel vm1, $0xFFFFFFFF, v0;
	v4 =	vshrl.u32 v3, $0x2  }
0x3c: {  	v1 =	vld.msk [tilespmem:s15+$0x0 ss:$0x1], $0xffff;
	v6 =	vshrl.u32 v2, $0xE;
	v5 =	vshll.u32 v0, $0x2;
	v4 =	vmul.u32 $0x9E00, v4  }
0x3d: {  	vm1 =	veq.s32 v2, $0x80000000;
	v3 =	vshll.u32 v3, $0x7;
	v5 =	vand.u32 $0xFFFFFE00, v5  }
0x3e: {  	v0 =	vand.u32 $0x7F, v0;
	v3 =	vand.u32 $0x180, v3;
	v4 =	vadd.s32 v5, v4  }
0x3f: {  	vm1 =	vmmov vm1;
	v5 =	vand.u32 $0x3, v6;
	v3 =	vor.u32 v3, v4  }
0x40: {  	v2 =	vand.u32 $0x3FFF, v2;
	v4 =	vsel vm1, $0xFFFFFFFF, v5;
	v0 =	vor.u32 v0, v3  }
0x41: {  	s15 =	sadd.s32 $0x10, s15;
	vm2 =	veq.s32 v1, $0x80000000;
	v3 =	vsel vm1, $0xFFFFFFFF, v2;
	v2 =	vshrl.u32 v4, $0x2  }
0x42: {  	s14 =	sadd.s32 $0x320, s14;
	v6 =	vshll.u32 v4, $0x7;
	v5 =	vmul.u32 $0x9E00, v2;
	v4 =	vshll.u32 v3, $0x2;
	v2 =	vld.msk [tilespmem:s15+$0x0 ss:$0x1], $0xffff  }
0x43: {  	s17 =	simm.s32 $0x30;
	s16 =	smov.u32 s14;
	vm1 =	vmmov vm2;
	v3 =	vand.u32 $0x7F, v3;
	v7 =	vand.u32 $0xFFFFFE00, v4  }
0x44: {  	s18 =	sadd.s32 $0x10, s15;
	v6 =	vand.u32 $0x180, v6;
	(ifvalue) =	ssetifvalue $0x7FFFFFFF;
	s15 =	sadd.s32 $0x10, s14;
	v4 =	vshrl.u32 v1, $0xE;
	v5 =	vadd.s32 v7, v5  }
.LBB2_3:
0x45: {  	[tilespmem:s16], [sflag:$0x1] =	stream.indirect_vreg.gather [hbm4b:s2+s10], $0x1, v0, vm0, $0x4038;
	[tilespmem:$0x640] =	vst v63  }
0x46: {  	s17 =	sadd.s32 $0x10, s17  }
0x47: {  	vm2 =	veq.s32 v2, $0x80000000;
	v4 =	vand.u32 $0x3, v4;
	v5 =	vor.u32 v6, v5;
	v6 =	vmovc v2;
	v2 =	vld.msk [tilespmem:s18+$0x0 ss:$0x1], $0xffff;
	p0 =	slt.u32 s17, $0x180  }
.Ltmp3:
0x48: {  	v7 =	vand.u32 $0x3FFF, v1;
	s16 =	smov.u32 s15;
	v4 =	vsel vm1, $0xFFFFFFFF, v4;
	v0 =	vor.u32 v3, v5;
	v1 =	vmovc v6;
	(pc) =	sbr.rel @p0 .LBB2_3-.Ltmp3, $4  }
0x49: {  	v5 =	vsel vm1, $0xFFFFFFFF, v7;
	v6 =	vshrl.u32 v4, $0x2;
	v7 =	vshll.u32 v4, $0x7  }
0x4a: {  	v3 =	vand.u32 $0x7F, v5;
	v4 =	vshll.u32 v5, $0x2;
	v6 =	vmul.u32 $0x9E00, v6  }
0x4b: {  	vm1 =	vmmov vm2;
	v5 =	vand.u32 $0xFFFFFE00, v4  }
0x4c: {  	s18 =	sadd.s32 $0x10, s18;
	s15 =	sadd.s32 $0x10, s15;
	v4 =	vshrl.u32 v1, $0xE;
	v5 =	vadd.s32 v5, v6;
	v6 =	vand.u32 $0x180, v7;
	(ifvalue) =	ssetifvalue $0x7FFFFFFF  }
.Ltmp4:
0x4d: {  	_ = 	snop;
	(pc) =	sbr.rel .LBB2_4-.Ltmp4, $1  }
0x4e: {  	_ =	sdelay $0x3  }
.LBB2_6:
0x4f: {  	_ =	sfence.sel $0x180000  }
0x50: {  	s2 =	simm.s32 $0x2;
	[bflag:$0x0] =	sbarrier.arrive $0xFFFF  }
0x51: {  	s30 =	simm.s32 $0x3;
	[sflag:s2] =	ssyncpa.u1 $0x1  }
0x52: {  	s31 =	simm.s32 $0x1;
	[sflag:s30] =	ssyncpa.u1 $0x1  }
0x53: {  	[sflag:s31] =	ssyncpa.u1 $0x1  }
0x54: {  	p0 =	sne.s32 s1, $0x0;
	_ =	strace $0x90000047  }
0x55: {  	s0 =	sadd.s32 @!p0 $0x100000, s0;
	[bflag:$0x2] =	sbarrier.arrive $0xFFFF  }
0x56: {  	[sflag:s0] =	ssyncadd.tile.s32 @!p0 $0x1;
	_ =	shalt  }
.Lfunc_end2:
_tile_overlayer_lowered:
.L_overlay_start_2:
0x57: {  	(tag) =	ssettag $0x2  }
0x58: {  	s0 =	rddreg [dreg:$0x0];
	s2 =	stileid.u32  }
0x59: {  	s1 =	rddreg [dreg:$0x1];
	p0 =	sne.s32 s2, $0x0  }
0x5a: {  	s3 =	rddreg [dreg:$0x2];
	[bflag:$0x3] =	sbarrier.arrive $0xFFFF;
	s2 =	simm.s32 @!p0 $0x1C01  }
0x5b: {  	[timem:s3], [sflag:s2] =	dma.local @!p0 [hbm:s0], s1  }
0x5c: {  	s0 =	simm.s32 @!p0 $0x1  }
0x5d: {  	_ =	swait.ge @!p0 [sflag:s0], s1  }
0x5e: {  	s1 =	ssub.s32 @!p0 $0x0, s1;
	[sflag:s0] =	ssyncset.done @!p0 $0x0  }
0x5f: {  	[sflag:s0] =	ssyncadd.s32 @!p0 s1  }
0x60: {  	[bflag:$0x3] =	sbarrier.arrive $0xFFFF  }
0x61: {  	_ =	shalt  }

// kernel: kernel.15.cloned.1.call-start
scs
__scs_entry_jumppad:
0x0: {  	(pc) =	sbr.rel $0x88, $3  }
0x1: {  	(tag) =	ssettag $0x0;
	lr =	simm.s32 $0x1  }
0x2: {  	[smem:$0x3F93] =	sst lr;
	_ =	strace $0xD0000000  }
0x3: {  	_ = 	snop  }
0x4: {  	_ = 	snop  }
0x5: {  	_ = 	snop  }
0x6: {  	_ = 	snop  }
0x7: {  	_ = 	snop  }
__scs_overlays_trampoline_lowered:
0x8: {  	[smem:$0x3FA2] =	sst s0  }
0x9: {  	[smem:$0x3FA3] =	sst s1  }
0xa: {  	[smem:$0x3FA4] =	sst s2  }
0xb: {  	[smem:$0x3FA5] =	sst s3  }
0xc: {  	[smem:$0x3FA6] =	sst s4  }
0xd: {  	[smem:$0x3FA7] =	sst s5  }
0xe: {  	[smem:$0x3FA8] =	sst s6  }
0xf: {  	[smem:$0x3FA9] =	sst s7  }
0x10: {  	[smem:$0x3FAA] =	sst s8  }
0x11: {  	[smem:$0x3FAB] =	sst s9;
	s0 =	simm.s32 @!p0 $0x0  }
0x12: {  	s1 =	sld [smem:$0x3F91];
	s0 =	simm.s32 @p0 $0x1  }
0x13: {  	[smem:$0x3FAC] =	sst s0;
	s0 =	simm.s32 @!p1 $0x0  }
0x14: {  	s2 =	sld [smem:$0x3F90];
	s0 =	simm.s32 @p1 $0x1  }
0x15: {  	[smem:$0x3FAD] =	sst s0;
	s0 =	simm.s32 @!p2 $0x0  }
0x16: {  	s3 =	sld [smem:$0x3FDB];
	s0 =	simm.s32 @p2 $0x1  }
0x17: {  	s4 =	simm.s32 $0x1BF5;
	[smem:$0x3FAF] =	sst s0  }
0x18: {  	s0 =	sld [smem:$0x3F92];
	_ =	swait.ge [sflag:s4], $0x0  }
0x19: {  	s7 =	sld [smem:$0x3F93]  }
0x1a: {  	s8 =	sadd.s32 $0xFFFFE003, lr  }
0x1b: {  	s9 =	sadd.s32 $0xFFFFFEF7, lr;
	s5 =	simm.s32 $0xFFFFFFFF;
	p2 =	slt.u32 s8, $0xFFFFF086  }
0x1c: {  	p1 =	slt.u32 s9, $0xF7A;
	s5 =	simm.s32 @!p2 $0x0  }
0x1d: {  	s5 =	simm.s32 @p1 $0x1;
	p0 =	seq.s32 s7, s2  }
0x1e: {  	s7 =	smul.u32 @!p0 $0xF7A, s2;
	p2 =	seq.s32 @!p0 s5, $0x0  }
0x1f: {  	s9 =	smul.u32 $0xF7A, s1;
	s8 =	simm.s32 @!p0 $0x1BF5;
	p2 =	por !p2, p0  }
0x20: {  	[sflag:s8] =	ssyncset.s32 @!p0 $0xFFFFF086;
	s6 =	sadd.s32 @!p0 s3, s7;
	s7 =	simm.s32 @!p0 $0x108  }
0x21: {  	s3 =	sadd.s32 s3, s9;
	s6 =	sadd.s32 @!p0 $0x88, s6;
	s7 =	simm.s32 @p2 $0x1082  }
0x22: {  	[simem:s7], [sflag:s8] =	dma.local @!p0 [hbm:s6], $0xF7A  }
0x23: {  	s9 =	sor.u32 $0xD0000000, s2;
	s6 =	simm.s32 $0x108;
	_ =	swait.ge @!p0 [sflag:s8], $0x0  }
0x24: {  	s3 =	sadd.s32 $0x88, s3;
	s6 =	simm.s32 @!p1 $0x1082;
	[sflag:s4] =	ssyncset.s32 $0xFFFFF086  }
0x25: {  	[simem:s6], [sflag:s4] =	dma.local [hbm:s3], $0xF7A  }
0x26: {  	[smem:$0x3F93] =	sst s1;
	(tag) =	ssettag s2;
	_ =	strace s9  }
0x27: {  	s1 =	sld [smem:$0x3FA3]  }
0x28: {  	s2 =	sld [smem:$0x3FA4]  }
0x29: {  	s4 =	sld [smem:$0x3FA6]  }
0x2a: {  	p0 =	seq.s32 s5, $0x0;
	s5 =	sld [smem:$0x3FA7]  }
0x2b: {  	s6 =	sld [smem:$0x3FA8]  }
0x2c: {  	s7 =	sld [smem:$0x3FA9]  }
0x2d: {  	s3 =	simm.s32 $0x108;
	s8 =	sld [smem:$0x3FAA]  }
0x2e: {  	s3 =	simm.s32 @!p0 $0x1082;
	s9 =	sld [smem:$0x3FAB]  }
0x2f: {  	lr =	sadd.s32 s0, s3;
	s0 =	sld [smem:$0x3FA2]  }
0x30: {  	s3 =	sld [smem:$0x3FA5]  }
0x31: {  	[smem:$0x3FAE] =	sst s10  }
0x32: {  	s10 =	sld [smem:$0x3FAC];
	_ =	sdelay $0x3  }
0x33: {  	p0 =	seq.s32 s10, $0x1;
	s10 =	sld [smem:$0x3FAE];
	_ =	sdelay $0x3  }
0x34: {  	[smem:$0x3FAE] =	sst s10  }
0x35: {  	s10 =	sld [smem:$0x3FAD];
	_ =	sdelay $0x3  }
0x36: {  	p1 =	seq.s32 s10, $0x1;
	s10 =	sld [smem:$0x3FAE];
	_ =	sdelay $0x3  }
0x37: {  	[smem:$0x3FAE] =	sst s10  }
0x38: {  	s10 =	sld [smem:$0x3FAF]  }
0x39: {  	_ = 	snop;
	(pc) =	sbr.ind lr, $3  }
0x3a: {  	_ = 	snop  }
0x3b: {  	_ = 	snop  }
0x3c: {  	p2 =	seq.s32 s10, $0x1;
	s10 =	sld [smem:$0x3FAE]  }
0x3d: {  	_ =	shalt  }
0x3e: {  	_ =	shalt  }
0x3f: {  	_ =	shalt  }
0x40: {  	_ =	shalt  }
0x41: {  	_ =	shalt  }
0x42: {  	_ =	shalt  }
0x43: {  	_ =	shalt  }
0x44: {  	_ =	shalt  }
0x45: {  	_ =	shalt  }
0x46: {  	_ =	shalt  }
0x47: {  	_ =	shalt  }
0x48: {  	_ =	shalt  }
0x49: {  	_ =	shalt  }
0x4a: {  	_ =	shalt  }
0x4b: {  	_ =	shalt  }
0x4c: {  	_ =	shalt  }
0x4d: {  	_ =	shalt  }
0x4e: {  	_ =	shalt  }
0x4f: {  	_ =	shalt  }
0x50: {  	_ =	shalt  }
0x51: {  	_ =	shalt  }
0x52: {  	_ =	shalt  }
0x53: {  	_ =	shalt  }
0x54: {  	_ =	shalt  }
0x55: {  	_ =	shalt  }
0x56: {  	_ =	shalt  }
0x57: {  	_ =	shalt  }
0x58: {  	_ =	shalt  }
0x59: {  	_ =	shalt  }
0x5a: {  	_ =	shalt  }
0x5b: {  	_ =	shalt  }
0x5c: {  	_ =	shalt  }
0x5d: {  	_ =	shalt  }
0x5e: {  	_ =	shalt  }
0x5f: {  	_ =	shalt  }
0x60: {  	_ =	shalt  }
0x61: {  	_ =	shalt  }
0x62: {  	_ =	shalt  }
0x63: {  	_ =	shalt  }
0x64: {  	_ =	shalt  }
0x65: {  	_ =	shalt  }
0x66: {  	_ =	shalt  }
0x67: {  	_ =	shalt  }
0x68: {  	_ =	shalt  }
0x69: {  	_ =	shalt  }
0x6a: {  	_ =	shalt  }
0x6b: {  	_ =	shalt  }
0x6c: {  	_ =	shalt  }
0x6d: {  	_ =	shalt  }
0x6e: {  	_ =	shalt  }
0x6f: {  	_ =	shalt  }
0x70: {  	_ =	shalt  }
0x71: {  	_ =	shalt  }
0x72: {  	_ =	shalt  }
0x73: {  	_ =	shalt  }
0x74: {  	_ =	shalt  }
0x75: {  	_ =	shalt  }
0x76: {  	_ =	shalt  }
0x77: {  	_ =	shalt  }
0x78: {  	_ =	shalt  }
0x79: {  	_ =	shalt  }
0x7a: {  	_ =	shalt  }
0x7b: {  	_ =	shalt  }
0x7c: {  	_ =	shalt  }
0x7d: {  	_ =	shalt  }
0x7e: {  	_ =	shalt  }
0x7f: {  	_ =	shalt  }
0x80: {  	_ =	shalt  }
0x81: {  	_ =	shalt  }
0x82: {  	_ =	shalt  }
0x83: {  	_ =	shalt  }
0x84: {  	_ =	shalt  }
0x85: {  	_ =	shalt  }
0x86: {  	_ =	shalt  }
0x87: {  	_ =	shalt  }
.Lfunc_end0:
.L_simem_size_0:
called_computation.1_lowered:
.L_overlay_start_0:
0x88: {  	s2 =	sld [smem:$0x3FD9]  }
0x89: {  	s3 =	sld [smem:$0x3FFE];
	_ =	sdelay $0x1  }
0x8a: {  	s1 =	srdreg.scid  }
0x8b: {  	s0 =	sand.u32 $0x1, s1  }
0x8c: {  	s17 =	sshll.u32 s0, $0xA;
	s2 =	sadd.s32 s3, s2  }
0x8d: {  	s2 =	sadd.s32 s2, s17  }
0x8e: {  	[smem:$0x3FBA] =	sst s2  }
0x8f: {  	_ = 	snop  }
0x90: {  	s2 =	sld [smem:$0x3FC6];
	(tm) =	ssettm $0x1  }
0x91: {  	s18 =	sld [smem:$0x3FFB];
	_ =	sdelay $0x3  }
0x92: {  	_ =	strace s18  }
0x93: {  	s3 =	sld [smem:$0x3FFC];
	_ =	sdelay $0x3  }
0x94: {  	_ =	strace s3  }
0x95: {  	s3 =	sld [smem:$0x3FFD];
	_ =	sdelay $0x3  }
0x96: {  	_ =	strace s3  }
0x97: {  	_ =	strace $0x8FFFFFFF  }
0x98: {  	s19 =	sld [smem:$0x3FDB];
	_ =	sdelay $0x1  }
0x99: {  	s4 =	simm.s32 $_scs_section_size  }
0x9a: {  	s5 =	simm.s32 $_size__tile_overlayer_lowered;
	s6 =	simm.s32 $_tile_overlayer_lowered  }
0x9b: {  	s22 =	simm.s32 $0x1BFF;
	s21 =	sshll.u32 s6, $0x1;
	s3 =	sadd.s32 s4, s19  }
0x9c: {  	s7 =	simm.s32 $0x0;
	s20 =	sshll.u32 s5, $0x1;
	s5 =	sadd.s32 s21, s3  }
0x9d: {  	[timem:s7], [sflag:s22] =	dma.local [hbm:s5], s20  }
0x9e: {  	_ =	swait.ge [sflag:s22], s20  }
0x9f: {  	s4 =	ssub.s32 $0x0, s20;
	[sflag:s22] =	ssyncset.done $0x0  }
0xa0: {  	[sflag:s22] =	ssyncadd.s32 s4;
	_ =	sdelay $0x1  }
0xa1: {  	s23 =	simm.s32 $0x1B8B  }
0xa2: {  	_ =	swait.ge [sflag:s23], $0x1  }
0xa3: {  	[sflag:s23] =	ssyncset.done $0x0  }
0xa4: {  	s25 =	simm.s32 $0x1B8E;
	s24 =	sld [smem:$0x3FFE];
	[sflag:s23] =	ssyncadd.s32 $0xFFFFFFFF  }
0xa5: {  	s26 =	simm.s32 $execute0_lowered;
	[smem:$0x3FD2] =	sst s25  }
0xa6: {  	s5 =	sshll.u32 s26, $0x1;
	_ =	strace $0x80000049;
	[dreg:$0x1] =	wrdreg $0xFFFFFFFF  }
0xa7: {  	s28 =	simm.s32 $_size_execute0_lowered;
	s3 =	sadd.s32 s3, s5;
	[dreg:$0x0] =	wrdreg $0x0  }
0xa8: {  	s5 =	sshll.u32 s28, $0x1;
	[dreg:$0x2] =	wrdreg s3  }
0xa9: {  	[dreg:$0x3] =	wrdreg s5  }
0xaa: {  	[dreg:$0x4] =	wrdreg $0xC0  }
0xab: {  	_ =	task [dreg:s7], $0x5FFFF  }
0xac: {  	[dreg:$0x1] =	wrdreg $0xFFFFFFFF  }
0xad: {  	[dreg:$0x0] =	wrdreg $0x60  }
0xae: {  	[dreg:$0x2] =	wrdreg s2  }
0xaf: {  	[dreg:$0x3] =	wrdreg s24  }
0xb0: {  	[dreg:$0x4] =	wrdreg $0x9  }
0xb1: {  	_ =	task.clear_ibuf [dreg:s7], $0x5FFFF;
	_ =	strace $0x90000049  }
0xb2: {  	s29 =	simm.s32 $0x9;
	_ =	strace $0x8000004B  }
0xb3: {  	_ =	swait.ge [sflag:s29], $0x1  }
0xb4: {  	[sflag:s29] =	ssyncadd.s32 $0xFFFFFFFF  }
0xb5: {  	_ =	strace $0x9000004B  }
0xb6: {  	_ =	sfence  }
0xb7: {  	s30 =	sld [smem:$0x0];
	_ =	sdelay $0x2  }
0xb8: {  	s31 =	sshll.u32 s1, $0xD;
	s1 =	sshrl.u32 s1, $0x2  }
0xb9: {  	s3 =	sand.u32 $0x4000, s31;
	s1 =	sadd.s32 s1, s30  }
0xba: {  	s0 =	sor.u32 s3, s0;
	s1 =	sshll.u32 s1, $0x11  }
0xbb: {  	s0 =	sor.u32 s1, s0  }
0xbc: {  	s0 =	sadd.s32 $0x8F2B, s0  }
0xbd: {  	[sflag:s0] =	ssyncadd.remote.s32 $0x1  }
0xbe: {  	_ =	sfence.sel $0xFFFF  }
0xbf: {  	[dreg:$0x0] =	wrdreg $0xFFFFFFFF;
	(pc) =	sbr.abs _section_cstart, $3  }
0xc0: {  	[dreg:$0x1] =	wrdreg $0xFFFFFFFF  }
0xc1: {  	_ =	task.clear_ibuf [dreg:s7], $0x2FFFF;
	_ =	strace $0x9FFFFFFF  }
0xc2: {  	(tm) =	ssettm $0x7FFFFFFF  }
0xc3: {  	_ =	shalt  }
tec
execute0_lowered:
.L_overlay_start_1:
0x0: {  	(tag) =	ssettag $0x1  }
0x1: {  	s1 =	srdreg.scid;
	s0 =	stileid.u32  }
0x2: {  	s15 =	sand.u32 $0x1, s1;
	s28 =	sshll.u32 s0, $0x1  }
0x3: {  	s2 =	rddreg [dreg:$0x0];
	s9 =	sor.u32 s15, s28  }
0x4: {  	s10 =	rddreg [dreg:$0x1];
	s14 =	smul.u32 $0x140, s9  }
0x5: {  	s3 =	simm.s32 $0x0;
	s1 =	rddreg [dreg:$0x2]  }
0x6: {  	[smem:$0x7FF] =	sst s3;
	s16 =	sadd.s32 $0x6E00, s10;
	s4 =	sshrl.u32 s14, $0x3  }
0x7: {  	_ =	strace $0x8000004A;
	s5 =	sadd.s32 s16, s4;
	s4 =	simm.s32 $0x2  }
0x8: {  	[tilespmem:s3], [sflag:$0x2] =	stream.linear.gather [hbm4b:s5+s3], $0x50, $0x38;
	[tilespmem:$0x2880] =	vst v63  }
0x9: {  	_ =	swait.ge [sflag:s4], $0x50  }
0xa: {  	s6 =	simm.s32 $0x50;
	[sflag:s4] =	ssyncset.done $0x0  }
0xb: {  	s7 =	simm.s32 $0x80;
	s8 =	simm.s32 $0x1;
	[sflag:s4] =	ssyncadd.s32 $0xFFFFFFB0  }
0xc: {  	[tilespmem:s7], [sflag:$0x1] =	stream.indirect.gather [hbm4b:s2+s6], $0x80, s3, s6, $0xb8;
	[tilespmem:$0x2880] =	vst v63  }
0xd: {  	s9 =	smul.u32 $0x1400, s9;
	_ =	swait.ge [sflag:s8], $0x2800  }
0xe: {  	s17 =	sadd.s32 $0x7400, s10;
	[sflag:s8] =	ssyncset.done $0x0  }
0xf: {  	s9 =	sadd.s32 s17, s9;
	[sflag:s8] =	ssyncadd.s32 $0xFFFFD800  }
0x10: {  	[hbm4b:s9+s3] =	stream.linear.scatter [tilespmem:s7], [sflag:$0x2], $0x2800, $0x38;
	[tilespmem:$0x2880] =	vst v63  }
0x11: {  	s11 =	sadd.s32 $0x50, s14;
	_ =	swait.ge [sflag:s4], $0x2800  }
0x12: {  	s29 =	sshrl.u32 s11, $0x3;
	[sflag:s4] =	ssyncset.done $0x0  }
0x13: {  	s10 =	sadd.s32 s16, s29;
	[sflag:s4] =	ssyncadd.s32 $0xFFFFD800  }
0x14: {  	[tilespmem:s3], [sflag:$0x2] =	stream.linear.gather [hbm4b:s10+s3], $0x50, $0x38;
	[tilespmem:$0x2880] =	vst v63  }
0x15: {  	_ =	swait.ge [sflag:s4], $0x50  }
0x16: {  	[sflag:s4] =	ssyncset.done $0x0  }
0x17: {  	[sflag:s4] =	ssyncadd.s32 $0xFFFFFFB0  }
0x18: {  	[tilespmem:s7], [sflag:$0x1] =	stream.indirect.gather [hbm4b:s2+s6], $0x80, s3, s6, $0xb8;
	[tilespmem:$0x2880] =	vst v63  }
0x19: {  	_ =	swait.ge [sflag:s8], $0x2800  }
0x1a: {  	s11 =	sshll.u32 s11, $0x4;
	[sflag:s8] =	ssyncset.done $0x0  }
0x1b: {  	s11 =	sadd.s32 s17, s11;
	[sflag:s8] =	ssyncadd.s32 $0xFFFFD800  }
0x1c: {  	[hbm4b:s11+s3] =	stream.linear.scatter [tilespmem:s7], [sflag:$0x2], $0x2800, $0x38;
	[tilespmem:$0x2880] =	vst v63  }
0x1d: {  	s13 =	sadd.s32 $0xA0, s14;
	_ =	swait.ge [sflag:s4], $0x2800  }
0x1e: {  	s12 =	sshrl.u32 s13, $0x3;
	[sflag:s4] =	ssyncset.done $0x0  }
0x1f: {  	s12 =	sadd.s32 s16, s12;
	[sflag:s4] =	ssyncadd.s32 $0xFFFFD800  }
0x20: {  	[tilespmem:s3], [sflag:$0x2] =	stream.linear.gather [hbm4b:s12+s3], $0x50, $0x38;
	[tilespmem:$0x2880] =	vst v63  }
0x21: {  	_ =	swait.ge [sflag:s4], $0x50  }
0x22: {  	[sflag:s4] =	ssyncset.done $0x0  }
0x23: {  	[sflag:s4] =	ssyncadd.s32 $0xFFFFFFB0  }
0x24: {  	[tilespmem:s7], [sflag:$0x1] =	stream.indirect.gather [hbm4b:s2+s6], $0x80, s3, s6, $0xb8;
	[tilespmem:$0x2880] =	vst v63  }
0x25: {  	_ =	swait.ge [sflag:s8], $0x2800  }
0x26: {  	s13 =	sshll.u32 s13, $0x4;
	[sflag:s8] =	ssyncset.done $0x0  }
0x27: {  	s13 =	sadd.s32 s17, s13;
	[sflag:s8] =	ssyncadd.s32 $0xFFFFD800  }
0x28: {  	[hbm4b:s13+s3] =	stream.linear.scatter [tilespmem:s7], [sflag:$0x2], $0x2800, $0x38;
	[tilespmem:$0x2880] =	vst v63  }
0x29: {  	s18 =	sadd.s32 $0xF0, s14;
	_ =	swait.ge [sflag:s4], $0x2800  }
0x2a: {  	s14 =	sshrl.u32 s18, $0x3;
	[sflag:s4] =	ssyncset.done $0x0  }
0x2b: {  	s15 =	ssub.s32 $0x2, s15;
	s14 =	sadd.s32 s16, s14;
	[sflag:s4] =	ssyncadd.s32 $0xFFFFD800  }
0x2c: {  	[tilespmem:s3], [sflag:$0x2] =	stream.linear.gather [hbm4b:s14+s3], $0x50, $0x38;
	[tilespmem:$0x2880] =	vst v63  }
0x2d: {  	s30 =	sshrl.u32 s15, $0x1;
	_ =	swait.ge [sflag:s4], $0x50  }
0x2e: {  	s16 =	ssub.s32 s15, s30;
	[sflag:s4] =	ssyncset.done $0x0  }
0x2f: {  	s16 =	smax.u32 s16, $0x1;
	[sflag:s4] =	ssyncadd.s32 $0xFFFFFFB0  }
0x30: {  	[tilespmem:s7], [sflag:$0x1] =	stream.indirect.gather [hbm4b:s2+s6], $0x80, s3, s6, $0xb8;
	[tilespmem:$0x2880] =	vst v63  }
0x31: {  	p0 =	sne.s32 s16, $0x1;
	_ =	swait.ge [sflag:s8], $0x2800  }
.Ltmp0:
0x32: {  	s31 =	sshll.u32 s18, $0x4;
	[sflag:s8] =	ssyncset.done $0x0;
	(pc) =	sbr.rel @!p0 .LBB2_2-.Ltmp0, $4  }
0x33: {  	s15 =	sadd.s32 s17, s31;
	[sflag:s8] =	ssyncadd.s32 $0xFFFFD800  }
0x34: {  	[hbm4b:s15+s3] =	stream.linear.scatter [tilespmem:s7], [sflag:$0x2], $0x2800, $0x38;
	[tilespmem:$0x2880] =	vst v63  }
0x35: {  	_ =	swait.ge [sflag:s4], $0x2800  }
0x36: {  	s16 =	sadd.s32 $0xFFFFFFFF, s16;
	[sflag:s4] =	ssyncset.done $0x0  }
.LBB2_1:
0x37: {  	p0 =	sne.s32 s16, $0x1;
	s16 =	sadd.s32 $0xFFFFFFFF, s16;
	[sflag:s4] =	ssyncadd.s32 $0xFFFFD800  }
0x38: {  	[tilespmem:s3], [sflag:$0x2] =	stream.linear.gather [hbm4b:s5+s3], $0x50, $0x38;
	[tilespmem:$0x2880] =	vst v63  }
0x39: {  	_ =	swait.ge [sflag:s4], $0x50  }
0x3a: {  	[sflag:s4] =	ssyncset.done $0x0  }
0x3b: {  	[sflag:s4] =	ssyncadd.s32 $0xFFFFFFB0  }
0x3c: {  	[tilespmem:s7], [sflag:$0x1] =	stream.indirect.gather [hbm4b:s2+s6], $0x80, s3, s6, $0xb8;
	[tilespmem:$0x2880] =	vst v63  }
0x3d: {  	_ =	swait.ge [sflag:s8], $0x2800  }
0x3e: {  	[sflag:s8] =	ssyncset.done $0x0  }
0x3f: {  	[sflag:s8] =	ssyncadd.s32 $0xFFFFD800  }
0x40: {  	[hbm4b:s9+s3] =	stream.linear.scatter [tilespmem:s7], [sflag:$0x2], $0x2800, $0x38;
	[tilespmem:$0x2880] =	vst v63  }
0x41: {  	_ =	swait.ge [sflag:s4], $0x2800  }
0x42: {  	[sflag:s4] =	ssyncset.done $0x0  }
0x43: {  	[sflag:s4] =	ssyncadd.s32 $0xFFFFD800  }
0x44: {  	[tilespmem:s3], [sflag:$0x2] =	stream.linear.gather [hbm4b:s10+s3], $0x50, $0x38;
	[tilespmem:$0x2880] =	vst v63  }
0x45: {  	_ =	swait.ge [sflag:s4], $0x50  }
0x46: {  	[sflag:s4] =	ssyncset.done $0x0  }
0x47: {  	[sflag:s4] =	ssyncadd.s32 $0xFFFFFFB0  }
0x48: {  	[tilespmem:s7], [sflag:$0x1] =	stream.indirect.gather [hbm4b:s2+s6], $0x80, s3, s6, $0xb8;
	[tilespmem:$0x2880] =	vst v63  }
0x49: {  	_ =	swait.ge [sflag:s8], $0x2800  }
0x4a: {  	[sflag:s8] =	ssyncset.done $0x0  }
0x4b: {  	[sflag:s8] =	ssyncadd.s32 $0xFFFFD800  }
0x4c: {  	[hbm4b:s11+s3] =	stream.linear.scatter [tilespmem:s7], [sflag:$0x2], $0x2800, $0x38;
	[tilespmem:$0x2880] =	vst v63  }
0x4d: {  	_ =	swait.ge [sflag:s4], $0x2800  }
0x4e: {  	[sflag:s4] =	ssyncset.done $0x0  }
0x4f: {  	[sflag:s4] =	ssyncadd.s32 $0xFFFFD800  }
0x50: {  	[tilespmem:s3], [sflag:$0x2] =	stream.linear.gather [hbm4b:s12+s3], $0x50, $0x38;
	[tilespmem:$0x2880] =	vst v63  }
0x51: {  	_ =	swait.ge [sflag:s4], $0x50  }
0x52: {  	[sflag:s4] =	ssyncset.done $0x0  }
0x53: {  	[sflag:s4] =	ssyncadd.s32 $0xFFFFFFB0  }
0x54: {  	[tilespmem:s7], [sflag:$0x1] =	stream.indirect.gather [hbm4b:s2+s6], $0x80, s3, s6, $0xb8;
	[tilespmem:$0x2880] =	vst v63  }
0x55: {  	_ =	swait.ge [sflag:s8], $0x2800  }
0x56: {  	[sflag:s8] =	ssyncset.done $0x0  }
0x57: {  	[sflag:s8] =	ssyncadd.s32 $0xFFFFD800  }
0x58: {  	[hbm4b:s13+s3] =	stream.linear.scatter [tilespmem:s7], [sflag:$0x2], $0x2800, $0x38;
	[tilespmem:$0x2880] =	vst v63  }
0x59: {  	_ =	swait.ge [sflag:s4], $0x2800  }
0x5a: {  	[sflag:s4] =	ssyncset.done $0x0  }
0x5b: {  	[sflag:s4] =	ssyncadd.s32 $0xFFFFD800  }
0x5c: {  	[tilespmem:s3], [sflag:$0x2] =	stream.linear.gather [hbm4b:s14+s3], $0x50, $0x38;
	[tilespmem:$0x2880] =	vst v63  }
0x5d: {  	_ =	swait.ge [sflag:s4], $0x50  }
0x5e: {  	[sflag:s4] =	ssyncset.done $0x0  }
0x5f: {  	[sflag:s4] =	ssyncadd.s32 $0xFFFFFFB0  }
0x60: {  	[tilespmem:s7], [sflag:$0x1] =	stream.indirect.gather [hbm4b:s2+s6], $0x80, s3, s6, $0xb8;
	[tilespmem:$0x2880] =	vst v63  }
0x61: {  	_ =	swait.ge [sflag:s8], $0x2800  }
.Ltmp1:
0x62: {  	[sflag:s8] =	ssyncset.done $0x0;
	(pc) =	sbr.rel @p0 .LBB2_1-.Ltmp1, $4  }
0x63: {  	[sflag:s8] =	ssyncadd.s32 $0xFFFFD800  }
0x64: {  	[hbm4b:s15+s3] =	stream.linear.scatter [tilespmem:s7], [sflag:$0x2], $0x2800, $0x38;
	[tilespmem:$0x2880] =	vst v63  }
0x65: {  	_ =	swait.ge [sflag:s4], $0x2800  }
0x66: {  	[sflag:s4] =	ssyncset.done $0x0  }
.LBB2_2:
0x67: {  	[sflag:s4] =	ssyncadd.s32 $0xFFFFD800  }
0x68: {  	_ =	sfence.sel $0x180000  }
0x69: {  	[bflag:$0x0] =	sbarrier.arrive $0xFFFF  }
0x6a: {  	p0 =	sne.s32 s0, $0x0;
	_ =	strace $0x9000004A  }
0x6b: {  	s0 =	sadd.s32 @!p0 $0x100000, s1;
	[bflag:$0x2] =	sbarrier.arrive $0xFFFF  }
0x6c: {  	[sflag:s0] =	ssyncadd.tile.s32 @!p0 $0x1;
	_ =	shalt  }
.Lfunc_end2:
_tile_overlayer_lowered:
.L_overlay_start_2:
0x6d: {  	(tag) =	ssettag $0x2  }
0x6e: {  	s0 =	rddreg [dreg:$0x0];
	s2 =	stileid.u32  }
0x6f: {  	s1 =	rddreg [dreg:$0x1];
	p0 =	sne.s32 s2, $0x0  }
0x70: {  	s3 =	rddreg [dreg:$0x2];
	[bflag:$0x3] =	sbarrier.arrive $0xFFFF;
	s2 =	simm.s32 @!p0 $0x1C02  }
0x71: {  	[timem:s3], [sflag:s2] =	dma.local @!p0 [hbm:s0], s1  }
0x72: {  	s0 =	simm.s32 @!p0 $0x2  }
0x73: {  	_ =	swait.ge @!p0 [sflag:s0], s1  }
0x74: {  	s1 =	ssub.s32 @!p0 $0x0, s1;
	[sflag:s0] =	ssyncset.done @!p0 $0x0  }
0x75: {  	[sflag:s0] =	ssyncadd.s32 @!p0 s1  }
0x76: {  	[bflag:$0x3] =	sbarrier.arrive $0xFFFF  }
0x77: {  	_ =	shalt  }

// kernel: kernel.18.cloned.1.call-start
scs
__scs_entry_jumppad:
0x0: {  	(pc) =	sbr.rel $0x88, $3  }
0x1: {  	(tag) =	ssettag $0x0;
	lr =	simm.s32 $0x1  }
0x2: {  	[smem:$0x3F93] =	sst lr;
	_ =	strace $0xD0000000  }
0x3: {  	_ = 	snop  }
0x4: {  	_ = 	snop  }
0x5: {  	_ = 	snop  }
0x6: {  	_ = 	snop  }
0x7: {  	_ = 	snop  }
__scs_overlays_trampoline_lowered:
0x8: {  	[smem:$0x3FA2] =	sst s0  }
0x9: {  	[smem:$0x3FA3] =	sst s1  }
0xa: {  	[smem:$0x3FA4] =	sst s2  }
0xb: {  	[smem:$0x3FA5] =	sst s3  }
0xc: {  	[smem:$0x3FA6] =	sst s4  }
0xd: {  	[smem:$0x3FA7] =	sst s5  }
0xe: {  	[smem:$0x3FA8] =	sst s6  }
0xf: {  	[smem:$0x3FA9] =	sst s7  }
0x10: {  	[smem:$0x3FAA] =	sst s8  }
0x11: {  	[smem:$0x3FAB] =	sst s9;
	s0 =	simm.s32 @!p0 $0x0  }
0x12: {  	s1 =	sld [smem:$0x3F91];
	s0 =	simm.s32 @p0 $0x1  }
0x13: {  	[smem:$0x3FAC] =	sst s0;
	s0 =	simm.s32 @!p1 $0x0  }
0x14: {  	s2 =	sld [smem:$0x3F90];
	s0 =	simm.s32 @p1 $0x1  }
0x15: {  	[smem:$0x3FAD] =	sst s0;
	s0 =	simm.s32 @!p2 $0x0  }
0x16: {  	s3 =	sld [smem:$0x3FDB];
	s0 =	simm.s32 @p2 $0x1  }
0x17: {  	s4 =	simm.s32 $0x1BF5;
	[smem:$0x3FAF] =	sst s0  }
0x18: {  	s0 =	sld [smem:$0x3F92];
	_ =	swait.ge [sflag:s4], $0x0  }
0x19: {  	s7 =	sld [smem:$0x3F93]  }
0x1a: {  	s8 =	sadd.s32 $0xFFFFE003, lr  }
0x1b: {  	s9 =	sadd.s32 $0xFFFFFEF7, lr;
	s5 =	simm.s32 $0xFFFFFFFF;
	p2 =	slt.u32 s8, $0xFFFFF086  }
0x1c: {  	p1 =	slt.u32 s9, $0xF7A;
	s5 =	simm.s32 @!p2 $0x0  }
0x1d: {  	s5 =	simm.s32 @p1 $0x1;
	p0 =	seq.s32 s7, s2  }
0x1e: {  	s7 =	smul.u32 @!p0 $0xF7A, s2;
	p2 =	seq.s32 @!p0 s5, $0x0  }
0x1f: {  	s9 =	smul.u32 $0xF7A, s1;
	s8 =	simm.s32 @!p0 $0x1BF5;
	p2 =	por !p2, p0  }
0x20: {  	[sflag:s8] =	ssyncset.s32 @!p0 $0xFFFFF086;
	s6 =	sadd.s32 @!p0 s3, s7;
	s7 =	simm.s32 @!p0 $0x108  }
0x21: {  	s3 =	sadd.s32 s3, s9;
	s6 =	sadd.s32 @!p0 $0x88, s6;
	s7 =	simm.s32 @p2 $0x1082  }
0x22: {  	[simem:s7], [sflag:s8] =	dma.local @!p0 [hbm:s6], $0xF7A  }
0x23: {  	s9 =	sor.u32 $0xD0000000, s2;
	s6 =	simm.s32 $0x108;
	_ =	swait.ge @!p0 [sflag:s8], $0x0  }
0x24: {  	s3 =	sadd.s32 $0x88, s3;
	s6 =	simm.s32 @!p1 $0x1082;
	[sflag:s4] =	ssyncset.s32 $0xFFFFF086  }
0x25: {  	[simem:s6], [sflag:s4] =	dma.local [hbm:s3], $0xF7A  }
0x26: {  	[smem:$0x3F93] =	sst s1;
	(tag) =	ssettag s2;
	_ =	strace s9  }
0x27: {  	s1 =	sld [smem:$0x3FA3]  }
0x28: {  	s2 =	sld [smem:$0x3FA4]  }
0x29: {  	s4 =	sld [smem:$0x3FA6]  }
0x2a: {  	p0 =	seq.s32 s5, $0x0;
	s5 =	sld [smem:$0x3FA7]  }
0x2b: {  	s6 =	sld [smem:$0x3FA8]  }
0x2c: {  	s7 =	sld [smem:$0x3FA9]  }
0x2d: {  	s3 =	simm.s32 $0x108;
	s8 =	sld [smem:$0x3FAA]  }
0x2e: {  	s3 =	simm.s32 @!p0 $0x1082;
	s9 =	sld [smem:$0x3FAB]  }
0x2f: {  	lr =	sadd.s32 s0, s3;
	s0 =	sld [smem:$0x3FA2]  }
0x30: {  	s3 =	sld [smem:$0x3FA5]  }
0x31: {  	[smem:$0x3FAE] =	sst s10  }
0x32: {  	s10 =	sld [smem:$0x3FAC];
	_ =	sdelay $0x3  }
0x33: {  	p0 =	seq.s32 s10, $0x1;
	s10 =	sld [smem:$0x3FAE];
	_ =	sdelay $0x3  }
0x34: {  	[smem:$0x3FAE] =	sst s10  }
0x35: {  	s10 =	sld [smem:$0x3FAD];
	_ =	sdelay $0x3  }
0x36: {  	p1 =	seq.s32 s10, $0x1;
	s10 =	sld [smem:$0x3FAE];
	_ =	sdelay $0x3  }
0x37: {  	[smem:$0x3FAE] =	sst s10  }
0x38: {  	s10 =	sld [smem:$0x3FAF]  }
0x39: {  	_ = 	snop;
	(pc) =	sbr.ind lr, $3  }
0x3a: {  	_ = 	snop  }
0x3b: {  	_ = 	snop  }
0x3c: {  	p2 =	seq.s32 s10, $0x1;
	s10 =	sld [smem:$0x3FAE]  }
0x3d: {  	_ =	shalt  }
0x3e: {  	_ =	shalt  }
0x3f: {  	_ =	shalt  }
0x40: {  	_ =	shalt  }
0x41: {  	_ =	shalt  }
0x42: {  	_ =	shalt  }
0x43: {  	_ =	shalt  }
0x44: {  	_ =	shalt  }
0x45: {  	_ =	shalt  }
0x46: {  	_ =	shalt  }
0x47: {  	_ =	shalt  }
0x48: {  	_ =	shalt  }
0x49: {  	_ =	shalt  }
0x4a: {  	_ =	shalt  }
0x4b: {  	_ =	shalt  }
0x4c: {  	_ =	shalt  }
0x4d: {  	_ =	shalt  }
0x4e: {  	_ =	shalt  }
0x4f: {  	_ =	shalt  }
0x50: {  	_ =	shalt  }
0x51: {  	_ =	shalt  }
0x52: {  	_ =	shalt  }
0x53: {  	_ =	shalt  }
0x54: {  	_ =	shalt  }
0x55: {  	_ =	shalt  }
0x56: {  	_ =	shalt  }
0x57: {  	_ =	shalt  }
0x58: {  	_ =	shalt  }
0x59: {  	_ =	shalt  }
0x5a: {  	_ =	shalt  }
0x5b: {  	_ =	shalt  }
0x5c: {  	_ =	shalt  }
0x5d: {  	_ =	shalt  }
0x5e: {  	_ =	shalt  }
0x5f: {  	_ =	shalt  }
0x60: {  	_ =	shalt  }
0x61: {  	_ =	shalt  }
0x62: {  	_ =	shalt  }
0x63: {  	_ =	shalt  }
0x64: {  	_ =	shalt  }
0x65: {  	_ =	shalt  }
0x66: {  	_ =	shalt  }
0x67: {  	_ =	shalt  }
0x68: {  	_ =	shalt  }
0x69: {  	_ =	shalt  }
0x6a: {  	_ =	shalt  }
0x6b: {  	_ =	shalt  }
0x6c: {  	_ =	shalt  }
0x6d: {  	_ =	shalt  }
0x6e: {  	_ =	shalt  }
0x6f: {  	_ =	shalt  }
0x70: {  	_ =	shalt  }
0x71: {  	_ =	shalt  }
0x72: {  	_ =	shalt  }
0x73: {  	_ =	shalt  }
0x74: {  	_ =	shalt  }
0x75: {  	_ =	shalt  }
0x76: {  	_ =	shalt  }
0x77: {  	_ =	shalt  }
0x78: {  	_ =	shalt  }
0x79: {  	_ =	shalt  }
0x7a: {  	_ =	shalt  }
0x7b: {  	_ =	shalt  }
0x7c: {  	_ =	shalt  }
0x7d: {  	_ =	shalt  }
0x7e: {  	_ =	shalt  }
0x7f: {  	_ =	shalt  }
0x80: {  	_ =	shalt  }
0x81: {  	_ =	shalt  }
0x82: {  	_ =	shalt  }
0x83: {  	_ =	shalt  }
0x84: {  	_ =	shalt  }
0x85: {  	_ =	shalt  }
0x86: {  	_ =	shalt  }
0x87: {  	_ =	shalt  }
.Lfunc_end0:
.L_simem_size_0:
called_computation.2_lowered:
.L_overlay_start_0:
0x88: {  	s2 =	sld [smem:$0x3FD9]  }
0x89: {  	s3 =	sld [smem:$0x3FFE];
	_ =	sdelay $0x1  }
0x8a: {  	s1 =	srdreg.scid  }
0x8b: {  	s0 =	sand.u32 $0x1, s1  }
0x8c: {  	s16 =	sshll.u32 s0, $0xA;
	s2 =	sadd.s32 s3, s2  }
0x8d: {  	s2 =	sadd.s32 s2, s16  }
0x8e: {  	[smem:$0x3FBA] =	sst s2  }
0x8f: {  	_ = 	snop  }
0x90: {  	(tm) =	ssettm $0x1  }
0x91: {  	s17 =	sld [smem:$0x3FFB];
	_ =	sdelay $0x3  }
0x92: {  	_ =	strace s17  }
0x93: {  	s2 =	sld [smem:$0x3FFC];
	_ =	sdelay $0x3  }
0x94: {  	_ =	strace s2  }
0x95: {  	s2 =	sld [smem:$0x3FFD];
	_ =	sdelay $0x3  }
0x96: {  	_ =	strace s2  }
0x97: {  	_ =	strace $0x8FFFFFFF  }
0x98: {  	s18 =	sld [smem:$0x3FDB];
	_ =	sdelay $0x1  }
0x99: {  	s19 =	simm.s32 $_scs_section_size  }
0x9a: {  	s4 =	simm.s32 $_size__tile_overlayer_lowered;
	s5 =	simm.s32 $_tile_overlayer_lowered  }
0x9b: {  	s22 =	simm.s32 $0x1BFF;
	s21 =	sshll.u32 s5, $0x1;
	s2 =	sadd.s32 s19, s18  }
0x9c: {  	s6 =	simm.s32 $0x0;
	s20 =	sshll.u32 s4, $0x1;
	s4 =	sadd.s32 s21, s2  }
0x9d: {  	[timem:s6], [sflag:s22] =	dma.local [hbm:s4], s20  }
0x9e: {  	_ =	swait.ge [sflag:s22], s20  }
0x9f: {  	s3 =	ssub.s32 $0x0, s20;
	[sflag:s22] =	ssyncset.done $0x0  }
0xa0: {  	[sflag:s22] =	ssyncadd.s32 s3;
	_ =	sdelay $0x1  }
0xa1: {  	s23 =	simm.s32 $0x1B8B  }
0xa2: {  	_ =	swait.ge [sflag:s23], $0x1  }
0xa3: {  	[sflag:s23] =	ssyncset.done $0x0  }
0xa4: {  	s25 =	simm.s32 $0x1B8E;
	s24 =	sld [smem:$0x3FFE];
	[sflag:s23] =	ssyncadd.s32 $0xFFFFFFFF  }
0xa5: {  	s26 =	simm.s32 $execute0_lowered;
	[smem:$0x3FD2] =	sst s25  }
0xa6: {  	s4 =	sshll.u32 s26, $0x1;
	_ =	strace $0x8000004C;
	[dreg:$0x1] =	wrdreg $0xFFFFFFFF  }
0xa7: {  	s28 =	simm.s32 $_size_execute0_lowered;
	s2 =	sadd.s32 s2, s4;
	[dreg:$0x0] =	wrdreg $0x0  }
0xa8: {  	s4 =	sshll.u32 s28, $0x1;
	[dreg:$0x2] =	wrdreg s2  }
0xa9: {  	[dreg:$0x3] =	wrdreg s4  }
0xaa: {  	[dreg:$0x4] =	wrdreg $0xC0  }
0xab: {  	_ =	task [dreg:s6], $0x5FFFF  }
0xac: {  	[dreg:$0x1] =	wrdreg $0xFFFFFFFF  }
0xad: {  	[dreg:$0x0] =	wrdreg $0x60  }
0xae: {  	[dreg:$0x2] =	wrdreg s24  }
0xaf: {  	[dreg:$0x3] =	wrdreg $0x9  }
0xb0: {  	_ =	task.clear_ibuf [dreg:s6], $0x4FFFF;
	_ =	strace $0x9000004C  }
0xb1: {  	s29 =	simm.s32 $0x9;
	_ =	strace $0x8000004E  }
0xb2: {  	_ =	swait.ge [sflag:s29], $0x1  }
0xb3: {  	[sflag:s29] =	ssyncadd.s32 $0xFFFFFFFF  }
0xb4: {  	_ =	strace $0x9000004E  }
0xb5: {  	_ =	sfence  }
0xb6: {  	s30 =	sld [smem:$0x0];
	_ =	sdelay $0x2  }
0xb7: {  	s31 =	sshll.u32 s1, $0xD;
	s1 =	sshrl.u32 s1, $0x2  }
0xb8: {  	s3 =	sand.u32 $0x4000, s31;
	s1 =	sadd.s32 s1, s30  }
0xb9: {  	s0 =	sor.u32 s3, s0;
	s1 =	sshll.u32 s1, $0x11  }
0xba: {  	s0 =	sor.u32 s1, s0  }
0xbb: {  	s0 =	sadd.s32 $0x8F2B, s0  }
0xbc: {  	[sflag:s0] =	ssyncadd.remote.s32 $0x1  }
0xbd: {  	_ =	sfence.sel $0xFFFF  }
0xbe: {  	[dreg:$0x0] =	wrdreg $0xFFFFFFFF;
	(pc) =	sbr.abs _section_cstart, $3  }
0xbf: {  	[dreg:$0x1] =	wrdreg $0xFFFFFFFF  }
0xc0: {  	_ =	task.clear_ibuf [dreg:s6], $0x2FFFF;
	_ =	strace $0x9FFFFFFF  }
0xc1: {  	(tm) =	ssettm $0x7FFFFFFF  }
tec
execute0_lowered:
.L_overlay_start_1:
0x0: {  	(tag) =	ssettag $0x1  }
0x1: {  	s8 =	rddreg [dreg:$0x0];
	s2 =	simm.s32 $0x0;
	s1 =	stileid.u32  }
0x2: {  	s4 =	srdreg.scid;
	s14 =	simm.s32 $0x180;
	s15 =	simm.s32 $0x200  }
0x3: {  	s16 =	simm.s32 $0x8200;
	s17 =	simm.s32 $0x10200;
	s18 =	simm.s32 $0x4200  }
0x4: {  	s19 =	simm.s32 $0xC200;
	s20 =	simm.s32 $0x14200;
	s21 =	simm.s32 $0x1  }
0x5: {  	s22 =	simm.s32 $0x2;
	s23 =	simm.s32 $0x0;
	[smem:$0x7FF] =	sst s2  }
0x6: {  	s3 =	sadd.s32 $0x6B400, s8;
	s9 =	smul.u32 $0x28000, s1;
	s10 =	sand.u32 $0x1, s4  }
0x7: {  	s4 =	sadd.s32 $0x66400, s8;
	s5 =	sadd.s32 $0x229C00, s8;
	s29 =	smul.u32 $0x2800, s1  }
0x8: {  	s6 =	sadd.s32 $0x201C00, s8;
	s7 =	sadd.s32 $0x71C00, s8;
	s11 =	smul.u32 $0x14000, s10  }
0x9: {  	s28 =	ssub.s32 $0x2, s10;
	s10 =	smul.u32 $0x1400, s10;
	s8 =	sadd.s32 s9, s8  }
0xa: {  	_ =	strace $0x8000004D;
	s12 =	sshrl.u32 s28, $0x1;
	s8 =	sadd.s32 s11, s8  }
0xb: {  	s9 =	ssub.s32 s28, s12;
	s10 =	sadd.s32 s10, s29;
	s13 =	sadd.s32 $0x2F1C00, s8  }
0xc: {  	s12 =	simm.s32 $0x100;
	s30 =	sadd.s32 $0x571C00, s8;
	[dreg:$0x2] =	wrdreg s13  }
0xd: {  	s31 =	sadd.s32 $0x7F1C00, s8;
	s8 =	smax.u32 s9, $0x1;
	[dreg:$0x3] =	wrdreg s30  }
0xe: {  	s11 =	sor.u32 $0x80, s10;
	s9 =	sshrl.u32 s10, $0x3;
	[dreg:$0x4] =	wrdreg s31  }
0xf: {  	s10 =	sshrl.u32 s11, $0x3;
	s11 =	simm.s32 $0x3;
	s13 =	simm.s32 $0x80  }
.LBB2_1:
0x10: {  	s24 =	sadd.s32 s3, s9  }
0x11: {  	[tilespmem:s2], [sflag:$0x3] =	stream.linear.gather [hbm4b:s24+s2], $0x80, $0x38;
	[tilespmem:$0x18200] =	vst v63  }
0x12: {  	_ =	swait.ge [sflag:s11], $0x80  }
0x13: {  	[sflag:s11] =	ssyncset.done $0x0  }
0x14: {  	s0 =	sadd.s32 s4, s9;
	[sflag:s11] =	ssyncadd.s32 $0xFFFFFF80  }
0x15: {  	[tilespmem:s12], [sflag:$0x3] =	stream.linear.gather [hbm4b:s0+s2], $0x80, $0x38;
	[tilespmem:$0x18200] =	vst v63  }
0x16: {  	_ =	swait.ge [sflag:s11], $0x80  }
0x17: {  	[sflag:s11] =	ssyncset.done $0x0  }
0x18: {  	s25 =	sadd.s32 s3, s10;
	[sflag:s11] =	ssyncadd.s32 $0xFFFFFF80  }
0x19: {  	[tilespmem:s13], [sflag:$0x3] =	stream.linear.gather [hbm4b:s25+s2], $0x80, $0x38;
	[tilespmem:$0x18200] =	vst v63  }
0x1a: {  	_ =	swait.ge [sflag:s11], $0x80  }
0x1b: {  	[sflag:s11] =	ssyncset.done $0x0  }
0x1c: {  	s26 =	sadd.s32 s4, s10;
	[sflag:s11] =	ssyncadd.s32 $0xFFFFFF80  }
0x1d: {  	[tilespmem:s14], [sflag:$0x3] =	stream.linear.gather [hbm4b:s26+s2], $0x80, $0x38;
	[tilespmem:$0x18200] =	vst v63  }
0x1e: {  	_ =	swait.ge [sflag:s11], $0x80  }
0x1f: {  	[sflag:s11] =	ssyncset.done $0x0  }
0x20: {  	[sflag:s11] =	ssyncadd.s32 $0xFFFFFF80  }
0x21: {  	[tilespmem:s15], [sflag:$0x1] =	stream.indirect.gather [hbm4b:s5+s13], $0x80, s2, s13, $0xb8;
	[tilespmem:$0x18200] =	vst v63  }
0x22: {  	_ = 	snop  }
0x23: {  	[tilespmem:s16], [sflag:$0x1] =	stream.indirect.gather [hbm4b:s6+s13], $0x80, s12, s13, $0xb8;
	[tilespmem:$0x18200] =	vst v63  }
0x24: {  	_ = 	snop  }
0x25: {  	[tilespmem:s17], [sflag:$0x1] =	stream.indirect.gather [hbm4b:s7+s13], $0x80, s2, s13, $0xb8;
	[tilespmem:$0x18200] =	vst v63  }
0x26: {  	_ = 	snop  }
0x27: {  	[tilespmem:s18], [sflag:$0x1] =	stream.indirect.gather [hbm4b:s5+s13], $0x80, s13, s13, $0xb8;
	[tilespmem:$0x18200] =	vst v63  }
0x28: {  	_ = 	snop  }
0x29: {  	[tilespmem:s19], [sflag:$0x1] =	stream.indirect.gather [hbm4b:s6+s13], $0x80, s14, s13, $0xb8;
	[tilespmem:$0x18200] =	vst v63  }
0x2a: {  	_ = 	snop  }
0x2b: {  	[tilespmem:s20], [sflag:$0x1] =	stream.indirect.gather [hbm4b:s7+s13], $0x80, s13, s13, $0xb8;
	[tilespmem:$0x18200] =	vst v63  }
0x2c: {  	_ =	swait.ge [sflag:s21], $0x4000  }
0x2d: {  	[sflag:s21] =	ssyncset.done $0x0  }
0x2e: {  	[sflag:s21] =	ssyncadd.s32 $0xFFFFC000  }
0x2f: {  	_ =	swait.ge [sflag:s21], $0x4000  }
0x30: {  	[sflag:s21] =	ssyncset.done $0x0  }
0x31: {  	[sflag:s21] =	ssyncadd.s32 $0xFFFFC000  }
0x32: {  	_ =	swait.ge [sflag:s21], $0x4000  }
0x33: {  	[sflag:s21] =	ssyncset.done $0x0  }
0x34: {  	[sflag:s21] =	ssyncadd.s32 $0xFFFFC000  }
0x35: {  	_ =	swait.ge [sflag:s21], $0x4000  }
0x36: {  	[sflag:s21] =	ssyncset.done $0x0  }
0x37: {  	[sflag:s21] =	ssyncadd.s32 $0xFFFFC000  }
0x38: {  	_ =	swait.ge [sflag:s21], $0x4000  }
0x39: {  	[sflag:s21] =	ssyncset.done $0x0  }
0x3a: {  	[sflag:s21] =	ssyncadd.s32 $0xFFFFC000  }
0x3b: {  	_ =	swait.ge [sflag:s21], $0x4000  }
0x3c: {  	s29 =	rddreg [dreg:$0x2];
	[sflag:s21] =	ssyncset.done $0x0  }
0x3d: {  	s25 =	rddreg [dreg:$0x3];
	[sflag:s21] =	ssyncadd.s32 $0xFFFFC000;
	s24 =	sadd.s32 $0x0, s29  }
0x3e: {  	[hbm4b:s24+s2] =	stream.linear.scatter [tilespmem:s15], [sflag:$0x2], $0x4000, $0x38;
	[tilespmem:$0x18200] =	vst v63  }
0x3f: {  	s26 =	rddreg [dreg:$0x4];
	s25 =	sadd.s32 $0x0, s25  }
0x40: {  	[hbm4b:s25+s2] =	stream.linear.scatter [tilespmem:s16], [sflag:$0x2], $0x4000, $0x38;
	[tilespmem:$0x18200] =	vst v63  }
0x41: {  	s26 =	sadd.s32 $0x0, s26  }
0x42: {  	[hbm4b:s26+s2] =	stream.linear.scatter [tilespmem:s17], [sflag:$0x2], $0x4000, $0x38;
	[tilespmem:$0x18200] =	vst v63  }
0x43: {  	s24 =	sadd.s32 $0x800, s24  }
0x44: {  	[hbm4b:s24+s2] =	stream.linear.scatter [tilespmem:s18], [sflag:$0x2], $0x4000, $0x38;
	[tilespmem:$0x18200] =	vst v63  }
0x45: {  	s30 =	sadd.s32 $0x800, s25  }
0x46: {  	[hbm4b:s30+s2] =	stream.linear.scatter [tilespmem:s19], [sflag:$0x2], $0x4000, $0x38;
	[tilespmem:$0x18200] =	vst v63  }
0x47: {  	s31 =	sadd.s32 $0x800, s26  }
0x48: {  	[hbm4b:s31+s2] =	stream.linear.scatter [tilespmem:s20], [sflag:$0x2], $0x4000, $0x38;
	[tilespmem:$0x18200] =	vst v63  }
0x49: {  	_ =	swait.ge [sflag:s22], $0x4000  }
0x4a: {  	[sflag:s22] =	ssyncset.done $0x0  }
0x4b: {  	[sflag:s22] =	ssyncadd.s32 $0xFFFFC000  }
0x4c: {  	_ =	swait.ge [sflag:s22], $0x4000  }
0x4d: {  	[sflag:s22] =	ssyncset.done $0x0  }
0x4e: {  	[sflag:s22] =	ssyncadd.s32 $0xFFFFC000  }
0x4f: {  	_ =	swait.ge [sflag:s22], $0x4000  }
0x50: {  	[sflag:s22] =	ssyncset.done $0x0  }
0x51: {  	[sflag:s22] =	ssyncadd.s32 $0xFFFFC000  }
0x52: {  	_ =	swait.ge [sflag:s22], $0x4000  }
0x53: {  	[sflag:s22] =	ssyncset.done $0x0  }
0x54: {  	[sflag:s22] =	ssyncadd.s32 $0xFFFFC000  }
0x55: {  	_ =	swait.ge [sflag:s22], $0x4000  }
0x56: {  	[sflag:s22] =	ssyncset.done $0x0  }
0x57: {  	[sflag:s22] =	ssyncadd.s32 $0xFFFFC000  }
0x58: {  	s28 =	simm.s32 $0x2000;
	s25 =	sadd.s32 $0x20, s3;
	_ =	swait.ge [sflag:s22], $0x4000  }
0x59: {  	s26 =	smov.u32 s4;
	s24 =	simm.s32 $0x1000;
	[sflag:s22] =	ssyncset.done $0x0  }
.LBB2_2:
0x5a: {  	s30 =	sadd.s32 s25, s9;
	[sflag:s22] =	ssyncadd.s32 $0xFFFFC000  }
0x5b: {  	[tilespmem:s2], [sflag:$0x3] =	stream.linear.gather [hbm4b:s30+s2], $0x80, $0x38;
	[tilespmem:$0x18200] =	vst v63  }
0x5c: {  	_ =	swait.ge [sflag:s11], $0x80  }
0x5d: {  	s26 =	sadd.s32 $0x20, s26;
	[sflag:s11] =	ssyncset.done $0x0  }
0x5e: {  	s31 =	sadd.s32 s26, s9;
	[sflag:s11] =	ssyncadd.s32 $0xFFFFFF80  }
0x5f: {  	[tilespmem:s12], [sflag:$0x3] =	stream.linear.gather [hbm4b:s31+s2], $0x80, $0x38;
	[tilespmem:$0x18200] =	vst v63  }
0x60: {  	_ =	swait.ge [sflag:s11], $0x80  }
0x61: {  	[sflag:s11] =	ssyncset.done $0x0  }
0x62: {  	s0 =	sadd.s32 s25, s10;
	[sflag:s11] =	ssyncadd.s32 $0xFFFFFF80  }
0x63: {  	[tilespmem:s13], [sflag:$0x3] =	stream.linear.gather [hbm4b:s0+s2], $0x80, $0x38;
	[tilespmem:$0x18200] =	vst v63  }
0x64: {  	_ =	swait.ge [sflag:s11], $0x80  }
0x65: {  	[sflag:s11] =	ssyncset.done $0x0  }
0x66: {  	s31 =	sadd.s32 s26, s10;
	[sflag:s11] =	ssyncadd.s32 $0xFFFFFF80  }
0x67: {  	[tilespmem:s14], [sflag:$0x3] =	stream.linear.gather [hbm4b:s31+s2], $0x80, $0x38;
	[tilespmem:$0x18200] =	vst v63  }
0x68: {  	_ =	swait.ge [sflag:s11], $0x80  }
0x69: {  	[sflag:s11] =	ssyncset.done $0x0  }
0x6a: {  	[sflag:s11] =	ssyncadd.s32 $0xFFFFFF80  }
0x6b: {  	[tilespmem:s15], [sflag:$0x1] =	stream.indirect.gather [hbm4b:s5+s13], $0x80, s2, s13, $0xb8;
	[tilespmem:$0x18200] =	vst v63  }
0x6c: {  	_ = 	snop  }
0x6d: {  	[tilespmem:s16], [sflag:$0x1] =	stream.indirect.gather [hbm4b:s6+s13], $0x80, s12, s13, $0xb8;
	[tilespmem:$0x18200] =	vst v63  }
0x6e: {  	_ = 	snop  }
0x6f: {  	[tilespmem:s17], [sflag:$0x1] =	stream.indirect.gather [hbm4b:s7+s13], $0x80, s2, s13, $0xb8;
	[tilespmem:$0x18200] =	vst v63  }
0x70: {  	_ = 	snop  }
0x71: {  	[tilespmem:s18], [sflag:$0x1] =	stream.indirect.gather [hbm4b:s5+s13], $0x80, s13, s13, $0xb8;
	[tilespmem:$0x18200] =	vst v63  }
0x72: {  	_ = 	snop  }
0x73: {  	[tilespmem:s19], [sflag:$0x1] =	stream.indirect.gather [hbm4b:s6+s13], $0x80, s14, s13, $0xb8;
	[tilespmem:$0x18200] =	vst v63  }
0x74: {  	_ = 	snop  }
0x75: {  	[tilespmem:s20], [sflag:$0x1] =	stream.indirect.gather [hbm4b:s7+s13], $0x80, s13, s13, $0xb8;
	[tilespmem:$0x18200] =	vst v63  }
0x76: {  	_ =	swait.ge [sflag:s21], $0x4000  }
0x77: {  	[sflag:s21] =	ssyncset.done $0x0  }
0x78: {  	[sflag:s21] =	ssyncadd.s32 $0xFFFFC000  }
0x79: {  	_ =	swait.ge [sflag:s21], $0x4000  }
0x7a: {  	[sflag:s21] =	ssyncset.done $0x0  }
0x7b: {  	[sflag:s21] =	ssyncadd.s32 $0xFFFFC000  }
0x7c: {  	_ =	swait.ge [sflag:s21], $0x4000  }
0x7d: {  	[sflag:s21] =	ssyncset.done $0x0  }
0x7e: {  	[sflag:s21] =	ssyncadd.s32 $0xFFFFC000  }
0x7f: {  	_ =	swait.ge [sflag:s21], $0x4000  }
0x80: {  	[sflag:s21] =	ssyncset.done $0x0  }
0x81: {  	[sflag:s21] =	ssyncadd.s32 $0xFFFFC000  }
0x82: {  	_ =	swait.ge [sflag:s21], $0x4000  }
0x83: {  	[sflag:s21] =	ssyncset.done $0x0  }
0x84: {  	[sflag:s21] =	ssyncadd.s32 $0xFFFFC000  }
0x85: {  	_ =	swait.ge [sflag:s21], $0x4000  }
0x86: {  	s0 =	rddreg [dreg:$0x2];
	[sflag:s21] =	ssyncset.done $0x0  }
0x87: {  	s31 =	rddreg [dreg:$0x3];
	[sflag:s21] =	ssyncadd.s32 $0xFFFFC000;
	s30 =	sadd.s32 s24, s0  }
0x88: {  	[hbm4b:s30+s2] =	stream.linear.scatter [tilespmem:s15], [sflag:$0x2], $0x4000, $0x38;
	[tilespmem:$0x18200] =	vst v63  }
0x89: {  	s0 =	rddreg [dreg:$0x4];
	s31 =	sadd.s32 s24, s31  }
0x8a: {  	[hbm4b:s31+s2] =	stream.linear.scatter [tilespmem:s16], [sflag:$0x2], $0x4000, $0x38;
	[tilespmem:$0x18200] =	vst v63  }
0x8b: {  	s0 =	sadd.s32 s24, s0  }
0x8c: {  	[hbm4b:s0+s2] =	stream.linear.scatter [tilespmem:s17], [sflag:$0x2], $0x4000, $0x38;
	[tilespmem:$0x18200] =	vst v63  }
0x8d: {  	s30 =	sadd.s32 $0x800, s30  }
0x8e: {  	[hbm4b:s30+s2] =	stream.linear.scatter [tilespmem:s18], [sflag:$0x2], $0x4000, $0x38;
	[tilespmem:$0x18200] =	vst v63  }
0x8f: {  	s31 =	sadd.s32 $0x800, s31  }
0x90: {  	[hbm4b:s31+s2] =	stream.linear.scatter [tilespmem:s19], [sflag:$0x2], $0x4000, $0x38;
	[tilespmem:$0x18200] =	vst v63  }
0x91: {  	s0 =	sadd.s32 $0x800, s0  }
0x92: {  	[hbm4b:s0+s2] =	stream.linear.scatter [tilespmem:s20], [sflag:$0x2], $0x4000, $0x38;
	[tilespmem:$0x18200] =	vst v63  }
0x93: {  	_ =	swait.ge [sflag:s22], $0x4000  }
0x94: {  	[sflag:s22] =	ssyncset.done $0x0  }
0x95: {  	[sflag:s22] =	ssyncadd.s32 $0xFFFFC000  }
0x96: {  	_ =	swait.ge [sflag:s22], $0x4000  }
0x97: {  	[sflag:s22] =	ssyncset.done $0x0  }
0x98: {  	[sflag:s22] =	ssyncadd.s32 $0xFFFFC000  }
0x99: {  	_ =	swait.ge [sflag:s22], $0x4000  }
0x9a: {  	[sflag:s22] =	ssyncset.done $0x0  }
0x9b: {  	[sflag:s22] =	ssyncadd.s32 $0xFFFFC000  }
0x9c: {  	_ =	swait.ge [sflag:s22], $0x4000  }
0x9d: {  	[sflag:s22] =	ssyncset.done $0x0  }
0x9e: {  	p0 =	sne.s32 s28, $0x13000;
	[sflag:s22] =	ssyncadd.s32 $0xFFFFC000  }
.Ltmp0:
0x9f: {  	_ =	swait.ge [sflag:s22], $0x4000;
	(pc) =	sbr.rel @p0 .LBB2_2-.Ltmp0, $4  }
0xa0: {  	[sflag:s22] =	ssyncset.done $0x0  }
0xa1: {  	[sflag:s22] =	ssyncadd.s32 $0xFFFFC000  }
0xa2: {  	s29 =	smov.u32 s28;
	s28 =	sadd.s32 $0x1000, s28;
	_ =	swait.ge [sflag:s22], $0x4000  }
0xa3: {  	s25 =	sadd.s32 $0x20, s25;
	s24 =	smov.u32 s29;
	[sflag:s22] =	ssyncset.done $0x0  }
0xa4: {  	s0 =	sadd.s32 s25, s9;
	[sflag:s22] =	ssyncadd.s32 $0xFFFFC000  }
0xa5: {  	[tilespmem:s2], [sflag:$0x3] =	stream.linear.gather [hbm4b:s0+s2], $0x80, $0x38;
	[tilespmem:$0x18200] =	vst v63  }
0xa6: {  	_ =	swait.ge [sflag:s11], $0x80  }
0xa7: {  	s30 =	sadd.s32 $0x20, s26;
	[sflag:s11] =	ssyncset.done $0x0  }
0xa8: {  	s26 =	sadd.s32 s30, s9;
	[sflag:s11] =	ssyncadd.s32 $0xFFFFFF80  }
0xa9: {  	[tilespmem:s12], [sflag:$0x3] =	stream.linear.gather [hbm4b:s26+s2], $0x80, $0x38;
	[tilespmem:$0x18200] =	vst v63  }
0xaa: {  	_ =	swait.ge [sflag:s11], $0x80  }
0xab: {  	[sflag:s11] =	ssyncset.done $0x0  }
0xac: {  	s31 =	sadd.s32 s25, s10;
	[sflag:s11] =	ssyncadd.s32 $0xFFFFFF80  }
0xad: {  	[tilespmem:s13], [sflag:$0x3] =	stream.linear.gather [hbm4b:s31+s2], $0x80, $0x38;
	[tilespmem:$0x18200] =	vst v63  }
0xae: {  	_ =	swait.ge [sflag:s11], $0x80  }
0xaf: {  	[sflag:s11] =	ssyncset.done $0x0  }
0xb0: {  	s0 =	sadd.s32 s30, s10;
	[sflag:s11] =	ssyncadd.s32 $0xFFFFFF80  }
0xb1: {  	[tilespmem:s14], [sflag:$0x3] =	stream.linear.gather [hbm4b:s0+s2], $0x80, $0x38;
	[tilespmem:$0x18200] =	vst v63  }
0xb2: {  	_ =	swait.ge [sflag:s11], $0x80  }
0xb3: {  	[sflag:s11] =	ssyncset.done $0x0  }
0xb4: {  	[sflag:s11] =	ssyncadd.s32 $0xFFFFFF80  }
0xb5: {  	[tilespmem:s15], [sflag:$0x1] =	stream.indirect.gather [hbm4b:s5+s13], $0x80, s2, s13, $0xb8;
	[tilespmem:$0x18200] =	vst v63  }
0xb6: {  	_ = 	snop  }
0xb7: {  	[tilespmem:s16], [sflag:$0x1] =	stream.indirect.gather [hbm4b:s6+s13], $0x80, s12, s13, $0xb8;
	[tilespmem:$0x18200] =	vst v63  }
0xb8: {  	_ = 	snop  }
0xb9: {  	[tilespmem:s17], [sflag:$0x1] =	stream.indirect.gather [hbm4b:s7+s13], $0x80, s2, s13, $0xb8;
	[tilespmem:$0x18200] =	vst v63  }
0xba: {  	_ = 	snop  }
0xbb: {  	[tilespmem:s18], [sflag:$0x1] =	stream.indirect.gather [hbm4b:s5+s13], $0x80, s13, s13, $0xb8;
	[tilespmem:$0x18200] =	vst v63  }
0xbc: {  	_ = 	snop  }
0xbd: {  	[tilespmem:s19], [sflag:$0x1] =	stream.indirect.gather [hbm4b:s6+s13], $0x80, s14, s13, $0xb8;
	[tilespmem:$0x18200] =	vst v63  }
0xbe: {  	_ = 	snop  }
0xbf: {  	[tilespmem:s20], [sflag:$0x1] =	stream.indirect.gather [hbm4b:s7+s13], $0x80, s13, s13, $0xb8;
	[tilespmem:$0x18200] =	vst v63  }
0xc0: {  	_ =	swait.ge [sflag:s21], $0x4000  }
0xc1: {  	[sflag:s21] =	ssyncset.done $0x0  }
0xc2: {  	[sflag:s21] =	ssyncadd.s32 $0xFFFFC000  }
0xc3: {  	_ =	swait.ge [sflag:s21], $0x4000  }
0xc4: {  	[sflag:s21] =	ssyncset.done $0x0  }
0xc5: {  	[sflag:s21] =	ssyncadd.s32 $0xFFFFC000  }
0xc6: {  	_ =	swait.ge [sflag:s21], $0x4000  }
0xc7: {  	[sflag:s21] =	ssyncset.done $0x0  }
0xc8: {  	[sflag:s21] =	ssyncadd.s32 $0xFFFFC000  }
0xc9: {  	_ =	swait.ge [sflag:s21], $0x4000  }
0xca: {  	[sflag:s21] =	ssyncset.done $0x0  }
0xcb: {  	[sflag:s21] =	ssyncadd.s32 $0xFFFFC000  }
0xcc: {  	_ =	swait.ge [sflag:s21], $0x4000  }
0xcd: {  	[sflag:s21] =	ssyncset.done $0x0  }
0xce: {  	[sflag:s21] =	ssyncadd.s32 $0xFFFFC000  }
0xcf: {  	_ =	swait.ge [sflag:s21], $0x4000  }
0xd0: {  	s25 =	rddreg [dreg:$0x2];
	[sflag:s21] =	ssyncset.done $0x0  }
0xd1: {  	s26 =	rddreg [dreg:$0x3];
	[sflag:s21] =	ssyncadd.s32 $0xFFFFC000;
	s0 =	sadd.s32 s24, s25  }
0xd2: {  	[hbm4b:s0+s2] =	stream.linear.scatter [tilespmem:s15], [sflag:$0x2], $0x4000, $0x38;
	[tilespmem:$0x18200] =	vst v63  }
0xd3: {  	s28 =	rddreg [dreg:$0x4];
	s25 =	sadd.s32 s24, s26  }
0xd4: {  	[hbm4b:s25+s2] =	stream.linear.scatter [tilespmem:s16], [sflag:$0x2], $0x4000, $0x38;
	[tilespmem:$0x18200] =	vst v63  }
0xd5: {  	s29 =	sadd.s32 s24, s28  }
0xd6: {  	[hbm4b:s29+s2] =	stream.linear.scatter [tilespmem:s17], [sflag:$0x2], $0x4000, $0x38;
	[tilespmem:$0x18200] =	vst v63  }
0xd7: {  	s0 =	sadd.s32 $0x800, s0  }
0xd8: {  	[hbm4b:s0+s2] =	stream.linear.scatter [tilespmem:s18], [sflag:$0x2], $0x4000, $0x38;
	[tilespmem:$0x18200] =	vst v63  }
0xd9: {  	s30 =	sadd.s32 $0x800, s25  }
0xda: {  	[hbm4b:s30+s2] =	stream.linear.scatter [tilespmem:s19], [sflag:$0x2], $0x4000, $0x38;
	[tilespmem:$0x18200] =	vst v63  }
0xdb: {  	s31 =	sadd.s32 $0x800, s29  }
0xdc: {  	[hbm4b:s31+s2] =	stream.linear.scatter [tilespmem:s20], [sflag:$0x2], $0x4000, $0x38;
	[tilespmem:$0x18200] =	vst v63  }
0xdd: {  	_ =	swait.ge [sflag:s22], $0x4000  }
0xde: {  	[sflag:s22] =	ssyncset.done $0x0  }
0xdf: {  	[sflag:s22] =	ssyncadd.s32 $0xFFFFC000  }
0xe0: {  	_ =	swait.ge [sflag:s22], $0x4000  }
0xe1: {  	[sflag:s22] =	ssyncset.done $0x0  }
0xe2: {  	[sflag:s22] =	ssyncadd.s32 $0xFFFFC000  }
0xe3: {  	_ =	swait.ge [sflag:s22], $0x4000  }
0xe4: {  	[sflag:s22] =	ssyncset.done $0x0  }
0xe5: {  	[sflag:s22] =	ssyncadd.s32 $0xFFFFC000  }
0xe6: {  	_ =	swait.ge [sflag:s22], $0x4000  }
0xe7: {  	[sflag:s22] =	ssyncset.done $0x0  }
0xe8: {  	s23 =	sadd.s32 $0x1, s23;
	[sflag:s22] =	ssyncadd.s32 $0xFFFFC000  }
0xe9: {  	p0 =	sne.s32 s23, s8;
	_ =	swait.ge [sflag:s22], $0x4000  }
.Ltmp1:
0xea: {  	[sflag:s22] =	ssyncset.done $0x0;
	(pc) =	sbr.rel @p0 .LBB2_1-.Ltmp1, $4  }
0xeb: {  	[sflag:s22] =	ssyncadd.s32 $0xFFFFC000  }
0xec: {  	_ =	swait.ge [sflag:s22], $0x4000  }
0xed: {  	[sflag:s22] =	ssyncset.done $0x0  }
0xee: {  	[sflag:s22] =	ssyncadd.s32 $0xFFFFC000  }
0xef: {  	_ =	sfence.sel $0x180000  }
0xf0: {  	[bflag:$0x0] =	sbarrier.arrive $0xFFFF  }
0xf1: {  	_ =	strace $0x9000004D  }
0xf2: {  	[bflag:$0x2] =	sbarrier.arrive $0xFFFF  }
0xf3: {  	p0 =	sne.s32 s1, $0x0;
	s0 =	rddreg [dreg:$0x1]  }
0xf4: {  	s0 =	sadd.s32 @!p0 $0x100000, s0  }
0xf5: {  	[sflag:s0] =	ssyncadd.tile.s32 @!p0 $0x1;
	_ =	shalt  }
.Lfunc_end2:
_tile_overlayer_lowered:
.L_overlay_start_2:
0xf6: {  	(tag) =	ssettag $0x2  }
0xf7: {  	s0 =	rddreg [dreg:$0x0];
	s2 =	stileid.u32  }
0xf8: {  	s1 =	rddreg [dreg:$0x1];
	p0 =	sne.s32 s2, $0x0  }
0xf9: {  	s3 =	rddreg [dreg:$0x2];
	[bflag:$0x3] =	sbarrier.arrive $0xFFFF;
	s2 =	simm.s32 @!p0 $0x1C03  }
0xfa: {  	[timem:s3], [sflag:s2] =	dma.local @!p0 [hbm:s0], s1  }
0xfb: {  	s0 =	simm.s32 @!p0 $0x3  }
0xfc: {  	_ =	swait.ge @!p0 [sflag:s0], s1  }
0xfd: {  	s1 =	ssub.s32 @!p0 $0x0, s1;
	[sflag:s0] =	ssyncset.done @!p0 $0x0  }
0xfe: {  	[sflag:s0] =	ssyncadd.s32 @!p0 s1  }
0xff: {  	[bflag:$0x3] =	sbarrier.arrive $0xFFFF  }
0x100: {  	_ =	shalt  }

// kernel: kernel.21.cloned.1.call-start
scs
__scs_entry_jumppad:
0x0: {  	(pc) =	sbr.rel $0x88, $3  }
0x1: {  	(tag) =	ssettag $0x0;
	lr =	simm.s32 $0x1  }
0x2: {  	[smem:$0x3F93] =	sst lr;
	_ =	strace $0xD0000000  }
0x3: {  	_ = 	snop  }
0x4: {  	_ = 	snop  }
0x5: {  	_ = 	snop  }
0x6: {  	_ = 	snop  }
0x7: {  	_ = 	snop  }
__scs_overlays_trampoline_lowered:
0x8: {  	[smem:$0x3FA2] =	sst s0  }
0x9: {  	[smem:$0x3FA3] =	sst s1  }
0xa: {  	[smem:$0x3FA4] =	sst s2  }
0xb: {  	[smem:$0x3FA5] =	sst s3  }
0xc: {  	[smem:$0x3FA6] =	sst s4  }
0xd: {  	[smem:$0x3FA7] =	sst s5  }
0xe: {  	[smem:$0x3FA8] =	sst s6  }
0xf: {  	[smem:$0x3FA9] =	sst s7  }
0x10: {  	[smem:$0x3FAA] =	sst s8  }
0x11: {  	[smem:$0x3FAB] =	sst s9;
	s0 =	simm.s32 @!p0 $0x0  }
0x12: {  	s1 =	sld [smem:$0x3F91];
	s0 =	simm.s32 @p0 $0x1  }
0x13: {  	[smem:$0x3FAC] =	sst s0;
	s0 =	simm.s32 @!p1 $0x0  }
0x14: {  	s2 =	sld [smem:$0x3F90];
	s0 =	simm.s32 @p1 $0x1  }
0x15: {  	[smem:$0x3FAD] =	sst s0;
	s0 =	simm.s32 @!p2 $0x0  }
0x16: {  	s3 =	sld [smem:$0x3FDB];
	s0 =	simm.s32 @p2 $0x1  }
0x17: {  	s4 =	simm.s32 $0x1BF5;
	[smem:$0x3FAF] =	sst s0  }
0x18: {  	s0 =	sld [smem:$0x3F92];
	_ =	swait.ge [sflag:s4], $0x0  }
0x19: {  	s7 =	sld [smem:$0x3F93]  }
0x1a: {  	s8 =	sadd.s32 $0xFFFFE003, lr  }
0x1b: {  	s9 =	sadd.s32 $0xFFFFFEF7, lr;
	s5 =	simm.s32 $0xFFFFFFFF;
	p2 =	slt.u32 s8, $0xFFFFF086  }
0x1c: {  	p1 =	slt.u32 s9, $0xF7A;
	s5 =	simm.s32 @!p2 $0x0  }
0x1d: {  	s5 =	simm.s32 @p1 $0x1;
	p0 =	seq.s32 s7, s2  }
0x1e: {  	s7 =	smul.u32 @!p0 $0xF7A, s2;
	p2 =	seq.s32 @!p0 s5, $0x0  }
0x1f: {  	s9 =	smul.u32 $0xF7A, s1;
	s8 =	simm.s32 @!p0 $0x1BF5;
	p2 =	por !p2, p0  }
0x20: {  	[sflag:s8] =	ssyncset.s32 @!p0 $0xFFFFF086;
	s6 =	sadd.s32 @!p0 s3, s7;
	s7 =	simm.s32 @!p0 $0x108  }
0x21: {  	s3 =	sadd.s32 s3, s9;
	s6 =	sadd.s32 @!p0 $0x88, s6;
	s7 =	simm.s32 @p2 $0x1082  }
0x22: {  	[simem:s7], [sflag:s8] =	dma.local @!p0 [hbm:s6], $0xF7A  }
0x23: {  	s9 =	sor.u32 $0xD0000000, s2;
	s6 =	simm.s32 $0x108;
	_ =	swait.ge @!p0 [sflag:s8], $0x0  }
0x24: {  	s3 =	sadd.s32 $0x88, s3;
	s6 =	simm.s32 @!p1 $0x1082;
	[sflag:s4] =	ssyncset.s32 $0xFFFFF086  }
0x25: {  	[simem:s6], [sflag:s4] =	dma.local [hbm:s3], $0xF7A  }
0x26: {  	[smem:$0x3F93] =	sst s1;
	(tag) =	ssettag s2;
	_ =	strace s9  }
0x27: {  	s1 =	sld [smem:$0x3FA3]  }
0x28: {  	s2 =	sld [smem:$0x3FA4]  }
0x29: {  	s4 =	sld [smem:$0x3FA6]  }
0x2a: {  	p0 =	seq.s32 s5, $0x0;
	s5 =	sld [smem:$0x3FA7]  }
0x2b: {  	s6 =	sld [smem:$0x3FA8]  }
0x2c: {  	s7 =	sld [smem:$0x3FA9]  }
0x2d: {  	s3 =	simm.s32 $0x108;
	s8 =	sld [smem:$0x3FAA]  }
0x2e: {  	s3 =	simm.s32 @!p0 $0x1082;
	s9 =	sld [smem:$0x3FAB]  }
0x2f: {  	lr =	sadd.s32 s0, s3;
	s0 =	sld [smem:$0x3FA2]  }
0x30: {  	s3 =	sld [smem:$0x3FA5]  }
0x31: {  	[smem:$0x3FAE] =	sst s10  }
0x32: {  	s10 =	sld [smem:$0x3FAC];
	_ =	sdelay $0x3  }
0x33: {  	p0 =	seq.s32 s10, $0x1;
	s10 =	sld [smem:$0x3FAE];
	_ =	sdelay $0x3  }
0x34: {  	[smem:$0x3FAE] =	sst s10  }
0x35: {  	s10 =	sld [smem:$0x3FAD];
	_ =	sdelay $0x3  }
0x36: {  	p1 =	seq.s32 s10, $0x1;
	s10 =	sld [smem:$0x3FAE];
	_ =	sdelay $0x3  }
0x37: {  	[smem:$0x3FAE] =	sst s10  }
0x38: {  	s10 =	sld [smem:$0x3FAF]  }
0x39: {  	_ = 	snop;
	(pc) =	sbr.ind lr, $3  }
0x3a: {  	_ = 	snop  }
0x3b: {  	_ = 	snop  }
0x3c: {  	p2 =	seq.s32 s10, $0x1;
	s10 =	sld [smem:$0x3FAE]  }
0x3d: {  	_ =	shalt  }
0x3e: {  	_ =	shalt  }
0x3f: {  	_ =	shalt  }
0x40: {  	_ =	shalt  }
0x41: {  	_ =	shalt  }
0x42: {  	_ =	shalt  }
0x43: {  	_ =	shalt  }
0x44: {  	_ =	shalt  }
0x45: {  	_ =	shalt  }
0x46: {  	_ =	shalt  }
0x47: {  	_ =	shalt  }
0x48: {  	_ =	shalt  }
0x49: {  	_ =	shalt  }
0x4a: {  	_ =	shalt  }
0x4b: {  	_ =	shalt  }
0x4c: {  	_ =	shalt  }
0x4d: {  	_ =	shalt  }
0x4e: {  	_ =	shalt  }
0x4f: {  	_ =	shalt  }
0x50: {  	_ =	shalt  }
0x51: {  	_ =	shalt  }
0x52: {  	_ =	shalt  }
0x53: {  	_ =	shalt  }
0x54: {  	_ =	shalt  }
0x55: {  	_ =	shalt  }
0x56: {  	_ =	shalt  }
0x57: {  	_ =	shalt  }
0x58: {  	_ =	shalt  }
0x59: {  	_ =	shalt  }
0x5a: {  	_ =	shalt  }
0x5b: {  	_ =	shalt  }
0x5c: {  	_ =	shalt  }
0x5d: {  	_ =	shalt  }
0x5e: {  	_ =	shalt  }
0x5f: {  	_ =	shalt  }
0x60: {  	_ =	shalt  }
0x61: {  	_ =	shalt  }
0x62: {  	_ =	shalt  }
0x63: {  	_ =	shalt  }
0x64: {  	_ =	shalt  }
0x65: {  	_ =	shalt  }
0x66: {  	_ =	shalt  }
0x67: {  	_ =	shalt  }
0x68: {  	_ =	shalt  }
0x69: {  	_ =	shalt  }
0x6a: {  	_ =	shalt  }
0x6b: {  	_ =	shalt  }
0x6c: {  	_ =	shalt  }
0x6d: {  	_ =	shalt  }
0x6e: {  	_ =	shalt  }
0x6f: {  	_ =	shalt  }
0x70: {  	_ =	shalt  }
0x71: {  	_ =	shalt  }
0x72: {  	_ =	shalt  }
0x73: {  	_ =	shalt  }
0x74: {  	_ =	shalt  }
0x75: {  	_ =	shalt  }
0x76: {  	_ =	shalt  }
0x77: {  	_ =	shalt  }
0x78: {  	_ =	shalt  }
0x79: {  	_ =	shalt  }
0x7a: {  	_ =	shalt  }
0x7b: {  	_ =	shalt  }
0x7c: {  	_ =	shalt  }
0x7d: {  	_ =	shalt  }
0x7e: {  	_ =	shalt  }
0x7f: {  	_ =	shalt  }
0x80: {  	_ =	shalt  }
0x81: {  	_ =	shalt  }
0x82: {  	_ =	shalt  }
0x83: {  	_ =	shalt  }
0x84: {  	_ =	shalt  }
0x85: {  	_ =	shalt  }
0x86: {  	_ =	shalt  }
0x87: {  	_ =	shalt  }
.Lfunc_end0:
.L_simem_size_0:
called_computation.3_lowered:
.L_overlay_start_0:
0x88: {  	s2 =	sld [smem:$0x3FD9]  }
0x89: {  	s3 =	sld [smem:$0x3FFE];
	_ =	sdelay $0x1  }
0x8a: {  	s1 =	srdreg.scid  }
0x8b: {  	s0 =	sand.u32 $0x1, s1  }
0x8c: {  	s17 =	sshll.u32 s0, $0xA;
	s2 =	sadd.s32 s3, s2  }
0x8d: {  	s2 =	sadd.s32 s2, s17  }
0x8e: {  	[smem:$0x3FBA] =	sst s2  }
0x8f: {  	_ = 	snop  }
0x90: {  	(tm) =	ssettm $0x1  }
0x91: {  	s18 =	sld [smem:$0x3FFB];
	_ =	sdelay $0x3  }
0x92: {  	_ =	strace s18  }
0x93: {  	s2 =	sld [smem:$0x3FFC];
	_ =	sdelay $0x3  }
0x94: {  	_ =	strace s2  }
0x95: {  	s2 =	sld [smem:$0x3FFD];
	_ =	sdelay $0x3  }
0x96: {  	_ =	strace s2  }
0x97: {  	_ =	strace $0x8FFFFFFF  }
0x98: {  	s19 =	sld [smem:$0x3FDB];
	_ =	sdelay $0x1  }
0x99: {  	s20 =	simm.s32 $_scs_section_size  }
0x9a: {  	s4 =	simm.s32 $_size__tile_overlayer_lowered;
	s5 =	simm.s32 $_tile_overlayer_lowered  }
0x9b: {  	s6 =	simm.s32 $0x1BFF;
	s21 =	sshll.u32 s5, $0x1;
	s3 =	sadd.s32 s20, s19  }
0x9c: {  	s22 =	simm.s32 $0x0;
	s4 =	sshll.u32 s4, $0x1;
	s5 =	sadd.s32 s21, s3  }
0x9d: {  	[timem:s22], [sflag:s6] =	dma.local [hbm:s5], s4  }
0x9e: {  	_ =	swait.ge [sflag:s6], s4  }
0x9f: {  	s4 =	ssub.s32 $0x0, s4;
	[sflag:s6] =	ssyncset.done $0x0  }
0xa0: {  	[sflag:s6] =	ssyncadd.s32 s4;
	_ =	sdelay $0x1  }
0xa1: {  	s23 =	simm.s32 $0x1B8B  }
0xa2: {  	_ =	swait.ge [sflag:s23], $0x1  }
0xa3: {  	[sflag:s23] =	ssyncset.done $0x0  }
0xa4: {  	[sflag:s23] =	ssyncadd.s32 $0xFFFFFFFF  }
0xa5: {  	s4 =	sld [smem:$0x0]  }
0xa6: {  	s5 =	sand.u32 $0xFFFFFFFE, s1  }
0xa7: {  	p0 =	sne.s32 s1, s5  }
0xa8: {  	s5 =	sshll.u32 @p0 s5, $0xE  }
0xa9: {  	s5 =	sadd.s32 @p0 $0x11B8D, s5;
	s6 =	sshll.u32 @p0 s4, $0x11  }
0xaa: {  	s5 =	sor.u32 @p0 s6, s5  }
0xab: {  	[sflag:s5] =	ssyncadd.remote.s32 @p0 $0x1;
	_ =	sdelay $0x1  }
0xac: {  	s5 =	simm.s32 @p0 $0x1B8D  }
0xad: {  	_ =	swait.eq @p0 [sflag:s5], $0x1  }
0xae: {  	[sflag:s5] =	ssyncadd.s32 @p0 $0xFFFFFFFF  }
0xaf: {  	s6 =	sshll.u32 @!p0 s1, $0xE  }
0xb0: {  	s6 =	sor.u32 @!p0 $0x4000, s6;
	s5 =	simm.s32 @!p0 $0x1B8D  }
0xb1: {  	s4 =	sshll.u32 @!p0 s4, $0x11;
	s6 =	sadd.s32 @!p0 $0x11B8D, s6;
	_ =	swait.eq @!p0 [sflag:s5], $0x1  }
0xb2: {  	s4 =	sor.u32 @!p0 s4, s6;
	[sflag:s5] =	ssyncadd.s32 @!p0 $0xFFFFFFFF  }
0xb3: {  	s25 =	simm.s32 $0x1B8E;
	s24 =	sld [smem:$0x3FFE];
	[sflag:s4] =	ssyncadd.remote.s32 @!p0 $0x1  }
0xb4: {  	s26 =	simm.s32 $execute0_lowered;
	[smem:$0x3FD2] =	sst s25  }
0xb5: {  	s5 =	sshll.u32 s26, $0x1;
	_ =	strace $0x80000052;
	[dreg:$0x1] =	wrdreg $0xFFFFFFFF  }
0xb6: {  	s28 =	simm.s32 $_size_execute0_lowered;
	s3 =	sadd.s32 s3, s5;
	[dreg:$0x0] =	wrdreg $0x0  }
0xb7: {  	s5 =	sshll.u32 s28, $0x1;
	[dreg:$0x2] =	wrdreg s3  }
0xb8: {  	[dreg:$0x3] =	wrdreg s5  }
0xb9: {  	[dreg:$0x4] =	wrdreg $0xC0  }
0xba: {  	_ =	task [dreg:s22], $0x5FFFF  }
0xbb: {  	[dreg:$0x1] =	wrdreg $0xFFFFFFFF  }
0xbc: {  	[dreg:$0x0] =	wrdreg $0x60  }
0xbd: {  	[dreg:$0x2] =	wrdreg s24  }
0xbe: {  	[dreg:$0x3] =	wrdreg $0x81000  }
0xbf: {  	[dreg:$0x4] =	wrdreg $0x9  }
0xc0: {  	_ =	task.clear_ibuf [dreg:s22], $0x5FFFF;
	_ =	strace $0x90000052  }
0xc1: {  	s29 =	simm.s32 $0x9;
	_ =	strace $0x80000054  }
0xc2: {  	_ =	swait.ge [sflag:s29], $0x1  }
0xc3: {  	[sflag:s29] =	ssyncadd.s32 $0xFFFFFFFF  }
0xc4: {  	_ =	strace $0x90000054  }
0xc5: {  	_ =	sfence  }
0xc6: {  	s30 =	sld [smem:$0x0];
	_ =	sdelay $0x2  }
0xc7: {  	s31 =	sshll.u32 s1, $0xD;
	s1 =	sshrl.u32 s1, $0x2  }
0xc8: {  	s4 =	sand.u32 $0x4000, s31;
	s1 =	sadd.s32 s1, s30  }
0xc9: {  	s0 =	sor.u32 s4, s0;
	s1 =	sshll.u32 s1, $0x11  }
0xca: {  	s0 =	sor.u32 s1, s0  }
0xcb: {  	s0 =	sadd.s32 $0x8F2B, s0  }
0xcc: {  	[sflag:s0] =	ssyncadd.remote.s32 $0x1  }
0xcd: {  	_ =	sfence.sel $0xFFFF  }
0xce: {  	[dreg:$0x0] =	wrdreg $0xFFFFFFFF;
	(pc) =	sbr.abs _section_cstart, $3  }
0xcf: {  	[dreg:$0x1] =	wrdreg $0xFFFFFFFF  }
0xd0: {  	_ =	task.clear_ibuf [dreg:s22], $0x2FFFF;
	_ =	strace $0x9FFFFFFF  }
0xd1: {  	(tm) =	ssettm $0x7FFFFFFF  }
tec
execute0_lowered:
.L_overlay_start_1:
0x0: {  	(tag) =	ssettag $0x1  }
0x1: {  	s3 =	rddreg [dreg:$0x0]  }
0x2: {  	s1 =	rddreg [dreg:$0x1]  }
0x3: {  	s0 =	rddreg [dreg:$0x2];
	s8 =	stileid.u32  }
0x4: {  	s4 =	srdreg.scid;
	s2 =	simm.s32 $0x0;
	s14 =	simm.s32 $0x1  }
0x5: {  	s15 =	simm.s32 $0x2;
	s16 =	simm.s32 $0x0;
	s5 =	smul.u32 $0x28000, s8  }
0x6: {  	s4 =	sand.u32 $0x1, s4;
	[smem:$0x7FF] =	sst s2;
	s11 =	smul.u32 $0x2800, s8  }
0x7: {  	s9 =	sadd.s32 $0x66400, s3;
	p0 =	sne.s32 s8, $0x0;
	s6 =	smul.u32 $0x28000, s4  }
0x8: {  	_ =	strace $0x80000053;
	s7 =	smul.u32 $0x14000, s4;
	s26 =	ssub.s32 $0x2, s4  }
0x9: {  	s13 =	smul.u32 $0x1400, s4;
	s10 =	sadd.s32 s5, s3;
	s12 =	sshrl.u32 s26, $0x1  }
0xa: {  	s6 =	sadd.s32 s6, s3;
	s3 =	sadd.s32 $0x2F1C00, s3;
	s5 =	ssub.s32 s26, s12  }
0xb: {  	s28 =	sadd.s32 s7, s10;
	s29 =	sadd.s32 s13, s11;
	s10 =	simm.s32 $0x3  }
0xc: {  	s12 =	simm.s32 $0x100;
	s13 =	simm.s32 $0x4100;
	s4 =	sadd.s32 $0x369C00, s6  }
0xd: {  	s5 =	smax.u32 s5, $0x1;
	s30 =	sshrl.u32 s29, $0x3;
	s11 =	sor.u32 $0x80, s29  }
0xe: {  	s6 =	sadd.s32 $0xA71C00, s28;
	s7 =	sadd.s32 s30, s9;
	s31 =	sshrl.u32 s11, $0x3  }
0xf: {  	s11 =	simm.s32 $0x80;
	s8 =	sadd.s32 s31, s9;
	s9 =	sshrl.u32 @!p0 s1, $0x3  }
.LBB2_1:
0x10: {  	s17 =	simm.s32 @!p0 $0x1C03  }
0x11: {  	[spmem:s9], [sflag:s17] =	dma.local @!p0 [hbm:s3], $0x28000  }
0x12: {  	s17 =	simm.s32 @!p0 $0x3  }
0x13: {  	_ =	swait.ge @!p0 [sflag:s17], $0x28000  }
0x14: {  	[sflag:s17] =	ssyncset.done @!p0 $0x0  }
0x15: {  	[sflag:s17] =	ssyncadd.s32 @!p0 $0xFFFD8000  }
0x16: {  	s29 =	sadd.s32 $0x0, s7;
	[bflag:$0x0] =	sbarrier.arrive $0xFFFF  }
0x17: {  	[tilespmem:s2], [sflag:$0x3] =	stream.linear.gather [hbm4b:s29+s2], $0x80, $0x38;
	[tilespmem:$0x1C100] =	vst v63  }
0x18: {  	_ =	swait.ge [sflag:s10], $0x80  }
0x19: {  	[sflag:s10] =	ssyncset.done $0x0  }
0x1a: {  	s30 =	sadd.s32 $0x0, s8;
	[sflag:s10] =	ssyncadd.s32 $0xFFFFFF80  }
0x1b: {  	[tilespmem:s11], [sflag:$0x3] =	stream.linear.gather [hbm4b:s30+s2], $0x80, $0x38;
	[tilespmem:$0x1C100] =	vst v63  }
0x1c: {  	_ =	swait.ge [sflag:s10], $0x80  }
0x1d: {  	[sflag:s10] =	ssyncset.done $0x0  }
0x1e: {  	[sflag:s10] =	ssyncadd.s32 $0xFFFFFF80  }
0x1f: {  	[tilespmem:s12], [sflag:$0x1] =	stream.linear.gather [hbm4b:s6+s2], $0x4000, $0x38;
	[tilespmem:$0x1C100] =	vst v63  }
0x20: {  	s31 =	sadd.s32 $0x800, s6  }
0x21: {  	[tilespmem:s13], [sflag:$0x1] =	stream.linear.gather [hbm4b:s31+s2], $0x4000, $0x38;
	[tilespmem:$0x1C100] =	vst v63  }
0x22: {  	_ =	swait.ge [sflag:s14], $0x4000  }
0x23: {  	[sflag:s14] =	ssyncset.done $0x0  }
0x24: {  	[sflag:s14] =	ssyncadd.s32 $0xFFFFC000  }
0x25: {  	[spmem:s1] =	stream.indirect.scatter.add.f32 [tilespmem:s12], [sflag:$0x2], $0x80, s2, s11, $0xb8;
	[tilespmem:$0x1C100] =	vst v63  }
0x26: {  	_ =	swait.ge [sflag:s14], $0x4000  }
0x27: {  	[sflag:s14] =	ssyncset.done $0x0  }
0x28: {  	[sflag:s14] =	ssyncadd.s32 $0xFFFFC000  }
0x29: {  	[spmem:s1] =	stream.indirect.scatter.add.f32 [tilespmem:s13], [sflag:$0x2], $0x80, s11, s11, $0xb8;
	[tilespmem:$0x1C100] =	vst v63  }
0x2a: {  	_ =	swait.ge [sflag:s15], $0x4000  }
0x2b: {  	[sflag:s15] =	ssyncset.done $0x0  }
0x2c: {  	[sflag:s15] =	ssyncadd.s32 $0xFFFFC000  }
0x2d: {  	s18 =	simm.s32 $0x20;
	_ =	swait.ge [sflag:s15], $0x4000  }
0x2e: {  	s19 =	simm.s32 $0x40;
	s17 =	sadd.s32 $0x1000, s6;
	[sflag:s15] =	ssyncset.done $0x0  }
.LBB2_2:
0x2f: {  	s20 =	sadd.s32 s18, s7  }
0x30: {  	[sflag:s15] =	ssyncadd.s32 $0xFFFFC000;
	s21 =	smov.u32 s19;
	s22 =	sadd.s32 $0x20, s19  }
0x31: {  	[tilespmem:s2], [sflag:$0x3] =	stream.linear.gather [hbm4b:s20+s2], $0x80, $0x38;
	[tilespmem:$0x1C100] =	vst v63  }
0x32: {  	p1 =	sne.s32 s19, $0x260;
	_ =	swait.ge [sflag:s10], $0x80  }
0x33: {  	[sflag:s10] =	ssyncset.done $0x0  }
0x34: {  	s19 =	sadd.s32 s18, s8;
	s18 =	smov.u32 s21;
	[sflag:s10] =	ssyncadd.s32 $0xFFFFFF80  }
0x35: {  	[tilespmem:s11], [sflag:$0x3] =	stream.linear.gather [hbm4b:s19+s2], $0x80, $0x38;
	[tilespmem:$0x1C100] =	vst v63  }
0x36: {  	_ =	swait.ge [sflag:s10], $0x80  }
0x37: {  	[sflag:s10] =	ssyncset.done $0x0  }
0x38: {  	[sflag:s10] =	ssyncadd.s32 $0xFFFFFF80  }
0x39: {  	[tilespmem:s12], [sflag:$0x1] =	stream.linear.gather [hbm4b:s17+s2], $0x4000, $0x38;
	[tilespmem:$0x1C100] =	vst v63  }
0x3a: {  	s19 =	sadd.s32 $0x800, s17  }
0x3b: {  	[tilespmem:s13], [sflag:$0x1] =	stream.linear.gather [hbm4b:s19+s2], $0x4000, $0x38;
	[tilespmem:$0x1C100] =	vst v63  }
0x3c: {  	_ =	swait.ge [sflag:s14], $0x4000  }
0x3d: {  	[sflag:s14] =	ssyncset.done $0x0  }
0x3e: {  	[sflag:s14] =	ssyncadd.s32 $0xFFFFC000  }
0x3f: {  	[spmem:s1] =	stream.indirect.scatter.add.f32 [tilespmem:s12], [sflag:$0x2], $0x80, s2, s11, $0xb8;
	[tilespmem:$0x1C100] =	vst v63  }
0x40: {  	_ =	swait.ge [sflag:s14], $0x4000  }
0x41: {  	[sflag:s14] =	ssyncset.done $0x0  }
0x42: {  	[sflag:s14] =	ssyncadd.s32 $0xFFFFC000  }
0x43: {  	[spmem:s1] =	stream.indirect.scatter.add.f32 [tilespmem:s13], [sflag:$0x2], $0x80, s11, s11, $0xb8;
	[tilespmem:$0x1C100] =	vst v63  }
.Ltmp0:
0x44: {  	_ =	swait.ge [sflag:s15], $0x4000;
	(pc) =	sbr.rel @p1 .LBB2_2-.Ltmp0, $4  }
0x45: {  	[sflag:s15] =	ssyncset.done $0x0  }
0x46: {  	[sflag:s15] =	ssyncadd.s32 $0xFFFFC000  }
0x47: {  	_ =	swait.ge [sflag:s15], $0x4000  }
0x48: {  	s17 =	sadd.s32 $0x1000, s17;
	s19 =	smov.u32 s22;
	[sflag:s15] =	ssyncset.done $0x0  }
0x49: {  	s19 =	sadd.s32 s18, s7;
	[sflag:s15] =	ssyncadd.s32 $0xFFFFC000  }
0x4a: {  	[tilespmem:s2], [sflag:$0x3] =	stream.linear.gather [hbm4b:s19+s2], $0x80, $0x38;
	[tilespmem:$0x1C100] =	vst v63  }
0x4b: {  	_ =	swait.ge [sflag:s10], $0x80  }
0x4c: {  	[sflag:s10] =	ssyncset.done $0x0  }
0x4d: {  	s30 =	sadd.s32 s18, s8;
	[sflag:s10] =	ssyncadd.s32 $0xFFFFFF80  }
0x4e: {  	[tilespmem:s11], [sflag:$0x3] =	stream.linear.gather [hbm4b:s30+s2], $0x80, $0x38;
	[tilespmem:$0x1C100] =	vst v63  }
0x4f: {  	_ =	swait.ge [sflag:s10], $0x80  }
0x50: {  	[sflag:s10] =	ssyncset.done $0x0  }
0x51: {  	[sflag:s10] =	ssyncadd.s32 $0xFFFFFF80  }
0x52: {  	[tilespmem:s12], [sflag:$0x1] =	stream.linear.gather [hbm4b:s17+s2], $0x4000, $0x38;
	[tilespmem:$0x1C100] =	vst v63  }
0x53: {  	s31 =	sadd.s32 $0x800, s17  }
0x54: {  	[tilespmem:s13], [sflag:$0x1] =	stream.linear.gather [hbm4b:s31+s2], $0x4000, $0x38;
	[tilespmem:$0x1C100] =	vst v63  }
0x55: {  	_ =	swait.ge [sflag:s14], $0x4000  }
0x56: {  	[sflag:s14] =	ssyncset.done $0x0  }
0x57: {  	[sflag:s14] =	ssyncadd.s32 $0xFFFFC000  }
0x58: {  	[spmem:s1] =	stream.indirect.scatter.add.f32 [tilespmem:s12], [sflag:$0x2], $0x80, s2, s11, $0xb8;
	[tilespmem:$0x1C100] =	vst v63  }
0x59: {  	_ =	swait.ge [sflag:s14], $0x4000  }
0x5a: {  	[sflag:s14] =	ssyncset.done $0x0  }
0x5b: {  	[sflag:s14] =	ssyncadd.s32 $0xFFFFC000  }
0x5c: {  	[spmem:s1] =	stream.indirect.scatter.add.f32 [tilespmem:s13], [sflag:$0x2], $0x80, s11, s11, $0xb8;
	[tilespmem:$0x1C100] =	vst v63  }
0x5d: {  	_ =	swait.ge [sflag:s15], $0x4000  }
0x5e: {  	[sflag:s15] =	ssyncset.done $0x0  }
0x5f: {  	[sflag:s15] =	ssyncadd.s32 $0xFFFFC000  }
0x60: {  	_ =	swait.ge [sflag:s15], $0x4000  }
0x61: {  	[sflag:s15] =	ssyncset.done $0x0  }
0x62: {  	s16 =	sadd.s32 $0x1, s16;
	[sflag:s15] =	ssyncadd.s32 $0xFFFFC000  }
0x63: {  	p1 =	sne.s32 s16, s5;
	s17 =	simm.s32 @!p0 $0x1C03;
	[bflag:$0x0] =	sbarrier.arrive $0xFFFF  }
0x64: {  	[hbm:s4], [sflag:s17] =	dma.local @!p0 [spmem:s9], $0x28000  }
.Ltmp1:
0x65: {  	_ = 	snop;
	(pc) =	sbr.rel @p1 .LBB2_1-.Ltmp1, $4  }
0x66: {  	s17 =	simm.s32 @!p0 $0x3  }
0x67: {  	_ =	swait.ge @!p0 [sflag:s17], $0x28000  }
0x68: {  	[sflag:s17] =	ssyncset.done @!p0 $0x0  }
0x69: {  	[sflag:s17] =	ssyncadd.s32 @!p0 $0xFFFD8000  }
0x6a: {  	_ =	sfence.sel $0x180000  }
0x6b: {  	[bflag:$0x0] =	sbarrier.arrive $0xFFFF  }
0x6c: {  	_ =	strace $0x90000053  }
0x6d: {  	s0 =	sadd.s32 @!p0 $0x100000, s0;
	[bflag:$0x2] =	sbarrier.arrive $0xFFFF  }
0x6e: {  	[sflag:s0] =	ssyncadd.tile.s32 @!p0 $0x1;
	_ =	shalt  }
.Lfunc_end2:
_tile_overlayer_lowered:
.L_overlay_start_2:
0x6f: {  	(tag) =	ssettag $0x2  }
0x70: {  	s0 =	rddreg [dreg:$0x0];
	s2 =	stileid.u32  }
0x71: {  	s1 =	rddreg [dreg:$0x1];
	p0 =	sne.s32 s2, $0x0  }
0x72: {  	s3 =	rddreg [dreg:$0x2];
	[bflag:$0x3] =	sbarrier.arrive $0xFFFF;
	s2 =	simm.s32 @!p0 $0x1C03  }
0x73: {  	[timem:s3], [sflag:s2] =	dma.local @!p0 [hbm:s0], s1  }
0x74: {  	s0 =	simm.s32 @!p0 $0x3  }
0x75: {  	_ =	swait.ge @!p0 [sflag:s0], s1  }
0x76: {  	s1 =	ssub.s32 @!p0 $0x0, s1;
	[sflag:s0] =	ssyncset.done @!p0 $0x0  }
0x77: {  	[sflag:s0] =	ssyncadd.s32 @!p0 s1  }
0x78: {  	[bflag:$0x3] =	sbarrier.arrive $0xFFFF  }
0x79: {  	_ =	shalt  }

// kernel: kernel.24.cloned.1.call-start
scs
__scs_entry_jumppad:
0x0: {  	(pc) =	sbr.rel $0x88, $3  }
0x1: {  	(tag) =	ssettag $0x0;
	lr =	simm.s32 $0x1  }
0x2: {  	[smem:$0x3F93] =	sst lr;
	_ =	strace $0xD0000000  }
0x3: {  	_ = 	snop  }
0x4: {  	_ = 	snop  }
0x5: {  	_ = 	snop  }
0x6: {  	_ = 	snop  }
0x7: {  	_ = 	snop  }
__scs_overlays_trampoline_lowered:
0x8: {  	[smem:$0x3FA2] =	sst s0  }
0x9: {  	[smem:$0x3FA3] =	sst s1  }
0xa: {  	[smem:$0x3FA4] =	sst s2  }
0xb: {  	[smem:$0x3FA5] =	sst s3  }
0xc: {  	[smem:$0x3FA6] =	sst s4  }
0xd: {  	[smem:$0x3FA7] =	sst s5  }
0xe: {  	[smem:$0x3FA8] =	sst s6  }
0xf: {  	[smem:$0x3FA9] =	sst s7  }
0x10: {  	[smem:$0x3FAA] =	sst s8  }
0x11: {  	[smem:$0x3FAB] =	sst s9;
	s0 =	simm.s32 @!p0 $0x0  }
0x12: {  	s1 =	sld [smem:$0x3F91];
	s0 =	simm.s32 @p0 $0x1  }
0x13: {  	[smem:$0x3FAC] =	sst s0;
	s0 =	simm.s32 @!p1 $0x0  }
0x14: {  	s2 =	sld [smem:$0x3F90];
	s0 =	simm.s32 @p1 $0x1  }
0x15: {  	[smem:$0x3FAD] =	sst s0;
	s0 =	simm.s32 @!p2 $0x0  }
0x16: {  	s3 =	sld [smem:$0x3FDB];
	s0 =	simm.s32 @p2 $0x1  }
0x17: {  	s4 =	simm.s32 $0x1BF5;
	[smem:$0x3FAF] =	sst s0  }
0x18: {  	s0 =	sld [smem:$0x3F92];
	_ =	swait.ge [sflag:s4], $0x0  }
0x19: {  	s7 =	sld [smem:$0x3F93]  }
0x1a: {  	s8 =	sadd.s32 $0xFFFFE003, lr  }
0x1b: {  	s9 =	sadd.s32 $0xFFFFFEF7, lr;
	s5 =	simm.s32 $0xFFFFFFFF;
	p2 =	slt.u32 s8, $0xFFFFF086  }
0x1c: {  	p1 =	slt.u32 s9, $0xF7A;
	s5 =	simm.s32 @!p2 $0x0  }
0x1d: {  	s5 =	simm.s32 @p1 $0x1;
	p0 =	seq.s32 s7, s2  }
0x1e: {  	s7 =	smul.u32 @!p0 $0xF7A, s2;
	p2 =	seq.s32 @!p0 s5, $0x0  }
0x1f: {  	s9 =	smul.u32 $0xF7A, s1;
	s8 =	simm.s32 @!p0 $0x1BF5;
	p2 =	por !p2, p0  }
0x20: {  	[sflag:s8] =	ssyncset.s32 @!p0 $0xFFFFF086;
	s6 =	sadd.s32 @!p0 s3, s7;
	s7 =	simm.s32 @!p0 $0x108  }
0x21: {  	s3 =	sadd.s32 s3, s9;
	s6 =	sadd.s32 @!p0 $0x88, s6;
	s7 =	simm.s32 @p2 $0x1082  }
0x22: {  	[simem:s7], [sflag:s8] =	dma.local @!p0 [hbm:s6], $0xF7A  }
0x23: {  	s9 =	sor.u32 $0xD0000000, s2;
	s6 =	simm.s32 $0x108;
	_ =	swait.ge @!p0 [sflag:s8], $0x0  }
0x24: {  	s3 =	sadd.s32 $0x88, s3;
	s6 =	simm.s32 @!p1 $0x1082;
	[sflag:s4] =	ssyncset.s32 $0xFFFFF086  }
0x25: {  	[simem:s6], [sflag:s4] =	dma.local [hbm:s3], $0xF7A  }
0x26: {  	[smem:$0x3F93] =	sst s1;
	(tag) =	ssettag s2;
	_ =	strace s9  }
0x27: {  	s1 =	sld [smem:$0x3FA3]  }
0x28: {  	s2 =	sld [smem:$0x3FA4]  }
0x29: {  	s4 =	sld [smem:$0x3FA6]  }
0x2a: {  	p0 =	seq.s32 s5, $0x0;
	s5 =	sld [smem:$0x3FA7]  }
0x2b: {  	s6 =	sld [smem:$0x3FA8]  }
0x2c: {  	s7 =	sld [smem:$0x3FA9]  }
0x2d: {  	s3 =	simm.s32 $0x108;
	s8 =	sld [smem:$0x3FAA]  }
0x2e: {  	s3 =	simm.s32 @!p0 $0x1082;
	s9 =	sld [smem:$0x3FAB]  }
0x2f: {  	lr =	sadd.s32 s0, s3;
	s0 =	sld [smem:$0x3FA2]  }
0x30: {  	s3 =	sld [smem:$0x3FA5]  }
0x31: {  	[smem:$0x3FAE] =	sst s10  }
0x32: {  	s10 =	sld [smem:$0x3FAC];
	_ =	sdelay $0x3  }
0x33: {  	p0 =	seq.s32 s10, $0x1;
	s10 =	sld [smem:$0x3FAE];
	_ =	sdelay $0x3  }
0x34: {  	[smem:$0x3FAE] =	sst s10  }
0x35: {  	s10 =	sld [smem:$0x3FAD];
	_ =	sdelay $0x3  }
0x36: {  	p1 =	seq.s32 s10, $0x1;
	s10 =	sld [smem:$0x3FAE];
	_ =	sdelay $0x3  }
0x37: {  	[smem:$0x3FAE] =	sst s10  }
0x38: {  	s10 =	sld [smem:$0x3FAF]  }
0x39: {  	_ = 	snop;
	(pc) =	sbr.ind lr, $3  }
0x3a: {  	_ = 	snop  }
0x3b: {  	_ = 	snop  }
0x3c: {  	p2 =	seq.s32 s10, $0x1;
	s10 =	sld [smem:$0x3FAE]  }
0x3d: {  	_ =	shalt  }
0x3e: {  	_ =	shalt  }
0x3f: {  	_ =	shalt  }
0x40: {  	_ =	shalt  }
0x41: {  	_ =	shalt  }
0x42: {  	_ =	shalt  }
0x43: {  	_ =	shalt  }
0x44: {  	_ =	shalt  }
0x45: {  	_ =	shalt  }
0x46: {  	_ =	shalt  }
0x47: {  	_ =	shalt  }
0x48: {  	_ =	shalt  }
0x49: {  	_ =	shalt  }
0x4a: {  	_ =	shalt  }
0x4b: {  	_ =	shalt  }
0x4c: {  	_ =	shalt  }
0x4d: {  	_ =	shalt  }
0x4e: {  	_ =	shalt  }
0x4f: {  	_ =	shalt  }
0x50: {  	_ =	shalt  }
0x51: {  	_ =	shalt  }
0x52: {  	_ =	shalt  }
0x53: {  	_ =	shalt  }
0x54: {  	_ =	shalt  }
0x55: {  	_ =	shalt  }
0x56: {  	_ =	shalt  }
0x57: {  	_ =	shalt  }
0x58: {  	_ =	shalt  }
0x59: {  	_ =	shalt  }
0x5a: {  	_ =	shalt  }
0x5b: {  	_ =	shalt  }
0x5c: {  	_ =	shalt  }
0x5d: {  	_ =	shalt  }
0x5e: {  	_ =	shalt  }
0x5f: {  	_ =	shalt  }
0x60: {  	_ =	shalt  }
0x61: {  	_ =	shalt  }
0x62: {  	_ =	shalt  }
0x63: {  	_ =	shalt  }
0x64: {  	_ =	shalt  }
0x65: {  	_ =	shalt  }
0x66: {  	_ =	shalt  }
0x67: {  	_ =	shalt  }
0x68: {  	_ =	shalt  }
0x69: {  	_ =	shalt  }
0x6a: {  	_ =	shalt  }
0x6b: {  	_ =	shalt  }
0x6c: {  	_ =	shalt  }
0x6d: {  	_ =	shalt  }
0x6e: {  	_ =	shalt  }
0x6f: {  	_ =	shalt  }
0x70: {  	_ =	shalt  }
0x71: {  	_ =	shalt  }
0x72: {  	_ =	shalt  }
0x73: {  	_ =	shalt  }
0x74: {  	_ =	shalt  }
0x75: {  	_ =	shalt  }
0x76: {  	_ =	shalt  }
0x77: {  	_ =	shalt  }
0x78: {  	_ =	shalt  }
0x79: {  	_ =	shalt  }
0x7a: {  	_ =	shalt  }
0x7b: {  	_ =	shalt  }
0x7c: {  	_ =	shalt  }
0x7d: {  	_ =	shalt  }
0x7e: {  	_ =	shalt  }
0x7f: {  	_ =	shalt  }
0x80: {  	_ =	shalt  }
0x81: {  	_ =	shalt  }
0x82: {  	_ =	shalt  }
0x83: {  	_ =	shalt  }
0x84: {  	_ =	shalt  }
0x85: {  	_ =	shalt  }
0x86: {  	_ =	shalt  }
0x87: {  	_ =	shalt  }
.Lfunc_end0:
.L_simem_size_0:
called_computation.4_lowered:
.L_overlay_start_0:
0x88: {  	s2 =	sld [smem:$0x3FD9]  }
0x89: {  	s3 =	sld [smem:$0x3FFE];
	_ =	sdelay $0x1  }
0x8a: {  	s1 =	srdreg.scid  }
0x8b: {  	s0 =	sand.u32 $0x1, s1  }
0x8c: {  	s16 =	sshll.u32 s0, $0xA;
	s2 =	sadd.s32 s3, s2  }
0x8d: {  	s2 =	sadd.s32 s2, s16  }
0x8e: {  	[smem:$0x3FBA] =	sst s2  }
0x8f: {  	_ = 	snop  }
0x90: {  	(tm) =	ssettm $0x1  }
0x91: {  	s17 =	sld [smem:$0x3FFB];
	_ =	sdelay $0x3  }
0x92: {  	_ =	strace s17  }
0x93: {  	s2 =	sld [smem:$0x3FFC];
	_ =	sdelay $0x3  }
0x94: {  	_ =	strace s2  }
0x95: {  	s2 =	sld [smem:$0x3FFD];
	_ =	sdelay $0x3  }
0x96: {  	_ =	strace s2  }
0x97: {  	_ =	strace $0x8FFFFFFF  }
0x98: {  	s18 =	sld [smem:$0x3FDB];
	_ =	sdelay $0x1  }
0x99: {  	s19 =	simm.s32 $_scs_section_size  }
0x9a: {  	s4 =	simm.s32 $_size__tile_overlayer_lowered;
	s5 =	simm.s32 $_tile_overlayer_lowered  }
0x9b: {  	s22 =	simm.s32 $0x1BFF;
	s21 =	sshll.u32 s5, $0x1;
	s2 =	sadd.s32 s19, s18  }
0x9c: {  	s6 =	simm.s32 $0x0;
	s20 =	sshll.u32 s4, $0x1;
	s4 =	sadd.s32 s21, s2  }
0x9d: {  	[timem:s6], [sflag:s22] =	dma.local [hbm:s4], s20  }
0x9e: {  	_ =	swait.ge [sflag:s22], s20  }
0x9f: {  	s3 =	ssub.s32 $0x0, s20;
	[sflag:s22] =	ssyncset.done $0x0  }
0xa0: {  	[sflag:s22] =	ssyncadd.s32 s3;
	_ =	sdelay $0x1  }
0xa1: {  	s23 =	simm.s32 $0x1B8B  }
0xa2: {  	_ =	swait.ge [sflag:s23], $0x1  }
0xa3: {  	[sflag:s23] =	ssyncset.done $0x0  }
0xa4: {  	s25 =	simm.s32 $0x1B8E;
	s24 =	sld [smem:$0x3FFE];
	[sflag:s23] =	ssyncadd.s32 $0xFFFFFFFF  }
0xa5: {  	s26 =	simm.s32 $execute0_lowered;
	[smem:$0x3FD2] =	sst s25  }
0xa6: {  	s4 =	sshll.u32 s26, $0x1;
	_ =	strace $0x8000004F;
	[dreg:$0x1] =	wrdreg $0xFFFFFFFF  }
0xa7: {  	s28 =	simm.s32 $_size_execute0_lowered;
	s2 =	sadd.s32 s2, s4;
	[dreg:$0x0] =	wrdreg $0x0  }
0xa8: {  	s4 =	sshll.u32 s28, $0x1;
	[dreg:$0x2] =	wrdreg s2  }
0xa9: {  	[dreg:$0x3] =	wrdreg s4  }
0xaa: {  	[dreg:$0x4] =	wrdreg $0xC0  }
0xab: {  	_ =	task [dreg:s6], $0x5FFFF  }
0xac: {  	[dreg:$0x1] =	wrdreg $0xFFFFFFFF  }
0xad: {  	[dreg:$0x0] =	wrdreg $0x60  }
0xae: {  	[dreg:$0x2] =	wrdreg s24  }
0xaf: {  	[dreg:$0x3] =	wrdreg $0x81000  }
0xb0: {  	[dreg:$0x4] =	wrdreg $0xA  }
0xb1: {  	_ =	task.clear_ibuf [dreg:s6], $0x5FFFF;
	_ =	strace $0x9000004F  }
0xb2: {  	s29 =	simm.s32 $0xA;
	_ =	strace $0x80000051  }
0xb3: {  	_ =	swait.ge [sflag:s29], $0x1  }
0xb4: {  	[sflag:s29] =	ssyncadd.s32 $0xFFFFFFFF  }
0xb5: {  	_ =	strace $0x90000051  }
0xb6: {  	_ =	sfence  }
0xb7: {  	s30 =	sld [smem:$0x0];
	_ =	sdelay $0x2  }
0xb8: {  	s31 =	sshll.u32 s1, $0xD;
	s1 =	sshrl.u32 s1, $0x2  }
0xb9: {  	s3 =	sand.u32 $0x4000, s31;
	s1 =	sadd.s32 s1, s30  }
0xba: {  	s0 =	sor.u32 s3, s0;
	s1 =	sshll.u32 s1, $0x11  }
0xbb: {  	s0 =	sor.u32 s1, s0  }
0xbc: {  	s0 =	sadd.s32 $0x8F2B, s0  }
0xbd: {  	[sflag:s0] =	ssyncadd.remote.s32 $0x1  }
0xbe: {  	_ =	sfence.sel $0xFFFF  }
0xbf: {  	[dreg:$0x0] =	wrdreg $0xFFFFFFFF;
	(pc) =	sbr.abs _section_cstart, $3  }
0xc0: {  	[dreg:$0x1] =	wrdreg $0xFFFFFFFF  }
0xc1: {  	_ =	task.clear_ibuf [dreg:s6], $0x2FFFF;
	_ =	strace $0x9FFFFFFF  }
0xc2: {  	(tm) =	ssettm $0x7FFFFFFF  }
0xc3: {  	_ =	shalt  }
tec
execute0_lowered:
.L_overlay_start_1:
0x0: {  	(tag) =	ssettag $0x1  }
0x1: {  	s3 =	rddreg [dreg:$0x0]  }
0x2: {  	s1 =	rddreg [dreg:$0x1]  }
0x3: {  	s0 =	rddreg [dreg:$0x2];
	s8 =	stileid.u32  }
0x4: {  	s4 =	srdreg.scid;
	s2 =	simm.s32 $0x0;
	s14 =	simm.s32 $0x1  }
0x5: {  	s15 =	simm.s32 $0x2;
	s16 =	simm.s32 $0x0;
	s5 =	smul.u32 $0x28000, s8  }
0x6: {  	s4 =	sand.u32 $0x1, s4;
	[smem:$0x7FF] =	sst s2;
	s11 =	smul.u32 $0x2800, s8  }
0x7: {  	s9 =	sadd.s32 $0x66400, s3;
	p0 =	sne.s32 s8, $0x0;
	s6 =	smul.u32 $0x28000, s4  }
0x8: {  	_ =	strace $0x80000050;
	s7 =	smul.u32 $0x14000, s4;
	s26 =	ssub.s32 $0x2, s4  }
0x9: {  	s13 =	smul.u32 $0x1400, s4;
	s10 =	sadd.s32 s5, s3;
	s12 =	sshrl.u32 s26, $0x1  }
0xa: {  	s6 =	sadd.s32 s6, s3;
	s3 =	sadd.s32 $0x2F1C00, s3;
	s5 =	ssub.s32 s26, s12  }
0xb: {  	s28 =	sadd.s32 s7, s10;
	s29 =	sadd.s32 s13, s11;
	s10 =	simm.s32 $0x3  }
0xc: {  	s12 =	simm.s32 $0x100;
	s13 =	simm.s32 $0x4100;
	s4 =	sadd.s32 $0x319C00, s6  }
0xd: {  	s5 =	smax.u32 s5, $0x1;
	s30 =	sshrl.u32 s29, $0x3;
	s11 =	sor.u32 $0x80, s29  }
0xe: {  	s6 =	sadd.s32 $0x71C00, s28;
	s7 =	sadd.s32 s30, s9;
	s31 =	sshrl.u32 s11, $0x3  }
0xf: {  	s11 =	simm.s32 $0x80;
	s8 =	sadd.s32 s31, s9;
	s9 =	sshrl.u32 @!p0 s1, $0x3  }
.LBB2_1:
0x10: {  	s17 =	simm.s32 @!p0 $0x1C03  }
0x11: {  	[spmem:s9], [sflag:s17] =	dma.local @!p0 [hbm:s3], $0x28000  }
0x12: {  	s17 =	simm.s32 @!p0 $0x3  }
0x13: {  	_ =	swait.ge @!p0 [sflag:s17], $0x28000  }
0x14: {  	[sflag:s17] =	ssyncset.done @!p0 $0x0  }
0x15: {  	[sflag:s17] =	ssyncadd.s32 @!p0 $0xFFFD8000  }
0x16: {  	s29 =	sadd.s32 $0x0, s7;
	[bflag:$0x0] =	sbarrier.arrive $0xFFFF  }
0x17: {  	[tilespmem:s2], [sflag:$0x3] =	stream.linear.gather [hbm4b:s29+s2], $0x80, $0x38;
	[tilespmem:$0x1C100] =	vst v63  }
0x18: {  	_ =	swait.ge [sflag:s10], $0x80  }
0x19: {  	[sflag:s10] =	ssyncset.done $0x0  }
0x1a: {  	s30 =	sadd.s32 $0x0, s8;
	[sflag:s10] =	ssyncadd.s32 $0xFFFFFF80  }
0x1b: {  	[tilespmem:s11], [sflag:$0x3] =	stream.linear.gather [hbm4b:s30+s2], $0x80, $0x38;
	[tilespmem:$0x1C100] =	vst v63  }
0x1c: {  	_ =	swait.ge [sflag:s10], $0x80  }
0x1d: {  	[sflag:s10] =	ssyncset.done $0x0  }
0x1e: {  	[sflag:s10] =	ssyncadd.s32 $0xFFFFFF80  }
0x1f: {  	[tilespmem:s12], [sflag:$0x1] =	stream.linear.gather [hbm4b:s6+s2], $0x4000, $0x38;
	[tilespmem:$0x1C100] =	vst v63  }
0x20: {  	s31 =	sadd.s32 $0x800, s6  }
0x21: {  	[tilespmem:s13], [sflag:$0x1] =	stream.linear.gather [hbm4b:s31+s2], $0x4000, $0x38;
	[tilespmem:$0x1C100] =	vst v63  }
0x22: {  	_ =	swait.ge [sflag:s14], $0x4000  }
0x23: {  	[sflag:s14] =	ssyncset.done $0x0  }
0x24: {  	[sflag:s14] =	ssyncadd.s32 $0xFFFFC000  }
0x25: {  	[spmem:s1] =	stream.indirect.scatter.add.f32 [tilespmem:s12], [sflag:$0x2], $0x80, s2, s11, $0xb8;
	[tilespmem:$0x1C100] =	vst v63  }
0x26: {  	_ =	swait.ge [sflag:s14], $0x4000  }
0x27: {  	[sflag:s14] =	ssyncset.done $0x0  }
0x28: {  	[sflag:s14] =	ssyncadd.s32 $0xFFFFC000  }
0x29: {  	[spmem:s1] =	stream.indirect.scatter.add.f32 [tilespmem:s13], [sflag:$0x2], $0x80, s11, s11, $0xb8;
	[tilespmem:$0x1C100] =	vst v63  }
0x2a: {  	_ =	swait.ge [sflag:s15], $0x4000  }
0x2b: {  	[sflag:s15] =	ssyncset.done $0x0  }
0x2c: {  	[sflag:s15] =	ssyncadd.s32 $0xFFFFC000  }
0x2d: {  	s18 =	simm.s32 $0x20;
	_ =	swait.ge [sflag:s15], $0x4000  }
0x2e: {  	s19 =	simm.s32 $0x40;
	s17 =	sadd.s32 $0x1000, s6;
	[sflag:s15] =	ssyncset.done $0x0  }
.LBB2_2:
0x2f: {  	s20 =	sadd.s32 s18, s7  }
0x30: {  	[sflag:s15] =	ssyncadd.s32 $0xFFFFC000;
	s21 =	smov.u32 s19;
	s22 =	sadd.s32 $0x20, s19  }
0x31: {  	[tilespmem:s2], [sflag:$0x3] =	stream.linear.gather [hbm4b:s20+s2], $0x80, $0x38;
	[tilespmem:$0x1C100] =	vst v63  }
0x32: {  	p1 =	sne.s32 s19, $0x260;
	_ =	swait.ge [sflag:s10], $0x80  }
0x33: {  	[sflag:s10] =	ssyncset.done $0x0  }
0x34: {  	s19 =	sadd.s32 s18, s8;
	s18 =	smov.u32 s21;
	[sflag:s10] =	ssyncadd.s32 $0xFFFFFF80  }
0x35: {  	[tilespmem:s11], [sflag:$0x3] =	stream.linear.gather [hbm4b:s19+s2], $0x80, $0x38;
	[tilespmem:$0x1C100] =	vst v63  }
0x36: {  	_ =	swait.ge [sflag:s10], $0x80  }
0x37: {  	[sflag:s10] =	ssyncset.done $0x0  }
0x38: {  	[sflag:s10] =	ssyncadd.s32 $0xFFFFFF80  }
0x39: {  	[tilespmem:s12], [sflag:$0x1] =	stream.linear.gather [hbm4b:s17+s2], $0x4000, $0x38;
	[tilespmem:$0x1C100] =	vst v63  }
0x3a: {  	s19 =	sadd.s32 $0x800, s17  }
0x3b: {  	[tilespmem:s13], [sflag:$0x1] =	stream.linear.gather [hbm4b:s19+s2], $0x4000, $0x38;
	[tilespmem:$0x1C100] =	vst v63  }
0x3c: {  	_ =	swait.ge [sflag:s14], $0x4000  }
0x3d: {  	[sflag:s14] =	ssyncset.done $0x0  }
0x3e: {  	[sflag:s14] =	ssyncadd.s32 $0xFFFFC000  }
0x3f: {  	[spmem:s1] =	stream.indirect.scatter.add.f32 [tilespmem:s12], [sflag:$0x2], $0x80, s2, s11, $0xb8;
	[tilespmem:$0x1C100] =	vst v63  }
0x40: {  	_ =	swait.ge [sflag:s14], $0x4000  }
0x41: {  	[sflag:s14] =	ssyncset.done $0x0  }
0x42: {  	[sflag:s14] =	ssyncadd.s32 $0xFFFFC000  }
0x43: {  	[spmem:s1] =	stream.indirect.scatter.add.f32 [tilespmem:s13], [sflag:$0x2], $0x80, s11, s11, $0xb8;
	[tilespmem:$0x1C100] =	vst v63  }
.Ltmp0:
0x44: {  	_ =	swait.ge [sflag:s15], $0x4000;
	(pc) =	sbr.rel @p1 .LBB2_2-.Ltmp0, $4  }
0x45: {  	[sflag:s15] =	ssyncset.done $0x0  }
0x46: {  	[sflag:s15] =	ssyncadd.s32 $0xFFFFC000  }
0x47: {  	_ =	swait.ge [sflag:s15], $0x4000  }
0x48: {  	s17 =	sadd.s32 $0x1000, s17;
	s19 =	smov.u32 s22;
	[sflag:s15] =	ssyncset.done $0x0  }
0x49: {  	s19 =	sadd.s32 s18, s7;
	[sflag:s15] =	ssyncadd.s32 $0xFFFFC000  }
0x4a: {  	[tilespmem:s2], [sflag:$0x3] =	stream.linear.gather [hbm4b:s19+s2], $0x80, $0x38;
	[tilespmem:$0x1C100] =	vst v63  }
0x4b: {  	_ =	swait.ge [sflag:s10], $0x80  }
0x4c: {  	[sflag:s10] =	ssyncset.done $0x0  }
0x4d: {  	s30 =	sadd.s32 s18, s8;
	[sflag:s10] =	ssyncadd.s32 $0xFFFFFF80  }
0x4e: {  	[tilespmem:s11], [sflag:$0x3] =	stream.linear.gather [hbm4b:s30+s2], $0x80, $0x38;
	[tilespmem:$0x1C100] =	vst v63  }
0x4f: {  	_ =	swait.ge [sflag:s10], $0x80  }
0x50: {  	[sflag:s10] =	ssyncset.done $0x0  }
0x51: {  	[sflag:s10] =	ssyncadd.s32 $0xFFFFFF80  }
0x52: {  	[tilespmem:s12], [sflag:$0x1] =	stream.linear.gather [hbm4b:s17+s2], $0x4000, $0x38;
	[tilespmem:$0x1C100] =	vst v63  }
0x53: {  	s31 =	sadd.s32 $0x800, s17  }
0x54: {  	[tilespmem:s13], [sflag:$0x1] =	stream.linear.gather [hbm4b:s31+s2], $0x4000, $0x38;
	[tilespmem:$0x1C100] =	vst v63  }
0x55: {  	_ =	swait.ge [sflag:s14], $0x4000  }
0x56: {  	[sflag:s14] =	ssyncset.done $0x0  }
0x57: {  	[sflag:s14] =	ssyncadd.s32 $0xFFFFC000  }
0x58: {  	[spmem:s1] =	stream.indirect.scatter.add.f32 [tilespmem:s12], [sflag:$0x2], $0x80, s2, s11, $0xb8;
	[tilespmem:$0x1C100] =	vst v63  }
0x59: {  	_ =	swait.ge [sflag:s14], $0x4000  }
0x5a: {  	[sflag:s14] =	ssyncset.done $0x0  }
0x5b: {  	[sflag:s14] =	ssyncadd.s32 $0xFFFFC000  }
0x5c: {  	[spmem:s1] =	stream.indirect.scatter.add.f32 [tilespmem:s13], [sflag:$0x2], $0x80, s11, s11, $0xb8;
	[tilespmem:$0x1C100] =	vst v63  }
0x5d: {  	_ =	swait.ge [sflag:s15], $0x4000  }
0x5e: {  	[sflag:s15] =	ssyncset.done $0x0  }
0x5f: {  	[sflag:s15] =	ssyncadd.s32 $0xFFFFC000  }
0x60: {  	_ =	swait.ge [sflag:s15], $0x4000  }
0x61: {  	[sflag:s15] =	ssyncset.done $0x0  }
0x62: {  	s16 =	sadd.s32 $0x1, s16;
	[sflag:s15] =	ssyncadd.s32 $0xFFFFC000  }
0x63: {  	p1 =	sne.s32 s16, s5;
	s17 =	simm.s32 @!p0 $0x1C03;
	[bflag:$0x0] =	sbarrier.arrive $0xFFFF  }
0x64: {  	[hbm:s4], [sflag:s17] =	dma.local @!p0 [spmem:s9], $0x28000  }
.Ltmp1:
0x65: {  	_ = 	snop;
	(pc) =	sbr.rel @p1 .LBB2_1-.Ltmp1, $4  }
0x66: {  	s17 =	simm.s32 @!p0 $0x3  }
0x67: {  	_ =	swait.ge @!p0 [sflag:s17], $0x28000  }
0x68: {  	[sflag:s17] =	ssyncset.done @!p0 $0x0  }
0x69: {  	[sflag:s17] =	ssyncadd.s32 @!p0 $0xFFFD8000  }
0x6a: {  	_ =	sfence.sel $0x180000  }
0x6b: {  	[bflag:$0x0] =	sbarrier.arrive $0xFFFF  }
0x6c: {  	_ =	strace $0x90000050  }
0x6d: {  	s0 =	sadd.s32 @!p0 $0x100000, s0;
	[bflag:$0x2] =	sbarrier.arrive $0xFFFF  }
0x6e: {  	[sflag:s0] =	ssyncadd.tile.s32 @!p0 $0x1;
	_ =	shalt  }
.Lfunc_end2:
_tile_overlayer_lowered:
.L_overlay_start_2:
0x6f: {  	(tag) =	ssettag $0x2  }
0x70: {  	s0 =	rddreg [dreg:$0x0];
	s2 =	stileid.u32  }
0x71: {  	s1 =	rddreg [dreg:$0x1];
	p0 =	sne.s32 s2, $0x0  }
0x72: {  	s3 =	rddreg [dreg:$0x2];
	[bflag:$0x3] =	sbarrier.arrive $0xFFFF;
	s2 =	simm.s32 @!p0 $0x1C03  }
0x73: {  	[timem:s3], [sflag:s2] =	dma.local @!p0 [hbm:s0], s1  }
0x74: {  	s0 =	simm.s32 @!p0 $0x3  }
0x75: {  	_ =	swait.ge @!p0 [sflag:s0], s1  }
0x76: {  	s1 =	ssub.s32 @!p0 $0x0, s1;
	[sflag:s0] =	ssyncset.done @!p0 $0x0  }
0x77: {  	[sflag:s0] =	ssyncadd.s32 @!p0 s1  }
0x78: {  	[bflag:$0x3] =	sbarrier.arrive $0xFFFF  }
0x79: {  	_ =	shalt  }

// kernel: kernel.27.cloned.1.call-start
scs
__scs_entry_jumppad:
0x0: {  	(pc) =	sbr.rel $0x88, $3  }
0x1: {  	(tag) =	ssettag $0x0;
	lr =	simm.s32 $0x1  }
0x2: {  	[smem:$0x3F93] =	sst lr;
	_ =	strace $0xD0000000  }
0x3: {  	_ = 	snop  }
0x4: {  	_ = 	snop  }
0x5: {  	_ = 	snop  }
0x6: {  	_ = 	snop  }
0x7: {  	_ = 	snop  }
__scs_overlays_trampoline_lowered:
0x8: {  	[smem:$0x3FA2] =	sst s0  }
0x9: {  	[smem:$0x3FA3] =	sst s1  }
0xa: {  	[smem:$0x3FA4] =	sst s2  }
0xb: {  	[smem:$0x3FA5] =	sst s3  }
0xc: {  	[smem:$0x3FA6] =	sst s4  }
0xd: {  	[smem:$0x3FA7] =	sst s5  }
0xe: {  	[smem:$0x3FA8] =	sst s6  }
0xf: {  	[smem:$0x3FA9] =	sst s7  }
0x10: {  	[smem:$0x3FAA] =	sst s8  }
0x11: {  	[smem:$0x3FAB] =	sst s9;
	s0 =	simm.s32 @!p0 $0x0  }
0x12: {  	s1 =	sld [smem:$0x3F91];
	s0 =	simm.s32 @p0 $0x1  }
0x13: {  	[smem:$0x3FAC] =	sst s0;
	s0 =	simm.s32 @!p1 $0x0  }
0x14: {  	s2 =	sld [smem:$0x3F90];
	s0 =	simm.s32 @p1 $0x1  }
0x15: {  	[smem:$0x3FAD] =	sst s0;
	s0 =	simm.s32 @!p2 $0x0  }
0x16: {  	s3 =	sld [smem:$0x3FDB];
	s0 =	simm.s32 @p2 $0x1  }
0x17: {  	s4 =	simm.s32 $0x1BF5;
	[smem:$0x3FAF] =	sst s0  }
0x18: {  	s0 =	sld [smem:$0x3F92];
	_ =	swait.ge [sflag:s4], $0x0  }
0x19: {  	s7 =	sld [smem:$0x3F93]  }
0x1a: {  	s8 =	sadd.s32 $0xFFFFE003, lr  }
0x1b: {  	s9 =	sadd.s32 $0xFFFFFEF7, lr;
	s5 =	simm.s32 $0xFFFFFFFF;
	p2 =	slt.u32 s8, $0xFFFFF086  }
0x1c: {  	p1 =	slt.u32 s9, $0xF7A;
	s5 =	simm.s32 @!p2 $0x0  }
0x1d: {  	s5 =	simm.s32 @p1 $0x1;
	p0 =	seq.s32 s7, s2  }
0x1e: {  	s7 =	smul.u32 @!p0 $0xF7A, s2;
	p2 =	seq.s32 @!p0 s5, $0x0  }
0x1f: {  	s9 =	smul.u32 $0xF7A, s1;
	s8 =	simm.s32 @!p0 $0x1BF5;
	p2 =	por !p2, p0  }
0x20: {  	[sflag:s8] =	ssyncset.s32 @!p0 $0xFFFFF086;
	s6 =	sadd.s32 @!p0 s3, s7;
	s7 =	simm.s32 @!p0 $0x108  }
0x21: {  	s3 =	sadd.s32 s3, s9;
	s6 =	sadd.s32 @!p0 $0x88, s6;
	s7 =	simm.s32 @p2 $0x1082  }
0x22: {  	[simem:s7], [sflag:s8] =	dma.local @!p0 [hbm:s6], $0xF7A  }
0x23: {  	s9 =	sor.u32 $0xD0000000, s2;
	s6 =	simm.s32 $0x108;
	_ =	swait.ge @!p0 [sflag:s8], $0x0  }
0x24: {  	s3 =	sadd.s32 $0x88, s3;
	s6 =	simm.s32 @!p1 $0x1082;
	[sflag:s4] =	ssyncset.s32 $0xFFFFF086  }
0x25: {  	[simem:s6], [sflag:s4] =	dma.local [hbm:s3], $0xF7A  }
0x26: {  	[smem:$0x3F93] =	sst s1;
	(tag) =	ssettag s2;
	_ =	strace s9  }
0x27: {  	s1 =	sld [smem:$0x3FA3]  }
0x28: {  	s2 =	sld [smem:$0x3FA4]  }
0x29: {  	s4 =	sld [smem:$0x3FA6]  }
0x2a: {  	p0 =	seq.s32 s5, $0x0;
	s5 =	sld [smem:$0x3FA7]  }
0x2b: {  	s6 =	sld [smem:$0x3FA8]  }
0x2c: {  	s7 =	sld [smem:$0x3FA9]  }
0x2d: {  	s3 =	simm.s32 $0x108;
	s8 =	sld [smem:$0x3FAA]  }
0x2e: {  	s3 =	simm.s32 @!p0 $0x1082;
	s9 =	sld [smem:$0x3FAB]  }
0x2f: {  	lr =	sadd.s32 s0, s3;
	s0 =	sld [smem:$0x3FA2]  }
0x30: {  	s3 =	sld [smem:$0x3FA5]  }
0x31: {  	[smem:$0x3FAE] =	sst s10  }
0x32: {  	s10 =	sld [smem:$0x3FAC];
	_ =	sdelay $0x3  }
0x33: {  	p0 =	seq.s32 s10, $0x1;
	s10 =	sld [smem:$0x3FAE];
	_ =	sdelay $0x3  }
0x34: {  	[smem:$0x3FAE] =	sst s10  }
0x35: {  	s10 =	sld [smem:$0x3FAD];
	_ =	sdelay $0x3  }
0x36: {  	p1 =	seq.s32 s10, $0x1;
	s10 =	sld [smem:$0x3FAE];
	_ =	sdelay $0x3  }
0x37: {  	[smem:$0x3FAE] =	sst s10  }
0x38: {  	s10 =	sld [smem:$0x3FAF]  }
0x39: {  	_ = 	snop;
	(pc) =	sbr.ind lr, $3  }
0x3a: {  	_ = 	snop  }
0x3b: {  	_ = 	snop  }
0x3c: {  	p2 =	seq.s32 s10, $0x1;
	s10 =	sld [smem:$0x3FAE]  }
0x3d: {  	_ =	shalt  }
0x3e: {  	_ =	shalt  }
0x3f: {  	_ =	shalt  }
0x40: {  	_ =	shalt  }
0x41: {  	_ =	shalt  }
0x42: {  	_ =	shalt  }
0x43: {  	_ =	shalt  }
0x44: {  	_ =	shalt  }
0x45: {  	_ =	shalt  }
0x46: {  	_ =	shalt  }
0x47: {  	_ =	shalt  }
0x48: {  	_ =	shalt  }
0x49: {  	_ =	shalt  }
0x4a: {  	_ =	shalt  }
0x4b: {  	_ =	shalt  }
0x4c: {  	_ =	shalt  }
0x4d: {  	_ =	shalt  }
0x4e: {  	_ =	shalt  }
0x4f: {  	_ =	shalt  }
0x50: {  	_ =	shalt  }
0x51: {  	_ =	shalt  }
0x52: {  	_ =	shalt  }
0x53: {  	_ =	shalt  }
0x54: {  	_ =	shalt  }
0x55: {  	_ =	shalt  }
0x56: {  	_ =	shalt  }
0x57: {  	_ =	shalt  }
0x58: {  	_ =	shalt  }
0x59: {  	_ =	shalt  }
0x5a: {  	_ =	shalt  }
0x5b: {  	_ =	shalt  }
0x5c: {  	_ =	shalt  }
0x5d: {  	_ =	shalt  }
0x5e: {  	_ =	shalt  }
0x5f: {  	_ =	shalt  }
0x60: {  	_ =	shalt  }
0x61: {  	_ =	shalt  }
0x62: {  	_ =	shalt  }
0x63: {  	_ =	shalt  }
0x64: {  	_ =	shalt  }
0x65: {  	_ =	shalt  }
0x66: {  	_ =	shalt  }
0x67: {  	_ =	shalt  }
0x68: {  	_ =	shalt  }
0x69: {  	_ =	shalt  }
0x6a: {  	_ =	shalt  }
0x6b: {  	_ =	shalt  }
0x6c: {  	_ =	shalt  }
0x6d: {  	_ =	shalt  }
0x6e: {  	_ =	shalt  }
0x6f: {  	_ =	shalt  }
0x70: {  	_ =	shalt  }
0x71: {  	_ =	shalt  }
0x72: {  	_ =	shalt  }
0x73: {  	_ =	shalt  }
0x74: {  	_ =	shalt  }
0x75: {  	_ =	shalt  }
0x76: {  	_ =	shalt  }
0x77: {  	_ =	shalt  }
0x78: {  	_ =	shalt  }
0x79: {  	_ =	shalt  }
0x7a: {  	_ =	shalt  }
0x7b: {  	_ =	shalt  }
0x7c: {  	_ =	shalt  }
0x7d: {  	_ =	shalt  }
0x7e: {  	_ =	shalt  }
0x7f: {  	_ =	shalt  }
0x80: {  	_ =	shalt  }
0x81: {  	_ =	shalt  }
0x82: {  	_ =	shalt  }
0x83: {  	_ =	shalt  }
0x84: {  	_ =	shalt  }
0x85: {  	_ =	shalt  }
0x86: {  	_ =	shalt  }
0x87: {  	_ =	shalt  }
.Lfunc_end0:
.L_simem_size_0:
called_computation.5_lowered:
.L_overlay_start_0:
0x88: {  	s2 =	sld [smem:$0x3FD9]  }
0x89: {  	s3 =	sld [smem:$0x3FFE];
	_ =	sdelay $0x1  }
0x8a: {  	s1 =	srdreg.scid  }
0x8b: {  	s0 =	sand.u32 $0x1, s1  }
0x8c: {  	s16 =	sshll.u32 s0, $0xA;
	s2 =	sadd.s32 s3, s2  }
0x8d: {  	s2 =	sadd.s32 s2, s16  }
0x8e: {  	[smem:$0x3FBA] =	sst s2  }
0x8f: {  	_ = 	snop  }
0x90: {  	(tm) =	ssettm $0x1  }
0x91: {  	s17 =	sld [smem:$0x3FFB];
	_ =	sdelay $0x3  }
0x92: {  	_ =	strace s17  }
0x93: {  	s2 =	sld [smem:$0x3FFC];
	_ =	sdelay $0x3  }
0x94: {  	_ =	strace s2  }
0x95: {  	s2 =	sld [smem:$0x3FFD];
	_ =	sdelay $0x3  }
0x96: {  	_ =	strace s2  }
0x97: {  	_ =	strace $0x8FFFFFFF  }
0x98: {  	s18 =	sld [smem:$0x3FDB];
	_ =	sdelay $0x1  }
0x99: {  	s19 =	simm.s32 $_scs_section_size  }
0x9a: {  	s4 =	simm.s32 $_size__tile_overlayer_lowered;
	s5 =	simm.s32 $_tile_overlayer_lowered  }
0x9b: {  	s22 =	simm.s32 $0x1BFF;
	s21 =	sshll.u32 s5, $0x1;
	s2 =	sadd.s32 s19, s18  }
0x9c: {  	s6 =	simm.s32 $0x0;
	s20 =	sshll.u32 s4, $0x1;
	s4 =	sadd.s32 s21, s2  }
0x9d: {  	[timem:s6], [sflag:s22] =	dma.local [hbm:s4], s20  }
0x9e: {  	_ =	swait.ge [sflag:s22], s20  }
0x9f: {  	s3 =	ssub.s32 $0x0, s20;
	[sflag:s22] =	ssyncset.done $0x0  }
0xa0: {  	[sflag:s22] =	ssyncadd.s32 s3;
	_ =	sdelay $0x1  }
0xa1: {  	s23 =	simm.s32 $0x1B8B  }
0xa2: {  	_ =	swait.ge [sflag:s23], $0x1  }
0xa3: {  	[sflag:s23] =	ssyncset.done $0x0  }
0xa4: {  	s25 =	simm.s32 $0x1B8E;
	s24 =	sld [smem:$0x3FFE];
	[sflag:s23] =	ssyncadd.s32 $0xFFFFFFFF  }
0xa5: {  	s26 =	simm.s32 $execute0_lowered;
	[smem:$0x3FD2] =	sst s25  }
0xa6: {  	s4 =	sshll.u32 s26, $0x1;
	_ =	strace $0x80000055;
	[dreg:$0x1] =	wrdreg $0xFFFFFFFF  }
0xa7: {  	s28 =	simm.s32 $_size_execute0_lowered;
	s2 =	sadd.s32 s2, s4;
	[dreg:$0x0] =	wrdreg $0x0  }
0xa8: {  	s4 =	sshll.u32 s28, $0x1;
	[dreg:$0x2] =	wrdreg s2  }
0xa9: {  	[dreg:$0x3] =	wrdreg s4  }
0xaa: {  	[dreg:$0x4] =	wrdreg $0xC0  }
0xab: {  	_ =	task [dreg:s6], $0x5FFFF  }
0xac: {  	[dreg:$0x1] =	wrdreg $0xFFFFFFFF  }
0xad: {  	[dreg:$0x0] =	wrdreg $0x60  }
0xae: {  	[dreg:$0x2] =	wrdreg s24  }
0xaf: {  	[dreg:$0x3] =	wrdreg $0x9  }
0xb0: {  	_ =	task.clear_ibuf [dreg:s6], $0x4FFFF;
	_ =	strace $0x90000055  }
0xb1: {  	s29 =	simm.s32 $0x9;
	_ =	strace $0x80000057  }
0xb2: {  	_ =	swait.ge [sflag:s29], $0x1  }
0xb3: {  	[sflag:s29] =	ssyncadd.s32 $0xFFFFFFFF  }
0xb4: {  	_ =	strace $0x90000057  }
0xb5: {  	_ =	sfence  }
0xb6: {  	s30 =	sld [smem:$0x0];
	_ =	sdelay $0x2  }
0xb7: {  	s31 =	sshll.u32 s1, $0xD;
	s1 =	sshrl.u32 s1, $0x2  }
0xb8: {  	s3 =	sand.u32 $0x4000, s31;
	s1 =	sadd.s32 s1, s30  }
0xb9: {  	s0 =	sor.u32 s3, s0;
	s1 =	sshll.u32 s1, $0x11  }
0xba: {  	s0 =	sor.u32 s1, s0  }
0xbb: {  	s0 =	sadd.s32 $0x8F2B, s0  }
0xbc: {  	[sflag:s0] =	ssyncadd.remote.s32 $0x1  }
0xbd: {  	_ =	sfence.sel $0xFFFF  }
0xbe: {  	[dreg:$0x0] =	wrdreg $0xFFFFFFFF;
	(pc) =	sbr.abs _section_cstart, $3  }
0xbf: {  	[dreg:$0x1] =	wrdreg $0xFFFFFFFF  }
0xc0: {  	_ =	task.clear_ibuf [dreg:s6], $0x2FFFF;
	_ =	strace $0x9FFFFFFF  }
0xc1: {  	(tm) =	ssettm $0x7FFFFFFF  }
tec
execute0_lowered:
.L_overlay_start_1:
0x0: {  	(tag) =	ssettag $0x1  }
0x1: {  	s8 =	rddreg [dreg:$0x0];
	s2 =	simm.s32 $0x0;
	s1 =	stileid.u32  }
0x2: {  	s4 =	srdreg.scid;
	s14 =	simm.s32 $0x180;
	s15 =	simm.s32 $0x200  }
0x3: {  	s16 =	simm.s32 $0x8200;
	s17 =	simm.s32 $0x10200;
	s18 =	simm.s32 $0x4200  }
0x4: {  	s19 =	simm.s32 $0xC200;
	s20 =	simm.s32 $0x14200;
	s21 =	simm.s32 $0x1  }
0x5: {  	s22 =	simm.s32 $0x2;
	s23 =	simm.s32 $0x0;
	[smem:$0x7FF] =	sst s2  }
0x6: {  	s3 =	sadd.s32 $0x6B400, s8;
	s9 =	smul.u32 $0x28000, s1;
	s5 =	sadd.s32 $0x160400, s8  }
0x7: {  	s10 =	sand.u32 $0x1, s4;
	s6 =	sadd.s32 $0x138400, s8;
	s29 =	smul.u32 $0x2800, s1  }
0x8: {  	s4 =	sadd.s32 $0x66400, s8;
	s7 =	sadd.s32 $0x319C00, s8;
	s11 =	smul.u32 $0x14000, s10  }
0x9: {  	s28 =	ssub.s32 $0x2, s10;
	s10 =	smul.u32 $0x1400, s10;
	s8 =	sadd.s32 s9, s8  }
0xa: {  	_ =	strace $0x80000056;
	s12 =	sshrl.u32 s28, $0x1;
	s8 =	sadd.s32 s11, s8  }
0xb: {  	s9 =	ssub.s32 s28, s12;
	s10 =	sadd.s32 s10, s29;
	s13 =	sadd.s32 $0x409C00, s8  }
0xc: {  	s12 =	simm.s32 $0x100;
	s30 =	sadd.s32 $0x689C00, s8;
	[dreg:$0x2] =	wrdreg s13  }
0xd: {  	s31 =	sadd.s32 $0x909C00, s8;
	s8 =	smax.u32 s9, $0x1;
	[dreg:$0x3] =	wrdreg s30  }
0xe: {  	s11 =	sor.u32 $0x80, s10;
	s9 =	sshrl.u32 s10, $0x3;
	[dreg:$0x4] =	wrdreg s31  }
0xf: {  	s10 =	sshrl.u32 s11, $0x3;
	s11 =	simm.s32 $0x3;
	s13 =	simm.s32 $0x80  }
.LBB2_1:
0x10: {  	s24 =	sadd.s32 s3, s9  }
0x11: {  	[tilespmem:s2], [sflag:$0x3] =	stream.linear.gather [hbm4b:s24+s2], $0x80, $0x38;
	[tilespmem:$0x18200] =	vst v63  }
0x12: {  	_ =	swait.ge [sflag:s11], $0x80  }
0x13: {  	[sflag:s11] =	ssyncset.done $0x0  }
0x14: {  	s0 =	sadd.s32 s4, s9;
	[sflag:s11] =	ssyncadd.s32 $0xFFFFFF80  }
0x15: {  	[tilespmem:s12], [sflag:$0x3] =	stream.linear.gather [hbm4b:s0+s2], $0x80, $0x38;
	[tilespmem:$0x18200] =	vst v63  }
0x16: {  	_ =	swait.ge [sflag:s11], $0x80  }
0x17: {  	[sflag:s11] =	ssyncset.done $0x0  }
0x18: {  	s25 =	sadd.s32 s3, s10;
	[sflag:s11] =	ssyncadd.s32 $0xFFFFFF80  }
0x19: {  	[tilespmem:s13], [sflag:$0x3] =	stream.linear.gather [hbm4b:s25+s2], $0x80, $0x38;
	[tilespmem:$0x18200] =	vst v63  }
0x1a: {  	_ =	swait.ge [sflag:s11], $0x80  }
0x1b: {  	[sflag:s11] =	ssyncset.done $0x0  }
0x1c: {  	s26 =	sadd.s32 s4, s10;
	[sflag:s11] =	ssyncadd.s32 $0xFFFFFF80  }
0x1d: {  	[tilespmem:s14], [sflag:$0x3] =	stream.linear.gather [hbm4b:s26+s2], $0x80, $0x38;
	[tilespmem:$0x18200] =	vst v63  }
0x1e: {  	_ =	swait.ge [sflag:s11], $0x80  }
0x1f: {  	[sflag:s11] =	ssyncset.done $0x0  }
0x20: {  	[sflag:s11] =	ssyncadd.s32 $0xFFFFFF80  }
0x21: {  	[tilespmem:s15], [sflag:$0x1] =	stream.indirect.gather [hbm4b:s5+s13], $0x80, s2, s13, $0xb8;
	[tilespmem:$0x18200] =	vst v63  }
0x22: {  	_ = 	snop  }
0x23: {  	[tilespmem:s16], [sflag:$0x1] =	stream.indirect.gather [hbm4b:s6+s13], $0x80, s12, s13, $0xb8;
	[tilespmem:$0x18200] =	vst v63  }
0x24: {  	_ = 	snop  }
0x25: {  	[tilespmem:s17], [sflag:$0x1] =	stream.indirect.gather [hbm4b:s7+s13], $0x80, s2, s13, $0xb8;
	[tilespmem:$0x18200] =	vst v63  }
0x26: {  	_ = 	snop  }
0x27: {  	[tilespmem:s18], [sflag:$0x1] =	stream.indirect.gather [hbm4b:s5+s13], $0x80, s13, s13, $0xb8;
	[tilespmem:$0x18200] =	vst v63  }
0x28: {  	_ = 	snop  }
0x29: {  	[tilespmem:s19], [sflag:$0x1] =	stream.indirect.gather [hbm4b:s6+s13], $0x80, s14, s13, $0xb8;
	[tilespmem:$0x18200] =	vst v63  }
0x2a: {  	_ = 	snop  }
0x2b: {  	[tilespmem:s20], [sflag:$0x1] =	stream.indirect.gather [hbm4b:s7+s13], $0x80, s13, s13, $0xb8;
	[tilespmem:$0x18200] =	vst v63  }
0x2c: {  	_ =	swait.ge [sflag:s21], $0x4000  }
0x2d: {  	[sflag:s21] =	ssyncset.done $0x0  }
0x2e: {  	[sflag:s21] =	ssyncadd.s32 $0xFFFFC000  }
0x2f: {  	_ =	swait.ge [sflag:s21], $0x4000  }
0x30: {  	[sflag:s21] =	ssyncset.done $0x0  }
0x31: {  	[sflag:s21] =	ssyncadd.s32 $0xFFFFC000  }
0x32: {  	_ =	swait.ge [sflag:s21], $0x4000  }
0x33: {  	[sflag:s21] =	ssyncset.done $0x0  }
0x34: {  	[sflag:s21] =	ssyncadd.s32 $0xFFFFC000  }
0x35: {  	_ =	swait.ge [sflag:s21], $0x4000  }
0x36: {  	[sflag:s21] =	ssyncset.done $0x0  }
0x37: {  	[sflag:s21] =	ssyncadd.s32 $0xFFFFC000  }
0x38: {  	_ =	swait.ge [sflag:s21], $0x4000  }
0x39: {  	[sflag:s21] =	ssyncset.done $0x0  }
0x3a: {  	[sflag:s21] =	ssyncadd.s32 $0xFFFFC000  }
0x3b: {  	_ =	swait.ge [sflag:s21], $0x4000  }
0x3c: {  	s29 =	rddreg [dreg:$0x2];
	[sflag:s21] =	ssyncset.done $0x0  }
0x3d: {  	s25 =	rddreg [dreg:$0x3];
	[sflag:s21] =	ssyncadd.s32 $0xFFFFC000;
	s24 =	sadd.s32 $0x0, s29  }
0x3e: {  	[hbm4b:s24+s2] =	stream.linear.scatter [tilespmem:s15], [sflag:$0x2], $0x4000, $0x38;
	[tilespmem:$0x18200] =	vst v63  }
0x3f: {  	s26 =	rddreg [dreg:$0x4];
	s25 =	sadd.s32 $0x0, s25  }
0x40: {  	[hbm4b:s25+s2] =	stream.linear.scatter [tilespmem:s16], [sflag:$0x2], $0x4000, $0x38;
	[tilespmem:$0x18200] =	vst v63  }
0x41: {  	s26 =	sadd.s32 $0x0, s26  }
0x42: {  	[hbm4b:s26+s2] =	stream.linear.scatter [tilespmem:s17], [sflag:$0x2], $0x4000, $0x38;
	[tilespmem:$0x18200] =	vst v63  }
0x43: {  	s24 =	sadd.s32 $0x800, s24  }
0x44: {  	[hbm4b:s24+s2] =	stream.linear.scatter [tilespmem:s18], [sflag:$0x2], $0x4000, $0x38;
	[tilespmem:$0x18200] =	vst v63  }
0x45: {  	s30 =	sadd.s32 $0x800, s25  }
0x46: {  	[hbm4b:s30+s2] =	stream.linear.scatter [tilespmem:s19], [sflag:$0x2], $0x4000, $0x38;
	[tilespmem:$0x18200] =	vst v63  }
0x47: {  	s31 =	sadd.s32 $0x800, s26  }
0x48: {  	[hbm4b:s31+s2] =	stream.linear.scatter [tilespmem:s20], [sflag:$0x2], $0x4000, $0x38;
	[tilespmem:$0x18200] =	vst v63  }
0x49: {  	_ =	swait.ge [sflag:s22], $0x4000  }
0x4a: {  	[sflag:s22] =	ssyncset.done $0x0  }
0x4b: {  	[sflag:s22] =	ssyncadd.s32 $0xFFFFC000  }
0x4c: {  	_ =	swait.ge [sflag:s22], $0x4000  }
0x4d: {  	[sflag:s22] =	ssyncset.done $0x0  }
0x4e: {  	[sflag:s22] =	ssyncadd.s32 $0xFFFFC000  }
0x4f: {  	_ =	swait.ge [sflag:s22], $0x4000  }
0x50: {  	[sflag:s22] =	ssyncset.done $0x0  }
0x51: {  	[sflag:s22] =	ssyncadd.s32 $0xFFFFC000  }
0x52: {  	_ =	swait.ge [sflag:s22], $0x4000  }
0x53: {  	[sflag:s22] =	ssyncset.done $0x0  }
0x54: {  	[sflag:s22] =	ssyncadd.s32 $0xFFFFC000  }
0x55: {  	_ =	swait.ge [sflag:s22], $0x4000  }
0x56: {  	[sflag:s22] =	ssyncset.done $0x0  }
0x57: {  	[sflag:s22] =	ssyncadd.s32 $0xFFFFC000  }
0x58: {  	s28 =	simm.s32 $0x2000;
	s25 =	sadd.s32 $0x20, s3;
	_ =	swait.ge [sflag:s22], $0x4000  }
0x59: {  	s26 =	smov.u32 s4;
	s24 =	simm.s32 $0x1000;
	[sflag:s22] =	ssyncset.done $0x0  }
.LBB2_2:
0x5a: {  	s30 =	sadd.s32 s25, s9;
	[sflag:s22] =	ssyncadd.s32 $0xFFFFC000  }
0x5b: {  	[tilespmem:s2], [sflag:$0x3] =	stream.linear.gather [hbm4b:s30+s2], $0x80, $0x38;
	[tilespmem:$0x18200] =	vst v63  }
0x5c: {  	_ =	swait.ge [sflag:s11], $0x80  }
0x5d: {  	s26 =	sadd.s32 $0x20, s26;
	[sflag:s11] =	ssyncset.done $0x0  }
0x5e: {  	s31 =	sadd.s32 s26, s9;
	[sflag:s11] =	ssyncadd.s32 $0xFFFFFF80  }
0x5f: {  	[tilespmem:s12], [sflag:$0x3] =	stream.linear.gather [hbm4b:s31+s2], $0x80, $0x38;
	[tilespmem:$0x18200] =	vst v63  }
0x60: {  	_ =	swait.ge [sflag:s11], $0x80  }
0x61: {  	[sflag:s11] =	ssyncset.done $0x0  }
0x62: {  	s0 =	sadd.s32 s25, s10;
	[sflag:s11] =	ssyncadd.s32 $0xFFFFFF80  }
0x63: {  	[tilespmem:s13], [sflag:$0x3] =	stream.linear.gather [hbm4b:s0+s2], $0x80, $0x38;
	[tilespmem:$0x18200] =	vst v63  }
0x64: {  	_ =	swait.ge [sflag:s11], $0x80  }
0x65: {  	[sflag:s11] =	ssyncset.done $0x0  }
0x66: {  	s31 =	sadd.s32 s26, s10;
	[sflag:s11] =	ssyncadd.s32 $0xFFFFFF80  }
0x67: {  	[tilespmem:s14], [sflag:$0x3] =	stream.linear.gather [hbm4b:s31+s2], $0x80, $0x38;
	[tilespmem:$0x18200] =	vst v63  }
0x68: {  	_ =	swait.ge [sflag:s11], $0x80  }
0x69: {  	[sflag:s11] =	ssyncset.done $0x0  }
0x6a: {  	[sflag:s11] =	ssyncadd.s32 $0xFFFFFF80  }
0x6b: {  	[tilespmem:s15], [sflag:$0x1] =	stream.indirect.gather [hbm4b:s5+s13], $0x80, s2, s13, $0xb8;
	[tilespmem:$0x18200] =	vst v63  }
0x6c: {  	_ = 	snop  }
0x6d: {  	[tilespmem:s16], [sflag:$0x1] =	stream.indirect.gather [hbm4b:s6+s13], $0x80, s12, s13, $0xb8;
	[tilespmem:$0x18200] =	vst v63  }
0x6e: {  	_ = 	snop  }
0x6f: {  	[tilespmem:s17], [sflag:$0x1] =	stream.indirect.gather [hbm4b:s7+s13], $0x80, s2, s13, $0xb8;
	[tilespmem:$0x18200] =	vst v63  }
0x70: {  	_ = 	snop  }
0x71: {  	[tilespmem:s18], [sflag:$0x1] =	stream.indirect.gather [hbm4b:s5+s13], $0x80, s13, s13, $0xb8;
	[tilespmem:$0x18200] =	vst v63  }
0x72: {  	_ = 	snop  }
0x73: {  	[tilespmem:s19], [sflag:$0x1] =	stream.indirect.gather [hbm4b:s6+s13], $0x80, s14, s13, $0xb8;
	[tilespmem:$0x18200] =	vst v63  }
0x74: {  	_ = 	snop  }
0x75: {  	[tilespmem:s20], [sflag:$0x1] =	stream.indirect.gather [hbm4b:s7+s13], $0x80, s13, s13, $0xb8;
	[tilespmem:$0x18200] =	vst v63  }
0x76: {  	_ =	swait.ge [sflag:s21], $0x4000  }
0x77: {  	[sflag:s21] =	ssyncset.done $0x0  }
0x78: {  	[sflag:s21] =	ssyncadd.s32 $0xFFFFC000  }
0x79: {  	_ =	swait.ge [sflag:s21], $0x4000  }
0x7a: {  	[sflag:s21] =	ssyncset.done $0x0  }
0x7b: {  	[sflag:s21] =	ssyncadd.s32 $0xFFFFC000  }
0x7c: {  	_ =	swait.ge [sflag:s21], $0x4000  }
0x7d: {  	[sflag:s21] =	ssyncset.done $0x0  }
0x7e: {  	[sflag:s21] =	ssyncadd.s32 $0xFFFFC000  }
0x7f: {  	_ =	swait.ge [sflag:s21], $0x4000  }
0x80: {  	[sflag:s21] =	ssyncset.done $0x0  }
0x81: {  	[sflag:s21] =	ssyncadd.s32 $0xFFFFC000  }
0x82: {  	_ =	swait.ge [sflag:s21], $0x4000  }
0x83: {  	[sflag:s21] =	ssyncset.done $0x0  }
0x84: {  	[sflag:s21] =	ssyncadd.s32 $0xFFFFC000  }
0x85: {  	_ =	swait.ge [sflag:s21], $0x4000  }
0x86: {  	s0 =	rddreg [dreg:$0x2];
	[sflag:s21] =	ssyncset.done $0x0  }
0x87: {  	s31 =	rddreg [dreg:$0x3];
	[sflag:s21] =	ssyncadd.s32 $0xFFFFC000;
	s30 =	sadd.s32 s24, s0  }
0x88: {  	[hbm4b:s30+s2] =	stream.linear.scatter [tilespmem:s15], [sflag:$0x2], $0x4000, $0x38;
	[tilespmem:$0x18200] =	vst v63  }
0x89: {  	s0 =	rddreg [dreg:$0x4];
	s31 =	sadd.s32 s24, s31  }
0x8a: {  	[hbm4b:s31+s2] =	stream.linear.scatter [tilespmem:s16], [sflag:$0x2], $0x4000, $0x38;
	[tilespmem:$0x18200] =	vst v63  }
0x8b: {  	s0 =	sadd.s32 s24, s0  }
0x8c: {  	[hbm4b:s0+s2] =	stream.linear.scatter [tilespmem:s17], [sflag:$0x2], $0x4000, $0x38;
	[tilespmem:$0x18200] =	vst v63  }
0x8d: {  	s30 =	sadd.s32 $0x800, s30  }
0x8e: {  	[hbm4b:s30+s2] =	stream.linear.scatter [tilespmem:s18], [sflag:$0x2], $0x4000, $0x38;
	[tilespmem:$0x18200] =	vst v63  }
0x8f: {  	s31 =	sadd.s32 $0x800, s31  }
0x90: {  	[hbm4b:s31+s2] =	stream.linear.scatter [tilespmem:s19], [sflag:$0x2], $0x4000, $0x38;
	[tilespmem:$0x18200] =	vst v63  }
0x91: {  	s0 =	sadd.s32 $0x800, s0  }
0x92: {  	[hbm4b:s0+s2] =	stream.linear.scatter [tilespmem:s20], [sflag:$0x2], $0x4000, $0x38;
	[tilespmem:$0x18200] =	vst v63  }
0x93: {  	_ =	swait.ge [sflag:s22], $0x4000  }
0x94: {  	[sflag:s22] =	ssyncset.done $0x0  }
0x95: {  	[sflag:s22] =	ssyncadd.s32 $0xFFFFC000  }
0x96: {  	_ =	swait.ge [sflag:s22], $0x4000  }
0x97: {  	[sflag:s22] =	ssyncset.done $0x0  }
0x98: {  	[sflag:s22] =	ssyncadd.s32 $0xFFFFC000  }
0x99: {  	_ =	swait.ge [sflag:s22], $0x4000  }
0x9a: {  	[sflag:s22] =	ssyncset.done $0x0  }
0x9b: {  	[sflag:s22] =	ssyncadd.s32 $0xFFFFC000  }
0x9c: {  	_ =	swait.ge [sflag:s22], $0x4000  }
0x9d: {  	[sflag:s22] =	ssyncset.done $0x0  }
0x9e: {  	p0 =	sne.s32 s28, $0x13000;
	[sflag:s22] =	ssyncadd.s32 $0xFFFFC000  }
.Ltmp0:
0x9f: {  	_ =	swait.ge [sflag:s22], $0x4000;
	(pc) =	sbr.rel @p0 .LBB2_2-.Ltmp0, $4  }
0xa0: {  	[sflag:s22] =	ssyncset.done $0x0  }
0xa1: {  	[sflag:s22] =	ssyncadd.s32 $0xFFFFC000  }
0xa2: {  	s29 =	smov.u32 s28;
	s28 =	sadd.s32 $0x1000, s28;
	_ =	swait.ge [sflag:s22], $0x4000  }
0xa3: {  	s25 =	sadd.s32 $0x20, s25;
	s24 =	smov.u32 s29;
	[sflag:s22] =	ssyncset.done $0x0  }
0xa4: {  	s0 =	sadd.s32 s25, s9;
	[sflag:s22] =	ssyncadd.s32 $0xFFFFC000  }
0xa5: {  	[tilespmem:s2], [sflag:$0x3] =	stream.linear.gather [hbm4b:s0+s2], $0x80, $0x38;
	[tilespmem:$0x18200] =	vst v63  }
0xa6: {  	_ =	swait.ge [sflag:s11], $0x80  }
0xa7: {  	s30 =	sadd.s32 $0x20, s26;
	[sflag:s11] =	ssyncset.done $0x0  }
0xa8: {  	s26 =	sadd.s32 s30, s9;
	[sflag:s11] =	ssyncadd.s32 $0xFFFFFF80  }
0xa9: {  	[tilespmem:s12], [sflag:$0x3] =	stream.linear.gather [hbm4b:s26+s2], $0x80, $0x38;
	[tilespmem:$0x18200] =	vst v63  }
0xaa: {  	_ =	swait.ge [sflag:s11], $0x80  }
0xab: {  	[sflag:s11] =	ssyncset.done $0x0  }
0xac: {  	s31 =	sadd.s32 s25, s10;
	[sflag:s11] =	ssyncadd.s32 $0xFFFFFF80  }
0xad: {  	[tilespmem:s13], [sflag:$0x3] =	stream.linear.gather [hbm4b:s31+s2], $0x80, $0x38;
	[tilespmem:$0x18200] =	vst v63  }
0xae: {  	_ =	swait.ge [sflag:s11], $0x80  }
0xaf: {  	[sflag:s11] =	ssyncset.done $0x0  }
0xb0: {  	s0 =	sadd.s32 s30, s10;
	[sflag:s11] =	ssyncadd.s32 $0xFFFFFF80  }
0xb1: {  	[tilespmem:s14], [sflag:$0x3] =	stream.linear.gather [hbm4b:s0+s2], $0x80, $0x38;
	[tilespmem:$0x18200] =	vst v63  }
0xb2: {  	_ =	swait.ge [sflag:s11], $0x80  }
0xb3: {  	[sflag:s11] =	ssyncset.done $0x0  }
0xb4: {  	[sflag:s11] =	ssyncadd.s32 $0xFFFFFF80  }
0xb5: {  	[tilespmem:s15], [sflag:$0x1] =	stream.indirect.gather [hbm4b:s5+s13], $0x80, s2, s13, $0xb8;
	[tilespmem:$0x18200] =	vst v63  }
0xb6: {  	_ = 	snop  }
0xb7: {  	[tilespmem:s16], [sflag:$0x1] =	stream.indirect.gather [hbm4b:s6+s13], $0x80, s12, s13, $0xb8;
	[tilespmem:$0x18200] =	vst v63  }
0xb8: {  	_ = 	snop  }
0xb9: {  	[tilespmem:s17], [sflag:$0x1] =	stream.indirect.gather [hbm4b:s7+s13], $0x80, s2, s13, $0xb8;
	[tilespmem:$0x18200] =	vst v63  }
0xba: {  	_ = 	snop  }
0xbb: {  	[tilespmem:s18], [sflag:$0x1] =	stream.indirect.gather [hbm4b:s5+s13], $0x80, s13, s13, $0xb8;
	[tilespmem:$0x18200] =	vst v63  }
0xbc: {  	_ = 	snop  }
0xbd: {  	[tilespmem:s19], [sflag:$0x1] =	stream.indirect.gather [hbm4b:s6+s13], $0x80, s14, s13, $0xb8;
	[tilespmem:$0x18200] =	vst v63  }
0xbe: {  	_ = 	snop  }
0xbf: {  	[tilespmem:s20], [sflag:$0x1] =	stream.indirect.gather [hbm4b:s7+s13], $0x80, s13, s13, $0xb8;
	[tilespmem:$0x18200] =	vst v63  }
0xc0: {  	_ =	swait.ge [sflag:s21], $0x4000  }
0xc1: {  	[sflag:s21] =	ssyncset.done $0x0  }
0xc2: {  	[sflag:s21] =	ssyncadd.s32 $0xFFFFC000  }
0xc3: {  	_ =	swait.ge [sflag:s21], $0x4000  }
0xc4: {  	[sflag:s21] =	ssyncset.done $0x0  }
0xc5: {  	[sflag:s21] =	ssyncadd.s32 $0xFFFFC000  }
0xc6: {  	_ =	swait.ge [sflag:s21], $0x4000  }
0xc7: {  	[sflag:s21] =	ssyncset.done $0x0  }
0xc8: {  	[sflag:s21] =	ssyncadd.s32 $0xFFFFC000  }
0xc9: {  	_ =	swait.ge [sflag:s21], $0x4000  }
0xca: {  	[sflag:s21] =	ssyncset.done $0x0  }
0xcb: {  	[sflag:s21] =	ssyncadd.s32 $0xFFFFC000  }
0xcc: {  	_ =	swait.ge [sflag:s21], $0x4000  }
0xcd: {  	[sflag:s21] =	ssyncset.done $0x0  }
0xce: {  	[sflag:s21] =	ssyncadd.s32 $0xFFFFC000  }
0xcf: {  	_ =	swait.ge [sflag:s21], $0x4000  }
0xd0: {  	s25 =	rddreg [dreg:$0x2];
	[sflag:s21] =	ssyncset.done $0x0  }
0xd1: {  	s26 =	rddreg [dreg:$0x3];
	[sflag:s21] =	ssyncadd.s32 $0xFFFFC000;
	s0 =	sadd.s32 s24, s25  }
0xd2: {  	[hbm4b:s0+s2] =	stream.linear.scatter [tilespmem:s15], [sflag:$0x2], $0x4000, $0x38;
	[tilespmem:$0x18200] =	vst v63  }
0xd3: {  	s28 =	rddreg [dreg:$0x4];
	s25 =	sadd.s32 s24, s26  }
0xd4: {  	[hbm4b:s25+s2] =	stream.linear.scatter [tilespmem:s16], [sflag:$0x2], $0x4000, $0x38;
	[tilespmem:$0x18200] =	vst v63  }
0xd5: {  	s29 =	sadd.s32 s24, s28  }
0xd6: {  	[hbm4b:s29+s2] =	stream.linear.scatter [tilespmem:s17], [sflag:$0x2], $0x4000, $0x38;
	[tilespmem:$0x18200] =	vst v63  }
0xd7: {  	s0 =	sadd.s32 $0x800, s0  }
0xd8: {  	[hbm4b:s0+s2] =	stream.linear.scatter [tilespmem:s18], [sflag:$0x2], $0x4000, $0x38;
	[tilespmem:$0x18200] =	vst v63  }
0xd9: {  	s30 =	sadd.s32 $0x800, s25  }
0xda: {  	[hbm4b:s30+s2] =	stream.linear.scatter [tilespmem:s19], [sflag:$0x2], $0x4000, $0x38;
	[tilespmem:$0x18200] =	vst v63  }
0xdb: {  	s31 =	sadd.s32 $0x800, s29  }
0xdc: {  	[hbm4b:s31+s2] =	stream.linear.scatter [tilespmem:s20], [sflag:$0x2], $0x4000, $0x38;
	[tilespmem:$0x18200] =	vst v63  }
0xdd: {  	_ =	swait.ge [sflag:s22], $0x4000  }
0xde: {  	[sflag:s22] =	ssyncset.done $0x0  }
0xdf: {  	[sflag:s22] =	ssyncadd.s32 $0xFFFFC000  }
0xe0: {  	_ =	swait.ge [sflag:s22], $0x4000  }
0xe1: {  	[sflag:s22] =	ssyncset.done $0x0  }
0xe2: {  	[sflag:s22] =	ssyncadd.s32 $0xFFFFC000  }
0xe3: {  	_ =	swait.ge [sflag:s22], $0x4000  }
0xe4: {  	[sflag:s22] =	ssyncset.done $0x0  }
0xe5: {  	[sflag:s22] =	ssyncadd.s32 $0xFFFFC000  }
0xe6: {  	_ =	swait.ge [sflag:s22], $0x4000  }
0xe7: {  	[sflag:s22] =	ssyncset.done $0x0  }
0xe8: {  	s23 =	sadd.s32 $0x1, s23;
	[sflag:s22] =	ssyncadd.s32 $0xFFFFC000  }
0xe9: {  	p0 =	sne.s32 s23, s8;
	_ =	swait.ge [sflag:s22], $0x4000  }
.Ltmp1:
0xea: {  	[sflag:s22] =	ssyncset.done $0x0;
	(pc) =	sbr.rel @p0 .LBB2_1-.Ltmp1, $4  }
0xeb: {  	[sflag:s22] =	ssyncadd.s32 $0xFFFFC000  }
0xec: {  	_ =	swait.ge [sflag:s22], $0x4000  }
0xed: {  	[sflag:s22] =	ssyncset.done $0x0  }
0xee: {  	[sflag:s22] =	ssyncadd.s32 $0xFFFFC000  }
0xef: {  	_ =	sfence.sel $0x180000  }
0xf0: {  	[bflag:$0x0] =	sbarrier.arrive $0xFFFF  }
0xf1: {  	_ =	strace $0x90000056  }
0xf2: {  	[bflag:$0x2] =	sbarrier.arrive $0xFFFF  }
0xf3: {  	p0 =	sne.s32 s1, $0x0;
	s0 =	rddreg [dreg:$0x1]  }
0xf4: {  	s0 =	sadd.s32 @!p0 $0x100000, s0  }
0xf5: {  	[sflag:s0] =	ssyncadd.tile.s32 @!p0 $0x1;
	_ =	shalt  }
.Lfunc_end2:
_tile_overlayer_lowered:
.L_overlay_start_2:
0xf6: {  	(tag) =	ssettag $0x2  }
0xf7: {  	s0 =	rddreg [dreg:$0x0];
	s2 =	stileid.u32  }
0xf8: {  	s1 =	rddreg [dreg:$0x1];
	p0 =	sne.s32 s2, $0x0  }
0xf9: {  	s3 =	rddreg [dreg:$0x2];
	[bflag:$0x3] =	sbarrier.arrive $0xFFFF;
	s2 =	simm.s32 @!p0 $0x1C03  }
0xfa: {  	[timem:s3], [sflag:s2] =	dma.local @!p0 [hbm:s0], s1  }
0xfb: {  	s0 =	simm.s32 @!p0 $0x3  }
0xfc: {  	_ =	swait.ge @!p0 [sflag:s0], s1  }
0xfd: {  	s1 =	ssub.s32 @!p0 $0x0, s1;
	[sflag:s0] =	ssyncset.done @!p0 $0x0  }
0xfe: {  	[sflag:s0] =	ssyncadd.s32 @!p0 s1  }
0xff: {  	[bflag:$0x3] =	sbarrier.arrive $0xFFFF  }
0x100: {  	_ =	shalt  }

// kernel: kernel.30.cloned.1.call-start
scs
__scs_entry_jumppad:
0x0: {  	(pc) =	sbr.rel $0x88, $3  }
0x1: {  	(tag) =	ssettag $0x0;
	lr =	simm.s32 $0x1  }
0x2: {  	[smem:$0x3F93] =	sst lr;
	_ =	strace $0xD0000000  }
0x3: {  	_ = 	snop  }
0x4: {  	_ = 	snop  }
0x5: {  	_ = 	snop  }
0x6: {  	_ = 	snop  }
0x7: {  	_ = 	snop  }
__scs_overlays_trampoline_lowered:
0x8: {  	[smem:$0x3FA2] =	sst s0  }
0x9: {  	[smem:$0x3FA3] =	sst s1  }
0xa: {  	[smem:$0x3FA4] =	sst s2  }
0xb: {  	[smem:$0x3FA5] =	sst s3  }
0xc: {  	[smem:$0x3FA6] =	sst s4  }
0xd: {  	[smem:$0x3FA7] =	sst s5  }
0xe: {  	[smem:$0x3FA8] =	sst s6  }
0xf: {  	[smem:$0x3FA9] =	sst s7  }
0x10: {  	[smem:$0x3FAA] =	sst s8  }
0x11: {  	[smem:$0x3FAB] =	sst s9;
	s0 =	simm.s32 @!p0 $0x0  }
0x12: {  	s1 =	sld [smem:$0x3F91];
	s0 =	simm.s32 @p0 $0x1  }
0x13: {  	[smem:$0x3FAC] =	sst s0;
	s0 =	simm.s32 @!p1 $0x0  }
0x14: {  	s2 =	sld [smem:$0x3F90];
	s0 =	simm.s32 @p1 $0x1  }
0x15: {  	[smem:$0x3FAD] =	sst s0;
	s0 =	simm.s32 @!p2 $0x0  }
0x16: {  	s3 =	sld [smem:$0x3FDB];
	s0 =	simm.s32 @p2 $0x1  }
0x17: {  	s4 =	simm.s32 $0x1BF5;
	[smem:$0x3FAF] =	sst s0  }
0x18: {  	s0 =	sld [smem:$0x3F92];
	_ =	swait.ge [sflag:s4], $0x0  }
0x19: {  	s7 =	sld [smem:$0x3F93]  }
0x1a: {  	s8 =	sadd.s32 $0xFFFFE003, lr  }
0x1b: {  	s9 =	sadd.s32 $0xFFFFFEF7, lr;
	s5 =	simm.s32 $0xFFFFFFFF;
	p2 =	slt.u32 s8, $0xFFFFF086  }
0x1c: {  	p1 =	slt.u32 s9, $0xF7A;
	s5 =	simm.s32 @!p2 $0x0  }
0x1d: {  	s5 =	simm.s32 @p1 $0x1;
	p0 =	seq.s32 s7, s2  }
0x1e: {  	s7 =	smul.u32 @!p0 $0xF7A, s2;
	p2 =	seq.s32 @!p0 s5, $0x0  }
0x1f: {  	s9 =	smul.u32 $0xF7A, s1;
	s8 =	simm.s32 @!p0 $0x1BF5;
	p2 =	por !p2, p0  }
0x20: {  	[sflag:s8] =	ssyncset.s32 @!p0 $0xFFFFF086;
	s6 =	sadd.s32 @!p0 s3, s7;
	s7 =	simm.s32 @!p0 $0x108  }
0x21: {  	s3 =	sadd.s32 s3, s9;
	s6 =	sadd.s32 @!p0 $0x88, s6;
	s7 =	simm.s32 @p2 $0x1082  }
0x22: {  	[simem:s7], [sflag:s8] =	dma.local @!p0 [hbm:s6], $0xF7A  }
0x23: {  	s9 =	sor.u32 $0xD0000000, s2;
	s6 =	simm.s32 $0x108;
	_ =	swait.ge @!p0 [sflag:s8], $0x0  }
0x24: {  	s3 =	sadd.s32 $0x88, s3;
	s6 =	simm.s32 @!p1 $0x1082;
	[sflag:s4] =	ssyncset.s32 $0xFFFFF086  }
0x25: {  	[simem:s6], [sflag:s4] =	dma.local [hbm:s3], $0xF7A  }
0x26: {  	[smem:$0x3F93] =	sst s1;
	(tag) =	ssettag s2;
	_ =	strace s9  }
0x27: {  	s1 =	sld [smem:$0x3FA3]  }
0x28: {  	s2 =	sld [smem:$0x3FA4]  }
0x29: {  	s4 =	sld [smem:$0x3FA6]  }
0x2a: {  	p0 =	seq.s32 s5, $0x0;
	s5 =	sld [smem:$0x3FA7]  }
0x2b: {  	s6 =	sld [smem:$0x3FA8]  }
0x2c: {  	s7 =	sld [smem:$0x3FA9]  }
0x2d: {  	s3 =	simm.s32 $0x108;
	s8 =	sld [smem:$0x3FAA]  }
0x2e: {  	s3 =	simm.s32 @!p0 $0x1082;
	s9 =	sld [smem:$0x3FAB]  }
0x2f: {  	lr =	sadd.s32 s0, s3;
	s0 =	sld [smem:$0x3FA2]  }
0x30: {  	s3 =	sld [smem:$0x3FA5]  }
0x31: {  	[smem:$0x3FAE] =	sst s10  }
0x32: {  	s10 =	sld [smem:$0x3FAC];
	_ =	sdelay $0x3  }
0x33: {  	p0 =	seq.s32 s10, $0x1;
	s10 =	sld [smem:$0x3FAE];
	_ =	sdelay $0x3  }
0x34: {  	[smem:$0x3FAE] =	sst s10  }
0x35: {  	s10 =	sld [smem:$0x3FAD];
	_ =	sdelay $0x3  }
0x36: {  	p1 =	seq.s32 s10, $0x1;
	s10 =	sld [smem:$0x3FAE];
	_ =	sdelay $0x3  }
0x37: {  	[smem:$0x3FAE] =	sst s10  }
0x38: {  	s10 =	sld [smem:$0x3FAF]  }
0x39: {  	_ = 	snop;
	(pc) =	sbr.ind lr, $3  }
0x3a: {  	_ = 	snop  }
0x3b: {  	_ = 	snop  }
0x3c: {  	p2 =	seq.s32 s10, $0x1;
	s10 =	sld [smem:$0x3FAE]  }
0x3d: {  	_ =	shalt  }
0x3e: {  	_ =	shalt  }
0x3f: {  	_ =	shalt  }
0x40: {  	_ =	shalt  }
0x41: {  	_ =	shalt  }
0x42: {  	_ =	shalt  }
0x43: {  	_ =	shalt  }
0x44: {  	_ =	shalt  }
0x45: {  	_ =	shalt  }
0x46: {  	_ =	shalt  }
0x47: {  	_ =	shalt  }
0x48: {  	_ =	shalt  }
0x49: {  	_ =	shalt  }
0x4a: {  	_ =	shalt  }
0x4b: {  	_ =	shalt  }
0x4c: {  	_ =	shalt  }
0x4d: {  	_ =	shalt  }
0x4e: {  	_ =	shalt  }
0x4f: {  	_ =	shalt  }
0x50: {  	_ =	shalt  }
0x51: {  	_ =	shalt  }
0x52: {  	_ =	shalt  }
0x53: {  	_ =	shalt  }
0x54: {  	_ =	shalt  }
0x55: {  	_ =	shalt  }
0x56: {  	_ =	shalt  }
0x57: {  	_ =	shalt  }
0x58: {  	_ =	shalt  }
0x59: {  	_ =	shalt  }
0x5a: {  	_ =	shalt  }
0x5b: {  	_ =	shalt  }
0x5c: {  	_ =	shalt  }
0x5d: {  	_ =	shalt  }
0x5e: {  	_ =	shalt  }
0x5f: {  	_ =	shalt  }
0x60: {  	_ =	shalt  }
0x61: {  	_ =	shalt  }
0x62: {  	_ =	shalt  }
0x63: {  	_ =	shalt  }
0x64: {  	_ =	shalt  }
0x65: {  	_ =	shalt  }
0x66: {  	_ =	shalt  }
0x67: {  	_ =	shalt  }
0x68: {  	_ =	shalt  }
0x69: {  	_ =	shalt  }
0x6a: {  	_ =	shalt  }
0x6b: {  	_ =	shalt  }
0x6c: {  	_ =	shalt  }
0x6d: {  	_ =	shalt  }
0x6e: {  	_ =	shalt  }
0x6f: {  	_ =	shalt  }
0x70: {  	_ =	shalt  }
0x71: {  	_ =	shalt  }
0x72: {  	_ =	shalt  }
0x73: {  	_ =	shalt  }
0x74: {  	_ =	shalt  }
0x75: {  	_ =	shalt  }
0x76: {  	_ =	shalt  }
0x77: {  	_ =	shalt  }
0x78: {  	_ =	shalt  }
0x79: {  	_ =	shalt  }
0x7a: {  	_ =	shalt  }
0x7b: {  	_ =	shalt  }
0x7c: {  	_ =	shalt  }
0x7d: {  	_ =	shalt  }
0x7e: {  	_ =	shalt  }
0x7f: {  	_ =	shalt  }
0x80: {  	_ =	shalt  }
0x81: {  	_ =	shalt  }
0x82: {  	_ =	shalt  }
0x83: {  	_ =	shalt  }
0x84: {  	_ =	shalt  }
0x85: {  	_ =	shalt  }
0x86: {  	_ =	shalt  }
0x87: {  	_ =	shalt  }
.Lfunc_end0:
.L_simem_size_0:
called_computation.6_lowered:
.L_overlay_start_0:
0x88: {  	s2 =	sld [smem:$0x3FD9]  }
0x89: {  	s3 =	sld [smem:$0x3FFE];
	_ =	sdelay $0x1  }
0x8a: {  	s1 =	srdreg.scid  }
0x8b: {  	s0 =	sand.u32 $0x1, s1  }
0x8c: {  	s16 =	sshll.u32 s0, $0xA;
	s2 =	sadd.s32 s3, s2  }
0x8d: {  	s2 =	sadd.s32 s2, s16  }
0x8e: {  	[smem:$0x3FBA] =	sst s2  }
0x8f: {  	_ = 	snop  }
0x90: {  	(tm) =	ssettm $0x1  }
0x91: {  	s17 =	sld [smem:$0x3FFB];
	_ =	sdelay $0x3  }
0x92: {  	_ =	strace s17  }
0x93: {  	s2 =	sld [smem:$0x3FFC];
	_ =	sdelay $0x3  }
0x94: {  	_ =	strace s2  }
0x95: {  	s2 =	sld [smem:$0x3FFD];
	_ =	sdelay $0x3  }
0x96: {  	_ =	strace s2  }
0x97: {  	_ =	strace $0x8FFFFFFF  }
0x98: {  	s18 =	sld [smem:$0x3FDB];
	_ =	sdelay $0x1  }
0x99: {  	s19 =	simm.s32 $_scs_section_size  }
0x9a: {  	s4 =	simm.s32 $_size__tile_overlayer_lowered;
	s5 =	simm.s32 $_tile_overlayer_lowered  }
0x9b: {  	s22 =	simm.s32 $0x1BFF;
	s21 =	sshll.u32 s5, $0x1;
	s2 =	sadd.s32 s19, s18  }
0x9c: {  	s6 =	simm.s32 $0x0;
	s20 =	sshll.u32 s4, $0x1;
	s4 =	sadd.s32 s21, s2  }
0x9d: {  	[timem:s6], [sflag:s22] =	dma.local [hbm:s4], s20  }
0x9e: {  	_ =	swait.ge [sflag:s22], s20  }
0x9f: {  	s3 =	ssub.s32 $0x0, s20;
	[sflag:s22] =	ssyncset.done $0x0  }
0xa0: {  	[sflag:s22] =	ssyncadd.s32 s3;
	_ =	sdelay $0x1  }
0xa1: {  	s23 =	simm.s32 $0x1B8B  }
0xa2: {  	_ =	swait.ge [sflag:s23], $0x1  }
0xa3: {  	[sflag:s23] =	ssyncset.done $0x0  }
0xa4: {  	s25 =	simm.s32 $0x1B8E;
	s24 =	sld [smem:$0x3FFE];
	[sflag:s23] =	ssyncadd.s32 $0xFFFFFFFF  }
0xa5: {  	s26 =	simm.s32 $execute0_lowered;
	[smem:$0x3FD2] =	sst s25  }
0xa6: {  	s4 =	sshll.u32 s26, $0x1;
	_ =	strace $0x80000058;
	[dreg:$0x1] =	wrdreg $0xFFFFFFFF  }
0xa7: {  	s28 =	simm.s32 $_size_execute0_lowered;
	s2 =	sadd.s32 s2, s4;
	[dreg:$0x0] =	wrdreg $0x0  }
0xa8: {  	s4 =	sshll.u32 s28, $0x1;
	[dreg:$0x2] =	wrdreg s2  }
0xa9: {  	[dreg:$0x3] =	wrdreg s4  }
0xaa: {  	[dreg:$0x4] =	wrdreg $0xC0  }
0xab: {  	_ =	task [dreg:s6], $0x5FFFF  }
0xac: {  	[dreg:$0x1] =	wrdreg $0xFFFFFFFF  }
0xad: {  	[dreg:$0x0] =	wrdreg $0x60  }
0xae: {  	[dreg:$0x2] =	wrdreg s24  }
0xaf: {  	[dreg:$0x3] =	wrdreg $0x81000  }
0xb0: {  	[dreg:$0x4] =	wrdreg $0x9  }
0xb1: {  	_ =	task.clear_ibuf [dreg:s6], $0x5FFFF;
	_ =	strace $0x90000058  }
0xb2: {  	s29 =	simm.s32 $0x9;
	_ =	strace $0x8000005A  }
0xb3: {  	_ =	swait.ge [sflag:s29], $0x1  }
0xb4: {  	[sflag:s29] =	ssyncadd.s32 $0xFFFFFFFF  }
0xb5: {  	_ =	strace $0x9000005A  }
0xb6: {  	_ =	sfence  }
0xb7: {  	s30 =	sld [smem:$0x0];
	_ =	sdelay $0x2  }
0xb8: {  	s31 =	sshll.u32 s1, $0xD;
	s1 =	sshrl.u32 s1, $0x2  }
0xb9: {  	s3 =	sand.u32 $0x4000, s31;
	s1 =	sadd.s32 s1, s30  }
0xba: {  	s0 =	sor.u32 s3, s0;
	s1 =	sshll.u32 s1, $0x11  }
0xbb: {  	s0 =	sor.u32 s1, s0  }
0xbc: {  	s0 =	sadd.s32 $0x8F2B, s0  }
0xbd: {  	[sflag:s0] =	ssyncadd.remote.s32 $0x1  }
0xbe: {  	_ =	sfence.sel $0xFFFF  }
0xbf: {  	[dreg:$0x0] =	wrdreg $0xFFFFFFFF;
	(pc) =	sbr.abs _section_cstart, $3  }
0xc0: {  	[dreg:$0x1] =	wrdreg $0xFFFFFFFF  }
0xc1: {  	_ =	task.clear_ibuf [dreg:s6], $0x2FFFF;
	_ =	strace $0x9FFFFFFF  }
0xc2: {  	(tm) =	ssettm $0x7FFFFFFF  }
0xc3: {  	_ =	shalt  }
tec
execute0_lowered:
.L_overlay_start_1:
0x0: {  	(tag) =	ssettag $0x1  }
0x1: {  	s3 =	rddreg [dreg:$0x0]  }
0x2: {  	s1 =	rddreg [dreg:$0x1]  }
0x3: {  	s0 =	rddreg [dreg:$0x2];
	s8 =	stileid.u32  }
0x4: {  	s4 =	srdreg.scid;
	s2 =	simm.s32 $0x0;
	s14 =	simm.s32 $0x1  }
0x5: {  	s15 =	simm.s32 $0x2;
	s16 =	simm.s32 $0x0;
	s5 =	smul.u32 $0x28000, s8  }
0x6: {  	s4 =	sand.u32 $0x1, s4;
	[smem:$0x7FF] =	sst s2;
	s11 =	smul.u32 $0x2800, s8  }
0x7: {  	s9 =	sadd.s32 $0x66400, s3;
	p0 =	sne.s32 s8, $0x0;
	s6 =	smul.u32 $0x28000, s4  }
0x8: {  	_ =	strace $0x80000059;
	s7 =	smul.u32 $0x14000, s4;
	s26 =	ssub.s32 $0x2, s4  }
0x9: {  	s13 =	smul.u32 $0x1400, s4;
	s10 =	sadd.s32 s5, s3;
	s12 =	sshrl.u32 s26, $0x1  }
0xa: {  	s6 =	sadd.s32 s6, s3;
	s3 =	sadd.s32 $0x2F1C00, s3;
	s5 =	ssub.s32 s26, s12  }
0xb: {  	s28 =	sadd.s32 s7, s10;
	s29 =	sadd.s32 s13, s11;
	s10 =	simm.s32 $0x3  }
0xc: {  	s12 =	simm.s32 $0x100;
	s13 =	simm.s32 $0x4100;
	s4 =	sadd.s32 $0x319C00, s6  }
0xd: {  	s5 =	smax.u32 s5, $0x1;
	s30 =	sshrl.u32 s29, $0x3;
	s11 =	sor.u32 $0x80, s29  }
0xe: {  	s6 =	sadd.s32 $0x6B400, s28;
	s7 =	sadd.s32 s30, s9;
	s31 =	sshrl.u32 s11, $0x3  }
0xf: {  	s11 =	simm.s32 $0x80;
	s8 =	sadd.s32 s31, s9;
	s9 =	sshrl.u32 @!p0 s1, $0x3  }
.LBB2_1:
0x10: {  	s17 =	simm.s32 @!p0 $0x1C03  }
0x11: {  	[spmem:s9], [sflag:s17] =	dma.local @!p0 [hbm:s3], $0x28000  }
0x12: {  	s17 =	simm.s32 @!p0 $0x3  }
0x13: {  	_ =	swait.ge @!p0 [sflag:s17], $0x28000  }
0x14: {  	[sflag:s17] =	ssyncset.done @!p0 $0x0  }
0x15: {  	[sflag:s17] =	ssyncadd.s32 @!p0 $0xFFFD8000  }
0x16: {  	s29 =	sadd.s32 $0x0, s7;
	[bflag:$0x0] =	sbarrier.arrive $0xFFFF  }
0x17: {  	[tilespmem:s2], [sflag:$0x3] =	stream.linear.gather [hbm4b:s29+s2], $0x80, $0x38;
	[tilespmem:$0x1C100] =	vst v63  }
0x18: {  	_ =	swait.ge [sflag:s10], $0x80  }
0x19: {  	[sflag:s10] =	ssyncset.done $0x0  }
0x1a: {  	s30 =	sadd.s32 $0x0, s8;
	[sflag:s10] =	ssyncadd.s32 $0xFFFFFF80  }
0x1b: {  	[tilespmem:s11], [sflag:$0x3] =	stream.linear.gather [hbm4b:s30+s2], $0x80, $0x38;
	[tilespmem:$0x1C100] =	vst v63  }
0x1c: {  	_ =	swait.ge [sflag:s10], $0x80  }
0x1d: {  	[sflag:s10] =	ssyncset.done $0x0  }
0x1e: {  	[sflag:s10] =	ssyncadd.s32 $0xFFFFFF80  }
0x1f: {  	[tilespmem:s12], [sflag:$0x1] =	stream.linear.gather [hbm4b:s6+s2], $0x4000, $0x38;
	[tilespmem:$0x1C100] =	vst v63  }
0x20: {  	s31 =	sadd.s32 $0x800, s6  }
0x21: {  	[tilespmem:s13], [sflag:$0x1] =	stream.linear.gather [hbm4b:s31+s2], $0x4000, $0x38;
	[tilespmem:$0x1C100] =	vst v63  }
0x22: {  	_ =	swait.ge [sflag:s14], $0x4000  }
0x23: {  	[sflag:s14] =	ssyncset.done $0x0  }
0x24: {  	[sflag:s14] =	ssyncadd.s32 $0xFFFFC000  }
0x25: {  	[spmem:s1] =	stream.indirect.scatter.add.f32 [tilespmem:s12], [sflag:$0x2], $0x80, s2, s11, $0xb8;
	[tilespmem:$0x1C100] =	vst v63  }
0x26: {  	_ =	swait.ge [sflag:s14], $0x4000  }
0x27: {  	[sflag:s14] =	ssyncset.done $0x0  }
0x28: {  	[sflag:s14] =	ssyncadd.s32 $0xFFFFC000  }
0x29: {  	[spmem:s1] =	stream.indirect.scatter.add.f32 [tilespmem:s13], [sflag:$0x2], $0x80, s11, s11, $0xb8;
	[tilespmem:$0x1C100] =	vst v63  }
0x2a: {  	_ =	swait.ge [sflag:s15], $0x4000  }
0x2b: {  	[sflag:s15] =	ssyncset.done $0x0  }
0x2c: {  	[sflag:s15] =	ssyncadd.s32 $0xFFFFC000  }
0x2d: {  	s18 =	simm.s32 $0x20;
	_ =	swait.ge [sflag:s15], $0x4000  }
0x2e: {  	s19 =	simm.s32 $0x40;
	s17 =	sadd.s32 $0x1000, s6;
	[sflag:s15] =	ssyncset.done $0x0  }
.LBB2_2:
0x2f: {  	s20 =	sadd.s32 s18, s7  }
0x30: {  	[sflag:s15] =	ssyncadd.s32 $0xFFFFC000;
	s21 =	smov.u32 s19;
	s22 =	sadd.s32 $0x20, s19  }
0x31: {  	[tilespmem:s2], [sflag:$0x3] =	stream.linear.gather [hbm4b:s20+s2], $0x80, $0x38;
	[tilespmem:$0x1C100] =	vst v63  }
0x32: {  	p1 =	sne.s32 s19, $0x260;
	_ =	swait.ge [sflag:s10], $0x80  }
0x33: {  	[sflag:s10] =	ssyncset.done $0x0  }
0x34: {  	s19 =	sadd.s32 s18, s8;
	s18 =	smov.u32 s21;
	[sflag:s10] =	ssyncadd.s32 $0xFFFFFF80  }
0x35: {  	[tilespmem:s11], [sflag:$0x3] =	stream.linear.gather [hbm4b:s19+s2], $0x80, $0x38;
	[tilespmem:$0x1C100] =	vst v63  }
0x36: {  	_ =	swait.ge [sflag:s10], $0x80  }
0x37: {  	[sflag:s10] =	ssyncset.done $0x0  }
0x38: {  	[sflag:s10] =	ssyncadd.s32 $0xFFFFFF80  }
0x39: {  	[tilespmem:s12], [sflag:$0x1] =	stream.linear.gather [hbm4b:s17+s2], $0x4000, $0x38;
	[tilespmem:$0x1C100] =	vst v63  }
0x3a: {  	s19 =	sadd.s32 $0x800, s17  }
0x3b: {  	[tilespmem:s13], [sflag:$0x1] =	stream.linear.gather [hbm4b:s19+s2], $0x4000, $0x38;
	[tilespmem:$0x1C100] =	vst v63  }
0x3c: {  	_ =	swait.ge [sflag:s14], $0x4000  }
0x3d: {  	[sflag:s14] =	ssyncset.done $0x0  }
0x3e: {  	[sflag:s14] =	ssyncadd.s32 $0xFFFFC000  }
0x3f: {  	[spmem:s1] =	stream.indirect.scatter.add.f32 [tilespmem:s12], [sflag:$0x2], $0x80, s2, s11, $0xb8;
	[tilespmem:$0x1C100] =	vst v63  }
0x40: {  	_ =	swait.ge [sflag:s14], $0x4000  }
0x41: {  	[sflag:s14] =	ssyncset.done $0x0  }
0x42: {  	[sflag:s14] =	ssyncadd.s32 $0xFFFFC000  }
0x43: {  	[spmem:s1] =	stream.indirect.scatter.add.f32 [tilespmem:s13], [sflag:$0x2], $0x80, s11, s11, $0xb8;
	[tilespmem:$0x1C100] =	vst v63  }
.Ltmp0:
0x44: {  	_ =	swait.ge [sflag:s15], $0x4000;
	(pc) =	sbr.rel @p1 .LBB2_2-.Ltmp0, $4  }
0x45: {  	[sflag:s15] =	ssyncset.done $0x0  }
0x46: {  	[sflag:s15] =	ssyncadd.s32 $0xFFFFC000  }
0x47: {  	_ =	swait.ge [sflag:s15], $0x4000  }
0x48: {  	s17 =	sadd.s32 $0x1000, s17;
	s19 =	smov.u32 s22;
	[sflag:s15] =	ssyncset.done $0x0  }
0x49: {  	s19 =	sadd.s32 s18, s7;
	[sflag:s15] =	ssyncadd.s32 $0xFFFFC000  }
0x4a: {  	[tilespmem:s2], [sflag:$0x3] =	stream.linear.gather [hbm4b:s19+s2], $0x80, $0x38;
	[tilespmem:$0x1C100] =	vst v63  }
0x4b: {  	_ =	swait.ge [sflag:s10], $0x80  }
0x4c: {  	[sflag:s10] =	ssyncset.done $0x0  }
0x4d: {  	s30 =	sadd.s32 s18, s8;
	[sflag:s10] =	ssyncadd.s32 $0xFFFFFF80  }
0x4e: {  	[tilespmem:s11], [sflag:$0x3] =	stream.linear.gather [hbm4b:s30+s2], $0x80, $0x38;
	[tilespmem:$0x1C100] =	vst v63  }
0x4f: {  	_ =	swait.ge [sflag:s10], $0x80  }
0x50: {  	[sflag:s10] =	ssyncset.done $0x0  }
0x51: {  	[sflag:s10] =	ssyncadd.s32 $0xFFFFFF80  }
0x52: {  	[tilespmem:s12], [sflag:$0x1] =	stream.linear.gather [hbm4b:s17+s2], $0x4000, $0x38;
	[tilespmem:$0x1C100] =	vst v63  }
0x53: {  	s31 =	sadd.s32 $0x800, s17  }
0x54: {  	[tilespmem:s13], [sflag:$0x1] =	stream.linear.gather [hbm4b:s31+s2], $0x4000, $0x38;
	[tilespmem:$0x1C100] =	vst v63  }
0x55: {  	_ =	swait.ge [sflag:s14], $0x4000  }
0x56: {  	[sflag:s14] =	ssyncset.done $0x0  }
0x57: {  	[sflag:s14] =	ssyncadd.s32 $0xFFFFC000  }
0x58: {  	[spmem:s1] =	stream.indirect.scatter.add.f32 [tilespmem:s12], [sflag:$0x2], $0x80, s2, s11, $0xb8;
	[tilespmem:$0x1C100] =	vst v63  }
0x59: {  	_ =	swait.ge [sflag:s14], $0x4000  }
0x5a: {  	[sflag:s14] =	ssyncset.done $0x0  }
0x5b: {  	[sflag:s14] =	ssyncadd.s32 $0xFFFFC000  }
0x5c: {  	[spmem:s1] =	stream.indirect.scatter.add.f32 [tilespmem:s13], [sflag:$0x2], $0x80, s11, s11, $0xb8;
	[tilespmem:$0x1C100] =	vst v63  }
0x5d: {  	_ =	swait.ge [sflag:s15], $0x4000  }
0x5e: {  	[sflag:s15] =	ssyncset.done $0x0  }
0x5f: {  	[sflag:s15] =	ssyncadd.s32 $0xFFFFC000  }
0x60: {  	_ =	swait.ge [sflag:s15], $0x4000  }
0x61: {  	[sflag:s15] =	ssyncset.done $0x0  }
0x62: {  	s16 =	sadd.s32 $0x1, s16;
	[sflag:s15] =	ssyncadd.s32 $0xFFFFC000  }
0x63: {  	p1 =	sne.s32 s16, s5;
	s17 =	simm.s32 @!p0 $0x1C03;
	[bflag:$0x0] =	sbarrier.arrive $0xFFFF  }
0x64: {  	[hbm:s4], [sflag:s17] =	dma.local @!p0 [spmem:s9], $0x28000  }
.Ltmp1:
0x65: {  	_ = 	snop;
	(pc) =	sbr.rel @p1 .LBB2_1-.Ltmp1, $4  }
0x66: {  	s17 =	simm.s32 @!p0 $0x3  }
0x67: {  	_ =	swait.ge @!p0 [sflag:s17], $0x28000  }
0x68: {  	[sflag:s17] =	ssyncset.done @!p0 $0x0  }
0x69: {  	[sflag:s17] =	ssyncadd.s32 @!p0 $0xFFFD8000  }
0x6a: {  	_ =	sfence.sel $0x180000  }
0x6b: {  	[bflag:$0x0] =	sbarrier.arrive $0xFFFF  }
0x6c: {  	_ =	strace $0x90000059  }
0x6d: {  	s0 =	sadd.s32 @!p0 $0x100000, s0;
	[bflag:$0x2] =	sbarrier.arrive $0xFFFF  }
0x6e: {  	[sflag:s0] =	ssyncadd.tile.s32 @!p0 $0x1;
	_ =	shalt  }
.Lfunc_end2:
_tile_overlayer_lowered:
.L_overlay_start_2:
0x6f: {  	(tag) =	ssettag $0x2  }
0x70: {  	s0 =	rddreg [dreg:$0x0];
	s2 =	stileid.u32  }
0x71: {  	s1 =	rddreg [dreg:$0x1];
	p0 =	sne.s32 s2, $0x0  }
0x72: {  	s3 =	rddreg [dreg:$0x2];
	[bflag:$0x3] =	sbarrier.arrive $0xFFFF;
	s2 =	simm.s32 @!p0 $0x1C03  }
0x73: {  	[timem:s3], [sflag:s2] =	dma.local @!p0 [hbm:s0], s1  }
0x74: {  	s0 =	simm.s32 @!p0 $0x3  }
0x75: {  	_ =	swait.ge @!p0 [sflag:s0], s1  }
0x76: {  	s1 =	ssub.s32 @!p0 $0x0, s1;
	[sflag:s0] =	ssyncset.done @!p0 $0x0  }
0x77: {  	[sflag:s0] =	ssyncadd.s32 @!p0 s1  }
0x78: {  	[bflag:$0x3] =	sbarrier.arrive $0xFFFF  }
0x79: {  	_ =	shalt  }

// kernel: kernel.33.cloned.1.call-start
scs
__scs_entry_jumppad:
0x0: {  	(pc) =	sbr.rel $0x88, $3  }
0x1: {  	(tag) =	ssettag $0x0;
	lr =	simm.s32 $0x1  }
0x2: {  	[smem:$0x3F93] =	sst lr;
	_ =	strace $0xD0000000  }
0x3: {  	_ = 	snop  }
0x4: {  	_ = 	snop  }
0x5: {  	_ = 	snop  }
0x6: {  	_ = 	snop  }
0x7: {  	_ = 	snop  }
__scs_overlays_trampoline_lowered:
0x8: {  	[smem:$0x3FA2] =	sst s0  }
0x9: {  	[smem:$0x3FA3] =	sst s1  }
0xa: {  	[smem:$0x3FA4] =	sst s2  }
0xb: {  	[smem:$0x3FA5] =	sst s3  }
0xc: {  	[smem:$0x3FA6] =	sst s4  }
0xd: {  	[smem:$0x3FA7] =	sst s5  }
0xe: {  	[smem:$0x3FA8] =	sst s6  }
0xf: {  	[smem:$0x3FA9] =	sst s7  }
0x10: {  	[smem:$0x3FAA] =	sst s8  }
0x11: {  	[smem:$0x3FAB] =	sst s9;
	s0 =	simm.s32 @!p0 $0x0  }
0x12: {  	s1 =	sld [smem:$0x3F91];
	s0 =	simm.s32 @p0 $0x1  }
0x13: {  	[smem:$0x3FAC] =	sst s0;
	s0 =	simm.s32 @!p1 $0x0  }
0x14: {  	s2 =	sld [smem:$0x3F90];
	s0 =	simm.s32 @p1 $0x1  }
0x15: {  	[smem:$0x3FAD] =	sst s0;
	s0 =	simm.s32 @!p2 $0x0  }
0x16: {  	s3 =	sld [smem:$0x3FDB];
	s0 =	simm.s32 @p2 $0x1  }
0x17: {  	s4 =	simm.s32 $0x1BF5;
	[smem:$0x3FAF] =	sst s0  }
0x18: {  	s0 =	sld [smem:$0x3F92];
	_ =	swait.ge [sflag:s4], $0x0  }
0x19: {  	s7 =	sld [smem:$0x3F93]  }
0x1a: {  	s8 =	sadd.s32 $0xFFFFE003, lr  }
0x1b: {  	s9 =	sadd.s32 $0xFFFFFEF7, lr;
	s5 =	simm.s32 $0xFFFFFFFF;
	p2 =	slt.u32 s8, $0xFFFFF086  }
0x1c: {  	p1 =	slt.u32 s9, $0xF7A;
	s5 =	simm.s32 @!p2 $0x0  }
0x1d: {  	s5 =	simm.s32 @p1 $0x1;
	p0 =	seq.s32 s7, s2  }
0x1e: {  	s7 =	smul.u32 @!p0 $0xF7A, s2;
	p2 =	seq.s32 @!p0 s5, $0x0  }
0x1f: {  	s9 =	smul.u32 $0xF7A, s1;
	s8 =	simm.s32 @!p0 $0x1BF5;
	p2 =	por !p2, p0  }
0x20: {  	[sflag:s8] =	ssyncset.s32 @!p0 $0xFFFFF086;
	s6 =	sadd.s32 @!p0 s3, s7;
	s7 =	simm.s32 @!p0 $0x108  }
0x21: {  	s3 =	sadd.s32 s3, s9;
	s6 =	sadd.s32 @!p0 $0x88, s6;
	s7 =	simm.s32 @p2 $0x1082  }
0x22: {  	[simem:s7], [sflag:s8] =	dma.local @!p0 [hbm:s6], $0xF7A  }
0x23: {  	s9 =	sor.u32 $0xD0000000, s2;
	s6 =	simm.s32 $0x108;
	_ =	swait.ge @!p0 [sflag:s8], $0x0  }
0x24: {  	s3 =	sadd.s32 $0x88, s3;
	s6 =	simm.s32 @!p1 $0x1082;
	[sflag:s4] =	ssyncset.s32 $0xFFFFF086  }
0x25: {  	[simem:s6], [sflag:s4] =	dma.local [hbm:s3], $0xF7A  }
0x26: {  	[smem:$0x3F93] =	sst s1;
	(tag) =	ssettag s2;
	_ =	strace s9  }
0x27: {  	s1 =	sld [smem:$0x3FA3]  }
0x28: {  	s2 =	sld [smem:$0x3FA4]  }
0x29: {  	s4 =	sld [smem:$0x3FA6]  }
0x2a: {  	p0 =	seq.s32 s5, $0x0;
	s5 =	sld [smem:$0x3FA7]  }
0x2b: {  	s6 =	sld [smem:$0x3FA8]  }
0x2c: {  	s7 =	sld [smem:$0x3FA9]  }
0x2d: {  	s3 =	simm.s32 $0x108;
	s8 =	sld [smem:$0x3FAA]  }
0x2e: {  	s3 =	simm.s32 @!p0 $0x1082;
	s9 =	sld [smem:$0x3FAB]  }
0x2f: {  	lr =	sadd.s32 s0, s3;
	s0 =	sld [smem:$0x3FA2]  }
0x30: {  	s3 =	sld [smem:$0x3FA5]  }
0x31: {  	[smem:$0x3FAE] =	sst s10  }
0x32: {  	s10 =	sld [smem:$0x3FAC];
	_ =	sdelay $0x3  }
0x33: {  	p0 =	seq.s32 s10, $0x1;
	s10 =	sld [smem:$0x3FAE];
	_ =	sdelay $0x3  }
0x34: {  	[smem:$0x3FAE] =	sst s10  }
0x35: {  	s10 =	sld [smem:$0x3FAD];
	_ =	sdelay $0x3  }
0x36: {  	p1 =	seq.s32 s10, $0x1;
	s10 =	sld [smem:$0x3FAE];
	_ =	sdelay $0x3  }
0x37: {  	[smem:$0x3FAE] =	sst s10  }
0x38: {  	s10 =	sld [smem:$0x3FAF]  }
0x39: {  	_ = 	snop;
	(pc) =	sbr.ind lr, $3  }
0x3a: {  	_ = 	snop  }
0x3b: {  	_ = 	snop  }
0x3c: {  	p2 =	seq.s32 s10, $0x1;
	s10 =	sld [smem:$0x3FAE]  }
0x3d: {  	_ =	shalt  }
0x3e: {  	_ =	shalt  }
0x3f: {  	_ =	shalt  }
0x40: {  	_ =	shalt  }
0x41: {  	_ =	shalt  }
0x42: {  	_ =	shalt  }
0x43: {  	_ =	shalt  }
0x44: {  	_ =	shalt  }
0x45: {  	_ =	shalt  }
0x46: {  	_ =	shalt  }
0x47: {  	_ =	shalt  }
0x48: {  	_ =	shalt  }
0x49: {  	_ =	shalt  }
0x4a: {  	_ =	shalt  }
0x4b: {  	_ =	shalt  }
0x4c: {  	_ =	shalt  }
0x4d: {  	_ =	shalt  }
0x4e: {  	_ =	shalt  }
0x4f: {  	_ =	shalt  }
0x50: {  	_ =	shalt  }
0x51: {  	_ =	shalt  }
0x52: {  	_ =	shalt  }
0x53: {  	_ =	shalt  }
0x54: {  	_ =	shalt  }
0x55: {  	_ =	shalt  }
0x56: {  	_ =	shalt  }
0x57: {  	_ =	shalt  }
0x58: {  	_ =	shalt  }
0x59: {  	_ =	shalt  }
0x5a: {  	_ =	shalt  }
0x5b: {  	_ =	shalt  }
0x5c: {  	_ =	shalt  }
0x5d: {  	_ =	shalt  }
0x5e: {  	_ =	shalt  }
0x5f: {  	_ =	shalt  }
0x60: {  	_ =	shalt  }
0x61: {  	_ =	shalt  }
0x62: {  	_ =	shalt  }
0x63: {  	_ =	shalt  }
0x64: {  	_ =	shalt  }
0x65: {  	_ =	shalt  }
0x66: {  	_ =	shalt  }
0x67: {  	_ =	shalt  }
0x68: {  	_ =	shalt  }
0x69: {  	_ =	shalt  }
0x6a: {  	_ =	shalt  }
0x6b: {  	_ =	shalt  }
0x6c: {  	_ =	shalt  }
0x6d: {  	_ =	shalt  }
0x6e: {  	_ =	shalt  }
0x6f: {  	_ =	shalt  }
0x70: {  	_ =	shalt  }
0x71: {  	_ =	shalt  }
0x72: {  	_ =	shalt  }
0x73: {  	_ =	shalt  }
0x74: {  	_ =	shalt  }
0x75: {  	_ =	shalt  }
0x76: {  	_ =	shalt  }
0x77: {  	_ =	shalt  }
0x78: {  	_ =	shalt  }
0x79: {  	_ =	shalt  }
0x7a: {  	_ =	shalt  }
0x7b: {  	_ =	shalt  }
0x7c: {  	_ =	shalt  }
0x7d: {  	_ =	shalt  }
0x7e: {  	_ =	shalt  }
0x7f: {  	_ =	shalt  }
0x80: {  	_ =	shalt  }
0x81: {  	_ =	shalt  }
0x82: {  	_ =	shalt  }
0x83: {  	_ =	shalt  }
0x84: {  	_ =	shalt  }
0x85: {  	_ =	shalt  }
0x86: {  	_ =	shalt  }
0x87: {  	_ =	shalt  }
.Lfunc_end0:
.L_simem_size_0:
called_computation.7_lowered:
.L_overlay_start_0:
0x88: {  	s2 =	sld [smem:$0x3FD9]  }
0x89: {  	s3 =	sld [smem:$0x3FFE];
	_ =	sdelay $0x1  }
0x8a: {  	s1 =	srdreg.scid  }
0x8b: {  	s0 =	sand.u32 $0x1, s1  }
0x8c: {  	s17 =	sshll.u32 s0, $0xA;
	s2 =	sadd.s32 s3, s2  }
0x8d: {  	s2 =	sadd.s32 s2, s17  }
0x8e: {  	[smem:$0x3FBA] =	sst s2  }
0x8f: {  	_ = 	snop  }
0x90: {  	(tm) =	ssettm $0x1  }
0x91: {  	s18 =	sld [smem:$0x3FFB];
	_ =	sdelay $0x3  }
0x92: {  	_ =	strace s18  }
0x93: {  	s2 =	sld [smem:$0x3FFC];
	_ =	sdelay $0x3  }
0x94: {  	_ =	strace s2  }
0x95: {  	s2 =	sld [smem:$0x3FFD];
	_ =	sdelay $0x3  }
0x96: {  	_ =	strace s2  }
0x97: {  	_ =	strace $0x8FFFFFFF  }
0x98: {  	s19 =	sld [smem:$0x3FDB];
	_ =	sdelay $0x1  }
0x99: {  	s20 =	simm.s32 $_scs_section_size  }
0x9a: {  	s4 =	simm.s32 $_size__tile_overlayer_lowered;
	s5 =	simm.s32 $_tile_overlayer_lowered  }
0x9b: {  	s6 =	simm.s32 $0x1BFF;
	s21 =	sshll.u32 s5, $0x1;
	s3 =	sadd.s32 s20, s19  }
0x9c: {  	s22 =	simm.s32 $0x0;
	s4 =	sshll.u32 s4, $0x1;
	s5 =	sadd.s32 s21, s3  }
0x9d: {  	[timem:s22], [sflag:s6] =	dma.local [hbm:s5], s4  }
0x9e: {  	_ =	swait.ge [sflag:s6], s4  }
0x9f: {  	s4 =	ssub.s32 $0x0, s4;
	[sflag:s6] =	ssyncset.done $0x0  }
0xa0: {  	[sflag:s6] =	ssyncadd.s32 s4;
	_ =	sdelay $0x1  }
0xa1: {  	s23 =	simm.s32 $0x1B8B  }
0xa2: {  	_ =	swait.ge [sflag:s23], $0x1  }
0xa3: {  	[sflag:s23] =	ssyncset.done $0x0  }
0xa4: {  	[sflag:s23] =	ssyncadd.s32 $0xFFFFFFFF  }
0xa5: {  	s4 =	sld [smem:$0x0]  }
0xa6: {  	s5 =	sand.u32 $0xFFFFFFFE, s1  }
0xa7: {  	p0 =	sne.s32 s1, s5  }
0xa8: {  	s5 =	sshll.u32 @p0 s5, $0xE  }
0xa9: {  	s5 =	sadd.s32 @p0 $0x11B8D, s5;
	s6 =	sshll.u32 @p0 s4, $0x11  }
0xaa: {  	s5 =	sor.u32 @p0 s6, s5  }
0xab: {  	[sflag:s5] =	ssyncadd.remote.s32 @p0 $0x1;
	_ =	sdelay $0x1  }
0xac: {  	s5 =	simm.s32 @p0 $0x1B8D  }
0xad: {  	_ =	swait.eq @p0 [sflag:s5], $0x1  }
0xae: {  	[sflag:s5] =	ssyncadd.s32 @p0 $0xFFFFFFFF  }
0xaf: {  	s6 =	sshll.u32 @!p0 s1, $0xE  }
0xb0: {  	s6 =	sor.u32 @!p0 $0x4000, s6;
	s5 =	simm.s32 @!p0 $0x1B8D  }
0xb1: {  	s4 =	sshll.u32 @!p0 s4, $0x11;
	s6 =	sadd.s32 @!p0 $0x11B8D, s6;
	_ =	swait.eq @!p0 [sflag:s5], $0x1  }
0xb2: {  	s4 =	sor.u32 @!p0 s4, s6;
	[sflag:s5] =	ssyncadd.s32 @!p0 $0xFFFFFFFF  }
0xb3: {  	s25 =	simm.s32 $0x1B8E;
	s24 =	sld [smem:$0x3FFE];
	[sflag:s4] =	ssyncadd.remote.s32 @!p0 $0x1  }
0xb4: {  	s26 =	simm.s32 $execute0_lowered;
	[smem:$0x3FD2] =	sst s25  }
0xb5: {  	s5 =	sshll.u32 s26, $0x1;
	_ =	strace $0x8000005B;
	[dreg:$0x1] =	wrdreg $0xFFFFFFFF  }
0xb6: {  	s28 =	simm.s32 $_size_execute0_lowered;
	s3 =	sadd.s32 s3, s5;
	[dreg:$0x0] =	wrdreg $0x0  }
0xb7: {  	s5 =	sshll.u32 s28, $0x1;
	[dreg:$0x2] =	wrdreg s3  }
0xb8: {  	[dreg:$0x3] =	wrdreg s5  }
0xb9: {  	[dreg:$0x4] =	wrdreg $0xC0  }
0xba: {  	_ =	task [dreg:s22], $0x5FFFF  }
0xbb: {  	[dreg:$0x1] =	wrdreg $0xFFFFFFFF  }
0xbc: {  	[dreg:$0x0] =	wrdreg $0x60  }
0xbd: {  	[dreg:$0x2] =	wrdreg s24  }
0xbe: {  	[dreg:$0x3] =	wrdreg $0x81000  }
0xbf: {  	[dreg:$0x4] =	wrdreg $0xA  }
0xc0: {  	_ =	task.clear_ibuf [dreg:s22], $0x5FFFF;
	_ =	strace $0x9000005B  }
0xc1: {  	s29 =	simm.s32 $0xA;
	_ =	strace $0x8000005D  }
0xc2: {  	_ =	swait.ge [sflag:s29], $0x1  }
0xc3: {  	[sflag:s29] =	ssyncadd.s32 $0xFFFFFFFF  }
0xc4: {  	_ =	strace $0x9000005D  }
0xc5: {  	_ =	sfence  }
0xc6: {  	s30 =	sld [smem:$0x0];
	_ =	sdelay $0x2  }
0xc7: {  	s31 =	sshll.u32 s1, $0xD;
	s1 =	sshrl.u32 s1, $0x2  }
0xc8: {  	s4 =	sand.u32 $0x4000, s31;
	s1 =	sadd.s32 s1, s30  }
0xc9: {  	s0 =	sor.u32 s4, s0;
	s1 =	sshll.u32 s1, $0x11  }
0xca: {  	s0 =	sor.u32 s1, s0  }
0xcb: {  	s0 =	sadd.s32 $0x8F2B, s0  }
0xcc: {  	[sflag:s0] =	ssyncadd.remote.s32 $0x1  }
0xcd: {  	_ =	sfence.sel $0xFFFF  }
0xce: {  	[dreg:$0x0] =	wrdreg $0xFFFFFFFF;
	(pc) =	sbr.abs _section_cstart, $3  }
0xcf: {  	[dreg:$0x1] =	wrdreg $0xFFFFFFFF  }
0xd0: {  	_ =	task.clear_ibuf [dreg:s22], $0x2FFFF;
	_ =	strace $0x9FFFFFFF  }
0xd1: {  	(tm) =	ssettm $0x7FFFFFFF  }
tec
execute0_lowered:
.L_overlay_start_1:
0x0: {  	(tag) =	ssettag $0x1  }
0x1: {  	s3 =	rddreg [dreg:$0x0]  }
0x2: {  	s1 =	rddreg [dreg:$0x1]  }
0x3: {  	s0 =	rddreg [dreg:$0x2];
	s8 =	stileid.u32  }
0x4: {  	s4 =	srdreg.scid;
	s2 =	simm.s32 $0x0;
	s14 =	simm.s32 $0x1  }
0x5: {  	s15 =	simm.s32 $0x2;
	s16 =	simm.s32 $0x0;
	s5 =	smul.u32 $0x28000, s8  }
0x6: {  	s4 =	sand.u32 $0x1, s4;
	[smem:$0x7FF] =	sst s2;
	s11 =	smul.u32 $0x2800, s8  }
0x7: {  	s9 =	sadd.s32 $0x66400, s3;
	p0 =	sne.s32 s8, $0x0;
	s6 =	smul.u32 $0x28000, s4  }
0x8: {  	_ =	strace $0x8000005C;
	s7 =	smul.u32 $0x14000, s4;
	s26 =	ssub.s32 $0x2, s4  }
0x9: {  	s13 =	smul.u32 $0x1400, s4;
	s10 =	sadd.s32 s5, s3;
	s12 =	sshrl.u32 s26, $0x1  }
0xa: {  	s6 =	sadd.s32 s6, s3;
	s3 =	sadd.s32 $0x2F1C00, s3;
	s5 =	ssub.s32 s26, s12  }
0xb: {  	s28 =	sadd.s32 s7, s10;
	s29 =	sadd.s32 s13, s11;
	s10 =	simm.s32 $0x3  }
0xc: {  	s12 =	simm.s32 $0x100;
	s13 =	simm.s32 $0x4100;
	s4 =	sadd.s32 $0x369C00, s6  }
0xd: {  	s5 =	smax.u32 s5, $0x1;
	s30 =	sshrl.u32 s29, $0x3;
	s11 =	sor.u32 $0x80, s29  }
0xe: {  	s6 =	sadd.s32 $0xB89C00, s28;
	s7 =	sadd.s32 s30, s9;
	s31 =	sshrl.u32 s11, $0x3  }
0xf: {  	s11 =	simm.s32 $0x80;
	s8 =	sadd.s32 s31, s9;
	s9 =	sshrl.u32 @!p0 s1, $0x3  }
.LBB2_1:
0x10: {  	s17 =	simm.s32 @!p0 $0x1C03  }
0x11: {  	[spmem:s9], [sflag:s17] =	dma.local @!p0 [hbm:s3], $0x28000  }
0x12: {  	s17 =	simm.s32 @!p0 $0x3  }
0x13: {  	_ =	swait.ge @!p0 [sflag:s17], $0x28000  }
0x14: {  	[sflag:s17] =	ssyncset.done @!p0 $0x0  }
0x15: {  	[sflag:s17] =	ssyncadd.s32 @!p0 $0xFFFD8000  }
0x16: {  	s29 =	sadd.s32 $0x0, s7;
	[bflag:$0x0] =	sbarrier.arrive $0xFFFF  }
0x17: {  	[tilespmem:s2], [sflag:$0x3] =	stream.linear.gather [hbm4b:s29+s2], $0x80, $0x38;
	[tilespmem:$0x1C100] =	vst v63  }
0x18: {  	_ =	swait.ge [sflag:s10], $0x80  }
0x19: {  	[sflag:s10] =	ssyncset.done $0x0  }
0x1a: {  	s30 =	sadd.s32 $0x0, s8;
	[sflag:s10] =	ssyncadd.s32 $0xFFFFFF80  }
0x1b: {  	[tilespmem:s11], [sflag:$0x3] =	stream.linear.gather [hbm4b:s30+s2], $0x80, $0x38;
	[tilespmem:$0x1C100] =	vst v63  }
0x1c: {  	_ =	swait.ge [sflag:s10], $0x80  }
0x1d: {  	[sflag:s10] =	ssyncset.done $0x0  }
0x1e: {  	[sflag:s10] =	ssyncadd.s32 $0xFFFFFF80  }
0x1f: {  	[tilespmem:s12], [sflag:$0x1] =	stream.linear.gather [hbm4b:s6+s2], $0x4000, $0x38;
	[tilespmem:$0x1C100] =	vst v63  }
0x20: {  	s31 =	sadd.s32 $0x800, s6  }
0x21: {  	[tilespmem:s13], [sflag:$0x1] =	stream.linear.gather [hbm4b:s31+s2], $0x4000, $0x38;
	[tilespmem:$0x1C100] =	vst v63  }
0x22: {  	_ =	swait.ge [sflag:s14], $0x4000  }
0x23: {  	[sflag:s14] =	ssyncset.done $0x0  }
0x24: {  	[sflag:s14] =	ssyncadd.s32 $0xFFFFC000  }
0x25: {  	[spmem:s1] =	stream.indirect.scatter.add.f32 [tilespmem:s12], [sflag:$0x2], $0x80, s2, s11, $0xb8;
	[tilespmem:$0x1C100] =	vst v63  }
0x26: {  	_ =	swait.ge [sflag:s14], $0x4000  }
0x27: {  	[sflag:s14] =	ssyncset.done $0x0  }
0x28: {  	[sflag:s14] =	ssyncadd.s32 $0xFFFFC000  }
0x29: {  	[spmem:s1] =	stream.indirect.scatter.add.f32 [tilespmem:s13], [sflag:$0x2], $0x80, s11, s11, $0xb8;
	[tilespmem:$0x1C100] =	vst v63  }
0x2a: {  	_ =	swait.ge [sflag:s15], $0x4000  }
0x2b: {  	[sflag:s15] =	ssyncset.done $0x0  }
0x2c: {  	[sflag:s15] =	ssyncadd.s32 $0xFFFFC000  }
0x2d: {  	s18 =	simm.s32 $0x20;
	_ =	swait.ge [sflag:s15], $0x4000  }
0x2e: {  	s19 =	simm.s32 $0x40;
	s17 =	sadd.s32 $0x1000, s6;
	[sflag:s15] =	ssyncset.done $0x0  }
.LBB2_2:
0x2f: {  	s20 =	sadd.s32 s18, s7  }
0x30: {  	[sflag:s15] =	ssyncadd.s32 $0xFFFFC000;
	s21 =	smov.u32 s19;
	s22 =	sadd.s32 $0x20, s19  }
0x31: {  	[tilespmem:s2], [sflag:$0x3] =	stream.linear.gather [hbm4b:s20+s2], $0x80, $0x38;
	[tilespmem:$0x1C100] =	vst v63  }
0x32: {  	p1 =	sne.s32 s19, $0x260;
	_ =	swait.ge [sflag:s10], $0x80  }
0x33: {  	[sflag:s10] =	ssyncset.done $0x0  }
0x34: {  	s19 =	sadd.s32 s18, s8;
	s18 =	smov.u32 s21;
	[sflag:s10] =	ssyncadd.s32 $0xFFFFFF80  }
0x35: {  	[tilespmem:s11], [sflag:$0x3] =	stream.linear.gather [hbm4b:s19+s2], $0x80, $0x38;
	[tilespmem:$0x1C100] =	vst v63  }
0x36: {  	_ =	swait.ge [sflag:s10], $0x80  }
0x37: {  	[sflag:s10] =	ssyncset.done $0x0  }
0x38: {  	[sflag:s10] =	ssyncadd.s32 $0xFFFFFF80  }
0x39: {  	[tilespmem:s12], [sflag:$0x1] =	stream.linear.gather [hbm4b:s17+s2], $0x4000, $0x38;
	[tilespmem:$0x1C100] =	vst v63  }
0x3a: {  	s19 =	sadd.s32 $0x800, s17  }
0x3b: {  	[tilespmem:s13], [sflag:$0x1] =	stream.linear.gather [hbm4b:s19+s2], $0x4000, $0x38;
	[tilespmem:$0x1C100] =	vst v63  }
0x3c: {  	_ =	swait.ge [sflag:s14], $0x4000  }
0x3d: {  	[sflag:s14] =	ssyncset.done $0x0  }
0x3e: {  	[sflag:s14] =	ssyncadd.s32 $0xFFFFC000  }
0x3f: {  	[spmem:s1] =	stream.indirect.scatter.add.f32 [tilespmem:s12], [sflag:$0x2], $0x80, s2, s11, $0xb8;
	[tilespmem:$0x1C100] =	vst v63  }
0x40: {  	_ =	swait.ge [sflag:s14], $0x4000  }
0x41: {  	[sflag:s14] =	ssyncset.done $0x0  }
0x42: {  	[sflag:s14] =	ssyncadd.s32 $0xFFFFC000  }
0x43: {  	[spmem:s1] =	stream.indirect.scatter.add.f32 [tilespmem:s13], [sflag:$0x2], $0x80, s11, s11, $0xb8;
	[tilespmem:$0x1C100] =	vst v63  }
.Ltmp0:
0x44: {  	_ =	swait.ge [sflag:s15], $0x4000;
	(pc) =	sbr.rel @p1 .LBB2_2-.Ltmp0, $4  }
0x45: {  	[sflag:s15] =	ssyncset.done $0x0  }
0x46: {  	[sflag:s15] =	ssyncadd.s32 $0xFFFFC000  }
0x47: {  	_ =	swait.ge [sflag:s15], $0x4000  }
0x48: {  	s17 =	sadd.s32 $0x1000, s17;
	s19 =	smov.u32 s22;
	[sflag:s15] =	ssyncset.done $0x0  }
0x49: {  	s19 =	sadd.s32 s18, s7;
	[sflag:s15] =	ssyncadd.s32 $0xFFFFC000  }
0x4a: {  	[tilespmem:s2], [sflag:$0x3] =	stream.linear.gather [hbm4b:s19+s2], $0x80, $0x38;
	[tilespmem:$0x1C100] =	vst v63  }
0x4b: {  	_ =	swait.ge [sflag:s10], $0x80  }
0x4c: {  	[sflag:s10] =	ssyncset.done $0x0  }
0x4d: {  	s30 =	sadd.s32 s18, s8;
	[sflag:s10] =	ssyncadd.s32 $0xFFFFFF80  }
0x4e: {  	[tilespmem:s11], [sflag:$0x3] =	stream.linear.gather [hbm4b:s30+s2], $0x80, $0x38;
	[tilespmem:$0x1C100] =	vst v63  }
0x4f: {  	_ =	swait.ge [sflag:s10], $0x80  }
0x50: {  	[sflag:s10] =	ssyncset.done $0x0  }
0x51: {  	[sflag:s10] =	ssyncadd.s32 $0xFFFFFF80  }
0x52: {  	[tilespmem:s12], [sflag:$0x1] =	stream.linear.gather [hbm4b:s17+s2], $0x4000, $0x38;
	[tilespmem:$0x1C100] =	vst v63  }
0x53: {  	s31 =	sadd.s32 $0x800, s17  }
0x54: {  	[tilespmem:s13], [sflag:$0x1] =	stream.linear.gather [hbm4b:s31+s2], $0x4000, $0x38;
	[tilespmem:$0x1C100] =	vst v63  }
0x55: {  	_ =	swait.ge [sflag:s14], $0x4000  }
0x56: {  	[sflag:s14] =	ssyncset.done $0x0  }
0x57: {  	[sflag:s14] =	ssyncadd.s32 $0xFFFFC000  }
0x58: {  	[spmem:s1] =	stream.indirect.scatter.add.f32 [tilespmem:s12], [sflag:$0x2], $0x80, s2, s11, $0xb8;
	[tilespmem:$0x1C100] =	vst v63  }
0x59: {  	_ =	swait.ge [sflag:s14], $0x4000  }
0x5a: {  	[sflag:s14] =	ssyncset.done $0x0  }
0x5b: {  	[sflag:s14] =	ssyncadd.s32 $0xFFFFC000  }
0x5c: {  	[spmem:s1] =	stream.indirect.scatter.add.f32 [tilespmem:s13], [sflag:$0x2], $0x80, s11, s11, $0xb8;
	[tilespmem:$0x1C100] =	vst v63  }
0x5d: {  	_ =	swait.ge [sflag:s15], $0x4000  }
0x5e: {  	[sflag:s15] =	ssyncset.done $0x0  }
0x5f: {  	[sflag:s15] =	ssyncadd.s32 $0xFFFFC000  }
0x60: {  	_ =	swait.ge [sflag:s15], $0x4000  }
0x61: {  	[sflag:s15] =	ssyncset.done $0x0  }
0x62: {  	s16 =	sadd.s32 $0x1, s16;
	[sflag:s15] =	ssyncadd.s32 $0xFFFFC000  }
0x63: {  	p1 =	sne.s32 s16, s5;
	s17 =	simm.s32 @!p0 $0x1C03;
	[bflag:$0x0] =	sbarrier.arrive $0xFFFF  }
0x64: {  	[hbm:s4], [sflag:s17] =	dma.local @!p0 [spmem:s9], $0x28000  }
.Ltmp1:
0x65: {  	_ = 	snop;
	(pc) =	sbr.rel @p1 .LBB2_1-.Ltmp1, $4  }
0x66: {  	s17 =	simm.s32 @!p0 $0x3  }
0x67: {  	_ =	swait.ge @!p0 [sflag:s17], $0x28000  }
0x68: {  	[sflag:s17] =	ssyncset.done @!p0 $0x0  }
0x69: {  	[sflag:s17] =	ssyncadd.s32 @!p0 $0xFFFD8000  }
0x6a: {  	_ =	sfence.sel $0x180000  }
0x6b: {  	[bflag:$0x0] =	sbarrier.arrive $0xFFFF  }
0x6c: {  	_ =	strace $0x9000005C  }
0x6d: {  	s0 =	sadd.s32 @!p0 $0x100000, s0;
	[bflag:$0x2] =	sbarrier.arrive $0xFFFF  }
0x6e: {  	[sflag:s0] =	ssyncadd.tile.s32 @!p0 $0x1;
	_ =	shalt  }
.Lfunc_end2:
_tile_overlayer_lowered:
.L_overlay_start_2:
0x6f: {  	(tag) =	ssettag $0x2  }
0x70: {  	s0 =	rddreg [dreg:$0x0];
	s2 =	stileid.u32  }
0x71: {  	s1 =	rddreg [dreg:$0x1];
	p0 =	sne.s32 s2, $0x0  }
0x72: {  	s3 =	rddreg [dreg:$0x2];
	[bflag:$0x3] =	sbarrier.arrive $0xFFFF;
	s2 =	simm.s32 @!p0 $0x1C03  }
0x73: {  	[timem:s3], [sflag:s2] =	dma.local @!p0 [hbm:s0], s1  }
0x74: {  	s0 =	simm.s32 @!p0 $0x3  }
0x75: {  	_ =	swait.ge @!p0 [sflag:s0], s1  }
0x76: {  	s1 =	ssub.s32 @!p0 $0x0, s1;
	[sflag:s0] =	ssyncset.done @!p0 $0x0  }
0x77: {  	[sflag:s0] =	ssyncadd.s32 @!p0 s1  }
0x78: {  	[bflag:$0x3] =	sbarrier.arrive $0xFFFF  }
0x79: {  	_ =	shalt  }

</sc_bundles>
